<compile_context>
chip_gen: v7x
topology: tpu7x:2x2x1
jax: 0.10.2.dev20260603
libtpu: 0.0.44.dev20260713+nightly
codegen_flags: <defaults>
</compile_context>

<pallas_src>
import functools
import math

import jax
import jax.numpy as jnp
from jax import lax
from jax.experimental import pallas as pl
from jax.experimental.pallas import tpu as pltpu
from jax.experimental.pallas import tpu_sc as plsc

B, S, D = 1024, 50, 128
N = B * S
V = 100000
NB = 100
MV = 10
HID = 128
D3 = D // 3

NC, NS = 2, 16
NW = NC * NS
TPW = N // NW
CH = 32
NCHUNK = TPW // CH
ROWS = CH * MV
GSZ = 64
NGS = ROWS // GSZ


def _sc_gather(rel_idx, str_idx, rel_table, str_table, zeros, scidx_all):
    n = rel_idx.shape[0]
    tpw = n // NW
    nchunk = tpw // CH
    mesh = plsc.VectorSubcoreMesh(core_axis_name="c", subcore_axis_name="s",
                                  num_cores=NC, num_subcores=NS)

    @functools.partial(
        pl.kernel,
        out_type=(jax.ShapeDtypeStruct((n, D), jnp.float32),
                  jax.ShapeDtypeStruct((n, D), jnp.float32)),
        mesh=mesh,
        compiler_params=pltpu.CompilerParams(use_tc_tiling_on_sc=True),
        scratch_types=[
            pltpu.VMEM((tpw,), jnp.int32),
            pltpu.VMEM((tpw * MV,), jnp.int32),
            pltpu.VMEM((CH, D), jnp.float32),
            pltpu.VMEM((CH, D), jnp.float32),
            pltpu.VMEM((ROWS, D), jnp.float32),
            pltpu.VMEM((ROWS, D), jnp.float32),
            pltpu.VMEM((2, NGS, GSZ), jnp.int32),
            pltpu.VMEM((CH, D), jnp.float32),
            pltpu.VMEM_SHARED((NS * 2 * CH, D), jnp.float32),
            pltpu.SemaphoreType.DMA, pltpu.SemaphoreType.DMA,
            pltpu.SemaphoreType.DMA, pltpu.SemaphoreType.DMA,
            pltpu.SemaphoreType.DMA, pltpu.SemaphoreType.DMA,
            pltpu.SemaphoreType.DMA, pltpu.SemaphoreType.DMA,
            pltpu.SemaphoreType.DMA, pltpu.SemaphoreType.DMA,
        ],
    )
    def k(rel_idx_hbm, str_idx_hbm, rel_tab_hbm, str_tab_hbm, zeros_hbm,
          scidx_hbm, rel_out, str_out,
          ridx_all, sidx_all, rrow0, rrow1, srow0, srow1, scidx_v, zero_v,
          acc_sh, rsem0, rsem1, ssem0, ssem1, asem0, asem1,
          wsem0, wsem1, osem0, osem1):
        cid = lax.axis_index("c")
        sid = lax.axis_index("s")
        wid = sid * NC + cid
        base0 = wid * tpw

        rrow = (rrow0, rrow1)
        srow = (srow0, srow1)
        rsem = (rsem0, rsem1)
        ssem = (ssem0, ssem1)
        asem = (asem0, asem1)
        wsem = (wsem0, wsem1)
        osem = (osem0, osem1)

        pltpu.sync_copy(zeros_hbm, zero_v)
        pltpu.sync_copy(scidx_hbm.at[sid], scidx_v)
        pltpu.sync_copy(rel_idx_hbm.at[pl.ds(base0, tpw)], ridx_all)
        pltpu.sync_copy(str_idx_hbm.at[pl.ds(base0 * MV, tpw * MV)], sidx_all)

        def rel_gather_args(c, b):
            off = c * CH
            return (rel_tab_hbm.at[ridx_all.at[pl.ds(off, CH)]],
                    rrow[b], rsem[b])

        def str_gather_args(c, b, j):
            off = c * ROWS + j * GSZ
            return (str_tab_hbm.at[sidx_all.at[pl.ds(off, GSZ)]],
                    srow[b].at[pl.ds(j * GSZ, GSZ)], ssem[b])

        def add_args(b, j):
            return (srow[b].at[pl.ds(j * GSZ, GSZ)],
                    acc_sh.at[scidx_v.at[b, j]], asem[b])

        def rel_out_args(c, b):
            return (rrow[b], rel_out.at[pl.ds(base0 + c * CH, CH)], wsem[b])

        def acc_region(b):
            return acc_sh.at[pl.ds((sid * 2 + b) * CH, CH)]

        def str_out_args(c, b):
            return (acc_region(b), str_out.at[pl.ds(base0 + c * CH, CH)],
                    osem[b])

        def issue_gathers(c, b):
            pltpu.async_copy(*rel_gather_args(c, b))
            for j in range(NGS):
                pltpu.async_copy(*str_gather_args(c, b, j))

        def issue(c, b):
            pltpu.make_async_copy(*rel_out_args(c, b)).wait()
            issue_gathers(c, b)

        def process(c, b):
            pltpu.make_async_copy(*rel_gather_args(c, b)).wait()
            pltpu.async_copy(*rel_out_args(c, b))
            if isinstance(c, int):
                if c >= 2:
                    pltpu.make_async_copy(*str_out_args(c, b)).wait()
            else:
                @pl.when(c >= 2)
                def _():
                    pltpu.make_async_copy(*str_out_args(c, b)).wait()
            pltpu.sync_copy(zero_v, acc_region(b))
            for j in range(NGS):
                pltpu.make_async_copy(*str_gather_args(c, b, j)).wait()
            adds = [pltpu.async_copy(*add_args(b, j), add=True)
                    for j in range(NGS)]
            for a in adds:
                a.wait()
            pltpu.async_copy(*str_out_args(c, b))

        issue_gathers(0, 0)
        issue_gathers(1, 1)

        def body(cc, carry):
            c = cc * 2
            process(c, 0)
            process(c + 1, 1)
            issue(c + 2, 0)
            issue(c + 3, 1)
            return carry

        lax.fori_loop(0, (nchunk - 2) // 2, body, 0)
        if nchunk % 2 == 0:
            tail = [nchunk - 2, nchunk - 1]
            process(nchunk - 2, 0)
            process(nchunk - 1, 1)
        else:
            tail = [nchunk - 2, nchunk - 1]
            process(nchunk - 3, (nchunk - 3) % 2)
            issue(nchunk - 1, (nchunk - 1) % 2)
            process(nchunk - 2, (nchunk - 2) % 2)
            process(nchunk - 1, (nchunk - 1) % 2)
        for c in tail:
            pltpu.make_async_copy(*rel_out_args(c, c % 2)).wait()
            pltpu.make_async_copy(*str_out_args(c, c % 2)).wait()

    return k(rel_idx, str_idx, rel_table, str_table, zeros, scidx_all)


TBLK = 400
GRID = N // TBLK

_LOG_MAX = math.log(1e6)


def _quant(x):
    c = jnp.maximum(x, 1.0)
    lt = jnp.log(c) / _LOG_MAX * (NB - 1)
    return jnp.clip(lt.astype(jnp.int32), 0, NB - 1)


BB = TBLK // S


def _tc_body(ts_ref, num_ref, tind_ref, rel_ref, ssum_ref,
             Cat_ref, T4_ref, Wna_ref, W1b_ref, W2_ref,
             b1_ref, pe_ref, E_ref, P4_ref, ONES4_ref, IL_ref, out_ref):
    f32, bf16 = jnp.float32, jnp.bfloat16
    ts = ts_ref[...]
    rel_t = jnp.concatenate(
        [jnp.zeros((BB, 1), f32), ts[:, 1:] - ts[:, :-1]], axis=1)
    sess_t = ts - ts[:, :1]
    dot = functools.partial(jnp.dot, preferred_element_type=f32)
    X4 = jnp.concatenate(
        [_quant(ts), _quant(rel_t), _quant(sess_t), tind_ref[...]],
        axis=1).astype(bf16)
    Y4 = dot(E_ref[...], X4).astype(bf16)
    Z = dot(Y4 * P4_ref[...], ONES4_ref[...])
    ohall = (Z == IL_ref[...]).astype(bf16)
    oh3 = ohall[:, :3 * 128]
    oht = ohall[:, 3 * 128:]
    temporal = dot(oh3, Cat_ref[...])
    xnum = num_ref[...]
    xnum = jnp.concatenate(
        [xnum, jnp.zeros((BB, S, 128 - MV), f32)], axis=2)
    xnum = xnum.astype(bf16).reshape(TBLK, 128)
    pre = (dot(xnum, Wna_ref[...])
           + dot((ssum_ref[...] * (1.0 / MV)).astype(bf16), W1b_ref[...])
           + dot(oht, T4_ref[...]) + b1_ref[...])
    val = dot(jnp.maximum(pre, 0.0).astype(bf16), W2_ref[...])
    res = rel_ref[...] + temporal + val + pe_ref[...]
    out_ref[...] = res.reshape(BB, S, D)


def _tc_call(ts, xnum, tind, rel_rows, str_sum,
             Cat, T4, Wna, W1b, W2, b1f, pe_fb, Esel, P4, ONES4, IL,
             blk0, prev_out=None):
    n_tok = rel_rows.shape[0]
    grid = n_tok // TBLK
    full = lambda a, b: pl.BlockSpec((a, b), lambda i: (0, 0))
    in_specs = [
        pl.BlockSpec((BB, S), lambda i: (i, 0)),
        pl.BlockSpec((BB, S, MV), lambda i: (i, 0, 0)),
        pl.BlockSpec((BB, S), lambda i: (i, 0)),
        pl.BlockSpec((TBLK, D), lambda i: (i, 0)),
        pl.BlockSpec((TBLK, D), lambda i: (i, 0)),
        full(3 * 128, D), full(128, D), full(128, D),
        full(HID, D), full(D, D),
        full(1, D), full(TBLK, D),
        full(TBLK, BB), full(TBLK, 4 * S), full(4 * S, 512),
        full(TBLK, 512),
    ]
    args = [ts, xnum, tind, rel_rows, str_sum,
            Cat, T4, Wna, W1b, W2, b1f, pe_fb, Esel, P4, ONES4, IL]
    kw = {}
    body = _tc_body
    if prev_out is not None:
        in_specs.append(pl.BlockSpec(memory_space=pl.ANY))
        args.append(prev_out)
        kw['input_output_aliases'] = {len(args) - 1: 0}
        body = lambda *refs: _tc_body(*refs[:16], refs[17])
    return pl.pallas_call(
        body,
        grid=(grid,),
        in_specs=in_specs,
        out_specs=pl.BlockSpec((BB, S, D), lambda i: (i + blk0, 0, 0)),
        out_shape=jax.ShapeDtypeStruct((B, S, D), jnp.float32),
        **kw,
    )(*args)


def kernel(relation_ids, timestamps, numeric_values, string_hashes,
           type_indicators, relation_table, abs_tab, rel_tab, sess_tab,
           Wp, bp, Wn, bn, string_tab, type_tab, W1, b1, W2, b2, pe):
    f32 = jnp.float32
    bf16 = jnp.bfloat16
    ts = timestamps.astype(f32)

    ridx = relation_ids.reshape(N).astype(jnp.int32)
    sidx = string_hashes.reshape(N * MV).astype(jnp.int32)
    zeros = jnp.zeros((CH, D), f32)
    r_ids = jnp.arange(ROWS, dtype=jnp.int32) // MV
    slot = jnp.arange(2, dtype=jnp.int32)[:, None] * CH
    sidb = jnp.arange(NS, dtype=jnp.int32)[:, None, None] * (2 * CH)
    scidx_all = (sidb + slot[None] + r_ids[None, None, :]
                 ).reshape(NS, 2, NGS, GSZ)
    HB = B // 2
    HT = HB * S
    rtab = relation_table.astype(f32)
    stab = string_tab.astype(f32)
    rel1, str1 = _sc_gather(ridx[:HT], sidx[:HT * MV], rtab, stab,
                            zeros, scidx_all)
    rel2, str2 = _sc_gather(ridx[HT:], sidx[HT * MV:], rtab, stab,
                            zeros, scidx_all)

    A = abs_tab @ Wp[:D3]
    R = rel_tab @ Wp[D3:2 * D3]
    Se = sess_tab @ Wp[2 * D3:]
    zpad = lambda t: jnp.concatenate(
        [t, jnp.zeros((128 - t.shape[0], D), f32)], axis=0)
    Cat = jnp.concatenate([zpad(A), zpad(R), zpad(Se)], axis=0).astype(bf16)
    W1a, W1b, W1c = W1[:HID], W1[HID:2 * HID], W1[2 * HID:]
    Wna = zpad(Wn @ W1a).astype(bf16)
    T4 = zpad(type_tab @ W1c).astype(bf16)
    b1f = (b1 + bn @ W1a).reshape(1, D)
    pe_fb = jnp.tile(pe[:S], (TBLK // S, 1)) + (bp + b2)[None, :]
    rr = jnp.arange(TBLK, dtype=jnp.int32)
    Esel = (rr[:, None] // S == jnp.arange(BB)[None, :]).astype(bf16)
    l4 = jnp.arange(4 * S)
    P4 = (rr[:, None] % S == (l4 % S)[None, :]).astype(bf16)
    c512 = jnp.arange(512)
    ONES4 = ((l4[:, None] // S) == (c512 // 128)[None, :]).astype(bf16)
    IL = jnp.broadcast_to((c512 % 128)[None, :], (TBLK, 512)).astype(f32)

    tind = type_indicators.astype(jnp.int32)
    consts = (Cat, T4, Wna, W1b.astype(bf16), W2.astype(bf16),
              b1f, pe_fb, Esel, P4, ONES4, IL)
    out1 = _tc_call(ts[:HB], numeric_values[:HB], tind[:HB], rel1, str1,
                    *consts, blk0=0)
    return _tc_call(ts[HB:], numeric_values[HB:], tind[HB:], rel2, str2,
                    *consts, blk0=HB // BB, prev_out=out1)

# --- scband reference (transcript-rebuilt; emitter-appended) ---
"""Pipeline reference for scband-trace-encoder-87488483820041 (READ-ONLY COPY).

The authoritative reference and input builder live on the scoring server;
editing this copy changes nothing except your own understanding.
"""

import math
import jax, jax.numpy as jnp
import numpy as np

B, S, D = 1024, 50, 128
V = 100000
NB = 100
MV = 10
HID = 128
STR_V = 10000
MAX_LEN = 5000
D3 = D // 3
D3R = D - 2 * (D // 3)


def _make_pe(max_len, d):
    position = jnp.arange(max_len, dtype=jnp.float32)[:, None]
    div_term = jnp.exp(jnp.arange(0, d, 2, dtype=jnp.float32) * (-math.log(10000.0) / d))
    pe = jnp.zeros((max_len, d), dtype=jnp.float32)
    pe = pe.at[:, 0::2].set(jnp.sin(position * div_term))
    pe = pe.at[:, 1::2].set(jnp.cos(position * div_term))
    return pe


def setup_inputs(seed: int = 0) -> dict:
    key = jax.random.key(seed)
    ks = jax.random.split(key, 20)
    relation_ids = jax.random.randint(ks[0], (B, S), 0, V)
    timestamps = jnp.arange(B * S, dtype=jnp.float32).reshape(B, S)
    numeric_values = jax.random.normal(ks[1], (B, S, MV), dtype=jnp.float32)
    string_hashes = jax.random.randint(ks[2], (B, S, MV), 0, STR_V)
    type_indicators = jax.random.randint(ks[3], (B, S), 0, 4)
    relation_table = jax.random.normal(ks[4], (V, D), dtype=jnp.float32) * 0.02
    abs_tab = jax.random.normal(ks[5], (NB, D3), dtype=jnp.float32) * 0.02
    rel_tab = jax.random.normal(ks[6], (NB, D3), dtype=jnp.float32) * 0.02
    sess_tab = jax.random.normal(ks[7], (NB, D3R), dtype=jnp.float32) * 0.02
    Wp = jax.random.normal(ks[8], (D, D), dtype=jnp.float32) * 0.02
    bp = jnp.zeros((D,), dtype=jnp.float32)
    Wn = jax.random.normal(ks[9], (MV, HID), dtype=jnp.float32) * 0.02
    bn = jnp.zeros((HID,), dtype=jnp.float32)
    string_tab = jax.random.normal(ks[10], (STR_V, HID), dtype=jnp.float32) * 0.02
    type_tab = jax.random.normal(ks[11], (4, HID // 4), dtype=jnp.float32) * 0.02
    W1 = jax.random.normal(ks[12], (HID * 2 + HID // 4, D), dtype=jnp.float32) * 0.02
    b1 = jnp.zeros((D,), dtype=jnp.float32)
    W2 = jax.random.normal(ks[13], (D, D), dtype=jnp.float32) * 0.02
    b2 = jnp.zeros((D,), dtype=jnp.float32)
    pe = _make_pe(MAX_LEN, D)
    return {
        'relation_ids': relation_ids, 'timestamps': timestamps,
        'numeric_values': numeric_values, 'string_hashes': string_hashes,
        'type_indicators': type_indicators, 'relation_table': relation_table,
        'abs_tab': abs_tab, 'rel_tab': rel_tab, 'sess_tab': sess_tab,
        'Wp': Wp, 'bp': bp, 'Wn': Wn, 'bn': bn, 'string_tab': string_tab,
        'type_tab': type_tab, 'W1': W1, 'b1': b1, 'W2': W2, 'b2': b2, 'pe': pe,
    }


def _quantize(ts, num_buckets=NB, max_val=1e6):
    c = jnp.clip(ts.astype(jnp.float32), 1.0, None)
    lt = jnp.log(c) / math.log(max_val) * (num_buckets - 1)
    return jnp.clip(lt.astype(jnp.int32), 0, num_buckets - 1)


def reference(relation_ids, timestamps, numeric_values, string_hashes,
              type_indicators, relation_table, abs_tab, rel_tab, sess_tab,
              Wp, bp, Wn, bn, string_tab, type_tab, W1, b1, W2, b2, pe):
    # RelationEncoder: embedding lookup
    rel_e = jnp.take(relation_table, relation_ids, axis=0)
    # TemporalEncoding
    abs_b = _quantize(timestamps)
    rel_times = jnp.concatenate(
        [jnp.zeros_like(timestamps[:, :1]), timestamps[:, 1:] - timestamps[:, :-1]], axis=1)
    rel_b = _quantize(rel_times)
    session_times = timestamps - timestamps[:, 0:1]
    sess_b = _quantize(session_times)
    temporal = jnp.concatenate(
        [jnp.take(abs_tab, abs_b, axis=0), jnp.take(rel_tab, rel_b, axis=0),
         jnp.take(sess_tab, sess_b, axis=0)], axis=-1)
    temporal = temporal @ Wp + bp
    # ValueEncoder
    num_e = numeric_values @ Wn + bn
    str_e = jnp.take(string_tab, string_hashes, axis=0).mean(axis=-2)
    typ_e = jnp.take(type_tab, type_indicators, axis=0)
    val = jnp.concatenate([num_e, str_e, typ_e], axis=-1)
    val = jax.nn.relu(val @ W1 + b1) @ W2 + b2
    # Combine (sum) + positional encoding (dropout identity in eval)
    combined = rel_e + temporal + val
    out = combined + pe[None, :combined.shape[1], :]
    return out

if __name__ == "__main__":
    import jax
    _d = setup_inputs()
    print(jax.jit(kernel)(*tuple(_d.values())))

</pallas_src>

<mosaic_0001>
#map = affine_map<(d0, d1) -> (0)>
#map1 = affine_map<(d0, d1) -> (0, 0)>
#map2 = affine_map<(d0, d1) -> (0, 0, 0, 0)>
module attributes {stable_mosaic.version = 14 : i64} {
  func.func @k(%arg0: i32, %arg1: i32, %arg2: memref<25600xi32, #tpu.memory_space<hbm>>, %arg3: memref<256000xi32, #tpu.memory_space<hbm>>, %arg4: memref<100000x128xf32, #tpu.memory_space<hbm>>, %arg5: memref<10000x128xf32, #tpu.memory_space<hbm>>, %arg6: memref<32x128xf32, #tpu.memory_space<hbm>>, %arg7: memref<16x2x5x64xi32, #tpu.memory_space<hbm>>, %arg8: memref<25600x128xf32, #tpu.memory_space<hbm>>, %arg9: memref<25600x128xf32, #tpu.memory_space<hbm>>, %arg10: memref<800xi32, #tpu.memory_space<vmem>>, %arg11: memref<8000xi32, #tpu.memory_space<vmem>>, %arg12: memref<32x128xf32, #tpu.memory_space<vmem>>, %arg13: memref<32x128xf32, #tpu.memory_space<vmem>>, %arg14: memref<320x128xf32, #tpu.memory_space<vmem>>, %arg15: memref<320x128xf32, #tpu.memory_space<vmem>>, %arg16: memref<2x5x64xi32, #tpu.memory_space<vmem>>, %arg17: memref<32x128xf32, #tpu.memory_space<vmem>>, %arg18: memref<1024x128xf32, #tpu.memory_space<vmem_shared>>, %arg19: memref<!tpu.dma_semaphore, #tpu.memory_space<semaphore_mem>>, %arg20: memref<!tpu.dma_semaphore, #tpu.memory_space<semaphore_mem>>, %arg21: memref<!tpu.dma_semaphore, #tpu.memory_space<semaphore_mem>>, %arg22: memref<!tpu.dma_semaphore, #tpu.memory_space<semaphore_mem>>, %arg23: memref<!tpu.dma_semaphore, #tpu.memory_space<semaphore_mem>>, %arg24: memref<!tpu.dma_semaphore, #tpu.memory_space<semaphore_mem>>, %arg25: memref<!tpu.dma_semaphore, #tpu.memory_space<semaphore_mem>>, %arg26: memref<!tpu.dma_semaphore, #tpu.memory_space<semaphore_mem>>, %arg27: memref<!tpu.dma_semaphore, #tpu.memory_space<semaphore_mem>>, %arg28: memref<!tpu.dma_semaphore, #tpu.memory_space<semaphore_mem>>) attributes {dimension_semantics = [#tpu.dimension_semantics<core_parallel>, #tpu.dimension_semantics<subcore_parallel>], iteration_bounds = array<i64: 2, 16>, scalar_prefetch = 0 : i64, scratch_operands = 19 : i64, tpu.core_type = #tpu.core_type<sc_vector_subcore>, window_params = [{transform_indices = #map}, {transform_indices = #map}, {transform_indices = #map1}, {transform_indices = #map1}, {transform_indices = #map1}, {transform_indices = #map2}, {transform_indices = #map1}, {transform_indices = #map1}]} {
    %mul3A = arith.constant 2 : i32
    %mul3A_0 = arith.muli %arg1, %mul3A : i32
    %add3A = arith.addi %mul3A_0, %arg0 : i32
    %mul3A_1 = arith.constant 800 : i32
    %mul3A_2 = arith.muli %add3A, %mul3A_1 : i32
    "tpu.region"() ({
      %run_scoped3A = tpu.sem_alloc : memref<!tpu.dma_semaphore, #tpu.memory_space<semaphore_mem>>
      tpu.enqueue_dma source(%arg6 : memref<32x128xf32, #tpu.memory_space<hbm>>) target(%arg17 : memref<32x128xf32, #tpu.memory_space<vmem>>) target_semaphore(%run_scoped3A : memref<!tpu.dma_semaphore, #tpu.memory_space<semaphore_mem>>)
      tpu.wait_dma2 semaphore(%run_scoped3A : memref<!tpu.dma_semaphore, #tpu.memory_space<semaphore_mem>>) src(%arg6 : memref<32x128xf32, #tpu.memory_space<hbm>>) dst(%arg17 : memref<32x128xf32, #tpu.memory_space<vmem>>)
      tpu.yield
    }) : () -> ()
    "tpu.region"() ({
      %run_scoped3A = tpu.sem_alloc : memref<!tpu.dma_semaphore, #tpu.memory_space<semaphore_mem>>
      %dma_start3A_758 = arith.constant 0 : i32
      %dma_start3A_759 = arith.constant 0 : i32
      %dma_start3A_760 = arith.constant 0 : i32
      %dma_start3A_761 = tpu.memref_slice %arg7[%arg1, %dma_start3A_758, %dma_start3A_759, %dma_start3A_760] : memref<16x2x5x64xi32, #tpu.memory_space<hbm>> -> memref<1x2x5x64xi32, #tpu.memory_space<hbm>>
      %dma_start3A_762 = tpu.memref_squeeze %dma_start3A_761 : memref<1x2x5x64xi32, #tpu.memory_space<hbm>> -> memref<2x5x64xi32, #tpu.memory_space<hbm>>
      %dma_start3A_763 = arith.constant 0 : i32
      %dma_start3A_764 = arith.constant 0 : i32
      %dma_start3A_765 = arith.constant 0 : i32
      %dma_start3A_766 = tpu.memref_slice %arg7[%arg1, %dma_start3A_763, %dma_start3A_764, %dma_start3A_765] : memref<16x2x5x64xi32, #tpu.memory_space<hbm>> -> memref<1x2x5x64xi32, #tpu.memory_space<hbm>>
      %dma_start3A_767 = tpu.memref_squeeze %dma_start3A_766 : memref<1x2x5x64xi32, #tpu.memory_space<hbm>> -> memref<2x5x64xi32, #tpu.memory_space<hbm>>
      tpu.enqueue_dma source(%dma_start3A_767 : memref<2x5x64xi32, #tpu.memory_space<hbm>>) target(%arg16 : memref<2x5x64xi32, #tpu.memory_space<vmem>>) target_semaphore(%run_scoped3A : memref<!tpu.dma_semaphore, #tpu.memory_space<semaphore_mem>>)
      %dma_wait3A_768 = arith.constant 0 : i32
      %dma_wait3A_769 = arith.constant 0 : i32
      %dma_wait3A_770 = arith.constant 0 : i32
      %dma_wait3A_771 = tpu.memref_slice %arg7[%arg1, %dma_wait3A_768, %dma_wait3A_769, %dma_wait3A_770] : memref<16x2x5x64xi32, #tpu.memory_space<hbm>> -> memref<1x2x5x64xi32, #tpu.memory_space<hbm>>
      %dma_wait3A_772 = tpu.memref_squeeze %dma_wait3A_771 : memref<1x2x5x64xi32, #tpu.memory_space<hbm>> -> memref<2x5x64xi32, #tpu.memory_space<hbm>>
      %dma_wait3A_773 = arith.constant 0 : i32
      %dma_wait3A_774 = arith.constant 0 : i32
      %dma_wait3A_775 = arith.constant 0 : i32
      %dma_wait3A_776 = tpu.memref_slice %arg7[%arg1, %dma_wait3A_773, %dma_wait3A_774, %dma_wait3A_775] : memref<16x2x5x64xi32, #tpu.memory_space<hbm>> -> memref<1x2x5x64xi32, #tpu.memory_space<hbm>>
      %dma_wait3A_777 = tpu.memref_squeeze %dma_wait3A_776 : memref<1x2x5x64xi32, #tpu.memory_space<hbm>> -> memref<2x5x64xi32, #tpu.memory_space<hbm>>
      tpu.wait_dma2 semaphore(%run_scoped3A : memref<!tpu.dma_semaphore, #tpu.memory_space<semaphore_mem>>) src(%dma_wait3A_777 : memref<2x5x64xi32, #tpu.memory_space<hbm>>) dst(%arg16 : memref<2x5x64xi32, #tpu.memory_space<vmem>>)
      tpu.yield
    }) : () -> ()
    "tpu.region"() ({
      %run_scoped3A = tpu.sem_alloc : memref<!tpu.dma_semaphore, #tpu.memory_space<semaphore_mem>>
      %dma_start3A_758 = tpu.memref_slice %arg2[%mul3A_2] : memref<25600xi32, #tpu.memory_space<hbm>> -> memref<800xi32, #tpu.memory_space<hbm>>
      %dma_start3A_759 = tpu.memref_slice %arg2[%mul3A_2] : memref<25600xi32, #tpu.memory_space<hbm>> -> memref<800xi32, #tpu.memory_space<hbm>>
      tpu.enqueue_dma source(%dma_start3A_759 : memref<800xi32, #tpu.memory_space<hbm>>) target(%arg10 : memref<800xi32, #tpu.memory_space<vmem>>) target_semaphore(%run_scoped3A : memref<!tpu.dma_semaphore, #tpu.memory_space<semaphore_mem>>)
      %dma_wait3A_760 = tpu.memref_slice %arg2[%mul3A_2] : memref<25600xi32, #tpu.memory_space<hbm>> -> memref<800xi32, #tpu.memory_space<hbm>>
      %dma_wait3A_761 = tpu.memref_slice %arg2[%mul3A_2] : memref<25600xi32, #tpu.memory_space<hbm>> -> memref<800xi32, #tpu.memory_space<hbm>>
      tpu.wait_dma2 semaphore(%run_scoped3A : memref<!tpu.dma_semaphore, #tpu.memory_space<semaphore_mem>>) src(%dma_wait3A_761 : memref<800xi32, #tpu.memory_space<hbm>>) dst(%arg10 : memref<800xi32, #tpu.memory_space<vmem>>)
      tpu.yield
    }) : () -> ()
    %mul3A_3 = arith.constant 10 : i32
    %mul3A_4 = arith.muli %mul3A_2, %mul3A_3 : i32
    "tpu.region"() ({
      %run_scoped3A = tpu.sem_alloc : memref<!tpu.dma_semaphore, #tpu.memory_space<semaphore_mem>>
      %dma_start3A_758 = tpu.memref_slice %arg3[%mul3A_4] : memref<256000xi32, #tpu.memory_space<hbm>> -> memref<8000xi32, #tpu.memory_space<hbm>>
      %dma_start3A_759 = tpu.memref_slice %arg3[%mul3A_4] : memref<256000xi32, #tpu.memory_space<hbm>> -> memref<8000xi32, #tpu.memory_space<hbm>>
      tpu.enqueue_dma source(%dma_start3A_759 : memref<8000xi32, #tpu.memory_space<hbm>>) target(%arg11 : memref<8000xi32, #tpu.memory_space<vmem>>) target_semaphore(%run_scoped3A : memref<!tpu.dma_semaphore, #tpu.memory_space<semaphore_mem>>)
      %dma_wait3A_760 = tpu.memref_slice %arg3[%mul3A_4] : memref<256000xi32, #tpu.memory_space<hbm>> -> memref<8000xi32, #tpu.memory_space<hbm>>
      %dma_wait3A_761 = tpu.memref_slice %arg3[%mul3A_4] : memref<256000xi32, #tpu.memory_space<hbm>> -> memref<8000xi32, #tpu.memory_space<hbm>>
      tpu.wait_dma2 semaphore(%run_scoped3A : memref<!tpu.dma_semaphore, #tpu.memory_space<semaphore_mem>>) src(%dma_wait3A_761 : memref<8000xi32, #tpu.memory_space<hbm>>) dst(%arg11 : memref<8000xi32, #tpu.memory_space<vmem>>)
      tpu.yield
    }) : () -> ()
    %dma_start3A = arith.constant 0 : i32
    %dma_start3A_5 = tpu.memref_slice %arg10[%dma_start3A] : memref<800xi32, #tpu.memory_space<vmem>> -> memref<32xi32, #tpu.memory_space<vmem>>
    %dma_start3A_6 = arith.constant 0 : i32
    %dma_start3A_7 = arith.constant 0 : i32
    %dma_start3A_8 = tpu.memref_slice %arg4[%dma_start3A_6, %dma_start3A_7] : memref<100000x128xf32, #tpu.memory_space<hbm>> -> memref<100000x128xf32, #tpu.memory_space<hbm>>
    tpu.enqueue_indirect_dma source(%dma_start3A_8 : memref<100000x128xf32, #tpu.memory_space<hbm>>) target(%arg12 : memref<32x128xf32, #tpu.memory_space<vmem>>) offsets(%dma_start3A_5 : memref<32xi32, #tpu.memory_space<vmem>>) semaphore(%arg19 : memref<!tpu.dma_semaphore, #tpu.memory_space<semaphore_mem>>)
    %dma_start3A_9 = arith.constant 0 : i32
    %dma_start3A_10 = arith.constant 0 : i32
    %dma_start3A_11 = tpu.memref_slice %arg14[%dma_start3A_9, %dma_start3A_10] : memref<320x128xf32, #tpu.memory_space<vmem>> -> memref<64x128xf32, #tpu.memory_space<vmem>>
    %dma_start3A_12 = arith.constant 0 : i32
    %dma_start3A_13 = tpu.memref_slice %arg11[%dma_start3A_12] : memref<8000xi32, #tpu.memory_space<vmem>> -> memref<64xi32, #tpu.memory_space<vmem>>
    %dma_start3A_14 = arith.constant 0 : i32
    %dma_start3A_15 = arith.constant 0 : i32
    %dma_start3A_16 = tpu.memref_slice %arg5[%dma_start3A_14, %dma_start3A_15] : memref<10000x128xf32, #tpu.memory_space<hbm>> -> memref<10000x128xf32, #tpu.memory_space<hbm>>
    tpu.enqueue_indirect_dma source(%dma_start3A_16 : memref<10000x128xf32, #tpu.memory_space<hbm>>) target(%dma_start3A_11 : memref<64x128xf32, #tpu.memory_space<vmem>>) offsets(%dma_start3A_13 : memref<64xi32, #tpu.memory_space<vmem>>) semaphore(%arg21 : memref<!tpu.dma_semaphore, #tpu.memory_space<semaphore_mem>>)
    %dma_start3A_17 = arith.constant 64 : i32
    %dma_start3A_18 = arith.constant 0 : i32
    %dma_start3A_19 = tpu.memref_slice %arg14[%dma_start3A_17, %dma_start3A_18] : memref<320x128xf32, #tpu.memory_space<vmem>> -> memref<64x128xf32, #tpu.memory_space<vmem>>
    %dma_start3A_20 = arith.constant 64 : i32
    %dma_start3A_21 = tpu.memref_slice %arg11[%dma_start3A_20] : memref<8000xi32, #tpu.memory_space<vmem>> -> memref<64xi32, #tpu.memory_space<vmem>>
    %dma_start3A_22 = arith.constant 0 : i32
    %dma_start3A_23 = arith.constant 0 : i32
    %dma_start3A_24 = tpu.memref_slice %arg5[%dma_start3A_22, %dma_start3A_23] : memref<10000x128xf32, #tpu.memory_space<hbm>> -> memref<10000x128xf32, #tpu.memory_space<hbm>>
    tpu.enqueue_indirect_dma source(%dma_start3A_24 : memref<10000x128xf32, #tpu.memory_space<hbm>>) target(%dma_start3A_19 : memref<64x128xf32, #tpu.memory_space<vmem>>) offsets(%dma_start3A_21 : memref<64xi32, #tpu.memory_space<vmem>>) semaphore(%arg21 : memref<!tpu.dma_semaphore, #tpu.memory_space<semaphore_mem>>)
    %dma_start3A_25 = arith.constant 128 : i32
    %dma_start3A_26 = arith.constant 0 : i32
    %dma_start3A_27 = tpu.memref_slice %arg14[%dma_start3A_25, %dma_start3A_26] : memref<320x128xf32, #tpu.memory_space<vmem>> -> memref<64x128xf32, #tpu.memory_space<vmem>>
    %dma_start3A_28 = arith.constant 128 : i32
    %dma_start3A_29 = tpu.memref_slice %arg11[%dma_start3A_28] : memref<8000xi32, #tpu.memory_space<vmem>> -> memref<64xi32, #tpu.memory_space<vmem>>
    %dma_start3A_30 = arith.constant 0 : i32
    %dma_start3A_31 = arith.constant 0 : i32
    %dma_start3A_32 = tpu.memref_slice %arg5[%dma_start3A_30, %dma_start3A_31] : memref<10000x128xf32, #tpu.memory_space<hbm>> -> memref<10000x128xf32, #tpu.memory_space<hbm>>
    tpu.enqueue_indirect_dma source(%dma_start3A_32 : memref<10000x128xf32, #tpu.memory_space<hbm>>) target(%dma_start3A_27 : memref<64x128xf32, #tpu.memory_space<vmem>>) offsets(%dma_start3A_29 : memref<64xi32, #tpu.memory_space<vmem>>) semaphore(%arg21 : memref<!tpu.dma_semaphore, #tpu.memory_space<semaphore_mem>>)
    %dma_start3A_33 = arith.constant 192 : i32
    %dma_start3A_34 = arith.constant 0 : i32
    %dma_start3A_35 = tpu.memref_slice %arg14[%dma_start3A_33, %dma_start3A_34] : memref<320x128xf32, #tpu.memory_space<vmem>> -> memref<64x128xf32, #tpu.memory_space<vmem>>
    %dma_start3A_36 = arith.constant 192 : i32
    %dma_start3A_37 = tpu.memref_slice %arg11[%dma_start3A_36] : memref<8000xi32, #tpu.memory_space<vmem>> -> memref<64xi32, #tpu.memory_space<vmem>>
    %dma_start3A_38 = arith.constant 0 : i32
    %dma_start3A_39 = arith.constant 0 : i32
    %dma_start3A_40 = tpu.memref_slice %arg5[%dma_start3A_38, %dma_start3A_39] : memref<10000x128xf32, #tpu.memory_space<hbm>> -> memref<10000x128xf32, #tpu.memory_space<hbm>>
    tpu.enqueue_indirect_dma source(%dma_start3A_40 : memref<10000x128xf32, #tpu.memory_space<hbm>>) target(%dma_start3A_35 : memref<64x128xf32, #tpu.memory_space<vmem>>) offsets(%dma_start3A_37 : memref<64xi32, #tpu.memory_space<vmem>>) semaphore(%arg21 : memref<!tpu.dma_semaphore, #tpu.memory_space<semaphore_mem>>)
    %dma_start3A_41 = arith.constant 256 : i32
    %dma_start3A_42 = arith.constant 0 : i32
    %dma_start3A_43 = tpu.memref_slice %arg14[%dma_start3A_41, %dma_start3A_42] : memref<320x128xf32, #tpu.memory_space<vmem>> -> memref<64x128xf32, #tpu.memory_space<vmem>>
    %dma_start3A_44 = arith.constant 256 : i32
    %dma_start3A_45 = tpu.memref_slice %arg11[%dma_start3A_44] : memref<8000xi32, #tpu.memory_space<vmem>> -> memref<64xi32, #tpu.memory_space<vmem>>
    %dma_start3A_46 = arith.constant 0 : i32
    %dma_start3A_47 = arith.constant 0 : i32
    %dma_start3A_48 = tpu.memref_slice %arg5[%dma_start3A_46, %dma_start3A_47] : memref<10000x128xf32, #tpu.memory_space<hbm>> -> memref<10000x128xf32, #tpu.memory_space<hbm>>
    tpu.enqueue_indirect_dma source(%dma_start3A_48 : memref<10000x128xf32, #tpu.memory_space<hbm>>) target(%dma_start3A_43 : memref<64x128xf32, #tpu.memory_space<vmem>>) offsets(%dma_start3A_45 : memref<64xi32, #tpu.memory_space<vmem>>) semaphore(%arg21 : memref<!tpu.dma_semaphore, #tpu.memory_space<semaphore_mem>>)
    %dma_start3A_49 = arith.constant 32 : i32
    %dma_start3A_50 = tpu.memref_slice %arg10[%dma_start3A_49] : memref<800xi32, #tpu.memory_space<vmem>> -> memref<32xi32, #tpu.memory_space<vmem>>
    %dma_start3A_51 = arith.constant 0 : i32
    %dma_start3A_52 = arith.constant 0 : i32
    %dma_start3A_53 = tpu.memref_slice %arg4[%dma_start3A_51, %dma_start3A_52] : memref<100000x128xf32, #tpu.memory_space<hbm>> -> memref<100000x128xf32, #tpu.memory_space<hbm>>
    tpu.enqueue_indirect_dma source(%dma_start3A_53 : memref<100000x128xf32, #tpu.memory_space<hbm>>) target(%arg13 : memref<32x128xf32, #tpu.memory_space<vmem>>) offsets(%dma_start3A_50 : memref<32xi32, #tpu.memory_space<vmem>>) semaphore(%arg20 : memref<!tpu.dma_semaphore, #tpu.memory_space<semaphore_mem>>)
    %dma_start3A_54 = arith.constant 0 : i32
    %dma_start3A_55 = arith.constant 0 : i32
    %dma_start3A_56 = tpu.memref_slice %arg15[%dma_start3A_54, %dma_start3A_55] : memref<320x128xf32, #tpu.memory_space<vmem>> -> memref<64x128xf32, #tpu.memory_space<vmem>>
    %dma_start3A_57 = arith.constant 320 : i32
    %dma_start3A_58 = tpu.memref_slice %arg11[%dma_start3A_57] : memref<8000xi32, #tpu.memory_space<vmem>> -> memref<64xi32, #tpu.memory_space<vmem>>
    %dma_start3A_59 = arith.constant 0 : i32
    %dma_start3A_60 = arith.constant 0 : i32
    %dma_start3A_61 = tpu.memref_slice %arg5[%dma_start3A_59, %dma_start3A_60] : memref<10000x128xf32, #tpu.memory_space<hbm>> -> memref<10000x128xf32, #tpu.memory_space<hbm>>
    tpu.enqueue_indirect_dma source(%dma_start3A_61 : memref<10000x128xf32, #tpu.memory_space<hbm>>) target(%dma_start3A_56 : memref<64x128xf32, #tpu.memory_space<vmem>>) offsets(%dma_start3A_58 : memref<64xi32, #tpu.memory_space<vmem>>) semaphore(%arg22 : memref<!tpu.dma_semaphore, #tpu.memory_space<semaphore_mem>>)
    %dma_start3A_62 = arith.constant 64 : i32
    %dma_start3A_63 = arith.constant 0 : i32
    %dma_start3A_64 = tpu.memref_slice %arg15[%dma_start3A_62, %dma_start3A_63] : memref<320x128xf32, #tpu.memory_space<vmem>> -> memref<64x128xf32, #tpu.memory_space<vmem>>
    %dma_start3A_65 = arith.constant 384 : i32
    %dma_start3A_66 = tpu.memref_slice %arg11[%dma_start3A_65] : memref<8000xi32, #tpu.memory_space<vmem>> -> memref<64xi32, #tpu.memory_space<vmem>>
    %dma_start3A_67 = arith.constant 0 : i32
    %dma_start3A_68 = arith.constant 0 : i32
    %dma_start3A_69 = tpu.memref_slice %arg5[%dma_start3A_67, %dma_start3A_68] : memref<10000x128xf32, #tpu.memory_space<hbm>> -> memref<10000x128xf32, #tpu.memory_space<hbm>>
    tpu.enqueue_indirect_dma source(%dma_start3A_69 : memref<10000x128xf32, #tpu.memory_space<hbm>>) target(%dma_start3A_64 : memref<64x128xf32, #tpu.memory_space<vmem>>) offsets(%dma_start3A_66 : memref<64xi32, #tpu.memory_space<vmem>>) semaphore(%arg22 : memref<!tpu.dma_semaphore, #tpu.memory_space<semaphore_mem>>)
    %dma_start3A_70 = arith.constant 128 : i32
    %dma_start3A_71 = arith.constant 0 : i32
    %dma_start3A_72 = tpu.memref_slice %arg15[%dma_start3A_70, %dma_start3A_71] : memref<320x128xf32, #tpu.memory_space<vmem>> -> memref<64x128xf32, #tpu.memory_space<vmem>>
    %dma_start3A_73 = arith.constant 448 : i32
    %dma_start3A_74 = tpu.memref_slice %arg11[%dma_start3A_73] : memref<8000xi32, #tpu.memory_space<vmem>> -> memref<64xi32, #tpu.memory_space<vmem>>
    %dma_start3A_75 = arith.constant 0 : i32
    %dma_start3A_76 = arith.constant 0 : i32
    %dma_start3A_77 = tpu.memref_slice %arg5[%dma_start3A_75, %dma_start3A_76] : memref<10000x128xf32, #tpu.memory_space<hbm>> -> memref<10000x128xf32, #tpu.memory_space<hbm>>
    tpu.enqueue_indirect_dma source(%dma_start3A_77 : memref<10000x128xf32, #tpu.memory_space<hbm>>) target(%dma_start3A_72 : memref<64x128xf32, #tpu.memory_space<vmem>>) offsets(%dma_start3A_74 : memref<64xi32, #tpu.memory_space<vmem>>) semaphore(%arg22 : memref<!tpu.dma_semaphore, #tpu.memory_space<semaphore_mem>>)
    %dma_start3A_78 = arith.constant 192 : i32
    %dma_start3A_79 = arith.constant 0 : i32
    %dma_start3A_80 = tpu.memref_slice %arg15[%dma_start3A_78, %dma_start3A_79] : memref<320x128xf32, #tpu.memory_space<vmem>> -> memref<64x128xf32, #tpu.memory_space<vmem>>
    %dma_start3A_81 = arith.constant 512 : i32
    %dma_start3A_82 = tpu.memref_slice %arg11[%dma_start3A_81] : memref<8000xi32, #tpu.memory_space<vmem>> -> memref<64xi32, #tpu.memory_space<vmem>>
    %dma_start3A_83 = arith.constant 0 : i32
    %dma_start3A_84 = arith.constant 0 : i32
    %dma_start3A_85 = tpu.memref_slice %arg5[%dma_start3A_83, %dma_start3A_84] : memref<10000x128xf32, #tpu.memory_space<hbm>> -> memref<10000x128xf32, #tpu.memory_space<hbm>>
    tpu.enqueue_indirect_dma source(%dma_start3A_85 : memref<10000x128xf32, #tpu.memory_space<hbm>>) target(%dma_start3A_80 : memref<64x128xf32, #tpu.memory_space<vmem>>) offsets(%dma_start3A_82 : memref<64xi32, #tpu.memory_space<vmem>>) semaphore(%arg22 : memref<!tpu.dma_semaphore, #tpu.memory_space<semaphore_mem>>)
    %dma_start3A_86 = arith.constant 256 : i32
    %dma_start3A_87 = arith.constant 0 : i32
    %dma_start3A_88 = tpu.memref_slice %arg15[%dma_start3A_86, %dma_start3A_87] : memref<320x128xf32, #tpu.memory_space<vmem>> -> memref<64x128xf32, #tpu.memory_space<vmem>>
    %dma_start3A_89 = arith.constant 576 : i32
    %dma_start3A_90 = tpu.memref_slice %arg11[%dma_start3A_89] : memref<8000xi32, #tpu.memory_space<vmem>> -> memref<64xi32, #tpu.memory_space<vmem>>
    %dma_start3A_91 = arith.constant 0 : i32
    %dma_start3A_92 = arith.constant 0 : i32
    %dma_start3A_93 = tpu.memref_slice %arg5[%dma_start3A_91, %dma_start3A_92] : memref<10000x128xf32, #tpu.memory_space<hbm>> -> memref<10000x128xf32, #tpu.memory_space<hbm>>
    tpu.enqueue_indirect_dma source(%dma_start3A_93 : memref<10000x128xf32, #tpu.memory_space<hbm>>) target(%dma_start3A_88 : memref<64x128xf32, #tpu.memory_space<vmem>>) offsets(%dma_start3A_90 : memref<64xi32, #tpu.memory_space<vmem>>) semaphore(%arg22 : memref<!tpu.dma_semaphore, #tpu.memory_space<semaphore_mem>>)
    %scan3A = arith.constant 0 : i32
    %scan3A_94 = arith.constant 0 : i32
    %scan3A_95 = arith.constant 11 : i32
    %scan3A_96 = arith.addi %scan3A_94, %scan3A_95 : i32
    %scan3A_97 = arith.constant 1 : i32
    scf.for %scan3A_758 = %scan3A_94 to %scan3A_96 step %scan3A_97  : i32 {
      %mul3A_759 = arith.constant 2 : i32
      %mul3A_760 = arith.muli %scan3A_758, %mul3A_759 : i32
      %mul3A_761 = arith.constant 32 : i32
      %mul3A_762 = arith.muli %mul3A_760, %mul3A_761 : i32
      %dma_wait3A_763 = tpu.memref_slice %arg10[%mul3A_762] : memref<800xi32, #tpu.memory_space<vmem>> -> memref<32xi32, #tpu.memory_space<vmem>>
      %dma_wait3A_764 = arith.constant 0 : i32
      %dma_wait3A_765 = arith.constant 0 : i32
      %dma_wait3A_766 = tpu.memref_slice %arg4[%dma_wait3A_764, %dma_wait3A_765] : memref<100000x128xf32, #tpu.memory_space<hbm>> -> memref<100000x128xf32, #tpu.memory_space<hbm>>
      tpu.wait_indirect_dma semaphore(%arg19 : memref<!tpu.dma_semaphore, #tpu.memory_space<semaphore_mem>>) src(%dma_wait3A_766 : memref<100000x128xf32, #tpu.memory_space<hbm>>) dst(%arg12 : memref<32x128xf32, #tpu.memory_space<vmem>>)
      %mul3A_767 = arith.constant 32 : i32
      %mul3A_768 = arith.muli %mul3A_760, %mul3A_767 : i32
      %add3A_769 = arith.addi %mul3A_2, %mul3A_768 : i32
      %dma_start3A_770 = arith.constant 0 : i32
      %dma_start3A_771 = tpu.memref_slice %arg8[%add3A_769, %dma_start3A_770] : memref<25600x128xf32, #tpu.memory_space<hbm>> -> memref<32x128xf32, #tpu.memory_space<hbm>>
      %dma_start3A_772 = arith.constant 0 : i32
      %dma_start3A_773 = tpu.memref_slice %arg8[%add3A_769, %dma_start3A_772] : memref<25600x128xf32, #tpu.memory_space<hbm>> -> memref<32x128xf32, #tpu.memory_space<hbm>>
      tpu.enqueue_dma source(%arg12 : memref<32x128xf32, #tpu.memory_space<vmem>>) target(%dma_start3A_773 : memref<32x128xf32, #tpu.memory_space<hbm>>) target_semaphore(%arg25 : memref<!tpu.dma_semaphore, #tpu.memory_space<semaphore_mem>>)
      %ge3A = arith.constant 2 : i32
      %ge3A_774 = arith.cmpi sge, %mul3A_760, %ge3A : i32
      %convert_element_type3A = arith.extui %ge3A_774 : i1 to i32
      %cond3A = arith.constant 0 : i32
      %cond3A_775 = arith.cmpi ne, %convert_element_type3A, %cond3A : i32
      scf.if %cond3A_775 {
        %mul3A_1304 = arith.constant 2 : i32
        %mul3A_1305 = arith.muli %arg1, %mul3A_1304 : i32
        %add3A_1306 = arith.constant 0 : i32
        %add3A_1307 = arith.addi %mul3A_1305, %add3A_1306 : i32
        %mul3A_1308 = arith.constant 32 : i32
        %mul3A_1309 = arith.muli %add3A_1307, %mul3A_1308 : i32
        %mul3A_1310 = arith.constant 32 : i32
        %mul3A_1311 = arith.muli %mul3A_760, %mul3A_1310 : i32
        %add3A_1312 = arith.addi %mul3A_2, %mul3A_1311 : i32
        %dma_wait3A_1313 = arith.constant 0 : i32
        %dma_wait3A_1314 = tpu.memref_slice %arg9[%add3A_1312, %dma_wait3A_1313] : memref<25600x128xf32, #tpu.memory_space<hbm>> -> memref<32x128xf32, #tpu.memory_space<hbm>>
        %dma_wait3A_1315 = arith.constant 0 : i32
        %dma_wait3A_1316 = tpu.memref_slice %arg18[%mul3A_1309, %dma_wait3A_1315] : memref<1024x128xf32, #tpu.memory_space<vmem_shared>> -> memref<32x128xf32, #tpu.memory_space<vmem_shared>>
        tpu.wait_dma2 semaphore(%arg27 : memref<!tpu.dma_semaphore, #tpu.memory_space<semaphore_mem>>) src(%dma_wait3A_1316 : memref<32x128xf32, #tpu.memory_space<vmem_shared>>) dst(%dma_wait3A_1314 : memref<32x128xf32, #tpu.memory_space<hbm>>)
      } else {
      }
      %mul3A_776 = arith.constant 2 : i32
      %mul3A_777 = arith.muli %arg1, %mul3A_776 : i32
      %add3A_778 = arith.constant 0 : i32
      %add3A_779 = arith.addi %mul3A_777, %add3A_778 : i32
      %mul3A_780 = arith.constant 32 : i32
      %mul3A_781 = arith.muli %add3A_779, %mul3A_780 : i32
      "tpu.region"() ({
        %run_scoped3A = tpu.sem_alloc : memref<!tpu.dma_semaphore, #tpu.memory_space<semaphore_mem>>
        %dma_start3A_1304 = arith.constant 0 : i32
        %dma_start3A_1305 = tpu.memref_slice %arg18[%mul3A_781, %dma_start3A_1304] : memref<1024x128xf32, #tpu.memory_space<vmem_shared>> -> memref<32x128xf32, #tpu.memory_space<vmem_shared>>
        %dma_start3A_1306 = arith.constant 0 : i32
        %dma_start3A_1307 = tpu.memref_slice %arg18[%mul3A_781, %dma_start3A_1306] : memref<1024x128xf32, #tpu.memory_space<vmem_shared>> -> memref<32x128xf32, #tpu.memory_space<vmem_shared>>
        tpu.enqueue_dma source(%arg17 : memref<32x128xf32, #tpu.memory_space<vmem>>) target(%dma_start3A_1307 : memref<32x128xf32, #tpu.memory_space<vmem_shared>>) target_semaphore(%run_scoped3A : memref<!tpu.dma_semaphore, #tpu.memory_space<semaphore_mem>>)
        %dma_wait3A_1308 = arith.constant 0 : i32
        %dma_wait3A_1309 = tpu.memref_slice %arg18[%mul3A_781, %dma_wait3A_1308] : memref<1024x128xf32, #tpu.memory_space<vmem_shared>> -> memref<32x128xf32, #tpu.memory_space<vmem_shared>>
        %dma_wait3A_1310 = arith.constant 0 : i32
        %dma_wait3A_1311 = tpu.memref_slice %arg18[%mul3A_781, %dma_wait3A_1310] : memref<1024x128xf32, #tpu.memory_space<vmem_shared>> -> memref<32x128xf32, #tpu.memory_space<vmem_shared>>
        tpu.wait_dma2 semaphore(%run_scoped3A : memref<!tpu.dma_semaphore, #tpu.memory_space<semaphore_mem>>) src(%arg17 : memref<32x128xf32, #tpu.memory_space<vmem>>) dst(%dma_wait3A_1311 : memref<32x128xf32, #tpu.memory_space<vmem_shared>>)
        tpu.yield
      }) : () -> ()
      %mul3A_782 = arith.constant 320 : i32
      %mul3A_783 = arith.muli %mul3A_760, %mul3A_782 : i32
      %add3A_784 = arith.constant 0 : i32
      %add3A_785 = arith.addi %mul3A_783, %add3A_784 : i32
      %dma_wait3A_786 = arith.constant 0 : i32
      %dma_wait3A_787 = arith.constant 0 : i32
      %dma_wait3A_788 = tpu.memref_slice %arg14[%dma_wait3A_786, %dma_wait3A_787] : memref<320x128xf32, #tpu.memory_space<vmem>> -> memref<64x128xf32, #tpu.memory_space<vmem>>
      %dma_wait3A_789 = tpu.memref_slice %arg11[%add3A_785] : memref<8000xi32, #tpu.memory_space<vmem>> -> memref<64xi32, #tpu.memory_space<vmem>>
      %dma_wait3A_790 = arith.constant 0 : i32
      %dma_wait3A_791 = arith.constant 0 : i32
      %dma_wait3A_792 = tpu.memref_slice %arg5[%dma_wait3A_790, %dma_wait3A_791] : memref<10000x128xf32, #tpu.memory_space<hbm>> -> memref<10000x128xf32, #tpu.memory_space<hbm>>
      tpu.wait_indirect_dma semaphore(%arg21 : memref<!tpu.dma_semaphore, #tpu.memory_space<semaphore_mem>>) src(%dma_wait3A_792 : memref<10000x128xf32, #tpu.memory_space<hbm>>) dst(%dma_wait3A_788 : memref<64x128xf32, #tpu.memory_space<vmem>>)
      %mul3A_793 = arith.constant 320 : i32
      %mul3A_794 = arith.muli %mul3A_760, %mul3A_793 : i32
      %add3A_795 = arith.constant 64 : i32
      %add3A_796 = arith.addi %mul3A_794, %add3A_795 : i32
      %dma_wait3A_797 = arith.constant 64 : i32
      %dma_wait3A_798 = arith.constant 0 : i32
      %dma_wait3A_799 = tpu.memref_slice %arg14[%dma_wait3A_797, %dma_wait3A_798] : memref<320x128xf32, #tpu.memory_space<vmem>> -> memref<64x128xf32, #tpu.memory_space<vmem>>
      %dma_wait3A_800 = tpu.memref_slice %arg11[%add3A_796] : memref<8000xi32, #tpu.memory_space<vmem>> -> memref<64xi32, #tpu.memory_space<vmem>>
      %dma_wait3A_801 = arith.constant 0 : i32
      %dma_wait3A_802 = arith.constant 0 : i32
      %dma_wait3A_803 = tpu.memref_slice %arg5[%dma_wait3A_801, %dma_wait3A_802] : memref<10000x128xf32, #tpu.memory_space<hbm>> -> memref<10000x128xf32, #tpu.memory_space<hbm>>
      tpu.wait_indirect_dma semaphore(%arg21 : memref<!tpu.dma_semaphore, #tpu.memory_space<semaphore_mem>>) src(%dma_wait3A_803 : memref<10000x128xf32, #tpu.memory_space<hbm>>) dst(%dma_wait3A_799 : memref<64x128xf32, #tpu.memory_space<vmem>>)
      %mul3A_804 = arith.constant 320 : i32
      %mul3A_805 = arith.muli %mul3A_760, %mul3A_804 : i32
      %add3A_806 = arith.constant 128 : i32
      %add3A_807 = arith.addi %mul3A_805, %add3A_806 : i32
      %dma_wait3A_808 = arith.constant 128 : i32
      %dma_wait3A_809 = arith.constant 0 : i32
      %dma_wait3A_810 = tpu.memref_slice %arg14[%dma_wait3A_808, %dma_wait3A_809] : memref<320x128xf32, #tpu.memory_space<vmem>> -> memref<64x128xf32, #tpu.memory_space<vmem>>
      %dma_wait3A_811 = tpu.memref_slice %arg11[%add3A_807] : memref<8000xi32, #tpu.memory_space<vmem>> -> memref<64xi32, #tpu.memory_space<vmem>>
      %dma_wait3A_812 = arith.constant 0 : i32
      %dma_wait3A_813 = arith.constant 0 : i32
      %dma_wait3A_814 = tpu.memref_slice %arg5[%dma_wait3A_812, %dma_wait3A_813] : memref<10000x128xf32, #tpu.memory_space<hbm>> -> memref<10000x128xf32, #tpu.memory_space<hbm>>
      tpu.wait_indirect_dma semaphore(%arg21 : memref<!tpu.dma_semaphore, #tpu.memory_space<semaphore_mem>>) src(%dma_wait3A_814 : memref<10000x128xf32, #tpu.memory_space<hbm>>) dst(%dma_wait3A_810 : memref<64x128xf32, #tpu.memory_space<vmem>>)
      %mul3A_815 = arith.constant 320 : i32
      %mul3A_816 = arith.muli %mul3A_760, %mul3A_815 : i32
      %add3A_817 = arith.constant 192 : i32
      %add3A_818 = arith.addi %mul3A_816, %add3A_817 : i32
      %dma_wait3A_819 = arith.constant 192 : i32
      %dma_wait3A_820 = arith.constant 0 : i32
      %dma_wait3A_821 = tpu.memref_slice %arg14[%dma_wait3A_819, %dma_wait3A_820] : memref<320x128xf32, #tpu.memory_space<vmem>> -> memref<64x128xf32, #tpu.memory_space<vmem>>
      %dma_wait3A_822 = tpu.memref_slice %arg11[%add3A_818] : memref<8000xi32, #tpu.memory_space<vmem>> -> memref<64xi32, #tpu.memory_space<vmem>>
      %dma_wait3A_823 = arith.constant 0 : i32
      %dma_wait3A_824 = arith.constant 0 : i32
      %dma_wait3A_825 = tpu.memref_slice %arg5[%dma_wait3A_823, %dma_wait3A_824] : memref<10000x128xf32, #tpu.memory_space<hbm>> -> memref<10000x128xf32, #tpu.memory_space<hbm>>
      tpu.wait_indirect_dma semaphore(%arg21 : memref<!tpu.dma_semaphore, #tpu.memory_space<semaphore_mem>>) src(%dma_wait3A_825 : memref<10000x128xf32, #tpu.memory_space<hbm>>) dst(%dma_wait3A_821 : memref<64x128xf32, #tpu.memory_space<vmem>>)
      %mul3A_826 = arith.constant 320 : i32
      %mul3A_827 = arith.muli %mul3A_760, %mul3A_826 : i32
      %add3A_828 = arith.constant 256 : i32
      %add3A_829 = arith.addi %mul3A_827, %add3A_828 : i32
      %dma_wait3A_830 = arith.constant 256 : i32
      %dma_wait3A_831 = arith.constant 0 : i32
      %dma_wait3A_832 = tpu.memref_slice %arg14[%dma_wait3A_830, %dma_wait3A_831] : memref<320x128xf32, #tpu.memory_space<vmem>> -> memref<64x128xf32, #tpu.memory_space<vmem>>
      %dma_wait3A_833 = tpu.memref_slice %arg11[%add3A_829] : memref<8000xi32, #tpu.memory_space<vmem>> -> memref<64xi32, #tpu.memory_space<vmem>>
      %dma_wait3A_834 = arith.constant 0 : i32
      %dma_wait3A_835 = arith.constant 0 : i32
      %dma_wait3A_836 = tpu.memref_slice %arg5[%dma_wait3A_834, %dma_wait3A_835] : memref<10000x128xf32, #tpu.memory_space<hbm>> -> memref<10000x128xf32, #tpu.memory_space<hbm>>
      tpu.wait_indirect_dma semaphore(%arg21 : memref<!tpu.dma_semaphore, #tpu.memory_space<semaphore_mem>>) src(%dma_wait3A_836 : memref<10000x128xf32, #tpu.memory_space<hbm>>) dst(%dma_wait3A_832 : memref<64x128xf32, #tpu.memory_space<vmem>>)
      %dma_start3A_837 = arith.constant 0 : i32
      %dma_start3A_838 = arith.constant 0 : i32
      %dma_start3A_839 = arith.constant 0 : i32
      %dma_start3A_840 = arith.constant 0 : i32
      %dma_start3A_841 = tpu.memref_slice %arg14[%dma_start3A_839, %dma_start3A_840] : memref<320x128xf32, #tpu.memory_space<vmem>> -> memref<64x128xf32, #tpu.memory_space<vmem>>
      %dma_start3A_842 = arith.constant 0 : i32
      %dma_start3A_843 = tpu.memref_slice %arg16[%dma_start3A_837, %dma_start3A_838, %dma_start3A_842] : memref<2x5x64xi32, #tpu.memory_space<vmem>> -> memref<1x1x64xi32, #tpu.memory_space<vmem>>
      %dma_start3A_844 = tpu.memref_squeeze %dma_start3A_843 : memref<1x1x64xi32, #tpu.memory_space<vmem>> -> memref<64xi32, #tpu.memory_space<vmem>>
      %dma_start3A_845 = arith.constant 0 : i32
      %dma_start3A_846 = arith.constant 0 : i32
      %dma_start3A_847 = tpu.memref_slice %arg18[%dma_start3A_845, %dma_start3A_846] : memref<1024x128xf32, #tpu.memory_space<vmem_shared>> -> memref<1024x128xf32, #tpu.memory_space<vmem_shared>>
      tpu.enqueue_indirect_dma source(%dma_start3A_841 : memref<64x128xf32, #tpu.memory_space<vmem>>) target(%dma_start3A_847 : memref<1024x128xf32, #tpu.memory_space<vmem_shared>>) offsets(%dma_start3A_844 : memref<64xi32, #tpu.memory_space<vmem>>) semaphore(%arg23 : memref<!tpu.dma_semaphore, #tpu.memory_space<semaphore_mem>>) {add = true}
      %dma_start3A_848 = arith.constant 0 : i32
      %dma_start3A_849 = arith.constant 1 : i32
      %dma_start3A_850 = arith.constant 64 : i32
      %dma_start3A_851 = arith.constant 0 : i32
      %dma_start3A_852 = tpu.memref_slice %arg14[%dma_start3A_850, %dma_start3A_851] : memref<320x128xf32, #tpu.memory_space<vmem>> -> memref<64x128xf32, #tpu.memory_space<vmem>>
      %dma_start3A_853 = arith.constant 0 : i32
      %dma_start3A_854 = tpu.memref_slice %arg16[%dma_start3A_848, %dma_start3A_849, %dma_start3A_853] : memref<2x5x64xi32, #tpu.memory_space<vmem>> -> memref<1x1x64xi32, #tpu.memory_space<vmem>>
      %dma_start3A_855 = tpu.memref_squeeze %dma_start3A_854 : memref<1x1x64xi32, #tpu.memory_space<vmem>> -> memref<64xi32, #tpu.memory_space<vmem>>
      %dma_start3A_856 = arith.constant 0 : i32
      %dma_start3A_857 = arith.constant 0 : i32
      %dma_start3A_858 = tpu.memref_slice %arg18[%dma_start3A_856, %dma_start3A_857] : memref<1024x128xf32, #tpu.memory_space<vmem_shared>> -> memref<1024x128xf32, #tpu.memory_space<vmem_shared>>
      tpu.enqueue_indirect_dma source(%dma_start3A_852 : memref<64x128xf32, #tpu.memory_space<vmem>>) target(%dma_start3A_858 : memref<1024x128xf32, #tpu.memory_space<vmem_shared>>) offsets(%dma_start3A_855 : memref<64xi32, #tpu.memory_space<vmem>>) semaphore(%arg23 : memref<!tpu.dma_semaphore, #tpu.memory_space<semaphore_mem>>) {add = true}
      %dma_start3A_859 = arith.constant 0 : i32
      %dma_start3A_860 = arith.constant 2 : i32
      %dma_start3A_861 = arith.constant 128 : i32
      %dma_start3A_862 = arith.constant 0 : i32
      %dma_start3A_863 = tpu.memref_slice %arg14[%dma_start3A_861, %dma_start3A_862] : memref<320x128xf32, #tpu.memory_space<vmem>> -> memref<64x128xf32, #tpu.memory_space<vmem>>
      %dma_start3A_864 = arith.constant 0 : i32
      %dma_start3A_865 = tpu.memref_slice %arg16[%dma_start3A_859, %dma_start3A_860, %dma_start3A_864] : memref<2x5x64xi32, #tpu.memory_space<vmem>> -> memref<1x1x64xi32, #tpu.memory_space<vmem>>
      %dma_start3A_866 = tpu.memref_squeeze %dma_start3A_865 : memref<1x1x64xi32, #tpu.memory_space<vmem>> -> memref<64xi32, #tpu.memory_space<vmem>>
      %dma_start3A_867 = arith.constant 0 : i32
      %dma_start3A_868 = arith.constant 0 : i32
      %dma_start3A_869 = tpu.memref_slice %arg18[%dma_start3A_867, %dma_start3A_868] : memref<1024x128xf32, #tpu.memory_space<vmem_shared>> -> memref<1024x128xf32, #tpu.memory_space<vmem_shared>>
      tpu.enqueue_indirect_dma source(%dma_start3A_863 : memref<64x128xf32, #tpu.memory_space<vmem>>) target(%dma_start3A_869 : memref<1024x128xf32, #tpu.memory_space<vmem_shared>>) offsets(%dma_start3A_866 : memref<64xi32, #tpu.memory_space<vmem>>) semaphore(%arg23 : memref<!tpu.dma_semaphore, #tpu.memory_space<semaphore_mem>>) {add = true}
      %dma_start3A_870 = arith.constant 0 : i32
      %dma_start3A_871 = arith.constant 3 : i32
      %dma_start3A_872 = arith.constant 192 : i32
      %dma_start3A_873 = arith.constant 0 : i32
      %dma_start3A_874 = tpu.memref_slice %arg14[%dma_start3A_872, %dma_start3A_873] : memref<320x128xf32, #tpu.memory_space<vmem>> -> memref<64x128xf32, #tpu.memory_space<vmem>>
      %dma_start3A_875 = arith.constant 0 : i32
      %dma_start3A_876 = tpu.memref_slice %arg16[%dma_start3A_870, %dma_start3A_871, %dma_start3A_875] : memref<2x5x64xi32, #tpu.memory_space<vmem>> -> memref<1x1x64xi32, #tpu.memory_space<vmem>>
      %dma_start3A_877 = tpu.memref_squeeze %dma_start3A_876 : memref<1x1x64xi32, #tpu.memory_space<vmem>> -> memref<64xi32, #tpu.memory_space<vmem>>
      %dma_start3A_878 = arith.constant 0 : i32
      %dma_start3A_879 = arith.constant 0 : i32
      %dma_start3A_880 = tpu.memref_slice %arg18[%dma_start3A_878, %dma_start3A_879] : memref<1024x128xf32, #tpu.memory_space<vmem_shared>> -> memref<1024x128xf32, #tpu.memory_space<vmem_shared>>
      tpu.enqueue_indirect_dma source(%dma_start3A_874 : memref<64x128xf32, #tpu.memory_space<vmem>>) target(%dma_start3A_880 : memref<1024x128xf32, #tpu.memory_space<vmem_shared>>) offsets(%dma_start3A_877 : memref<64xi32, #tpu.memory_space<vmem>>) semaphore(%arg23 : memref<!tpu.dma_semaphore, #tpu.memory_space<semaphore_mem>>) {add = true}
      %dma_start3A_881 = arith.constant 0 : i32
      %dma_start3A_882 = arith.constant 4 : i32
      %dma_start3A_883 = arith.constant 256 : i32
      %dma_start3A_884 = arith.constant 0 : i32
      %dma_start3A_885 = tpu.memref_slice %arg14[%dma_start3A_883, %dma_start3A_884] : memref<320x128xf32, #tpu.memory_space<vmem>> -> memref<64x128xf32, #tpu.memory_space<vmem>>
      %dma_start3A_886 = arith.constant 0 : i32
      %dma_start3A_887 = tpu.memref_slice %arg16[%dma_start3A_881, %dma_start3A_882, %dma_start3A_886] : memref<2x5x64xi32, #tpu.memory_space<vmem>> -> memref<1x1x64xi32, #tpu.memory_space<vmem>>
      %dma_start3A_888 = tpu.memref_squeeze %dma_start3A_887 : memref<1x1x64xi32, #tpu.memory_space<vmem>> -> memref<64xi32, #tpu.memory_space<vmem>>
      %dma_start3A_889 = arith.constant 0 : i32
      %dma_start3A_890 = arith.constant 0 : i32
      %dma_start3A_891 = tpu.memref_slice %arg18[%dma_start3A_889, %dma_start3A_890] : memref<1024x128xf32, #tpu.memory_space<vmem_shared>> -> memref<1024x128xf32, #tpu.memory_space<vmem_shared>>
      tpu.enqueue_indirect_dma source(%dma_start3A_885 : memref<64x128xf32, #tpu.memory_space<vmem>>) target(%dma_start3A_891 : memref<1024x128xf32, #tpu.memory_space<vmem_shared>>) offsets(%dma_start3A_888 : memref<64xi32, #tpu.memory_space<vmem>>) semaphore(%arg23 : memref<!tpu.dma_semaphore, #tpu.memory_space<semaphore_mem>>) {add = true}
      %dma_wait3A_892 = arith.constant 0 : i32
      %dma_wait3A_893 = arith.constant 0 : i32
      %dma_wait3A_894 = arith.constant 0 : i32
      %dma_wait3A_895 = arith.constant 0 : i32
      %dma_wait3A_896 = tpu.memref_slice %arg14[%dma_wait3A_894, %dma_wait3A_895] : memref<320x128xf32, #tpu.memory_space<vmem>> -> memref<64x128xf32, #tpu.memory_space<vmem>>
      %dma_wait3A_897 = arith.constant 0 : i32
      %dma_wait3A_898 = tpu.memref_slice %arg16[%dma_wait3A_892, %dma_wait3A_893, %dma_wait3A_897] : memref<2x5x64xi32, #tpu.memory_space<vmem>> -> memref<1x1x64xi32, #tpu.memory_space<vmem>>
      %dma_wait3A_899 = tpu.memref_squeeze %dma_wait3A_898 : memref<1x1x64xi32, #tpu.memory_space<vmem>> -> memref<64xi32, #tpu.memory_space<vmem>>
      %dma_wait3A_900 = arith.constant 0 : i32
      %dma_wait3A_901 = arith.constant 0 : i32
      %dma_wait3A_902 = tpu.memref_slice %arg18[%dma_wait3A_900, %dma_wait3A_901] : memref<1024x128xf32, #tpu.memory_space<vmem_shared>> -> memref<1024x128xf32, #tpu.memory_space<vmem_shared>>
      tpu.wait_indirect_dma semaphore(%arg23 : memref<!tpu.dma_semaphore, #tpu.memory_space<semaphore_mem>>) src(%dma_wait3A_896 : memref<64x128xf32, #tpu.memory_space<vmem>>) dst(%dma_wait3A_902 : memref<1024x128xf32, #tpu.memory_space<vmem_shared>>)
      %dma_wait3A_903 = arith.constant 0 : i32
      %dma_wait3A_904 = arith.constant 1 : i32
      %dma_wait3A_905 = arith.constant 64 : i32
      %dma_wait3A_906 = arith.constant 0 : i32
      %dma_wait3A_907 = tpu.memref_slice %arg14[%dma_wait3A_905, %dma_wait3A_906] : memref<320x128xf32, #tpu.memory_space<vmem>> -> memref<64x128xf32, #tpu.memory_space<vmem>>
      %dma_wait3A_908 = arith.constant 0 : i32
      %dma_wait3A_909 = tpu.memref_slice %arg16[%dma_wait3A_903, %dma_wait3A_904, %dma_wait3A_908] : memref<2x5x64xi32, #tpu.memory_space<vmem>> -> memref<1x1x64xi32, #tpu.memory_space<vmem>>
      %dma_wait3A_910 = tpu.memref_squeeze %dma_wait3A_909 : memref<1x1x64xi32, #tpu.memory_space<vmem>> -> memref<64xi32, #tpu.memory_space<vmem>>
      %dma_wait3A_911 = arith.constant 0 : i32
      %dma_wait3A_912 = arith.constant 0 : i32
      %dma_wait3A_913 = tpu.memref_slice %arg18[%dma_wait3A_911, %dma_wait3A_912] : memref<1024x128xf32, #tpu.memory_space<vmem_shared>> -> memref<1024x128xf32, #tpu.memory_space<vmem_shared>>
      tpu.wait_indirect_dma semaphore(%arg23 : memref<!tpu.dma_semaphore, #tpu.memory_space<semaphore_mem>>) src(%dma_wait3A_907 : memref<64x128xf32, #tpu.memory_space<vmem>>) dst(%dma_wait3A_913 : memref<1024x128xf32, #tpu.memory_space<vmem_shared>>)
      %dma_wait3A_914 = arith.constant 0 : i32
      %dma_wait3A_915 = arith.constant 2 : i32
      %dma_wait3A_916 = arith.constant 128 : i32
      %dma_wait3A_917 = arith.constant 0 : i32
      %dma_wait3A_918 = tpu.memref_slice %arg14[%dma_wait3A_916, %dma_wait3A_917] : memref<320x128xf32, #tpu.memory_space<vmem>> -> memref<64x128xf32, #tpu.memory_space<vmem>>
      %dma_wait3A_919 = arith.constant 0 : i32
      %dma_wait3A_920 = tpu.memref_slice %arg16[%dma_wait3A_914, %dma_wait3A_915, %dma_wait3A_919] : memref<2x5x64xi32, #tpu.memory_space<vmem>> -> memref<1x1x64xi32, #tpu.memory_space<vmem>>
      %dma_wait3A_921 = tpu.memref_squeeze %dma_wait3A_920 : memref<1x1x64xi32, #tpu.memory_space<vmem>> -> memref<64xi32, #tpu.memory_space<vmem>>
      %dma_wait3A_922 = arith.constant 0 : i32
      %dma_wait3A_923 = arith.constant 0 : i32
      %dma_wait3A_924 = tpu.memref_slice %arg18[%dma_wait3A_922, %dma_wait3A_923] : memref<1024x128xf32, #tpu.memory_space<vmem_shared>> -> memref<1024x128xf32, #tpu.memory_space<vmem_shared>>
      tpu.wait_indirect_dma semaphore(%arg23 : memref<!tpu.dma_semaphore, #tpu.memory_space<semaphore_mem>>) src(%dma_wait3A_918 : memref<64x128xf32, #tpu.memory_space<vmem>>) dst(%dma_wait3A_924 : memref<1024x128xf32, #tpu.memory_space<vmem_shared>>)
      %dma_wait3A_925 = arith.constant 0 : i32
      %dma_wait3A_926 = arith.constant 3 : i32
      %dma_wait3A_927 = arith.constant 192 : i32
      %dma_wait3A_928 = arith.constant 0 : i32
      %dma_wait3A_929 = tpu.memref_slice %arg14[%dma_wait3A_927, %dma_wait3A_928] : memref<320x128xf32, #tpu.memory_space<vmem>> -> memref<64x128xf32, #tpu.memory_space<vmem>>
      %dma_wait3A_930 = arith.constant 0 : i32
      %dma_wait3A_931 = tpu.memref_slice %arg16[%dma_wait3A_925, %dma_wait3A_926, %dma_wait3A_930] : memref<2x5x64xi32, #tpu.memory_space<vmem>> -> memref<1x1x64xi32, #tpu.memory_space<vmem>>
      %dma_wait3A_932 = tpu.memref_squeeze %dma_wait3A_931 : memref<1x1x64xi32, #tpu.memory_space<vmem>> -> memref<64xi32, #tpu.memory_space<vmem>>
      %dma_wait3A_933 = arith.constant 0 : i32
      %dma_wait3A_934 = arith.constant 0 : i32
      %dma_wait3A_935 = tpu.memref_slice %arg18[%dma_wait3A_933, %dma_wait3A_934] : memref<1024x128xf32, #tpu.memory_space<vmem_shared>> -> memref<1024x128xf32, #tpu.memory_space<vmem_shared>>
      tpu.wait_indirect_dma semaphore(%arg23 : memref<!tpu.dma_semaphore, #tpu.memory_space<semaphore_mem>>) src(%dma_wait3A_929 : memref<64x128xf32, #tpu.memory_space<vmem>>) dst(%dma_wait3A_935 : memref<1024x128xf32, #tpu.memory_space<vmem_shared>>)
      %dma_wait3A_936 = arith.constant 0 : i32
      %dma_wait3A_937 = arith.constant 4 : i32
      %dma_wait3A_938 = arith.constant 256 : i32
      %dma_wait3A_939 = arith.constant 0 : i32
      %dma_wait3A_940 = tpu.memref_slice %arg14[%dma_wait3A_938, %dma_wait3A_939] : memref<320x128xf32, #tpu.memory_space<vmem>> -> memref<64x128xf32, #tpu.memory_space<vmem>>
      %dma_wait3A_941 = arith.constant 0 : i32
      %dma_wait3A_942 = tpu.memref_slice %arg16[%dma_wait3A_936, %dma_wait3A_937, %dma_wait3A_941] : memref<2x5x64xi32, #tpu.memory_space<vmem>> -> memref<1x1x64xi32, #tpu.memory_space<vmem>>
      %dma_wait3A_943 = tpu.memref_squeeze %dma_wait3A_942 : memref<1x1x64xi32, #tpu.memory_space<vmem>> -> memref<64xi32, #tpu.memory_space<vmem>>
      %dma_wait3A_944 = arith.constant 0 : i32
      %dma_wait3A_945 = arith.constant 0 : i32
      %dma_wait3A_946 = tpu.memref_slice %arg18[%dma_wait3A_944, %dma_wait3A_945] : memref<1024x128xf32, #tpu.memory_space<vmem_shared>> -> memref<1024x128xf32, #tpu.memory_space<vmem_shared>>
      tpu.wait_indirect_dma semaphore(%arg23 : memref<!tpu.dma_semaphore, #tpu.memory_space<semaphore_mem>>) src(%dma_wait3A_940 : memref<64x128xf32, #tpu.memory_space<vmem>>) dst(%dma_wait3A_946 : memref<1024x128xf32, #tpu.memory_space<vmem_shared>>)
      %mul3A_947 = arith.constant 2 : i32
      %mul3A_948 = arith.muli %arg1, %mul3A_947 : i32
      %add3A_949 = arith.constant 0 : i32
      %add3A_950 = arith.addi %mul3A_948, %add3A_949 : i32
      %mul3A_951 = arith.constant 32 : i32
      %mul3A_952 = arith.muli %add3A_950, %mul3A_951 : i32
      %mul3A_953 = arith.constant 32 : i32
      %mul3A_954 = arith.muli %mul3A_760, %mul3A_953 : i32
      %add3A_955 = arith.addi %mul3A_2, %mul3A_954 : i32
      %dma_start3A_956 = arith.constant 0 : i32
      %dma_start3A_957 = tpu.memref_slice %arg9[%add3A_955, %dma_start3A_956] : memref<25600x128xf32, #tpu.memory_space<hbm>> -> memref<32x128xf32, #tpu.memory_space<hbm>>
      %dma_start3A_958 = arith.constant 0 : i32
      %dma_start3A_959 = tpu.memref_slice %arg18[%mul3A_952, %dma_start3A_958] : memref<1024x128xf32, #tpu.memory_space<vmem_shared>> -> memref<32x128xf32, #tpu.memory_space<vmem_shared>>
      tpu.enqueue_dma source(%dma_start3A_959 : memref<32x128xf32, #tpu.memory_space<vmem_shared>>) target(%dma_start3A_957 : memref<32x128xf32, #tpu.memory_space<hbm>>) target_semaphore(%arg27 : memref<!tpu.dma_semaphore, #tpu.memory_space<semaphore_mem>>)
      %add3A_960 = arith.constant 1 : i32
      %add3A_961 = arith.addi %mul3A_760, %add3A_960 : i32
      %mul3A_962 = arith.constant 32 : i32
      %mul3A_963 = arith.muli %add3A_961, %mul3A_962 : i32
      %dma_wait3A_964 = tpu.memref_slice %arg10[%mul3A_963] : memref<800xi32, #tpu.memory_space<vmem>> -> memref<32xi32, #tpu.memory_space<vmem>>
      %dma_wait3A_965 = arith.constant 0 : i32
      %dma_wait3A_966 = arith.constant 0 : i32
      %dma_wait3A_967 = tpu.memref_slice %arg4[%dma_wait3A_965, %dma_wait3A_966] : memref<100000x128xf32, #tpu.memory_space<hbm>> -> memref<100000x128xf32, #tpu.memory_space<hbm>>
      tpu.wait_indirect_dma semaphore(%arg20 : memref<!tpu.dma_semaphore, #tpu.memory_space<semaphore_mem>>) src(%dma_wait3A_967 : memref<100000x128xf32, #tpu.memory_space<hbm>>) dst(%arg13 : memref<32x128xf32, #tpu.memory_space<vmem>>)
      %mul3A_968 = arith.constant 32 : i32
      %mul3A_969 = arith.muli %add3A_961, %mul3A_968 : i32
      %add3A_970 = arith.addi %mul3A_2, %mul3A_969 : i32
      %dma_start3A_971 = arith.constant 0 : i32
      %dma_start3A_972 = tpu.memref_slice %arg8[%add3A_970, %dma_start3A_971] : memref<25600x128xf32, #tpu.memory_space<hbm>> -> memref<32x128xf32, #tpu.memory_space<hbm>>
      %dma_start3A_973 = arith.constant 0 : i32
      %dma_start3A_974 = tpu.memref_slice %arg8[%add3A_970, %dma_start3A_973] : memref<25600x128xf32, #tpu.memory_space<hbm>> -> memref<32x128xf32, #tpu.memory_space<hbm>>
      tpu.enqueue_dma source(%arg13 : memref<32x128xf32, #tpu.memory_space<vmem>>) target(%dma_start3A_974 : memref<32x128xf32, #tpu.memory_space<hbm>>) target_semaphore(%arg26 : memref<!tpu.dma_semaphore, #tpu.memory_space<semaphore_mem>>)
      %ge3A_975 = arith.constant 2 : i32
      %ge3A_976 = arith.cmpi sge, %add3A_961, %ge3A_975 : i32
      %convert_element_type3A_977 = arith.extui %ge3A_976 : i1 to i32
      %cond3A_978 = arith.constant 0 : i32
      %cond3A_979 = arith.cmpi ne, %convert_element_type3A_977, %cond3A_978 : i32
      scf.if %cond3A_979 {
        %mul3A_1304 = arith.constant 2 : i32
        %mul3A_1305 = arith.muli %arg1, %mul3A_1304 : i32
        %add3A_1306 = arith.constant 1 : i32
        %add3A_1307 = arith.addi %mul3A_1305, %add3A_1306 : i32
        %mul3A_1308 = arith.constant 32 : i32
        %mul3A_1309 = arith.muli %add3A_1307, %mul3A_1308 : i32
        %mul3A_1310 = arith.constant 32 : i32
        %mul3A_1311 = arith.muli %add3A_961, %mul3A_1310 : i32
        %add3A_1312 = arith.addi %mul3A_2, %mul3A_1311 : i32
        %dma_wait3A_1313 = arith.constant 0 : i32
        %dma_wait3A_1314 = tpu.memref_slice %arg9[%add3A_1312, %dma_wait3A_1313] : memref<25600x128xf32, #tpu.memory_space<hbm>> -> memref<32x128xf32, #tpu.memory_space<hbm>>
        %dma_wait3A_1315 = arith.constant 0 : i32
        %dma_wait3A_1316 = tpu.memref_slice %arg18[%mul3A_1309, %dma_wait3A_1315] : memref<1024x128xf32, #tpu.memory_space<vmem_shared>> -> memref<32x128xf32, #tpu.memory_space<vmem_shared>>
        tpu.wait_dma2 semaphore(%arg28 : memref<!tpu.dma_semaphore, #tpu.memory_space<semaphore_mem>>) src(%dma_wait3A_1316 : memref<32x128xf32, #tpu.memory_space<vmem_shared>>) dst(%dma_wait3A_1314 : memref<32x128xf32, #tpu.memory_space<hbm>>)
      } else {
      }
      %mul3A_980 = arith.constant 2 : i32
      %mul3A_981 = arith.muli %arg1, %mul3A_980 : i32
      %add3A_982 = arith.constant 1 : i32
      %add3A_983 = arith.addi %mul3A_981, %add3A_982 : i32
      %mul3A_984 = arith.constant 32 : i32
      %mul3A_985 = arith.muli %add3A_983, %mul3A_984 : i32
      "tpu.region"() ({
        %run_scoped3A = tpu.sem_alloc : memref<!tpu.dma_semaphore, #tpu.memory_space<semaphore_mem>>
        %dma_start3A_1304 = arith.constant 0 : i32
        %dma_start3A_1305 = tpu.memref_slice %arg18[%mul3A_985, %dma_start3A_1304] : memref<1024x128xf32, #tpu.memory_space<vmem_shared>> -> memref<32x128xf32, #tpu.memory_space<vmem_shared>>
        %dma_start3A_1306 = arith.constant 0 : i32
        %dma_start3A_1307 = tpu.memref_slice %arg18[%mul3A_985, %dma_start3A_1306] : memref<1024x128xf32, #tpu.memory_space<vmem_shared>> -> memref<32x128xf32, #tpu.memory_space<vmem_shared>>
        tpu.enqueue_dma source(%arg17 : memref<32x128xf32, #tpu.memory_space<vmem>>) target(%dma_start3A_1307 : memref<32x128xf32, #tpu.memory_space<vmem_shared>>) target_semaphore(%run_scoped3A : memref<!tpu.dma_semaphore, #tpu.memory_space<semaphore_mem>>)
        %dma_wait3A_1308 = arith.constant 0 : i32
        %dma_wait3A_1309 = tpu.memref_slice %arg18[%mul3A_985, %dma_wait3A_1308] : memref<1024x128xf32, #tpu.memory_space<vmem_shared>> -> memref<32x128xf32, #tpu.memory_space<vmem_shared>>
        %dma_wait3A_1310 = arith.constant 0 : i32
        %dma_wait3A_1311 = tpu.memref_slice %arg18[%mul3A_985, %dma_wait3A_1310] : memref<1024x128xf32, #tpu.memory_space<vmem_shared>> -> memref<32x128xf32, #tpu.memory_space<vmem_shared>>
        tpu.wait_dma2 semaphore(%run_scoped3A : memref<!tpu.dma_semaphore, #tpu.memory_space<semaphore_mem>>) src(%arg17 : memref<32x128xf32, #tpu.memory_space<vmem>>) dst(%dma_wait3A_1311 : memref<32x128xf32, #tpu.memory_space<vmem_shared>>)
        tpu.yield
      }) : () -> ()
      %mul3A_986 = arith.constant 320 : i32
      %mul3A_987 = arith.muli %add3A_961, %mul3A_986 : i32
      %add3A_988 = arith.constant 0 : i32
      %add3A_989 = arith.addi %mul3A_987, %add3A_988 : i32
      %dma_wait3A_990 = arith.constant 0 : i32
      %dma_wait3A_991 = arith.constant 0 : i32
      %dma_wait3A_992 = tpu.memref_slice %arg15[%dma_wait3A_990, %dma_wait3A_991] : memref<320x128xf32, #tpu.memory_space<vmem>> -> memref<64x128xf32, #tpu.memory_space<vmem>>
      %dma_wait3A_993 = tpu.memref_slice %arg11[%add3A_989] : memref<8000xi32, #tpu.memory_space<vmem>> -> memref<64xi32, #tpu.memory_space<vmem>>
      %dma_wait3A_994 = arith.constant 0 : i32
      %dma_wait3A_995 = arith.constant 0 : i32
      %dma_wait3A_996 = tpu.memref_slice %arg5[%dma_wait3A_994, %dma_wait3A_995] : memref<10000x128xf32, #tpu.memory_space<hbm>> -> memref<10000x128xf32, #tpu.memory_space<hbm>>
      tpu.wait_indirect_dma semaphore(%arg22 : memref<!tpu.dma_semaphore, #tpu.memory_space<semaphore_mem>>) src(%dma_wait3A_996 : memref<10000x128xf32, #tpu.memory_space<hbm>>) dst(%dma_wait3A_992 : memref<64x128xf32, #tpu.memory_space<vmem>>)
      %mul3A_997 = arith.constant 320 : i32
      %mul3A_998 = arith.muli %add3A_961, %mul3A_997 : i32
      %add3A_999 = arith.constant 64 : i32
      %add3A_1000 = arith.addi %mul3A_998, %add3A_999 : i32
      %dma_wait3A_1001 = arith.constant 64 : i32
      %dma_wait3A_1002 = arith.constant 0 : i32
      %dma_wait3A_1003 = tpu.memref_slice %arg15[%dma_wait3A_1001, %dma_wait3A_1002] : memref<320x128xf32, #tpu.memory_space<vmem>> -> memref<64x128xf32, #tpu.memory_space<vmem>>
      %dma_wait3A_1004 = tpu.memref_slice %arg11[%add3A_1000] : memref<8000xi32, #tpu.memory_space<vmem>> -> memref<64xi32, #tpu.memory_space<vmem>>
      %dma_wait3A_1005 = arith.constant 0 : i32
      %dma_wait3A_1006 = arith.constant 0 : i32
      %dma_wait3A_1007 = tpu.memref_slice %arg5[%dma_wait3A_1005, %dma_wait3A_1006] : memref<10000x128xf32, #tpu.memory_space<hbm>> -> memref<10000x128xf32, #tpu.memory_space<hbm>>
      tpu.wait_indirect_dma semaphore(%arg22 : memref<!tpu.dma_semaphore, #tpu.memory_space<semaphore_mem>>) src(%dma_wait3A_1007 : memref<10000x128xf32, #tpu.memory_space<hbm>>) dst(%dma_wait3A_1003 : memref<64x128xf32, #tpu.memory_space<vmem>>)
      %mul3A_1008 = arith.constant 320 : i32
      %mul3A_1009 = arith.muli %add3A_961, %mul3A_1008 : i32
      %add3A_1010 = arith.constant 128 : i32
      %add3A_1011 = arith.addi %mul3A_1009, %add3A_1010 : i32
      %dma_wait3A_1012 = arith.constant 128 : i32
      %dma_wait3A_1013 = arith.constant 0 : i32
      %dma_wait3A_1014 = tpu.memref_slice %arg15[%dma_wait3A_1012, %dma_wait3A_1013] : memref<320x128xf32, #tpu.memory_space<vmem>> -> memref<64x128xf32, #tpu.memory_space<vmem>>
      %dma_wait3A_1015 = tpu.memref_slice %arg11[%add3A_1011] : memref<8000xi32, #tpu.memory_space<vmem>> -> memref<64xi32, #tpu.memory_space<vmem>>
      %dma_wait3A_1016 = arith.constant 0 : i32
      %dma_wait3A_1017 = arith.constant 0 : i32
      %dma_wait3A_1018 = tpu.memref_slice %arg5[%dma_wait3A_1016, %dma_wait3A_1017] : memref<10000x128xf32, #tpu.memory_space<hbm>> -> memref<10000x128xf32, #tpu.memory_space<hbm>>
      tpu.wait_indirect_dma semaphore(%arg22 : memref<!tpu.dma_semaphore, #tpu.memory_space<semaphore_mem>>) src(%dma_wait3A_1018 : memref<10000x128xf32, #tpu.memory_space<hbm>>) dst(%dma_wait3A_1014 : memref<64x128xf32, #tpu.memory_space<vmem>>)
      %mul3A_1019 = arith.constant 320 : i32
      %mul3A_1020 = arith.muli %add3A_961, %mul3A_1019 : i32
      %add3A_1021 = arith.constant 192 : i32
      %add3A_1022 = arith.addi %mul3A_1020, %add3A_1021 : i32
      %dma_wait3A_1023 = arith.constant 192 : i32
      %dma_wait3A_1024 = arith.constant 0 : i32
      %dma_wait3A_1025 = tpu.memref_slice %arg15[%dma_wait3A_1023, %dma_wait3A_1024] : memref<320x128xf32, #tpu.memory_space<vmem>> -> memref<64x128xf32, #tpu.memory_space<vmem>>
      %dma_wait3A_1026 = tpu.memref_slice %arg11[%add3A_1022] : memref<8000xi32, #tpu.memory_space<vmem>> -> memref<64xi32, #tpu.memory_space<vmem>>
      %dma_wait3A_1027 = arith.constant 0 : i32
      %dma_wait3A_1028 = arith.constant 0 : i32
      %dma_wait3A_1029 = tpu.memref_slice %arg5[%dma_wait3A_1027, %dma_wait3A_1028] : memref<10000x128xf32, #tpu.memory_space<hbm>> -> memref<10000x128xf32, #tpu.memory_space<hbm>>
      tpu.wait_indirect_dma semaphore(%arg22 : memref<!tpu.dma_semaphore, #tpu.memory_space<semaphore_mem>>) src(%dma_wait3A_1029 : memref<10000x128xf32, #tpu.memory_space<hbm>>) dst(%dma_wait3A_1025 : memref<64x128xf32, #tpu.memory_space<vmem>>)
      %mul3A_1030 = arith.constant 320 : i32
      %mul3A_1031 = arith.muli %add3A_961, %mul3A_1030 : i32
      %add3A_1032 = arith.constant 256 : i32
      %add3A_1033 = arith.addi %mul3A_1031, %add3A_1032 : i32
      %dma_wait3A_1034 = arith.constant 256 : i32
      %dma_wait3A_1035 = arith.constant 0 : i32
      %dma_wait3A_1036 = tpu.memref_slice %arg15[%dma_wait3A_1034, %dma_wait3A_1035] : memref<320x128xf32, #tpu.memory_space<vmem>> -> memref<64x128xf32, #tpu.memory_space<vmem>>
      %dma_wait3A_1037 = tpu.memref_slice %arg11[%add3A_1033] : memref<8000xi32, #tpu.memory_space<vmem>> -> memref<64xi32, #tpu.memory_space<vmem>>
      %dma_wait3A_1038 = arith.constant 0 : i32
      %dma_wait3A_1039 = arith.constant 0 : i32
      %dma_wait3A_1040 = tpu.memref_slice %arg5[%dma_wait3A_1038, %dma_wait3A_1039] : memref<10000x128xf32, #tpu.memory_space<hbm>> -> memref<10000x128xf32, #tpu.memory_space<hbm>>
      tpu.wait_indirect_dma semaphore(%arg22 : memref<!tpu.dma_semaphore, #tpu.memory_space<semaphore_mem>>) src(%dma_wait3A_1040 : memref<10000x128xf32, #tpu.memory_space<hbm>>) dst(%dma_wait3A_1036 : memref<64x128xf32, #tpu.memory_space<vmem>>)
      %dma_start3A_1041 = arith.constant 1 : i32
      %dma_start3A_1042 = arith.constant 0 : i32
      %dma_start3A_1043 = arith.constant 0 : i32
      %dma_start3A_1044 = arith.constant 0 : i32
      %dma_start3A_1045 = tpu.memref_slice %arg15[%dma_start3A_1043, %dma_start3A_1044] : memref<320x128xf32, #tpu.memory_space<vmem>> -> memref<64x128xf32, #tpu.memory_space<vmem>>
      %dma_start3A_1046 = arith.constant 0 : i32
      %dma_start3A_1047 = tpu.memref_slice %arg16[%dma_start3A_1041, %dma_start3A_1042, %dma_start3A_1046] : memref<2x5x64xi32, #tpu.memory_space<vmem>> -> memref<1x1x64xi32, #tpu.memory_space<vmem>>
      %dma_start3A_1048 = tpu.memref_squeeze %dma_start3A_1047 : memref<1x1x64xi32, #tpu.memory_space<vmem>> -> memref<64xi32, #tpu.memory_space<vmem>>
      %dma_start3A_1049 = arith.constant 0 : i32
      %dma_start3A_1050 = arith.constant 0 : i32
      %dma_start3A_1051 = tpu.memref_slice %arg18[%dma_start3A_1049, %dma_start3A_1050] : memref<1024x128xf32, #tpu.memory_space<vmem_shared>> -> memref<1024x128xf32, #tpu.memory_space<vmem_shared>>
      tpu.enqueue_indirect_dma source(%dma_start3A_1045 : memref<64x128xf32, #tpu.memory_space<vmem>>) target(%dma_start3A_1051 : memref<1024x128xf32, #tpu.memory_space<vmem_shared>>) offsets(%dma_start3A_1048 : memref<64xi32, #tpu.memory_space<vmem>>) semaphore(%arg24 : memref<!tpu.dma_semaphore, #tpu.memory_space<semaphore_mem>>) {add = true}
      %dma_start3A_1052 = arith.constant 1 : i32
      %dma_start3A_1053 = arith.constant 1 : i32
      %dma_start3A_1054 = arith.constant 64 : i32
      %dma_start3A_1055 = arith.constant 0 : i32
      %dma_start3A_1056 = tpu.memref_slice %arg15[%dma_start3A_1054, %dma_start3A_1055] : memref<320x128xf32, #tpu.memory_space<vmem>> -> memref<64x128xf32, #tpu.memory_space<vmem>>
      %dma_start3A_1057 = arith.constant 0 : i32
      %dma_start3A_1058 = tpu.memref_slice %arg16[%dma_start3A_1052, %dma_start3A_1053, %dma_start3A_1057] : memref<2x5x64xi32, #tpu.memory_space<vmem>> -> memref<1x1x64xi32, #tpu.memory_space<vmem>>
      %dma_start3A_1059 = tpu.memref_squeeze %dma_start3A_1058 : memref<1x1x64xi32, #tpu.memory_space<vmem>> -> memref<64xi32, #tpu.memory_space<vmem>>
      %dma_start3A_1060 = arith.constant 0 : i32
      %dma_start3A_1061 = arith.constant 0 : i32
      %dma_start3A_1062 = tpu.memref_slice %arg18[%dma_start3A_1060, %dma_start3A_1061] : memref<1024x128xf32, #tpu.memory_space<vmem_shared>> -> memref<1024x128xf32, #tpu.memory_space<vmem_shared>>
      tpu.enqueue_indirect_dma source(%dma_start3A_1056 : memref<64x128xf32, #tpu.memory_space<vmem>>) target(%dma_start3A_1062 : memref<1024x128xf32, #tpu.memory_space<vmem_shared>>) offsets(%dma_start3A_1059 : memref<64xi32, #tpu.memory_space<vmem>>) semaphore(%arg24 : memref<!tpu.dma_semaphore, #tpu.memory_space<semaphore_mem>>) {add = true}
      %dma_start3A_1063 = arith.constant 1 : i32
      %dma_start3A_1064 = arith.constant 2 : i32
      %dma_start3A_1065 = arith.constant 128 : i32
      %dma_start3A_1066 = arith.constant 0 : i32
      %dma_start3A_1067 = tpu.memref_slice %arg15[%dma_start3A_1065, %dma_start3A_1066] : memref<320x128xf32, #tpu.memory_space<vmem>> -> memref<64x128xf32, #tpu.memory_space<vmem>>
      %dma_start3A_1068 = arith.constant 0 : i32
      %dma_start3A_1069 = tpu.memref_slice %arg16[%dma_start3A_1063, %dma_start3A_1064, %dma_start3A_1068] : memref<2x5x64xi32, #tpu.memory_space<vmem>> -> memref<1x1x64xi32, #tpu.memory_space<vmem>>
      %dma_start3A_1070 = tpu.memref_squeeze %dma_start3A_1069 : memref<1x1x64xi32, #tpu.memory_space<vmem>> -> memref<64xi32, #tpu.memory_space<vmem>>
      %dma_start3A_1071 = arith.constant 0 : i32
      %dma_start3A_1072 = arith.constant 0 : i32
      %dma_start3A_1073 = tpu.memref_slice %arg18[%dma_start3A_1071, %dma_start3A_1072] : memref<1024x128xf32, #tpu.memory_space<vmem_shared>> -> memref<1024x128xf32, #tpu.memory_space<vmem_shared>>
      tpu.enqueue_indirect_dma source(%dma_start3A_1067 : memref<64x128xf32, #tpu.memory_space<vmem>>) target(%dma_start3A_1073 : memref<1024x128xf32, #tpu.memory_space<vmem_shared>>) offsets(%dma_start3A_1070 : memref<64xi32, #tpu.memory_space<vmem>>) semaphore(%arg24 : memref<!tpu.dma_semaphore, #tpu.memory_space<semaphore_mem>>) {add = true}
      %dma_start3A_1074 = arith.constant 1 : i32
      %dma_start3A_1075 = arith.constant 3 : i32
      %dma_start3A_1076 = arith.constant 192 : i32
      %dma_start3A_1077 = arith.constant 0 : i32
      %dma_start3A_1078 = tpu.memref_slice %arg15[%dma_start3A_1076, %dma_start3A_1077] : memref<320x128xf32, #tpu.memory_space<vmem>> -> memref<64x128xf32, #tpu.memory_space<vmem>>
      %dma_start3A_1079 = arith.constant 0 : i32
      %dma_start3A_1080 = tpu.memref_slice %arg16[%dma_start3A_1074, %dma_start3A_1075, %dma_start3A_1079] : memref<2x5x64xi32, #tpu.memory_space<vmem>> -> memref<1x1x64xi32, #tpu.memory_space<vmem>>
      %dma_start3A_1081 = tpu.memref_squeeze %dma_start3A_1080 : memref<1x1x64xi32, #tpu.memory_space<vmem>> -> memref<64xi32, #tpu.memory_space<vmem>>
      %dma_start3A_1082 = arith.constant 0 : i32
      %dma_start3A_1083 = arith.constant 0 : i32
      %dma_start3A_1084 = tpu.memref_slice %arg18[%dma_start3A_1082, %dma_start3A_1083] : memref<1024x128xf32, #tpu.memory_space<vmem_shared>> -> memref<1024x128xf32, #tpu.memory_space<vmem_shared>>
      tpu.enqueue_indirect_dma source(%dma_start3A_1078 : memref<64x128xf32, #tpu.memory_space<vmem>>) target(%dma_start3A_1084 : memref<1024x128xf32, #tpu.memory_space<vmem_shared>>) offsets(%dma_start3A_1081 : memref<64xi32, #tpu.memory_space<vmem>>) semaphore(%arg24 : memref<!tpu.dma_semaphore, #tpu.memory_space<semaphore_mem>>) {add = true}
      %dma_start3A_1085 = arith.constant 1 : i32
      %dma_start3A_1086 = arith.constant 4 : i32
      %dma_start3A_1087 = arith.constant 256 : i32
      %dma_start3A_1088 = arith.constant 0 : i32
      %dma_start3A_1089 = tpu.memref_slice %arg15[%dma_start3A_1087, %dma_start3A_1088] : memref<320x128xf32, #tpu.memory_space<vmem>> -> memref<64x128xf32, #tpu.memory_space<vmem>>
      %dma_start3A_1090 = arith.constant 0 : i32
      %dma_start3A_1091 = tpu.memref_slice %arg16[%dma_start3A_1085, %dma_start3A_1086, %dma_start3A_1090] : memref<2x5x64xi32, #tpu.memory_space<vmem>> -> memref<1x1x64xi32, #tpu.memory_space<vmem>>
      %dma_start3A_1092 = tpu.memref_squeeze %dma_start3A_1091 : memref<1x1x64xi32, #tpu.memory_space<vmem>> -> memref<64xi32, #tpu.memory_space<vmem>>
      %dma_start3A_1093 = arith.constant 0 : i32
      %dma_start3A_1094 = arith.constant 0 : i32
      %dma_start3A_1095 = tpu.memref_slice %arg18[%dma_start3A_1093, %dma_start3A_1094] : memref<1024x128xf32, #tpu.memory_space<vmem_shared>> -> memref<1024x128xf32, #tpu.memory_space<vmem_shared>>
      tpu.enqueue_indirect_dma source(%dma_start3A_1089 : memref<64x128xf32, #tpu.memory_space<vmem>>) target(%dma_start3A_1095 : memref<1024x128xf32, #tpu.memory_space<vmem_shared>>) offsets(%dma_start3A_1092 : memref<64xi32, #tpu.memory_space<vmem>>) semaphore(%arg24 : memref<!tpu.dma_semaphore, #tpu.memory_space<semaphore_mem>>) {add = true}
      %dma_wait3A_1096 = arith.constant 1 : i32
      %dma_wait3A_1097 = arith.constant 0 : i32
      %dma_wait3A_1098 = arith.constant 0 : i32
      %dma_wait3A_1099 = arith.constant 0 : i32
      %dma_wait3A_1100 = tpu.memref_slice %arg15[%dma_wait3A_1098, %dma_wait3A_1099] : memref<320x128xf32, #tpu.memory_space<vmem>> -> memref<64x128xf32, #tpu.memory_space<vmem>>
      %dma_wait3A_1101 = arith.constant 0 : i32
      %dma_wait3A_1102 = tpu.memref_slice %arg16[%dma_wait3A_1096, %dma_wait3A_1097, %dma_wait3A_1101] : memref<2x5x64xi32, #tpu.memory_space<vmem>> -> memref<1x1x64xi32, #tpu.memory_space<vmem>>
      %dma_wait3A_1103 = tpu.memref_squeeze %dma_wait3A_1102 : memref<1x1x64xi32, #tpu.memory_space<vmem>> -> memref<64xi32, #tpu.memory_space<vmem>>
      %dma_wait3A_1104 = arith.constant 0 : i32
      %dma_wait3A_1105 = arith.constant 0 : i32
      %dma_wait3A_1106 = tpu.memref_slice %arg18[%dma_wait3A_1104, %dma_wait3A_1105] : memref<1024x128xf32, #tpu.memory_space<vmem_shared>> -> memref<1024x128xf32, #tpu.memory_space<vmem_shared>>
      tpu.wait_indirect_dma semaphore(%arg24 : memref<!tpu.dma_semaphore, #tpu.memory_space<semaphore_mem>>) src(%dma_wait3A_1100 : memref<64x128xf32, #tpu.memory_space<vmem>>) dst(%dma_wait3A_1106 : memref<1024x128xf32, #tpu.memory_space<vmem_shared>>)
      %dma_wait3A_1107 = arith.constant 1 : i32
      %dma_wait3A_1108 = arith.constant 1 : i32
      %dma_wait3A_1109 = arith.constant 64 : i32
      %dma_wait3A_1110 = arith.constant 0 : i32
      %dma_wait3A_1111 = tpu.memref_slice %arg15[%dma_wait3A_1109, %dma_wait3A_1110] : memref<320x128xf32, #tpu.memory_space<vmem>> -> memref<64x128xf32, #tpu.memory_space<vmem>>
      %dma_wait3A_1112 = arith.constant 0 : i32
      %dma_wait3A_1113 = tpu.memref_slice %arg16[%dma_wait3A_1107, %dma_wait3A_1108, %dma_wait3A_1112] : memref<2x5x64xi32, #tpu.memory_space<vmem>> -> memref<1x1x64xi32, #tpu.memory_space<vmem>>
      %dma_wait3A_1114 = tpu.memref_squeeze %dma_wait3A_1113 : memref<1x1x64xi32, #tpu.memory_space<vmem>> -> memref<64xi32, #tpu.memory_space<vmem>>
      %dma_wait3A_1115 = arith.constant 0 : i32
      %dma_wait3A_1116 = arith.constant 0 : i32
      %dma_wait3A_1117 = tpu.memref_slice %arg18[%dma_wait3A_1115, %dma_wait3A_1116] : memref<1024x128xf32, #tpu.memory_space<vmem_shared>> -> memref<1024x128xf32, #tpu.memory_space<vmem_shared>>
      tpu.wait_indirect_dma semaphore(%arg24 : memref<!tpu.dma_semaphore, #tpu.memory_space<semaphore_mem>>) src(%dma_wait3A_1111 : memref<64x128xf32, #tpu.memory_space<vmem>>) dst(%dma_wait3A_1117 : memref<1024x128xf32, #tpu.memory_space<vmem_shared>>)
      %dma_wait3A_1118 = arith.constant 1 : i32
      %dma_wait3A_1119 = arith.constant 2 : i32
      %dma_wait3A_1120 = arith.constant 128 : i32
      %dma_wait3A_1121 = arith.constant 0 : i32
      %dma_wait3A_1122 = tpu.memref_slice %arg15[%dma_wait3A_1120, %dma_wait3A_1121] : memref<320x128xf32, #tpu.memory_space<vmem>> -> memref<64x128xf32, #tpu.memory_space<vmem>>
      %dma_wait3A_1123 = arith.constant 0 : i32
      %dma_wait3A_1124 = tpu.memref_slice %arg16[%dma_wait3A_1118, %dma_wait3A_1119, %dma_wait3A_1123] : memref<2x5x64xi32, #tpu.memory_space<vmem>> -> memref<1x1x64xi32, #tpu.memory_space<vmem>>
      %dma_wait3A_1125 = tpu.memref_squeeze %dma_wait3A_1124 : memref<1x1x64xi32, #tpu.memory_space<vmem>> -> memref<64xi32, #tpu.memory_space<vmem>>
      %dma_wait3A_1126 = arith.constant 0 : i32
      %dma_wait3A_1127 = arith.constant 0 : i32
      %dma_wait3A_1128 = tpu.memref_slice %arg18[%dma_wait3A_1126, %dma_wait3A_1127] : memref<1024x128xf32, #tpu.memory_space<vmem_shared>> -> memref<1024x128xf32, #tpu.memory_space<vmem_shared>>
      tpu.wait_indirect_dma semaphore(%arg24 : memref<!tpu.dma_semaphore, #tpu.memory_space<semaphore_mem>>) src(%dma_wait3A_1122 : memref<64x128xf32, #tpu.memory_space<vmem>>) dst(%dma_wait3A_1128 : memref<1024x128xf32, #tpu.memory_space<vmem_shared>>)
      %dma_wait3A_1129 = arith.constant 1 : i32
      %dma_wait3A_1130 = arith.constant 3 : i32
      %dma_wait3A_1131 = arith.constant 192 : i32
      %dma_wait3A_1132 = arith.constant 0 : i32
      %dma_wait3A_1133 = tpu.memref_slice %arg15[%dma_wait3A_1131, %dma_wait3A_1132] : memref<320x128xf32, #tpu.memory_space<vmem>> -> memref<64x128xf32, #tpu.memory_space<vmem>>
      %dma_wait3A_1134 = arith.constant 0 : i32
      %dma_wait3A_1135 = tpu.memref_slice %arg16[%dma_wait3A_1129, %dma_wait3A_1130, %dma_wait3A_1134] : memref<2x5x64xi32, #tpu.memory_space<vmem>> -> memref<1x1x64xi32, #tpu.memory_space<vmem>>
      %dma_wait3A_1136 = tpu.memref_squeeze %dma_wait3A_1135 : memref<1x1x64xi32, #tpu.memory_space<vmem>> -> memref<64xi32, #tpu.memory_space<vmem>>
      %dma_wait3A_1137 = arith.constant 0 : i32
      %dma_wait3A_1138 = arith.constant 0 : i32
      %dma_wait3A_1139 = tpu.memref_slice %arg18[%dma_wait3A_1137, %dma_wait3A_1138] : memref<1024x128xf32, #tpu.memory_space<vmem_shared>> -> memref<1024x128xf32, #tpu.memory_space<vmem_shared>>
      tpu.wait_indirect_dma semaphore(%arg24 : memref<!tpu.dma_semaphore, #tpu.memory_space<semaphore_mem>>) src(%dma_wait3A_1133 : memref<64x128xf32, #tpu.memory_space<vmem>>) dst(%dma_wait3A_1139 : memref<1024x128xf32, #tpu.memory_space<vmem_shared>>)
      %dma_wait3A_1140 = arith.constant 1 : i32
      %dma_wait3A_1141 = arith.constant 4 : i32
      %dma_wait3A_1142 = arith.constant 256 : i32
      %dma_wait3A_1143 = arith.constant 0 : i32
      %dma_wait3A_1144 = tpu.memref_slice %arg15[%dma_wait3A_1142, %dma_wait3A_1143] : memref<320x128xf32, #tpu.memory_space<vmem>> -> memref<64x128xf32, #tpu.memory_space<vmem>>
      %dma_wait3A_1145 = arith.constant 0 : i32
      %dma_wait3A_1146 = tpu.memref_slice %arg16[%dma_wait3A_1140, %dma_wait3A_1141, %dma_wait3A_1145] : memref<2x5x64xi32, #tpu.memory_space<vmem>> -> memref<1x1x64xi32, #tpu.memory_space<vmem>>
      %dma_wait3A_1147 = tpu.memref_squeeze %dma_wait3A_1146 : memref<1x1x64xi32, #tpu.memory_space<vmem>> -> memref<64xi32, #tpu.memory_space<vmem>>
      %dma_wait3A_1148 = arith.constant 0 : i32
      %dma_wait3A_1149 = arith.constant 0 : i32
      %dma_wait3A_1150 = tpu.memref_slice %arg18[%dma_wait3A_1148, %dma_wait3A_1149] : memref<1024x128xf32, #tpu.memory_space<vmem_shared>> -> memref<1024x128xf32, #tpu.memory_space<vmem_shared>>
      tpu.wait_indirect_dma semaphore(%arg24 : memref<!tpu.dma_semaphore, #tpu.memory_space<semaphore_mem>>) src(%dma_wait3A_1144 : memref<64x128xf32, #tpu.memory_space<vmem>>) dst(%dma_wait3A_1150 : memref<1024x128xf32, #tpu.memory_space<vmem_shared>>)
      %mul3A_1151 = arith.constant 2 : i32
      %mul3A_1152 = arith.muli %arg1, %mul3A_1151 : i32
      %add3A_1153 = arith.constant 1 : i32
      %add3A_1154 = arith.addi %mul3A_1152, %add3A_1153 : i32
      %mul3A_1155 = arith.constant 32 : i32
      %mul3A_1156 = arith.muli %add3A_1154, %mul3A_1155 : i32
      %mul3A_1157 = arith.constant 32 : i32
      %mul3A_1158 = arith.muli %add3A_961, %mul3A_1157 : i32
      %add3A_1159 = arith.addi %mul3A_2, %mul3A_1158 : i32
      %dma_start3A_1160 = arith.constant 0 : i32
      %dma_start3A_1161 = tpu.memref_slice %arg9[%add3A_1159, %dma_start3A_1160] : memref<25600x128xf32, #tpu.memory_space<hbm>> -> memref<32x128xf32, #tpu.memory_space<hbm>>
      %dma_start3A_1162 = arith.constant 0 : i32
      %dma_start3A_1163 = tpu.memref_slice %arg18[%mul3A_1156, %dma_start3A_1162] : memref<1024x128xf32, #tpu.memory_space<vmem_shared>> -> memref<32x128xf32, #tpu.memory_space<vmem_shared>>
      tpu.enqueue_dma source(%dma_start3A_1163 : memref<32x128xf32, #tpu.memory_space<vmem_shared>>) target(%dma_start3A_1161 : memref<32x128xf32, #tpu.memory_space<hbm>>) target_semaphore(%arg28 : memref<!tpu.dma_semaphore, #tpu.memory_space<semaphore_mem>>)
      %add3A_1164 = arith.constant 2 : i32
      %add3A_1165 = arith.addi %mul3A_760, %add3A_1164 : i32
      %mul3A_1166 = arith.constant 32 : i32
      %mul3A_1167 = arith.muli %add3A_1165, %mul3A_1166 : i32
      %add3A_1168 = arith.addi %mul3A_2, %mul3A_1167 : i32
      %dma_wait3A_1169 = arith.constant 0 : i32
      %dma_wait3A_1170 = tpu.memref_slice %arg8[%add3A_1168, %dma_wait3A_1169] : memref<25600x128xf32, #tpu.memory_space<hbm>> -> memref<32x128xf32, #tpu.memory_space<hbm>>
      %dma_wait3A_1171 = arith.constant 0 : i32
      %dma_wait3A_1172 = tpu.memref_slice %arg8[%add3A_1168, %dma_wait3A_1171] : memref<25600x128xf32, #tpu.memory_space<hbm>> -> memref<32x128xf32, #tpu.memory_space<hbm>>
      tpu.wait_dma2 semaphore(%arg25 : memref<!tpu.dma_semaphore, #tpu.memory_space<semaphore_mem>>) src(%arg12 : memref<32x128xf32, #tpu.memory_space<vmem>>) dst(%dma_wait3A_1172 : memref<32x128xf32, #tpu.memory_space<hbm>>)
      %mul3A_1173 = arith.constant 32 : i32
      %mul3A_1174 = arith.muli %add3A_1165, %mul3A_1173 : i32
      %dma_start3A_1175 = tpu.memref_slice %arg10[%mul3A_1174] : memref<800xi32, #tpu.memory_space<vmem>> -> memref<32xi32, #tpu.memory_space<vmem>>
      %dma_start3A_1176 = arith.constant 0 : i32
      %dma_start3A_1177 = arith.constant 0 : i32
      %dma_start3A_1178 = tpu.memref_slice %arg4[%dma_start3A_1176, %dma_start3A_1177] : memref<100000x128xf32, #tpu.memory_space<hbm>> -> memref<100000x128xf32, #tpu.memory_space<hbm>>
      tpu.enqueue_indirect_dma source(%dma_start3A_1178 : memref<100000x128xf32, #tpu.memory_space<hbm>>) target(%arg12 : memref<32x128xf32, #tpu.memory_space<vmem>>) offsets(%dma_start3A_1175 : memref<32xi32, #tpu.memory_space<vmem>>) semaphore(%arg19 : memref<!tpu.dma_semaphore, #tpu.memory_space<semaphore_mem>>)
      %mul3A_1179 = arith.constant 320 : i32
      %mul3A_1180 = arith.muli %add3A_1165, %mul3A_1179 : i32
      %add3A_1181 = arith.constant 0 : i32
      %add3A_1182 = arith.addi %mul3A_1180, %add3A_1181 : i32
      %dma_start3A_1183 = arith.constant 0 : i32
      %dma_start3A_1184 = arith.constant 0 : i32
      %dma_start3A_1185 = tpu.memref_slice %arg14[%dma_start3A_1183, %dma_start3A_1184] : memref<320x128xf32, #tpu.memory_space<vmem>> -> memref<64x128xf32, #tpu.memory_space<vmem>>
      %dma_start3A_1186 = tpu.memref_slice %arg11[%add3A_1182] : memref<8000xi32, #tpu.memory_space<vmem>> -> memref<64xi32, #tpu.memory_space<vmem>>
      %dma_start3A_1187 = arith.constant 0 : i32
      %dma_start3A_1188 = arith.constant 0 : i32
      %dma_start3A_1189 = tpu.memref_slice %arg5[%dma_start3A_1187, %dma_start3A_1188] : memref<10000x128xf32, #tpu.memory_space<hbm>> -> memref<10000x128xf32, #tpu.memory_space<hbm>>
      tpu.enqueue_indirect_dma source(%dma_start3A_1189 : memref<10000x128xf32, #tpu.memory_space<hbm>>) target(%dma_start3A_1185 : memref<64x128xf32, #tpu.memory_space<vmem>>) offsets(%dma_start3A_1186 : memref<64xi32, #tpu.memory_space<vmem>>) semaphore(%arg21 : memref<!tpu.dma_semaphore, #tpu.memory_space<semaphore_mem>>)
      %mul3A_1190 = arith.constant 320 : i32
      %mul3A_1191 = arith.muli %add3A_1165, %mul3A_1190 : i32
      %add3A_1192 = arith.constant 64 : i32
      %add3A_1193 = arith.addi %mul3A_1191, %add3A_1192 : i32
      %dma_start3A_1194 = arith.constant 64 : i32
      %dma_start3A_1195 = arith.constant 0 : i32
      %dma_start3A_1196 = tpu.memref_slice %arg14[%dma_start3A_1194, %dma_start3A_1195] : memref<320x128xf32, #tpu.memory_space<vmem>> -> memref<64x128xf32, #tpu.memory_space<vmem>>
      %dma_start3A_1197 = tpu.memref_slice %arg11[%add3A_1193] : memref<8000xi32, #tpu.memory_space<vmem>> -> memref<64xi32, #tpu.memory_space<vmem>>
      %dma_start3A_1198 = arith.constant 0 : i32
      %dma_start3A_1199 = arith.constant 0 : i32
      %dma_start3A_1200 = tpu.memref_slice %arg5[%dma_start3A_1198, %dma_start3A_1199] : memref<10000x128xf32, #tpu.memory_space<hbm>> -> memref<10000x128xf32, #tpu.memory_space<hbm>>
      tpu.enqueue_indirect_dma source(%dma_start3A_1200 : memref<10000x128xf32, #tpu.memory_space<hbm>>) target(%dma_start3A_1196 : memref<64x128xf32, #tpu.memory_space<vmem>>) offsets(%dma_start3A_1197 : memref<64xi32, #tpu.memory_space<vmem>>) semaphore(%arg21 : memref<!tpu.dma_semaphore, #tpu.memory_space<semaphore_mem>>)
      %mul3A_1201 = arith.constant 320 : i32
      %mul3A_1202 = arith.muli %add3A_1165, %mul3A_1201 : i32
      %add3A_1203 = arith.constant 128 : i32
      %add3A_1204 = arith.addi %mul3A_1202, %add3A_1203 : i32
      %dma_start3A_1205 = arith.constant 128 : i32
      %dma_start3A_1206 = arith.constant 0 : i32
      %dma_start3A_1207 = tpu.memref_slice %arg14[%dma_start3A_1205, %dma_start3A_1206] : memref<320x128xf32, #tpu.memory_space<vmem>> -> memref<64x128xf32, #tpu.memory_space<vmem>>
      %dma_start3A_1208 = tpu.memref_slice %arg11[%add3A_1204] : memref<8000xi32, #tpu.memory_space<vmem>> -> memref<64xi32, #tpu.memory_space<vmem>>
      %dma_start3A_1209 = arith.constant 0 : i32
      %dma_start3A_1210 = arith.constant 0 : i32
      %dma_start3A_1211 = tpu.memref_slice %arg5[%dma_start3A_1209, %dma_start3A_1210] : memref<10000x128xf32, #tpu.memory_space<hbm>> -> memref<10000x128xf32, #tpu.memory_space<hbm>>
      tpu.enqueue_indirect_dma source(%dma_start3A_1211 : memref<10000x128xf32, #tpu.memory_space<hbm>>) target(%dma_start3A_1207 : memref<64x128xf32, #tpu.memory_space<vmem>>) offsets(%dma_start3A_1208 : memref<64xi32, #tpu.memory_space<vmem>>) semaphore(%arg21 : memref<!tpu.dma_semaphore, #tpu.memory_space<semaphore_mem>>)
      %mul3A_1212 = arith.constant 320 : i32
      %mul3A_1213 = arith.muli %add3A_1165, %mul3A_1212 : i32
      %add3A_1214 = arith.constant 192 : i32
      %add3A_1215 = arith.addi %mul3A_1213, %add3A_1214 : i32
      %dma_start3A_1216 = arith.constant 192 : i32
      %dma_start3A_1217 = arith.constant 0 : i32
      %dma_start3A_1218 = tpu.memref_slice %arg14[%dma_start3A_1216, %dma_start3A_1217] : memref<320x128xf32, #tpu.memory_space<vmem>> -> memref<64x128xf32, #tpu.memory_space<vmem>>
      %dma_start3A_1219 = tpu.memref_slice %arg11[%add3A_1215] : memref<8000xi32, #tpu.memory_space<vmem>> -> memref<64xi32, #tpu.memory_space<vmem>>
      %dma_start3A_1220 = arith.constant 0 : i32
      %dma_start3A_1221 = arith.constant 0 : i32
      %dma_start3A_1222 = tpu.memref_slice %arg5[%dma_start3A_1220, %dma_start3A_1221] : memref<10000x128xf32, #tpu.memory_space<hbm>> -> memref<10000x128xf32, #tpu.memory_space<hbm>>
      tpu.enqueue_indirect_dma source(%dma_start3A_1222 : memref<10000x128xf32, #tpu.memory_space<hbm>>) target(%dma_start3A_1218 : memref<64x128xf32, #tpu.memory_space<vmem>>) offsets(%dma_start3A_1219 : memref<64xi32, #tpu.memory_space<vmem>>) semaphore(%arg21 : memref<!tpu.dma_semaphore, #tpu.memory_space<semaphore_mem>>)
      %mul3A_1223 = arith.constant 320 : i32
      %mul3A_1224 = arith.muli %add3A_1165, %mul3A_1223 : i32
      %add3A_1225 = arith.constant 256 : i32
      %add3A_1226 = arith.addi %mul3A_1224, %add3A_1225 : i32
      %dma_start3A_1227 = arith.constant 256 : i32
      %dma_start3A_1228 = arith.constant 0 : i32
      %dma_start3A_1229 = tpu.memref_slice %arg14[%dma_start3A_1227, %dma_start3A_1228] : memref<320x128xf32, #tpu.memory_space<vmem>> -> memref<64x128xf32, #tpu.memory_space<vmem>>
      %dma_start3A_1230 = tpu.memref_slice %arg11[%add3A_1226] : memref<8000xi32, #tpu.memory_space<vmem>> -> memref<64xi32, #tpu.memory_space<vmem>>
      %dma_start3A_1231 = arith.constant 0 : i32
      %dma_start3A_1232 = arith.constant 0 : i32
      %dma_start3A_1233 = tpu.memref_slice %arg5[%dma_start3A_1231, %dma_start3A_1232] : memref<10000x128xf32, #tpu.memory_space<hbm>> -> memref<10000x128xf32, #tpu.memory_space<hbm>>
      tpu.enqueue_indirect_dma source(%dma_start3A_1233 : memref<10000x128xf32, #tpu.memory_space<hbm>>) target(%dma_start3A_1229 : memref<64x128xf32, #tpu.memory_space<vmem>>) offsets(%dma_start3A_1230 : memref<64xi32, #tpu.memory_space<vmem>>) semaphore(%arg21 : memref<!tpu.dma_semaphore, #tpu.memory_space<semaphore_mem>>)
      %add3A_1234 = arith.constant 3 : i32
      %add3A_1235 = arith.addi %mul3A_760, %add3A_1234 : i32
      %mul3A_1236 = arith.constant 32 : i32
      %mul3A_1237 = arith.muli %add3A_1235, %mul3A_1236 : i32
      %add3A_1238 = arith.addi %mul3A_2, %mul3A_1237 : i32
      %dma_wait3A_1239 = arith.constant 0 : i32
      %dma_wait3A_1240 = tpu.memref_slice %arg8[%add3A_1238, %dma_wait3A_1239] : memref<25600x128xf32, #tpu.memory_space<hbm>> -> memref<32x128xf32, #tpu.memory_space<hbm>>
      %dma_wait3A_1241 = arith.constant 0 : i32
      %dma_wait3A_1242 = tpu.memref_slice %arg8[%add3A_1238, %dma_wait3A_1241] : memref<25600x128xf32, #tpu.memory_space<hbm>> -> memref<32x128xf32, #tpu.memory_space<hbm>>
      tpu.wait_dma2 semaphore(%arg26 : memref<!tpu.dma_semaphore, #tpu.memory_space<semaphore_mem>>) src(%arg13 : memref<32x128xf32, #tpu.memory_space<vmem>>) dst(%dma_wait3A_1242 : memref<32x128xf32, #tpu.memory_space<hbm>>)
      %mul3A_1243 = arith.constant 32 : i32
      %mul3A_1244 = arith.muli %add3A_1235, %mul3A_1243 : i32
      %dma_start3A_1245 = tpu.memref_slice %arg10[%mul3A_1244] : memref<800xi32, #tpu.memory_space<vmem>> -> memref<32xi32, #tpu.memory_space<vmem>>
      %dma_start3A_1246 = arith.constant 0 : i32
      %dma_start3A_1247 = arith.constant 0 : i32
      %dma_start3A_1248 = tpu.memref_slice %arg4[%dma_start3A_1246, %dma_start3A_1247] : memref<100000x128xf32, #tpu.memory_space<hbm>> -> memref<100000x128xf32, #tpu.memory_space<hbm>>
      tpu.enqueue_indirect_dma source(%dma_start3A_1248 : memref<100000x128xf32, #tpu.memory_space<hbm>>) target(%arg13 : memref<32x128xf32, #tpu.memory_space<vmem>>) offsets(%dma_start3A_1245 : memref<32xi32, #tpu.memory_space<vmem>>) semaphore(%arg20 : memref<!tpu.dma_semaphore, #tpu.memory_space<semaphore_mem>>)
      %mul3A_1249 = arith.constant 320 : i32
      %mul3A_1250 = arith.muli %add3A_1235, %mul3A_1249 : i32
      %add3A_1251 = arith.constant 0 : i32
      %add3A_1252 = arith.addi %mul3A_1250, %add3A_1251 : i32
      %dma_start3A_1253 = arith.constant 0 : i32
      %dma_start3A_1254 = arith.constant 0 : i32
      %dma_start3A_1255 = tpu.memref_slice %arg15[%dma_start3A_1253, %dma_start3A_1254] : memref<320x128xf32, #tpu.memory_space<vmem>> -> memref<64x128xf32, #tpu.memory_space<vmem>>
      %dma_start3A_1256 = tpu.memref_slice %arg11[%add3A_1252] : memref<8000xi32, #tpu.memory_space<vmem>> -> memref<64xi32, #tpu.memory_space<vmem>>
      %dma_start3A_1257 = arith.constant 0 : i32
      %dma_start3A_1258 = arith.constant 0 : i32
      %dma_start3A_1259 = tpu.memref_slice %arg5[%dma_start3A_1257, %dma_start3A_1258] : memref<10000x128xf32, #tpu.memory_space<hbm>> -> memref<10000x128xf32, #tpu.memory_space<hbm>>
      tpu.enqueue_indirect_dma source(%dma_start3A_1259 : memref<10000x128xf32, #tpu.memory_space<hbm>>) target(%dma_start3A_1255 : memref<64x128xf32, #tpu.memory_space<vmem>>) offsets(%dma_start3A_1256 : memref<64xi32, #tpu.memory_space<vmem>>) semaphore(%arg22 : memref<!tpu.dma_semaphore, #tpu.memory_space<semaphore_mem>>)
      %mul3A_1260 = arith.constant 320 : i32
      %mul3A_1261 = arith.muli %add3A_1235, %mul3A_1260 : i32
      %add3A_1262 = arith.constant 64 : i32
      %add3A_1263 = arith.addi %mul3A_1261, %add3A_1262 : i32
      %dma_start3A_1264 = arith.constant 64 : i32
      %dma_start3A_1265 = arith.constant 0 : i32
      %dma_start3A_1266 = tpu.memref_slice %arg15[%dma_start3A_1264, %dma_start3A_1265] : memref<320x128xf32, #tpu.memory_space<vmem>> -> memref<64x128xf32, #tpu.memory_space<vmem>>
      %dma_start3A_1267 = tpu.memref_slice %arg11[%add3A_1263] : memref<8000xi32, #tpu.memory_space<vmem>> -> memref<64xi32, #tpu.memory_space<vmem>>
      %dma_start3A_1268 = arith.constant 0 : i32
      %dma_start3A_1269 = arith.constant 0 : i32
      %dma_start3A_1270 = tpu.memref_slice %arg5[%dma_start3A_1268, %dma_start3A_1269] : memref<10000x128xf32, #tpu.memory_space<hbm>> -> memref<10000x128xf32, #tpu.memory_space<hbm>>
      tpu.enqueue_indirect_dma source(%dma_start3A_1270 : memref<10000x128xf32, #tpu.memory_space<hbm>>) target(%dma_start3A_1266 : memref<64x128xf32, #tpu.memory_space<vmem>>) offsets(%dma_start3A_1267 : memref<64xi32, #tpu.memory_space<vmem>>) semaphore(%arg22 : memref<!tpu.dma_semaphore, #tpu.memory_space<semaphore_mem>>)
      %mul3A_1271 = arith.constant 320 : i32
      %mul3A_1272 = arith.muli %add3A_1235, %mul3A_1271 : i32
      %add3A_1273 = arith.constant 128 : i32
      %add3A_1274 = arith.addi %mul3A_1272, %add3A_1273 : i32
      %dma_start3A_1275 = arith.constant 128 : i32
      %dma_start3A_1276 = arith.constant 0 : i32
      %dma_start3A_1277 = tpu.memref_slice %arg15[%dma_start3A_1275, %dma_start3A_1276] : memref<320x128xf32, #tpu.memory_space<vmem>> -> memref<64x128xf32, #tpu.memory_space<vmem>>
      %dma_start3A_1278 = tpu.memref_slice %arg11[%add3A_1274] : memref<8000xi32, #tpu.memory_space<vmem>> -> memref<64xi32, #tpu.memory_space<vmem>>
      %dma_start3A_1279 = arith.constant 0 : i32
      %dma_start3A_1280 = arith.constant 0 : i32
      %dma_start3A_1281 = tpu.memref_slice %arg5[%dma_start3A_1279, %dma_start3A_1280] : memref<10000x128xf32, #tpu.memory_space<hbm>> -> memref<10000x128xf32, #tpu.memory_space<hbm>>
      tpu.enqueue_indirect_dma source(%dma_start3A_1281 : memref<10000x128xf32, #tpu.memory_space<hbm>>) target(%dma_start3A_1277 : memref<64x128xf32, #tpu.memory_space<vmem>>) offsets(%dma_start3A_1278 : memref<64xi32, #tpu.memory_space<vmem>>) semaphore(%arg22 : memref<!tpu.dma_semaphore, #tpu.memory_space<semaphore_mem>>)
      %mul3A_1282 = arith.constant 320 : i32
      %mul3A_1283 = arith.muli %add3A_1235, %mul3A_1282 : i32
      %add3A_1284 = arith.constant 192 : i32
      %add3A_1285 = arith.addi %mul3A_1283, %add3A_1284 : i32
      %dma_start3A_1286 = arith.constant 192 : i32
      %dma_start3A_1287 = arith.constant 0 : i32
      %dma_start3A_1288 = tpu.memref_slice %arg15[%dma_start3A_1286, %dma_start3A_1287] : memref<320x128xf32, #tpu.memory_space<vmem>> -> memref<64x128xf32, #tpu.memory_space<vmem>>
      %dma_start3A_1289 = tpu.memref_slice %arg11[%add3A_1285] : memref<8000xi32, #tpu.memory_space<vmem>> -> memref<64xi32, #tpu.memory_space<vmem>>
      %dma_start3A_1290 = arith.constant 0 : i32
      %dma_start3A_1291 = arith.constant 0 : i32
      %dma_start3A_1292 = tpu.memref_slice %arg5[%dma_start3A_1290, %dma_start3A_1291] : memref<10000x128xf32, #tpu.memory_space<hbm>> -> memref<10000x128xf32, #tpu.memory_space<hbm>>
      tpu.enqueue_indirect_dma source(%dma_start3A_1292 : memref<10000x128xf32, #tpu.memory_space<hbm>>) target(%dma_start3A_1288 : memref<64x128xf32, #tpu.memory_space<vmem>>) offsets(%dma_start3A_1289 : memref<64xi32, #tpu.memory_space<vmem>>) semaphore(%arg22 : memref<!tpu.dma_semaphore, #tpu.memory_space<semaphore_mem>>)
      %mul3A_1293 = arith.constant 320 : i32
      %mul3A_1294 = arith.muli %add3A_1235, %mul3A_1293 : i32
      %add3A_1295 = arith.constant 256 : i32
      %add3A_1296 = arith.addi %mul3A_1294, %add3A_1295 : i32
      %dma_start3A_1297 = arith.constant 256 : i32
      %dma_start3A_1298 = arith.constant 0 : i32
      %dma_start3A_1299 = tpu.memref_slice %arg15[%dma_start3A_1297, %dma_start3A_1298] : memref<320x128xf32, #tpu.memory_space<vmem>> -> memref<64x128xf32, #tpu.memory_space<vmem>>
      %dma_start3A_1300 = tpu.memref_slice %arg11[%add3A_1296] : memref<8000xi32, #tpu.memory_space<vmem>> -> memref<64xi32, #tpu.memory_space<vmem>>
      %dma_start3A_1301 = arith.constant 0 : i32
      %dma_start3A_1302 = arith.constant 0 : i32
      %dma_start3A_1303 = tpu.memref_slice %arg5[%dma_start3A_1301, %dma_start3A_1302] : memref<10000x128xf32, #tpu.memory_space<hbm>> -> memref<10000x128xf32, #tpu.memory_space<hbm>>
      tpu.enqueue_indirect_dma source(%dma_start3A_1303 : memref<10000x128xf32, #tpu.memory_space<hbm>>) target(%dma_start3A_1299 : memref<64x128xf32, #tpu.memory_space<vmem>>) offsets(%dma_start3A_1300 : memref<64xi32, #tpu.memory_space<vmem>>) semaphore(%arg22 : memref<!tpu.dma_semaphore, #tpu.memory_space<semaphore_mem>>)
    }
    %scan3A_98 = arith.constant 11 : i32
    %dma_wait3A = arith.constant 704 : i32
    %dma_wait3A_99 = tpu.memref_slice %arg10[%dma_wait3A] : memref<800xi32, #tpu.memory_space<vmem>> -> memref<32xi32, #tpu.memory_space<vmem>>
    %dma_wait3A_100 = arith.constant 0 : i32
    %dma_wait3A_101 = arith.constant 0 : i32
    %dma_wait3A_102 = tpu.memref_slice %arg4[%dma_wait3A_100, %dma_wait3A_101] : memref<100000x128xf32, #tpu.memory_space<hbm>> -> memref<100000x128xf32, #tpu.memory_space<hbm>>
    tpu.wait_indirect_dma semaphore(%arg19 : memref<!tpu.dma_semaphore, #tpu.memory_space<semaphore_mem>>) src(%dma_wait3A_102 : memref<100000x128xf32, #tpu.memory_space<hbm>>) dst(%arg12 : memref<32x128xf32, #tpu.memory_space<vmem>>)
    %add3A_103 = arith.constant 704 : i32
    %add3A_104 = arith.addi %mul3A_2, %add3A_103 : i32
    %dma_start3A_105 = arith.constant 0 : i32
    %dma_start3A_106 = tpu.memref_slice %arg8[%add3A_104, %dma_start3A_105] : memref<25600x128xf32, #tpu.memory_space<hbm>> -> memref<32x128xf32, #tpu.memory_space<hbm>>
    %dma_start3A_107 = arith.constant 0 : i32
    %dma_start3A_108 = tpu.memref_slice %arg8[%add3A_104, %dma_start3A_107] : memref<25600x128xf32, #tpu.memory_space<hbm>> -> memref<32x128xf32, #tpu.memory_space<hbm>>
    tpu.enqueue_dma source(%arg12 : memref<32x128xf32, #tpu.memory_space<vmem>>) target(%dma_start3A_108 : memref<32x128xf32, #tpu.memory_space<hbm>>) target_semaphore(%arg25 : memref<!tpu.dma_semaphore, #tpu.memory_space<semaphore_mem>>)
    %mul3A_109 = arith.constant 2 : i32
    %mul3A_110 = arith.muli %arg1, %mul3A_109 : i32
    %add3A_111 = arith.constant 0 : i32
    %add3A_112 = arith.addi %mul3A_110, %add3A_111 : i32
    %mul3A_113 = arith.constant 32 : i32
    %mul3A_114 = arith.muli %add3A_112, %mul3A_113 : i32
    %add3A_115 = arith.constant 704 : i32
    %add3A_116 = arith.addi %mul3A_2, %add3A_115 : i32
    %dma_wait3A_117 = arith.constant 0 : i32
    %dma_wait3A_118 = tpu.memref_slice %arg9[%add3A_116, %dma_wait3A_117] : memref<25600x128xf32, #tpu.memory_space<hbm>> -> memref<32x128xf32, #tpu.memory_space<hbm>>
    %dma_wait3A_119 = arith.constant 0 : i32
    %dma_wait3A_120 = tpu.memref_slice %arg18[%mul3A_114, %dma_wait3A_119] : memref<1024x128xf32, #tpu.memory_space<vmem_shared>> -> memref<32x128xf32, #tpu.memory_space<vmem_shared>>
    tpu.wait_dma2 semaphore(%arg27 : memref<!tpu.dma_semaphore, #tpu.memory_space<semaphore_mem>>) src(%dma_wait3A_120 : memref<32x128xf32, #tpu.memory_space<vmem_shared>>) dst(%dma_wait3A_118 : memref<32x128xf32, #tpu.memory_space<hbm>>)
    %mul3A_121 = arith.constant 2 : i32
    %mul3A_122 = arith.muli %arg1, %mul3A_121 : i32
    %add3A_123 = arith.constant 0 : i32
    %add3A_124 = arith.addi %mul3A_122, %add3A_123 : i32
    %mul3A_125 = arith.constant 32 : i32
    %mul3A_126 = arith.muli %add3A_124, %mul3A_125 : i32
    "tpu.region"() ({
      %run_scoped3A = tpu.sem_alloc : memref<!tpu.dma_semaphore, #tpu.memory_space<semaphore_mem>>
      %dma_start3A_758 = arith.constant 0 : i32
      %dma_start3A_759 = tpu.memref_slice %arg18[%mul3A_126, %dma_start3A_758] : memref<1024x128xf32, #tpu.memory_space<vmem_shared>> -> memref<32x128xf32, #tpu.memory_space<vmem_shared>>
      %dma_start3A_760 = arith.constant 0 : i32
      %dma_start3A_761 = tpu.memref_slice %arg18[%mul3A_126, %dma_start3A_760] : memref<1024x128xf32, #tpu.memory_space<vmem_shared>> -> memref<32x128xf32, #tpu.memory_space<vmem_shared>>
      tpu.enqueue_dma source(%arg17 : memref<32x128xf32, #tpu.memory_space<vmem>>) target(%dma_start3A_761 : memref<32x128xf32, #tpu.memory_space<vmem_shared>>) target_semaphore(%run_scoped3A : memref<!tpu.dma_semaphore, #tpu.memory_space<semaphore_mem>>)
      %dma_wait3A_762 = arith.constant 0 : i32
      %dma_wait3A_763 = tpu.memref_slice %arg18[%mul3A_126, %dma_wait3A_762] : memref<1024x128xf32, #tpu.memory_space<vmem_shared>> -> memref<32x128xf32, #tpu.memory_space<vmem_shared>>
      %dma_wait3A_764 = arith.constant 0 : i32
      %dma_wait3A_765 = tpu.memref_slice %arg18[%mul3A_126, %dma_wait3A_764] : memref<1024x128xf32, #tpu.memory_space<vmem_shared>> -> memref<32x128xf32, #tpu.memory_space<vmem_shared>>
      tpu.wait_dma2 semaphore(%run_scoped3A : memref<!tpu.dma_semaphore, #tpu.memory_space<semaphore_mem>>) src(%arg17 : memref<32x128xf32, #tpu.memory_space<vmem>>) dst(%dma_wait3A_765 : memref<32x128xf32, #tpu.memory_space<vmem_shared>>)
      tpu.yield
    }) : () -> ()
    %dma_wait3A_127 = arith.constant 0 : i32
    %dma_wait3A_128 = arith.constant 0 : i32
    %dma_wait3A_129 = tpu.memref_slice %arg14[%dma_wait3A_127, %dma_wait3A_128] : memref<320x128xf32, #tpu.memory_space<vmem>> -> memref<64x128xf32, #tpu.memory_space<vmem>>
    %dma_wait3A_130 = arith.constant 7040 : i32
    %dma_wait3A_131 = tpu.memref_slice %arg11[%dma_wait3A_130] : memref<8000xi32, #tpu.memory_space<vmem>> -> memref<64xi32, #tpu.memory_space<vmem>>
    %dma_wait3A_132 = arith.constant 0 : i32
    %dma_wait3A_133 = arith.constant 0 : i32
    %dma_wait3A_134 = tpu.memref_slice %arg5[%dma_wait3A_132, %dma_wait3A_133] : memref<10000x128xf32, #tpu.memory_space<hbm>> -> memref<10000x128xf32, #tpu.memory_space<hbm>>
    tpu.wait_indirect_dma semaphore(%arg21 : memref<!tpu.dma_semaphore, #tpu.memory_space<semaphore_mem>>) src(%dma_wait3A_134 : memref<10000x128xf32, #tpu.memory_space<hbm>>) dst(%dma_wait3A_129 : memref<64x128xf32, #tpu.memory_space<vmem>>)
    %dma_wait3A_135 = arith.constant 64 : i32
    %dma_wait3A_136 = arith.constant 0 : i32
    %dma_wait3A_137 = tpu.memref_slice %arg14[%dma_wait3A_135, %dma_wait3A_136] : memref<320x128xf32, #tpu.memory_space<vmem>> -> memref<64x128xf32, #tpu.memory_space<vmem>>
    %dma_wait3A_138 = arith.constant 7104 : i32
    %dma_wait3A_139 = tpu.memref_slice %arg11[%dma_wait3A_138] : memref<8000xi32, #tpu.memory_space<vmem>> -> memref<64xi32, #tpu.memory_space<vmem>>
    %dma_wait3A_140 = arith.constant 0 : i32
    %dma_wait3A_141 = arith.constant 0 : i32
    %dma_wait3A_142 = tpu.memref_slice %arg5[%dma_wait3A_140, %dma_wait3A_141] : memref<10000x128xf32, #tpu.memory_space<hbm>> -> memref<10000x128xf32, #tpu.memory_space<hbm>>
    tpu.wait_indirect_dma semaphore(%arg21 : memref<!tpu.dma_semaphore, #tpu.memory_space<semaphore_mem>>) src(%dma_wait3A_142 : memref<10000x128xf32, #tpu.memory_space<hbm>>) dst(%dma_wait3A_137 : memref<64x128xf32, #tpu.memory_space<vmem>>)
    %dma_wait3A_143 = arith.constant 128 : i32
    %dma_wait3A_144 = arith.constant 0 : i32
    %dma_wait3A_145 = tpu.memref_slice %arg14[%dma_wait3A_143, %dma_wait3A_144] : memref<320x128xf32, #tpu.memory_space<vmem>> -> memref<64x128xf32, #tpu.memory_space<vmem>>
    %dma_wait3A_146 = arith.constant 7168 : i32
    %dma_wait3A_147 = tpu.memref_slice %arg11[%dma_wait3A_146] : memref<8000xi32, #tpu.memory_space<vmem>> -> memref<64xi32, #tpu.memory_space<vmem>>
    %dma_wait3A_148 = arith.constant 0 : i32
    %dma_wait3A_149 = arith.constant 0 : i32
    %dma_wait3A_150 = tpu.memref_slice %arg5[%dma_wait3A_148, %dma_wait3A_149] : memref<10000x128xf32, #tpu.memory_space<hbm>> -> memref<10000x128xf32, #tpu.memory_space<hbm>>
    tpu.wait_indirect_dma semaphore(%arg21 : memref<!tpu.dma_semaphore, #tpu.memory_space<semaphore_mem>>) src(%dma_wait3A_150 : memref<10000x128xf32, #tpu.memory_space<hbm>>) dst(%dma_wait3A_145 : memref<64x128xf32, #tpu.memory_space<vmem>>)
    %dma_wait3A_151 = arith.constant 192 : i32
    %dma_wait3A_152 = arith.constant 0 : i32
    %dma_wait3A_153 = tpu.memref_slice %arg14[%dma_wait3A_151, %dma_wait3A_152] : memref<320x128xf32, #tpu.memory_space<vmem>> -> memref<64x128xf32, #tpu.memory_space<vmem>>
    %dma_wait3A_154 = arith.constant 7232 : i32
    %dma_wait3A_155 = tpu.memref_slice %arg11[%dma_wait3A_154] : memref<8000xi32, #tpu.memory_space<vmem>> -> memref<64xi32, #tpu.memory_space<vmem>>
    %dma_wait3A_156 = arith.constant 0 : i32
    %dma_wait3A_157 = arith.constant 0 : i32
    %dma_wait3A_158 = tpu.memref_slice %arg5[%dma_wait3A_156, %dma_wait3A_157] : memref<10000x128xf32, #tpu.memory_space<hbm>> -> memref<10000x128xf32, #tpu.memory_space<hbm>>
    tpu.wait_indirect_dma semaphore(%arg21 : memref<!tpu.dma_semaphore, #tpu.memory_space<semaphore_mem>>) src(%dma_wait3A_158 : memref<10000x128xf32, #tpu.memory_space<hbm>>) dst(%dma_wait3A_153 : memref<64x128xf32, #tpu.memory_space<vmem>>)
    %dma_wait3A_159 = arith.constant 256 : i32
    %dma_wait3A_160 = arith.constant 0 : i32
    %dma_wait3A_161 = tpu.memref_slice %arg14[%dma_wait3A_159, %dma_wait3A_160] : memref<320x128xf32, #tpu.memory_space<vmem>> -> memref<64x128xf32, #tpu.memory_space<vmem>>
    %dma_wait3A_162 = arith.constant 7296 : i32
    %dma_wait3A_163 = tpu.memref_slice %arg11[%dma_wait3A_162] : memref<8000xi32, #tpu.memory_space<vmem>> -> memref<64xi32, #tpu.memory_space<vmem>>
    %dma_wait3A_164 = arith.constant 0 : i32
    %dma_wait3A_165 = arith.constant 0 : i32
    %dma_wait3A_166 = tpu.memref_slice %arg5[%dma_wait3A_164, %dma_wait3A_165] : memref<10000x128xf32, #tpu.memory_space<hbm>> -> memref<10000x128xf32, #tpu.memory_space<hbm>>
    tpu.wait_indirect_dma semaphore(%arg21 : memref<!tpu.dma_semaphore, #tpu.memory_space<semaphore_mem>>) src(%dma_wait3A_166 : memref<10000x128xf32, #tpu.memory_space<hbm>>) dst(%dma_wait3A_161 : memref<64x128xf32, #tpu.memory_space<vmem>>)
    %dma_start3A_167 = arith.constant 0 : i32
    %dma_start3A_168 = arith.constant 0 : i32
    %dma_start3A_169 = arith.constant 0 : i32
    %dma_start3A_170 = arith.constant 0 : i32
    %dma_start3A_171 = tpu.memref_slice %arg14[%dma_start3A_169, %dma_start3A_170] : memref<320x128xf32, #tpu.memory_space<vmem>> -> memref<64x128xf32, #tpu.memory_space<vmem>>
    %dma_start3A_172 = arith.constant 0 : i32
    %dma_start3A_173 = tpu.memref_slice %arg16[%dma_start3A_167, %dma_start3A_168, %dma_start3A_172] : memref<2x5x64xi32, #tpu.memory_space<vmem>> -> memref<1x1x64xi32, #tpu.memory_space<vmem>>
    %dma_start3A_174 = tpu.memref_squeeze %dma_start3A_173 : memref<1x1x64xi32, #tpu.memory_space<vmem>> -> memref<64xi32, #tpu.memory_space<vmem>>
    %dma_start3A_175 = arith.constant 0 : i32
    %dma_start3A_176 = arith.constant 0 : i32
    %dma_start3A_177 = tpu.memref_slice %arg18[%dma_start3A_175, %dma_start3A_176] : memref<1024x128xf32, #tpu.memory_space<vmem_shared>> -> memref<1024x128xf32, #tpu.memory_space<vmem_shared>>
    tpu.enqueue_indirect_dma source(%dma_start3A_171 : memref<64x128xf32, #tpu.memory_space<vmem>>) target(%dma_start3A_177 : memref<1024x128xf32, #tpu.memory_space<vmem_shared>>) offsets(%dma_start3A_174 : memref<64xi32, #tpu.memory_space<vmem>>) semaphore(%arg23 : memref<!tpu.dma_semaphore, #tpu.memory_space<semaphore_mem>>) {add = true}
    %dma_start3A_178 = arith.constant 0 : i32
    %dma_start3A_179 = arith.constant 1 : i32
    %dma_start3A_180 = arith.constant 64 : i32
    %dma_start3A_181 = arith.constant 0 : i32
    %dma_start3A_182 = tpu.memref_slice %arg14[%dma_start3A_180, %dma_start3A_181] : memref<320x128xf32, #tpu.memory_space<vmem>> -> memref<64x128xf32, #tpu.memory_space<vmem>>
    %dma_start3A_183 = arith.constant 0 : i32
    %dma_start3A_184 = tpu.memref_slice %arg16[%dma_start3A_178, %dma_start3A_179, %dma_start3A_183] : memref<2x5x64xi32, #tpu.memory_space<vmem>> -> memref<1x1x64xi32, #tpu.memory_space<vmem>>
    %dma_start3A_185 = tpu.memref_squeeze %dma_start3A_184 : memref<1x1x64xi32, #tpu.memory_space<vmem>> -> memref<64xi32, #tpu.memory_space<vmem>>
    %dma_start3A_186 = arith.constant 0 : i32
    %dma_start3A_187 = arith.constant 0 : i32
    %dma_start3A_188 = tpu.memref_slice %arg18[%dma_start3A_186, %dma_start3A_187] : memref<1024x128xf32, #tpu.memory_space<vmem_shared>> -> memref<1024x128xf32, #tpu.memory_space<vmem_shared>>
    tpu.enqueue_indirect_dma source(%dma_start3A_182 : memref<64x128xf32, #tpu.memory_space<vmem>>) target(%dma_start3A_188 : memref<1024x128xf32, #tpu.memory_space<vmem_shared>>) offsets(%dma_start3A_185 : memref<64xi32, #tpu.memory_space<vmem>>) semaphore(%arg23 : memref<!tpu.dma_semaphore, #tpu.memory_space<semaphore_mem>>) {add = true}
    %dma_start3A_189 = arith.constant 0 : i32
    %dma_start3A_190 = arith.constant 2 : i32
    %dma_start3A_191 = arith.constant 128 : i32
    %dma_start3A_192 = arith.constant 0 : i32
    %dma_start3A_193 = tpu.memref_slice %arg14[%dma_start3A_191, %dma_start3A_192] : memref<320x128xf32, #tpu.memory_space<vmem>> -> memref<64x128xf32, #tpu.memory_space<vmem>>
    %dma_start3A_194 = arith.constant 0 : i32
    %dma_start3A_195 = tpu.memref_slice %arg16[%dma_start3A_189, %dma_start3A_190, %dma_start3A_194] : memref<2x5x64xi32, #tpu.memory_space<vmem>> -> memref<1x1x64xi32, #tpu.memory_space<vmem>>
    %dma_start3A_196 = tpu.memref_squeeze %dma_start3A_195 : memref<1x1x64xi32, #tpu.memory_space<vmem>> -> memref<64xi32, #tpu.memory_space<vmem>>
    %dma_start3A_197 = arith.constant 0 : i32
    %dma_start3A_198 = arith.constant 0 : i32
    %dma_start3A_199 = tpu.memref_slice %arg18[%dma_start3A_197, %dma_start3A_198] : memref<1024x128xf32, #tpu.memory_space<vmem_shared>> -> memref<1024x128xf32, #tpu.memory_space<vmem_shared>>
    tpu.enqueue_indirect_dma source(%dma_start3A_193 : memref<64x128xf32, #tpu.memory_space<vmem>>) target(%dma_start3A_199 : memref<1024x128xf32, #tpu.memory_space<vmem_shared>>) offsets(%dma_start3A_196 : memref<64xi32, #tpu.memory_space<vmem>>) semaphore(%arg23 : memref<!tpu.dma_semaphore, #tpu.memory_space<semaphore_mem>>) {add = true}
    %dma_start3A_200 = arith.constant 0 : i32
    %dma_start3A_201 = arith.constant 3 : i32
    %dma_start3A_202 = arith.constant 192 : i32
    %dma_start3A_203 = arith.constant 0 : i32
    %dma_start3A_204 = tpu.memref_slice %arg14[%dma_start3A_202, %dma_start3A_203] : memref<320x128xf32, #tpu.memory_space<vmem>> -> memref<64x128xf32, #tpu.memory_space<vmem>>
    %dma_start3A_205 = arith.constant 0 : i32
    %dma_start3A_206 = tpu.memref_slice %arg16[%dma_start3A_200, %dma_start3A_201, %dma_start3A_205] : memref<2x5x64xi32, #tpu.memory_space<vmem>> -> memref<1x1x64xi32, #tpu.memory_space<vmem>>
    %dma_start3A_207 = tpu.memref_squeeze %dma_start3A_206 : memref<1x1x64xi32, #tpu.memory_space<vmem>> -> memref<64xi32, #tpu.memory_space<vmem>>
    %dma_start3A_208 = arith.constant 0 : i32
    %dma_start3A_209 = arith.constant 0 : i32
    %dma_start3A_210 = tpu.memref_slice %arg18[%dma_start3A_208, %dma_start3A_209] : memref<1024x128xf32, #tpu.memory_space<vmem_shared>> -> memref<1024x128xf32, #tpu.memory_space<vmem_shared>>
    tpu.enqueue_indirect_dma source(%dma_start3A_204 : memref<64x128xf32, #tpu.memory_space<vmem>>) target(%dma_start3A_210 : memref<1024x128xf32, #tpu.memory_space<vmem_shared>>) offsets(%dma_start3A_207 : memref<64xi32, #tpu.memory_space<vmem>>) semaphore(%arg23 : memref<!tpu.dma_semaphore, #tpu.memory_space<semaphore_mem>>) {add = true}
    %dma_start3A_211 = arith.constant 0 : i32
    %dma_start3A_212 = arith.constant 4 : i32
    %dma_start3A_213 = arith.constant 256 : i32
    %dma_start3A_214 = arith.constant 0 : i32
    %dma_start3A_215 = tpu.memref_slice %arg14[%dma_start3A_213, %dma_start3A_214] : memref<320x128xf32, #tpu.memory_space<vmem>> -> memref<64x128xf32, #tpu.memory_space<vmem>>
    %dma_start3A_216 = arith.constant 0 : i32
    %dma_start3A_217 = tpu.memref_slice %arg16[%dma_start3A_211, %dma_start3A_212, %dma_start3A_216] : memref<2x5x64xi32, #tpu.memory_space<vmem>> -> memref<1x1x64xi32, #tpu.memory_space<vmem>>
    %dma_start3A_218 = tpu.memref_squeeze %dma_start3A_217 : memref<1x1x64xi32, #tpu.memory_space<vmem>> -> memref<64xi32, #tpu.memory_space<vmem>>
    %dma_start3A_219 = arith.constant 0 : i32
    %dma_start3A_220 = arith.constant 0 : i32
    %dma_start3A_221 = tpu.memref_slice %arg18[%dma_start3A_219, %dma_start3A_220] : memref<1024x128xf32, #tpu.memory_space<vmem_shared>> -> memref<1024x128xf32, #tpu.memory_space<vmem_shared>>
    tpu.enqueue_indirect_dma source(%dma_start3A_215 : memref<64x128xf32, #tpu.memory_space<vmem>>) target(%dma_start3A_221 : memref<1024x128xf32, #tpu.memory_space<vmem_shared>>) offsets(%dma_start3A_218 : memref<64xi32, #tpu.memory_space<vmem>>) semaphore(%arg23 : memref<!tpu.dma_semaphore, #tpu.memory_space<semaphore_mem>>) {add = true}
    %dma_wait3A_222 = arith.constant 0 : i32
    %dma_wait3A_223 = arith.constant 0 : i32
    %dma_wait3A_224 = arith.constant 0 : i32
    %dma_wait3A_225 = arith.constant 0 : i32
    %dma_wait3A_226 = tpu.memref_slice %arg14[%dma_wait3A_224, %dma_wait3A_225] : memref<320x128xf32, #tpu.memory_space<vmem>> -> memref<64x128xf32, #tpu.memory_space<vmem>>
    %dma_wait3A_227 = arith.constant 0 : i32
    %dma_wait3A_228 = tpu.memref_slice %arg16[%dma_wait3A_222, %dma_wait3A_223, %dma_wait3A_227] : memref<2x5x64xi32, #tpu.memory_space<vmem>> -> memref<1x1x64xi32, #tpu.memory_space<vmem>>
    %dma_wait3A_229 = tpu.memref_squeeze %dma_wait3A_228 : memref<1x1x64xi32, #tpu.memory_space<vmem>> -> memref<64xi32, #tpu.memory_space<vmem>>
    %dma_wait3A_230 = arith.constant 0 : i32
    %dma_wait3A_231 = arith.constant 0 : i32
    %dma_wait3A_232 = tpu.memref_slice %arg18[%dma_wait3A_230, %dma_wait3A_231] : memref<1024x128xf32, #tpu.memory_space<vmem_shared>> -> memref<1024x128xf32, #tpu.memory_space<vmem_shared>>
    tpu.wait_indirect_dma semaphore(%arg23 : memref<!tpu.dma_semaphore, #tpu.memory_space<semaphore_mem>>) src(%dma_wait3A_226 : memref<64x128xf32, #tpu.memory_space<vmem>>) dst(%dma_wait3A_232 : memref<1024x128xf32, #tpu.memory_space<vmem_shared>>)
    %dma_wait3A_233 = arith.constant 0 : i32
    %dma_wait3A_234 = arith.constant 1 : i32
    %dma_wait3A_235 = arith.constant 64 : i32
    %dma_wait3A_236 = arith.constant 0 : i32
    %dma_wait3A_237 = tpu.memref_slice %arg14[%dma_wait3A_235, %dma_wait3A_236] : memref<320x128xf32, #tpu.memory_space<vmem>> -> memref<64x128xf32, #tpu.memory_space<vmem>>
    %dma_wait3A_238 = arith.constant 0 : i32
    %dma_wait3A_239 = tpu.memref_slice %arg16[%dma_wait3A_233, %dma_wait3A_234, %dma_wait3A_238] : memref<2x5x64xi32, #tpu.memory_space<vmem>> -> memref<1x1x64xi32, #tpu.memory_space<vmem>>
    %dma_wait3A_240 = tpu.memref_squeeze %dma_wait3A_239 : memref<1x1x64xi32, #tpu.memory_space<vmem>> -> memref<64xi32, #tpu.memory_space<vmem>>
    %dma_wait3A_241 = arith.constant 0 : i32
    %dma_wait3A_242 = arith.constant 0 : i32
    %dma_wait3A_243 = tpu.memref_slice %arg18[%dma_wait3A_241, %dma_wait3A_242] : memref<1024x128xf32, #tpu.memory_space<vmem_shared>> -> memref<1024x128xf32, #tpu.memory_space<vmem_shared>>
    tpu.wait_indirect_dma semaphore(%arg23 : memref<!tpu.dma_semaphore, #tpu.memory_space<semaphore_mem>>) src(%dma_wait3A_237 : memref<64x128xf32, #tpu.memory_space<vmem>>) dst(%dma_wait3A_243 : memref<1024x128xf32, #tpu.memory_space<vmem_shared>>)
    %dma_wait3A_244 = arith.constant 0 : i32
    %dma_wait3A_245 = arith.constant 2 : i32
    %dma_wait3A_246 = arith.constant 128 : i32
    %dma_wait3A_247 = arith.constant 0 : i32
    %dma_wait3A_248 = tpu.memref_slice %arg14[%dma_wait3A_246, %dma_wait3A_247] : memref<320x128xf32, #tpu.memory_space<vmem>> -> memref<64x128xf32, #tpu.memory_space<vmem>>
    %dma_wait3A_249 = arith.constant 0 : i32
    %dma_wait3A_250 = tpu.memref_slice %arg16[%dma_wait3A_244, %dma_wait3A_245, %dma_wait3A_249] : memref<2x5x64xi32, #tpu.memory_space<vmem>> -> memref<1x1x64xi32, #tpu.memory_space<vmem>>
    %dma_wait3A_251 = tpu.memref_squeeze %dma_wait3A_250 : memref<1x1x64xi32, #tpu.memory_space<vmem>> -> memref<64xi32, #tpu.memory_space<vmem>>
    %dma_wait3A_252 = arith.constant 0 : i32
    %dma_wait3A_253 = arith.constant 0 : i32
    %dma_wait3A_254 = tpu.memref_slice %arg18[%dma_wait3A_252, %dma_wait3A_253] : memref<1024x128xf32, #tpu.memory_space<vmem_shared>> -> memref<1024x128xf32, #tpu.memory_space<vmem_shared>>
    tpu.wait_indirect_dma semaphore(%arg23 : memref<!tpu.dma_semaphore, #tpu.memory_space<semaphore_mem>>) src(%dma_wait3A_248 : memref<64x128xf32, #tpu.memory_space<vmem>>) dst(%dma_wait3A_254 : memref<1024x128xf32, #tpu.memory_space<vmem_shared>>)
    %dma_wait3A_255 = arith.constant 0 : i32
    %dma_wait3A_256 = arith.constant 3 : i32
    %dma_wait3A_257 = arith.constant 192 : i32
    %dma_wait3A_258 = arith.constant 0 : i32
    %dma_wait3A_259 = tpu.memref_slice %arg14[%dma_wait3A_257, %dma_wait3A_258] : memref<320x128xf32, #tpu.memory_space<vmem>> -> memref<64x128xf32, #tpu.memory_space<vmem>>
    %dma_wait3A_260 = arith.constant 0 : i32
    %dma_wait3A_261 = tpu.memref_slice %arg16[%dma_wait3A_255, %dma_wait3A_256, %dma_wait3A_260] : memref<2x5x64xi32, #tpu.memory_space<vmem>> -> memref<1x1x64xi32, #tpu.memory_space<vmem>>
    %dma_wait3A_262 = tpu.memref_squeeze %dma_wait3A_261 : memref<1x1x64xi32, #tpu.memory_space<vmem>> -> memref<64xi32, #tpu.memory_space<vmem>>
    %dma_wait3A_263 = arith.constant 0 : i32
    %dma_wait3A_264 = arith.constant 0 : i32
    %dma_wait3A_265 = tpu.memref_slice %arg18[%dma_wait3A_263, %dma_wait3A_264] : memref<1024x128xf32, #tpu.memory_space<vmem_shared>> -> memref<1024x128xf32, #tpu.memory_space<vmem_shared>>
    tpu.wait_indirect_dma semaphore(%arg23 : memref<!tpu.dma_semaphore, #tpu.memory_space<semaphore_mem>>) src(%dma_wait3A_259 : memref<64x128xf32, #tpu.memory_space<vmem>>) dst(%dma_wait3A_265 : memref<1024x128xf32, #tpu.memory_space<vmem_shared>>)
    %dma_wait3A_266 = arith.constant 0 : i32
    %dma_wait3A_267 = arith.constant 4 : i32
    %dma_wait3A_268 = arith.constant 256 : i32
    %dma_wait3A_269 = arith.constant 0 : i32
    %dma_wait3A_270 = tpu.memref_slice %arg14[%dma_wait3A_268, %dma_wait3A_269] : memref<320x128xf32, #tpu.memory_space<vmem>> -> memref<64x128xf32, #tpu.memory_space<vmem>>
    %dma_wait3A_271 = arith.constant 0 : i32
    %dma_wait3A_272 = tpu.memref_slice %arg16[%dma_wait3A_266, %dma_wait3A_267, %dma_wait3A_271] : memref<2x5x64xi32, #tpu.memory_space<vmem>> -> memref<1x1x64xi32, #tpu.memory_space<vmem>>
    %dma_wait3A_273 = tpu.memref_squeeze %dma_wait3A_272 : memref<1x1x64xi32, #tpu.memory_space<vmem>> -> memref<64xi32, #tpu.memory_space<vmem>>
    %dma_wait3A_274 = arith.constant 0 : i32
    %dma_wait3A_275 = arith.constant 0 : i32
    %dma_wait3A_276 = tpu.memref_slice %arg18[%dma_wait3A_274, %dma_wait3A_275] : memref<1024x128xf32, #tpu.memory_space<vmem_shared>> -> memref<1024x128xf32, #tpu.memory_space<vmem_shared>>
    tpu.wait_indirect_dma semaphore(%arg23 : memref<!tpu.dma_semaphore, #tpu.memory_space<semaphore_mem>>) src(%dma_wait3A_270 : memref<64x128xf32, #tpu.memory_space<vmem>>) dst(%dma_wait3A_276 : memref<1024x128xf32, #tpu.memory_space<vmem_shared>>)
    %mul3A_277 = arith.constant 2 : i32
    %mul3A_278 = arith.muli %arg1, %mul3A_277 : i32
    %add3A_279 = arith.constant 0 : i32
    %add3A_280 = arith.addi %mul3A_278, %add3A_279 : i32
    %mul3A_281 = arith.constant 32 : i32
    %mul3A_282 = arith.muli %add3A_280, %mul3A_281 : i32
    %add3A_283 = arith.constant 704 : i32
    %add3A_284 = arith.addi %mul3A_2, %add3A_283 : i32
    %dma_start3A_285 = arith.constant 0 : i32
    %dma_start3A_286 = tpu.memref_slice %arg9[%add3A_284, %dma_start3A_285] : memref<25600x128xf32, #tpu.memory_space<hbm>> -> memref<32x128xf32, #tpu.memory_space<hbm>>
    %dma_start3A_287 = arith.constant 0 : i32
    %dma_start3A_288 = tpu.memref_slice %arg18[%mul3A_282, %dma_start3A_287] : memref<1024x128xf32, #tpu.memory_space<vmem_shared>> -> memref<32x128xf32, #tpu.memory_space<vmem_shared>>
    tpu.enqueue_dma source(%dma_start3A_288 : memref<32x128xf32, #tpu.memory_space<vmem_shared>>) target(%dma_start3A_286 : memref<32x128xf32, #tpu.memory_space<hbm>>) target_semaphore(%arg27 : memref<!tpu.dma_semaphore, #tpu.memory_space<semaphore_mem>>)
    %add3A_289 = arith.constant 768 : i32
    %add3A_290 = arith.addi %mul3A_2, %add3A_289 : i32
    %dma_wait3A_291 = arith.constant 0 : i32
    %dma_wait3A_292 = tpu.memref_slice %arg8[%add3A_290, %dma_wait3A_291] : memref<25600x128xf32, #tpu.memory_space<hbm>> -> memref<32x128xf32, #tpu.memory_space<hbm>>
    %dma_wait3A_293 = arith.constant 0 : i32
    %dma_wait3A_294 = tpu.memref_slice %arg8[%add3A_290, %dma_wait3A_293] : memref<25600x128xf32, #tpu.memory_space<hbm>> -> memref<32x128xf32, #tpu.memory_space<hbm>>
    tpu.wait_dma2 semaphore(%arg25 : memref<!tpu.dma_semaphore, #tpu.memory_space<semaphore_mem>>) src(%arg12 : memref<32x128xf32, #tpu.memory_space<vmem>>) dst(%dma_wait3A_294 : memref<32x128xf32, #tpu.memory_space<hbm>>)
    %dma_start3A_295 = arith.constant 768 : i32
    %dma_start3A_296 = tpu.memref_slice %arg10[%dma_start3A_295] : memref<800xi32, #tpu.memory_space<vmem>> -> memref<32xi32, #tpu.memory_space<vmem>>
    %dma_start3A_297 = arith.constant 0 : i32
    %dma_start3A_298 = arith.constant 0 : i32
    %dma_start3A_299 = tpu.memref_slice %arg4[%dma_start3A_297, %dma_start3A_298] : memref<100000x128xf32, #tpu.memory_space<hbm>> -> memref<100000x128xf32, #tpu.memory_space<hbm>>
    tpu.enqueue_indirect_dma source(%dma_start3A_299 : memref<100000x128xf32, #tpu.memory_space<hbm>>) target(%arg12 : memref<32x128xf32, #tpu.memory_space<vmem>>) offsets(%dma_start3A_296 : memref<32xi32, #tpu.memory_space<vmem>>) semaphore(%arg19 : memref<!tpu.dma_semaphore, #tpu.memory_space<semaphore_mem>>)
    %dma_start3A_300 = arith.constant 0 : i32
    %dma_start3A_301 = arith.constant 0 : i32
    %dma_start3A_302 = tpu.memref_slice %arg14[%dma_start3A_300, %dma_start3A_301] : memref<320x128xf32, #tpu.memory_space<vmem>> -> memref<64x128xf32, #tpu.memory_space<vmem>>
    %dma_start3A_303 = arith.constant 7680 : i32
    %dma_start3A_304 = tpu.memref_slice %arg11[%dma_start3A_303] : memref<8000xi32, #tpu.memory_space<vmem>> -> memref<64xi32, #tpu.memory_space<vmem>>
    %dma_start3A_305 = arith.constant 0 : i32
    %dma_start3A_306 = arith.constant 0 : i32
    %dma_start3A_307 = tpu.memref_slice %arg5[%dma_start3A_305, %dma_start3A_306] : memref<10000x128xf32, #tpu.memory_space<hbm>> -> memref<10000x128xf32, #tpu.memory_space<hbm>>
    tpu.enqueue_indirect_dma source(%dma_start3A_307 : memref<10000x128xf32, #tpu.memory_space<hbm>>) target(%dma_start3A_302 : memref<64x128xf32, #tpu.memory_space<vmem>>) offsets(%dma_start3A_304 : memref<64xi32, #tpu.memory_space<vmem>>) semaphore(%arg21 : memref<!tpu.dma_semaphore, #tpu.memory_space<semaphore_mem>>)
    %dma_start3A_308 = arith.constant 64 : i32
    %dma_start3A_309 = arith.constant 0 : i32
    %dma_start3A_310 = tpu.memref_slice %arg14[%dma_start3A_308, %dma_start3A_309] : memref<320x128xf32, #tpu.memory_space<vmem>> -> memref<64x128xf32, #tpu.memory_space<vmem>>
    %dma_start3A_311 = arith.constant 7744 : i32
    %dma_start3A_312 = tpu.memref_slice %arg11[%dma_start3A_311] : memref<8000xi32, #tpu.memory_space<vmem>> -> memref<64xi32, #tpu.memory_space<vmem>>
    %dma_start3A_313 = arith.constant 0 : i32
    %dma_start3A_314 = arith.constant 0 : i32
    %dma_start3A_315 = tpu.memref_slice %arg5[%dma_start3A_313, %dma_start3A_314] : memref<10000x128xf32, #tpu.memory_space<hbm>> -> memref<10000x128xf32, #tpu.memory_space<hbm>>
    tpu.enqueue_indirect_dma source(%dma_start3A_315 : memref<10000x128xf32, #tpu.memory_space<hbm>>) target(%dma_start3A_310 : memref<64x128xf32, #tpu.memory_space<vmem>>) offsets(%dma_start3A_312 : memref<64xi32, #tpu.memory_space<vmem>>) semaphore(%arg21 : memref<!tpu.dma_semaphore, #tpu.memory_space<semaphore_mem>>)
    %dma_start3A_316 = arith.constant 128 : i32
    %dma_start3A_317 = arith.constant 0 : i32
    %dma_start3A_318 = tpu.memref_slice %arg14[%dma_start3A_316, %dma_start3A_317] : memref<320x128xf32, #tpu.memory_space<vmem>> -> memref<64x128xf32, #tpu.memory_space<vmem>>
    %dma_start3A_319 = arith.constant 7808 : i32
    %dma_start3A_320 = tpu.memref_slice %arg11[%dma_start3A_319] : memref<8000xi32, #tpu.memory_space<vmem>> -> memref<64xi32, #tpu.memory_space<vmem>>
    %dma_start3A_321 = arith.constant 0 : i32
    %dma_start3A_322 = arith.constant 0 : i32
    %dma_start3A_323 = tpu.memref_slice %arg5[%dma_start3A_321, %dma_start3A_322] : memref<10000x128xf32, #tpu.memory_space<hbm>> -> memref<10000x128xf32, #tpu.memory_space<hbm>>
    tpu.enqueue_indirect_dma source(%dma_start3A_323 : memref<10000x128xf32, #tpu.memory_space<hbm>>) target(%dma_start3A_318 : memref<64x128xf32, #tpu.memory_space<vmem>>) offsets(%dma_start3A_320 : memref<64xi32, #tpu.memory_space<vmem>>) semaphore(%arg21 : memref<!tpu.dma_semaphore, #tpu.memory_space<semaphore_mem>>)
    %dma_start3A_324 = arith.constant 192 : i32
    %dma_start3A_325 = arith.constant 0 : i32
    %dma_start3A_326 = tpu.memref_slice %arg14[%dma_start3A_324, %dma_start3A_325] : memref<320x128xf32, #tpu.memory_space<vmem>> -> memref<64x128xf32, #tpu.memory_space<vmem>>
    %dma_start3A_327 = arith.constant 7872 : i32
    %dma_start3A_328 = tpu.memref_slice %arg11[%dma_start3A_327] : memref<8000xi32, #tpu.memory_space<vmem>> -> memref<64xi32, #tpu.memory_space<vmem>>
    %dma_start3A_329 = arith.constant 0 : i32
    %dma_start3A_330 = arith.constant 0 : i32
    %dma_start3A_331 = tpu.memref_slice %arg5[%dma_start3A_329, %dma_start3A_330] : memref<10000x128xf32, #tpu.memory_space<hbm>> -> memref<10000x128xf32, #tpu.memory_space<hbm>>
    tpu.enqueue_indirect_dma source(%dma_start3A_331 : memref<10000x128xf32, #tpu.memory_space<hbm>>) target(%dma_start3A_326 : memref<64x128xf32, #tpu.memory_space<vmem>>) offsets(%dma_start3A_328 : memref<64xi32, #tpu.memory_space<vmem>>) semaphore(%arg21 : memref<!tpu.dma_semaphore, #tpu.memory_space<semaphore_mem>>)
    %dma_start3A_332 = arith.constant 256 : i32
    %dma_start3A_333 = arith.constant 0 : i32
    %dma_start3A_334 = tpu.memref_slice %arg14[%dma_start3A_332, %dma_start3A_333] : memref<320x128xf32, #tpu.memory_space<vmem>> -> memref<64x128xf32, #tpu.memory_space<vmem>>
    %dma_start3A_335 = arith.constant 7936 : i32
    %dma_start3A_336 = tpu.memref_slice %arg11[%dma_start3A_335] : memref<8000xi32, #tpu.memory_space<vmem>> -> memref<64xi32, #tpu.memory_space<vmem>>
    %dma_start3A_337 = arith.constant 0 : i32
    %dma_start3A_338 = arith.constant 0 : i32
    %dma_start3A_339 = tpu.memref_slice %arg5[%dma_start3A_337, %dma_start3A_338] : memref<10000x128xf32, #tpu.memory_space<hbm>> -> memref<10000x128xf32, #tpu.memory_space<hbm>>
    tpu.enqueue_indirect_dma source(%dma_start3A_339 : memref<10000x128xf32, #tpu.memory_space<hbm>>) target(%dma_start3A_334 : memref<64x128xf32, #tpu.memory_space<vmem>>) offsets(%dma_start3A_336 : memref<64xi32, #tpu.memory_space<vmem>>) semaphore(%arg21 : memref<!tpu.dma_semaphore, #tpu.memory_space<semaphore_mem>>)
    %dma_wait3A_340 = arith.constant 736 : i32
    %dma_wait3A_341 = tpu.memref_slice %arg10[%dma_wait3A_340] : memref<800xi32, #tpu.memory_space<vmem>> -> memref<32xi32, #tpu.memory_space<vmem>>
    %dma_wait3A_342 = arith.constant 0 : i32
    %dma_wait3A_343 = arith.constant 0 : i32
    %dma_wait3A_344 = tpu.memref_slice %arg4[%dma_wait3A_342, %dma_wait3A_343] : memref<100000x128xf32, #tpu.memory_space<hbm>> -> memref<100000x128xf32, #tpu.memory_space<hbm>>
    tpu.wait_indirect_dma semaphore(%arg20 : memref<!tpu.dma_semaphore, #tpu.memory_space<semaphore_mem>>) src(%dma_wait3A_344 : memref<100000x128xf32, #tpu.memory_space<hbm>>) dst(%arg13 : memref<32x128xf32, #tpu.memory_space<vmem>>)
    %add3A_345 = arith.constant 736 : i32
    %add3A_346 = arith.addi %mul3A_2, %add3A_345 : i32
    %dma_start3A_347 = arith.constant 0 : i32
    %dma_start3A_348 = tpu.memref_slice %arg8[%add3A_346, %dma_start3A_347] : memref<25600x128xf32, #tpu.memory_space<hbm>> -> memref<32x128xf32, #tpu.memory_space<hbm>>
    %dma_start3A_349 = arith.constant 0 : i32
    %dma_start3A_350 = tpu.memref_slice %arg8[%add3A_346, %dma_start3A_349] : memref<25600x128xf32, #tpu.memory_space<hbm>> -> memref<32x128xf32, #tpu.memory_space<hbm>>
    tpu.enqueue_dma source(%arg13 : memref<32x128xf32, #tpu.memory_space<vmem>>) target(%dma_start3A_350 : memref<32x128xf32, #tpu.memory_space<hbm>>) target_semaphore(%arg26 : memref<!tpu.dma_semaphore, #tpu.memory_space<semaphore_mem>>)
    %mul3A_351 = arith.constant 2 : i32
    %mul3A_352 = arith.muli %arg1, %mul3A_351 : i32
    %add3A_353 = arith.constant 1 : i32
    %add3A_354 = arith.addi %mul3A_352, %add3A_353 : i32
    %mul3A_355 = arith.constant 32 : i32
    %mul3A_356 = arith.muli %add3A_354, %mul3A_355 : i32
    %add3A_357 = arith.constant 736 : i32
    %add3A_358 = arith.addi %mul3A_2, %add3A_357 : i32
    %dma_wait3A_359 = arith.constant 0 : i32
    %dma_wait3A_360 = tpu.memref_slice %arg9[%add3A_358, %dma_wait3A_359] : memref<25600x128xf32, #tpu.memory_space<hbm>> -> memref<32x128xf32, #tpu.memory_space<hbm>>
    %dma_wait3A_361 = arith.constant 0 : i32
    %dma_wait3A_362 = tpu.memref_slice %arg18[%mul3A_356, %dma_wait3A_361] : memref<1024x128xf32, #tpu.memory_space<vmem_shared>> -> memref<32x128xf32, #tpu.memory_space<vmem_shared>>
    tpu.wait_dma2 semaphore(%arg28 : memref<!tpu.dma_semaphore, #tpu.memory_space<semaphore_mem>>) src(%dma_wait3A_362 : memref<32x128xf32, #tpu.memory_space<vmem_shared>>) dst(%dma_wait3A_360 : memref<32x128xf32, #tpu.memory_space<hbm>>)
    %mul3A_363 = arith.constant 2 : i32
    %mul3A_364 = arith.muli %arg1, %mul3A_363 : i32
    %add3A_365 = arith.constant 1 : i32
    %add3A_366 = arith.addi %mul3A_364, %add3A_365 : i32
    %mul3A_367 = arith.constant 32 : i32
    %mul3A_368 = arith.muli %add3A_366, %mul3A_367 : i32
    "tpu.region"() ({
      %run_scoped3A = tpu.sem_alloc : memref<!tpu.dma_semaphore, #tpu.memory_space<semaphore_mem>>
      %dma_start3A_758 = arith.constant 0 : i32
      %dma_start3A_759 = tpu.memref_slice %arg18[%mul3A_368, %dma_start3A_758] : memref<1024x128xf32, #tpu.memory_space<vmem_shared>> -> memref<32x128xf32, #tpu.memory_space<vmem_shared>>
      %dma_start3A_760 = arith.constant 0 : i32
      %dma_start3A_761 = tpu.memref_slice %arg18[%mul3A_368, %dma_start3A_760] : memref<1024x128xf32, #tpu.memory_space<vmem_shared>> -> memref<32x128xf32, #tpu.memory_space<vmem_shared>>
      tpu.enqueue_dma source(%arg17 : memref<32x128xf32, #tpu.memory_space<vmem>>) target(%dma_start3A_761 : memref<32x128xf32, #tpu.memory_space<vmem_shared>>) target_semaphore(%run_scoped3A : memref<!tpu.dma_semaphore, #tpu.memory_space<semaphore_mem>>)
      %dma_wait3A_762 = arith.constant 0 : i32
      %dma_wait3A_763 = tpu.memref_slice %arg18[%mul3A_368, %dma_wait3A_762] : memref<1024x128xf32, #tpu.memory_space<vmem_shared>> -> memref<32x128xf32, #tpu.memory_space<vmem_shared>>
      %dma_wait3A_764 = arith.constant 0 : i32
      %dma_wait3A_765 = tpu.memref_slice %arg18[%mul3A_368, %dma_wait3A_764] : memref<1024x128xf32, #tpu.memory_space<vmem_shared>> -> memref<32x128xf32, #tpu.memory_space<vmem_shared>>
      tpu.wait_dma2 semaphore(%run_scoped3A : memref<!tpu.dma_semaphore, #tpu.memory_space<semaphore_mem>>) src(%arg17 : memref<32x128xf32, #tpu.memory_space<vmem>>) dst(%dma_wait3A_765 : memref<32x128xf32, #tpu.memory_space<vmem_shared>>)
      tpu.yield
    }) : () -> ()
    %dma_wait3A_369 = arith.constant 0 : i32
    %dma_wait3A_370 = arith.constant 0 : i32
    %dma_wait3A_371 = tpu.memref_slice %arg15[%dma_wait3A_369, %dma_wait3A_370] : memref<320x128xf32, #tpu.memory_space<vmem>> -> memref<64x128xf32, #tpu.memory_space<vmem>>
    %dma_wait3A_372 = arith.constant 7360 : i32
    %dma_wait3A_373 = tpu.memref_slice %arg11[%dma_wait3A_372] : memref<8000xi32, #tpu.memory_space<vmem>> -> memref<64xi32, #tpu.memory_space<vmem>>
    %dma_wait3A_374 = arith.constant 0 : i32
    %dma_wait3A_375 = arith.constant 0 : i32
    %dma_wait3A_376 = tpu.memref_slice %arg5[%dma_wait3A_374, %dma_wait3A_375] : memref<10000x128xf32, #tpu.memory_space<hbm>> -> memref<10000x128xf32, #tpu.memory_space<hbm>>
    tpu.wait_indirect_dma semaphore(%arg22 : memref<!tpu.dma_semaphore, #tpu.memory_space<semaphore_mem>>) src(%dma_wait3A_376 : memref<10000x128xf32, #tpu.memory_space<hbm>>) dst(%dma_wait3A_371 : memref<64x128xf32, #tpu.memory_space<vmem>>)
    %dma_wait3A_377 = arith.constant 64 : i32
    %dma_wait3A_378 = arith.constant 0 : i32
    %dma_wait3A_379 = tpu.memref_slice %arg15[%dma_wait3A_377, %dma_wait3A_378] : memref<320x128xf32, #tpu.memory_space<vmem>> -> memref<64x128xf32, #tpu.memory_space<vmem>>
    %dma_wait3A_380 = arith.constant 7424 : i32
    %dma_wait3A_381 = tpu.memref_slice %arg11[%dma_wait3A_380] : memref<8000xi32, #tpu.memory_space<vmem>> -> memref<64xi32, #tpu.memory_space<vmem>>
    %dma_wait3A_382 = arith.constant 0 : i32
    %dma_wait3A_383 = arith.constant 0 : i32
    %dma_wait3A_384 = tpu.memref_slice %arg5[%dma_wait3A_382, %dma_wait3A_383] : memref<10000x128xf32, #tpu.memory_space<hbm>> -> memref<10000x128xf32, #tpu.memory_space<hbm>>
    tpu.wait_indirect_dma semaphore(%arg22 : memref<!tpu.dma_semaphore, #tpu.memory_space<semaphore_mem>>) src(%dma_wait3A_384 : memref<10000x128xf32, #tpu.memory_space<hbm>>) dst(%dma_wait3A_379 : memref<64x128xf32, #tpu.memory_space<vmem>>)
    %dma_wait3A_385 = arith.constant 128 : i32
    %dma_wait3A_386 = arith.constant 0 : i32
    %dma_wait3A_387 = tpu.memref_slice %arg15[%dma_wait3A_385, %dma_wait3A_386] : memref<320x128xf32, #tpu.memory_space<vmem>> -> memref<64x128xf32, #tpu.memory_space<vmem>>
    %dma_wait3A_388 = arith.constant 7488 : i32
    %dma_wait3A_389 = tpu.memref_slice %arg11[%dma_wait3A_388] : memref<8000xi32, #tpu.memory_space<vmem>> -> memref<64xi32, #tpu.memory_space<vmem>>
    %dma_wait3A_390 = arith.constant 0 : i32
    %dma_wait3A_391 = arith.constant 0 : i32
    %dma_wait3A_392 = tpu.memref_slice %arg5[%dma_wait3A_390, %dma_wait3A_391] : memref<10000x128xf32, #tpu.memory_space<hbm>> -> memref<10000x128xf32, #tpu.memory_space<hbm>>
    tpu.wait_indirect_dma semaphore(%arg22 : memref<!tpu.dma_semaphore, #tpu.memory_space<semaphore_mem>>) src(%dma_wait3A_392 : memref<10000x128xf32, #tpu.memory_space<hbm>>) dst(%dma_wait3A_387 : memref<64x128xf32, #tpu.memory_space<vmem>>)
    %dma_wait3A_393 = arith.constant 192 : i32
    %dma_wait3A_394 = arith.constant 0 : i32
    %dma_wait3A_395 = tpu.memref_slice %arg15[%dma_wait3A_393, %dma_wait3A_394] : memref<320x128xf32, #tpu.memory_space<vmem>> -> memref<64x128xf32, #tpu.memory_space<vmem>>
    %dma_wait3A_396 = arith.constant 7552 : i32
    %dma_wait3A_397 = tpu.memref_slice %arg11[%dma_wait3A_396] : memref<8000xi32, #tpu.memory_space<vmem>> -> memref<64xi32, #tpu.memory_space<vmem>>
    %dma_wait3A_398 = arith.constant 0 : i32
    %dma_wait3A_399 = arith.constant 0 : i32
    %dma_wait3A_400 = tpu.memref_slice %arg5[%dma_wait3A_398, %dma_wait3A_399] : memref<10000x128xf32, #tpu.memory_space<hbm>> -> memref<10000x128xf32, #tpu.memory_space<hbm>>
    tpu.wait_indirect_dma semaphore(%arg22 : memref<!tpu.dma_semaphore, #tpu.memory_space<semaphore_mem>>) src(%dma_wait3A_400 : memref<10000x128xf32, #tpu.memory_space<hbm>>) dst(%dma_wait3A_395 : memref<64x128xf32, #tpu.memory_space<vmem>>)
    %dma_wait3A_401 = arith.constant 256 : i32
    %dma_wait3A_402 = arith.constant 0 : i32
    %dma_wait3A_403 = tpu.memref_slice %arg15[%dma_wait3A_401, %dma_wait3A_402] : memref<320x128xf32, #tpu.memory_space<vmem>> -> memref<64x128xf32, #tpu.memory_space<vmem>>
    %dma_wait3A_404 = arith.constant 7616 : i32
    %dma_wait3A_405 = tpu.memref_slice %arg11[%dma_wait3A_404] : memref<8000xi32, #tpu.memory_space<vmem>> -> memref<64xi32, #tpu.memory_space<vmem>>
    %dma_wait3A_406 = arith.constant 0 : i32
    %dma_wait3A_407 = arith.constant 0 : i32
    %dma_wait3A_408 = tpu.memref_slice %arg5[%dma_wait3A_406, %dma_wait3A_407] : memref<10000x128xf32, #tpu.memory_space<hbm>> -> memref<10000x128xf32, #tpu.memory_space<hbm>>
    tpu.wait_indirect_dma semaphore(%arg22 : memref<!tpu.dma_semaphore, #tpu.memory_space<semaphore_mem>>) src(%dma_wait3A_408 : memref<10000x128xf32, #tpu.memory_space<hbm>>) dst(%dma_wait3A_403 : memref<64x128xf32, #tpu.memory_space<vmem>>)
    %dma_start3A_409 = arith.constant 1 : i32
    %dma_start3A_410 = arith.constant 0 : i32
    %dma_start3A_411 = arith.constant 0 : i32
    %dma_start3A_412 = arith.constant 0 : i32
    %dma_start3A_413 = tpu.memref_slice %arg15[%dma_start3A_411, %dma_start3A_412] : memref<320x128xf32, #tpu.memory_space<vmem>> -> memref<64x128xf32, #tpu.memory_space<vmem>>
    %dma_start3A_414 = arith.constant 0 : i32
    %dma_start3A_415 = tpu.memref_slice %arg16[%dma_start3A_409, %dma_start3A_410, %dma_start3A_414] : memref<2x5x64xi32, #tpu.memory_space<vmem>> -> memref<1x1x64xi32, #tpu.memory_space<vmem>>
    %dma_start3A_416 = tpu.memref_squeeze %dma_start3A_415 : memref<1x1x64xi32, #tpu.memory_space<vmem>> -> memref<64xi32, #tpu.memory_space<vmem>>
    %dma_start3A_417 = arith.constant 0 : i32
    %dma_start3A_418 = arith.constant 0 : i32
    %dma_start3A_419 = tpu.memref_slice %arg18[%dma_start3A_417, %dma_start3A_418] : memref<1024x128xf32, #tpu.memory_space<vmem_shared>> -> memref<1024x128xf32, #tpu.memory_space<vmem_shared>>
    tpu.enqueue_indirect_dma source(%dma_start3A_413 : memref<64x128xf32, #tpu.memory_space<vmem>>) target(%dma_start3A_419 : memref<1024x128xf32, #tpu.memory_space<vmem_shared>>) offsets(%dma_start3A_416 : memref<64xi32, #tpu.memory_space<vmem>>) semaphore(%arg24 : memref<!tpu.dma_semaphore, #tpu.memory_space<semaphore_mem>>) {add = true}
    %dma_start3A_420 = arith.constant 1 : i32
    %dma_start3A_421 = arith.constant 1 : i32
    %dma_start3A_422 = arith.constant 64 : i32
    %dma_start3A_423 = arith.constant 0 : i32
    %dma_start3A_424 = tpu.memref_slice %arg15[%dma_start3A_422, %dma_start3A_423] : memref<320x128xf32, #tpu.memory_space<vmem>> -> memref<64x128xf32, #tpu.memory_space<vmem>>
    %dma_start3A_425 = arith.constant 0 : i32
    %dma_start3A_426 = tpu.memref_slice %arg16[%dma_start3A_420, %dma_start3A_421, %dma_start3A_425] : memref<2x5x64xi32, #tpu.memory_space<vmem>> -> memref<1x1x64xi32, #tpu.memory_space<vmem>>
    %dma_start3A_427 = tpu.memref_squeeze %dma_start3A_426 : memref<1x1x64xi32, #tpu.memory_space<vmem>> -> memref<64xi32, #tpu.memory_space<vmem>>
    %dma_start3A_428 = arith.constant 0 : i32
    %dma_start3A_429 = arith.constant 0 : i32
    %dma_start3A_430 = tpu.memref_slice %arg18[%dma_start3A_428, %dma_start3A_429] : memref<1024x128xf32, #tpu.memory_space<vmem_shared>> -> memref<1024x128xf32, #tpu.memory_space<vmem_shared>>
    tpu.enqueue_indirect_dma source(%dma_start3A_424 : memref<64x128xf32, #tpu.memory_space<vmem>>) target(%dma_start3A_430 : memref<1024x128xf32, #tpu.memory_space<vmem_shared>>) offsets(%dma_start3A_427 : memref<64xi32, #tpu.memory_space<vmem>>) semaphore(%arg24 : memref<!tpu.dma_semaphore, #tpu.memory_space<semaphore_mem>>) {add = true}
    %dma_start3A_431 = arith.constant 1 : i32
    %dma_start3A_432 = arith.constant 2 : i32
    %dma_start3A_433 = arith.constant 128 : i32
    %dma_start3A_434 = arith.constant 0 : i32
    %dma_start3A_435 = tpu.memref_slice %arg15[%dma_start3A_433, %dma_start3A_434] : memref<320x128xf32, #tpu.memory_space<vmem>> -> memref<64x128xf32, #tpu.memory_space<vmem>>
    %dma_start3A_436 = arith.constant 0 : i32
    %dma_start3A_437 = tpu.memref_slice %arg16[%dma_start3A_431, %dma_start3A_432, %dma_start3A_436] : memref<2x5x64xi32, #tpu.memory_space<vmem>> -> memref<1x1x64xi32, #tpu.memory_space<vmem>>
    %dma_start3A_438 = tpu.memref_squeeze %dma_start3A_437 : memref<1x1x64xi32, #tpu.memory_space<vmem>> -> memref<64xi32, #tpu.memory_space<vmem>>
    %dma_start3A_439 = arith.constant 0 : i32
    %dma_start3A_440 = arith.constant 0 : i32
    %dma_start3A_441 = tpu.memref_slice %arg18[%dma_start3A_439, %dma_start3A_440] : memref<1024x128xf32, #tpu.memory_space<vmem_shared>> -> memref<1024x128xf32, #tpu.memory_space<vmem_shared>>
    tpu.enqueue_indirect_dma source(%dma_start3A_435 : memref<64x128xf32, #tpu.memory_space<vmem>>) target(%dma_start3A_441 : memref<1024x128xf32, #tpu.memory_space<vmem_shared>>) offsets(%dma_start3A_438 : memref<64xi32, #tpu.memory_space<vmem>>) semaphore(%arg24 : memref<!tpu.dma_semaphore, #tpu.memory_space<semaphore_mem>>) {add = true}
    %dma_start3A_442 = arith.constant 1 : i32
    %dma_start3A_443 = arith.constant 3 : i32
    %dma_start3A_444 = arith.constant 192 : i32
    %dma_start3A_445 = arith.constant 0 : i32
    %dma_start3A_446 = tpu.memref_slice %arg15[%dma_start3A_444, %dma_start3A_445] : memref<320x128xf32, #tpu.memory_space<vmem>> -> memref<64x128xf32, #tpu.memory_space<vmem>>
    %dma_start3A_447 = arith.constant 0 : i32
    %dma_start3A_448 = tpu.memref_slice %arg16[%dma_start3A_442, %dma_start3A_443, %dma_start3A_447] : memref<2x5x64xi32, #tpu.memory_space<vmem>> -> memref<1x1x64xi32, #tpu.memory_space<vmem>>
    %dma_start3A_449 = tpu.memref_squeeze %dma_start3A_448 : memref<1x1x64xi32, #tpu.memory_space<vmem>> -> memref<64xi32, #tpu.memory_space<vmem>>
    %dma_start3A_450 = arith.constant 0 : i32
    %dma_start3A_451 = arith.constant 0 : i32
    %dma_start3A_452 = tpu.memref_slice %arg18[%dma_start3A_450, %dma_start3A_451] : memref<1024x128xf32, #tpu.memory_space<vmem_shared>> -> memref<1024x128xf32, #tpu.memory_space<vmem_shared>>
    tpu.enqueue_indirect_dma source(%dma_start3A_446 : memref<64x128xf32, #tpu.memory_space<vmem>>) target(%dma_start3A_452 : memref<1024x128xf32, #tpu.memory_space<vmem_shared>>) offsets(%dma_start3A_449 : memref<64xi32, #tpu.memory_space<vmem>>) semaphore(%arg24 : memref<!tpu.dma_semaphore, #tpu.memory_space<semaphore_mem>>) {add = true}
    %dma_start3A_453 = arith.constant 1 : i32
    %dma_start3A_454 = arith.constant 4 : i32
    %dma_start3A_455 = arith.constant 256 : i32
    %dma_start3A_456 = arith.constant 0 : i32
    %dma_start3A_457 = tpu.memref_slice %arg15[%dma_start3A_455, %dma_start3A_456] : memref<320x128xf32, #tpu.memory_space<vmem>> -> memref<64x128xf32, #tpu.memory_space<vmem>>
    %dma_start3A_458 = arith.constant 0 : i32
    %dma_start3A_459 = tpu.memref_slice %arg16[%dma_start3A_453, %dma_start3A_454, %dma_start3A_458] : memref<2x5x64xi32, #tpu.memory_space<vmem>> -> memref<1x1x64xi32, #tpu.memory_space<vmem>>
    %dma_start3A_460 = tpu.memref_squeeze %dma_start3A_459 : memref<1x1x64xi32, #tpu.memory_space<vmem>> -> memref<64xi32, #tpu.memory_space<vmem>>
    %dma_start3A_461 = arith.constant 0 : i32
    %dma_start3A_462 = arith.constant 0 : i32
    %dma_start3A_463 = tpu.memref_slice %arg18[%dma_start3A_461, %dma_start3A_462] : memref<1024x128xf32, #tpu.memory_space<vmem_shared>> -> memref<1024x128xf32, #tpu.memory_space<vmem_shared>>
    tpu.enqueue_indirect_dma source(%dma_start3A_457 : memref<64x128xf32, #tpu.memory_space<vmem>>) target(%dma_start3A_463 : memref<1024x128xf32, #tpu.memory_space<vmem_shared>>) offsets(%dma_start3A_460 : memref<64xi32, #tpu.memory_space<vmem>>) semaphore(%arg24 : memref<!tpu.dma_semaphore, #tpu.memory_space<semaphore_mem>>) {add = true}
    %dma_wait3A_464 = arith.constant 1 : i32
    %dma_wait3A_465 = arith.constant 0 : i32
    %dma_wait3A_466 = arith.constant 0 : i32
    %dma_wait3A_467 = arith.constant 0 : i32
    %dma_wait3A_468 = tpu.memref_slice %arg15[%dma_wait3A_466, %dma_wait3A_467] : memref<320x128xf32, #tpu.memory_space<vmem>> -> memref<64x128xf32, #tpu.memory_space<vmem>>
    %dma_wait3A_469 = arith.constant 0 : i32
    %dma_wait3A_470 = tpu.memref_slice %arg16[%dma_wait3A_464, %dma_wait3A_465, %dma_wait3A_469] : memref<2x5x64xi32, #tpu.memory_space<vmem>> -> memref<1x1x64xi32, #tpu.memory_space<vmem>>
    %dma_wait3A_471 = tpu.memref_squeeze %dma_wait3A_470 : memref<1x1x64xi32, #tpu.memory_space<vmem>> -> memref<64xi32, #tpu.memory_space<vmem>>
    %dma_wait3A_472 = arith.constant 0 : i32
    %dma_wait3A_473 = arith.constant 0 : i32
    %dma_wait3A_474 = tpu.memref_slice %arg18[%dma_wait3A_472, %dma_wait3A_473] : memref<1024x128xf32, #tpu.memory_space<vmem_shared>> -> memref<1024x128xf32, #tpu.memory_space<vmem_shared>>
    tpu.wait_indirect_dma semaphore(%arg24 : memref<!tpu.dma_semaphore, #tpu.memory_space<semaphore_mem>>) src(%dma_wait3A_468 : memref<64x128xf32, #tpu.memory_space<vmem>>) dst(%dma_wait3A_474 : memref<1024x128xf32, #tpu.memory_space<vmem_shared>>)
    %dma_wait3A_475 = arith.constant 1 : i32
    %dma_wait3A_476 = arith.constant 1 : i32
    %dma_wait3A_477 = arith.constant 64 : i32
    %dma_wait3A_478 = arith.constant 0 : i32
    %dma_wait3A_479 = tpu.memref_slice %arg15[%dma_wait3A_477, %dma_wait3A_478] : memref<320x128xf32, #tpu.memory_space<vmem>> -> memref<64x128xf32, #tpu.memory_space<vmem>>
    %dma_wait3A_480 = arith.constant 0 : i32
    %dma_wait3A_481 = tpu.memref_slice %arg16[%dma_wait3A_475, %dma_wait3A_476, %dma_wait3A_480] : memref<2x5x64xi32, #tpu.memory_space<vmem>> -> memref<1x1x64xi32, #tpu.memory_space<vmem>>
    %dma_wait3A_482 = tpu.memref_squeeze %dma_wait3A_481 : memref<1x1x64xi32, #tpu.memory_space<vmem>> -> memref<64xi32, #tpu.memory_space<vmem>>
    %dma_wait3A_483 = arith.constant 0 : i32
    %dma_wait3A_484 = arith.constant 0 : i32
    %dma_wait3A_485 = tpu.memref_slice %arg18[%dma_wait3A_483, %dma_wait3A_484] : memref<1024x128xf32, #tpu.memory_space<vmem_shared>> -> memref<1024x128xf32, #tpu.memory_space<vmem_shared>>
    tpu.wait_indirect_dma semaphore(%arg24 : memref<!tpu.dma_semaphore, #tpu.memory_space<semaphore_mem>>) src(%dma_wait3A_479 : memref<64x128xf32, #tpu.memory_space<vmem>>) dst(%dma_wait3A_485 : memref<1024x128xf32, #tpu.memory_space<vmem_shared>>)
    %dma_wait3A_486 = arith.constant 1 : i32
    %dma_wait3A_487 = arith.constant 2 : i32
    %dma_wait3A_488 = arith.constant 128 : i32
    %dma_wait3A_489 = arith.constant 0 : i32
    %dma_wait3A_490 = tpu.memref_slice %arg15[%dma_wait3A_488, %dma_wait3A_489] : memref<320x128xf32, #tpu.memory_space<vmem>> -> memref<64x128xf32, #tpu.memory_space<vmem>>
    %dma_wait3A_491 = arith.constant 0 : i32
    %dma_wait3A_492 = tpu.memref_slice %arg16[%dma_wait3A_486, %dma_wait3A_487, %dma_wait3A_491] : memref<2x5x64xi32, #tpu.memory_space<vmem>> -> memref<1x1x64xi32, #tpu.memory_space<vmem>>
    %dma_wait3A_493 = tpu.memref_squeeze %dma_wait3A_492 : memref<1x1x64xi32, #tpu.memory_space<vmem>> -> memref<64xi32, #tpu.memory_space<vmem>>
    %dma_wait3A_494 = arith.constant 0 : i32
    %dma_wait3A_495 = arith.constant 0 : i32
    %dma_wait3A_496 = tpu.memref_slice %arg18[%dma_wait3A_494, %dma_wait3A_495] : memref<1024x128xf32, #tpu.memory_space<vmem_shared>> -> memref<1024x128xf32, #tpu.memory_space<vmem_shared>>
    tpu.wait_indirect_dma semaphore(%arg24 : memref<!tpu.dma_semaphore, #tpu.memory_space<semaphore_mem>>) src(%dma_wait3A_490 : memref<64x128xf32, #tpu.memory_space<vmem>>) dst(%dma_wait3A_496 : memref<1024x128xf32, #tpu.memory_space<vmem_shared>>)
    %dma_wait3A_497 = arith.constant 1 : i32
    %dma_wait3A_498 = arith.constant 3 : i32
    %dma_wait3A_499 = arith.constant 192 : i32
    %dma_wait3A_500 = arith.constant 0 : i32
    %dma_wait3A_501 = tpu.memref_slice %arg15[%dma_wait3A_499, %dma_wait3A_500] : memref<320x128xf32, #tpu.memory_space<vmem>> -> memref<64x128xf32, #tpu.memory_space<vmem>>
    %dma_wait3A_502 = arith.constant 0 : i32
    %dma_wait3A_503 = tpu.memref_slice %arg16[%dma_wait3A_497, %dma_wait3A_498, %dma_wait3A_502] : memref<2x5x64xi32, #tpu.memory_space<vmem>> -> memref<1x1x64xi32, #tpu.memory_space<vmem>>
    %dma_wait3A_504 = tpu.memref_squeeze %dma_wait3A_503 : memref<1x1x64xi32, #tpu.memory_space<vmem>> -> memref<64xi32, #tpu.memory_space<vmem>>
    %dma_wait3A_505 = arith.constant 0 : i32
    %dma_wait3A_506 = arith.constant 0 : i32
    %dma_wait3A_507 = tpu.memref_slice %arg18[%dma_wait3A_505, %dma_wait3A_506] : memref<1024x128xf32, #tpu.memory_space<vmem_shared>> -> memref<1024x128xf32, #tpu.memory_space<vmem_shared>>
    tpu.wait_indirect_dma semaphore(%arg24 : memref<!tpu.dma_semaphore, #tpu.memory_space<semaphore_mem>>) src(%dma_wait3A_501 : memref<64x128xf32, #tpu.memory_space<vmem>>) dst(%dma_wait3A_507 : memref<1024x128xf32, #tpu.memory_space<vmem_shared>>)
    %dma_wait3A_508 = arith.constant 1 : i32
    %dma_wait3A_509 = arith.constant 4 : i32
    %dma_wait3A_510 = arith.constant 256 : i32
    %dma_wait3A_511 = arith.constant 0 : i32
    %dma_wait3A_512 = tpu.memref_slice %arg15[%dma_wait3A_510, %dma_wait3A_511] : memref<320x128xf32, #tpu.memory_space<vmem>> -> memref<64x128xf32, #tpu.memory_space<vmem>>
    %dma_wait3A_513 = arith.constant 0 : i32
    %dma_wait3A_514 = tpu.memref_slice %arg16[%dma_wait3A_508, %dma_wait3A_509, %dma_wait3A_513] : memref<2x5x64xi32, #tpu.memory_space<vmem>> -> memref<1x1x64xi32, #tpu.memory_space<vmem>>
    %dma_wait3A_515 = tpu.memref_squeeze %dma_wait3A_514 : memref<1x1x64xi32, #tpu.memory_space<vmem>> -> memref<64xi32, #tpu.memory_space<vmem>>
    %dma_wait3A_516 = arith.constant 0 : i32
    %dma_wait3A_517 = arith.constant 0 : i32
    %dma_wait3A_518 = tpu.memref_slice %arg18[%dma_wait3A_516, %dma_wait3A_517] : memref<1024x128xf32, #tpu.memory_space<vmem_shared>> -> memref<1024x128xf32, #tpu.memory_space<vmem_shared>>
    tpu.wait_indirect_dma semaphore(%arg24 : memref<!tpu.dma_semaphore, #tpu.memory_space<semaphore_mem>>) src(%dma_wait3A_512 : memref<64x128xf32, #tpu.memory_space<vmem>>) dst(%dma_wait3A_518 : memref<1024x128xf32, #tpu.memory_space<vmem_shared>>)
    %mul3A_519 = arith.constant 2 : i32
    %mul3A_520 = arith.muli %arg1, %mul3A_519 : i32
    %add3A_521 = arith.constant 1 : i32
    %add3A_522 = arith.addi %mul3A_520, %add3A_521 : i32
    %mul3A_523 = arith.constant 32 : i32
    %mul3A_524 = arith.muli %add3A_522, %mul3A_523 : i32
    %add3A_525 = arith.constant 736 : i32
    %add3A_526 = arith.addi %mul3A_2, %add3A_525 : i32
    %dma_start3A_527 = arith.constant 0 : i32
    %dma_start3A_528 = tpu.memref_slice %arg9[%add3A_526, %dma_start3A_527] : memref<25600x128xf32, #tpu.memory_space<hbm>> -> memref<32x128xf32, #tpu.memory_space<hbm>>
    %dma_start3A_529 = arith.constant 0 : i32
    %dma_start3A_530 = tpu.memref_slice %arg18[%mul3A_524, %dma_start3A_529] : memref<1024x128xf32, #tpu.memory_space<vmem_shared>> -> memref<32x128xf32, #tpu.memory_space<vmem_shared>>
    tpu.enqueue_dma source(%dma_start3A_530 : memref<32x128xf32, #tpu.memory_space<vmem_shared>>) target(%dma_start3A_528 : memref<32x128xf32, #tpu.memory_space<hbm>>) target_semaphore(%arg28 : memref<!tpu.dma_semaphore, #tpu.memory_space<semaphore_mem>>)
    %dma_wait3A_531 = arith.constant 768 : i32
    %dma_wait3A_532 = tpu.memref_slice %arg10[%dma_wait3A_531] : memref<800xi32, #tpu.memory_space<vmem>> -> memref<32xi32, #tpu.memory_space<vmem>>
    %dma_wait3A_533 = arith.constant 0 : i32
    %dma_wait3A_534 = arith.constant 0 : i32
    %dma_wait3A_535 = tpu.memref_slice %arg4[%dma_wait3A_533, %dma_wait3A_534] : memref<100000x128xf32, #tpu.memory_space<hbm>> -> memref<100000x128xf32, #tpu.memory_space<hbm>>
    tpu.wait_indirect_dma semaphore(%arg19 : memref<!tpu.dma_semaphore, #tpu.memory_space<semaphore_mem>>) src(%dma_wait3A_535 : memref<100000x128xf32, #tpu.memory_space<hbm>>) dst(%arg12 : memref<32x128xf32, #tpu.memory_space<vmem>>)
    %add3A_536 = arith.constant 768 : i32
    %add3A_537 = arith.addi %mul3A_2, %add3A_536 : i32
    %dma_start3A_538 = arith.constant 0 : i32
    %dma_start3A_539 = tpu.memref_slice %arg8[%add3A_537, %dma_start3A_538] : memref<25600x128xf32, #tpu.memory_space<hbm>> -> memref<32x128xf32, #tpu.memory_space<hbm>>
    %dma_start3A_540 = arith.constant 0 : i32
    %dma_start3A_541 = tpu.memref_slice %arg8[%add3A_537, %dma_start3A_540] : memref<25600x128xf32, #tpu.memory_space<hbm>> -> memref<32x128xf32, #tpu.memory_space<hbm>>
    tpu.enqueue_dma source(%arg12 : memref<32x128xf32, #tpu.memory_space<vmem>>) target(%dma_start3A_541 : memref<32x128xf32, #tpu.memory_space<hbm>>) target_semaphore(%arg25 : memref<!tpu.dma_semaphore, #tpu.memory_space<semaphore_mem>>)
    %mul3A_542 = arith.constant 2 : i32
    %mul3A_543 = arith.muli %arg1, %mul3A_542 : i32
    %add3A_544 = arith.constant 0 : i32
    %add3A_545 = arith.addi %mul3A_543, %add3A_544 : i32
    %mul3A_546 = arith.constant 32 : i32
    %mul3A_547 = arith.muli %add3A_545, %mul3A_546 : i32
    %add3A_548 = arith.constant 768 : i32
    %add3A_549 = arith.addi %mul3A_2, %add3A_548 : i32
    %dma_wait3A_550 = arith.constant 0 : i32
    %dma_wait3A_551 = tpu.memref_slice %arg9[%add3A_549, %dma_wait3A_550] : memref<25600x128xf32, #tpu.memory_space<hbm>> -> memref<32x128xf32, #tpu.memory_space<hbm>>
    %dma_wait3A_552 = arith.constant 0 : i32
    %dma_wait3A_553 = tpu.memref_slice %arg18[%mul3A_547, %dma_wait3A_552] : memref<1024x128xf32, #tpu.memory_space<vmem_shared>> -> memref<32x128xf32, #tpu.memory_space<vmem_shared>>
    tpu.wait_dma2 semaphore(%arg27 : memref<!tpu.dma_semaphore, #tpu.memory_space<semaphore_mem>>) src(%dma_wait3A_553 : memref<32x128xf32, #tpu.memory_space<vmem_shared>>) dst(%dma_wait3A_551 : memref<32x128xf32, #tpu.memory_space<hbm>>)
    %mul3A_554 = arith.constant 2 : i32
    %mul3A_555 = arith.muli %arg1, %mul3A_554 : i32
    %add3A_556 = arith.constant 0 : i32
    %add3A_557 = arith.addi %mul3A_555, %add3A_556 : i32
    %mul3A_558 = arith.constant 32 : i32
    %mul3A_559 = arith.muli %add3A_557, %mul3A_558 : i32
    "tpu.region"() ({
      %run_scoped3A = tpu.sem_alloc : memref<!tpu.dma_semaphore, #tpu.memory_space<semaphore_mem>>
      %dma_start3A_758 = arith.constant 0 : i32
      %dma_start3A_759 = tpu.memref_slice %arg18[%mul3A_559, %dma_start3A_758] : memref<1024x128xf32, #tpu.memory_space<vmem_shared>> -> memref<32x128xf32, #tpu.memory_space<vmem_shared>>
      %dma_start3A_760 = arith.constant 0 : i32
      %dma_start3A_761 = tpu.memref_slice %arg18[%mul3A_559, %dma_start3A_760] : memref<1024x128xf32, #tpu.memory_space<vmem_shared>> -> memref<32x128xf32, #tpu.memory_space<vmem_shared>>
      tpu.enqueue_dma source(%arg17 : memref<32x128xf32, #tpu.memory_space<vmem>>) target(%dma_start3A_761 : memref<32x128xf32, #tpu.memory_space<vmem_shared>>) target_semaphore(%run_scoped3A : memref<!tpu.dma_semaphore, #tpu.memory_space<semaphore_mem>>)
      %dma_wait3A_762 = arith.constant 0 : i32
      %dma_wait3A_763 = tpu.memref_slice %arg18[%mul3A_559, %dma_wait3A_762] : memref<1024x128xf32, #tpu.memory_space<vmem_shared>> -> memref<32x128xf32, #tpu.memory_space<vmem_shared>>
      %dma_wait3A_764 = arith.constant 0 : i32
      %dma_wait3A_765 = tpu.memref_slice %arg18[%mul3A_559, %dma_wait3A_764] : memref<1024x128xf32, #tpu.memory_space<vmem_shared>> -> memref<32x128xf32, #tpu.memory_space<vmem_shared>>
      tpu.wait_dma2 semaphore(%run_scoped3A : memref<!tpu.dma_semaphore, #tpu.memory_space<semaphore_mem>>) src(%arg17 : memref<32x128xf32, #tpu.memory_space<vmem>>) dst(%dma_wait3A_765 : memref<32x128xf32, #tpu.memory_space<vmem_shared>>)
      tpu.yield
    }) : () -> ()
    %dma_wait3A_560 = arith.constant 0 : i32
    %dma_wait3A_561 = arith.constant 0 : i32
    %dma_wait3A_562 = tpu.memref_slice %arg14[%dma_wait3A_560, %dma_wait3A_561] : memref<320x128xf32, #tpu.memory_space<vmem>> -> memref<64x128xf32, #tpu.memory_space<vmem>>
    %dma_wait3A_563 = arith.constant 7680 : i32
    %dma_wait3A_564 = tpu.memref_slice %arg11[%dma_wait3A_563] : memref<8000xi32, #tpu.memory_space<vmem>> -> memref<64xi32, #tpu.memory_space<vmem>>
    %dma_wait3A_565 = arith.constant 0 : i32
    %dma_wait3A_566 = arith.constant 0 : i32
    %dma_wait3A_567 = tpu.memref_slice %arg5[%dma_wait3A_565, %dma_wait3A_566] : memref<10000x128xf32, #tpu.memory_space<hbm>> -> memref<10000x128xf32, #tpu.memory_space<hbm>>
    tpu.wait_indirect_dma semaphore(%arg21 : memref<!tpu.dma_semaphore, #tpu.memory_space<semaphore_mem>>) src(%dma_wait3A_567 : memref<10000x128xf32, #tpu.memory_space<hbm>>) dst(%dma_wait3A_562 : memref<64x128xf32, #tpu.memory_space<vmem>>)
    %dma_wait3A_568 = arith.constant 64 : i32
    %dma_wait3A_569 = arith.constant 0 : i32
    %dma_wait3A_570 = tpu.memref_slice %arg14[%dma_wait3A_568, %dma_wait3A_569] : memref<320x128xf32, #tpu.memory_space<vmem>> -> memref<64x128xf32, #tpu.memory_space<vmem>>
    %dma_wait3A_571 = arith.constant 7744 : i32
    %dma_wait3A_572 = tpu.memref_slice %arg11[%dma_wait3A_571] : memref<8000xi32, #tpu.memory_space<vmem>> -> memref<64xi32, #tpu.memory_space<vmem>>
    %dma_wait3A_573 = arith.constant 0 : i32
    %dma_wait3A_574 = arith.constant 0 : i32
    %dma_wait3A_575 = tpu.memref_slice %arg5[%dma_wait3A_573, %dma_wait3A_574] : memref<10000x128xf32, #tpu.memory_space<hbm>> -> memref<10000x128xf32, #tpu.memory_space<hbm>>
    tpu.wait_indirect_dma semaphore(%arg21 : memref<!tpu.dma_semaphore, #tpu.memory_space<semaphore_mem>>) src(%dma_wait3A_575 : memref<10000x128xf32, #tpu.memory_space<hbm>>) dst(%dma_wait3A_570 : memref<64x128xf32, #tpu.memory_space<vmem>>)
    %dma_wait3A_576 = arith.constant 128 : i32
    %dma_wait3A_577 = arith.constant 0 : i32
    %dma_wait3A_578 = tpu.memref_slice %arg14[%dma_wait3A_576, %dma_wait3A_577] : memref<320x128xf32, #tpu.memory_space<vmem>> -> memref<64x128xf32, #tpu.memory_space<vmem>>
    %dma_wait3A_579 = arith.constant 7808 : i32
    %dma_wait3A_580 = tpu.memref_slice %arg11[%dma_wait3A_579] : memref<8000xi32, #tpu.memory_space<vmem>> -> memref<64xi32, #tpu.memory_space<vmem>>
    %dma_wait3A_581 = arith.constant 0 : i32
    %dma_wait3A_582 = arith.constant 0 : i32
    %dma_wait3A_583 = tpu.memref_slice %arg5[%dma_wait3A_581, %dma_wait3A_582] : memref<10000x128xf32, #tpu.memory_space<hbm>> -> memref<10000x128xf32, #tpu.memory_space<hbm>>
    tpu.wait_indirect_dma semaphore(%arg21 : memref<!tpu.dma_semaphore, #tpu.memory_space<semaphore_mem>>) src(%dma_wait3A_583 : memref<10000x128xf32, #tpu.memory_space<hbm>>) dst(%dma_wait3A_578 : memref<64x128xf32, #tpu.memory_space<vmem>>)
    %dma_wait3A_584 = arith.constant 192 : i32
    %dma_wait3A_585 = arith.constant 0 : i32
    %dma_wait3A_586 = tpu.memref_slice %arg14[%dma_wait3A_584, %dma_wait3A_585] : memref<320x128xf32, #tpu.memory_space<vmem>> -> memref<64x128xf32, #tpu.memory_space<vmem>>
    %dma_wait3A_587 = arith.constant 7872 : i32
    %dma_wait3A_588 = tpu.memref_slice %arg11[%dma_wait3A_587] : memref<8000xi32, #tpu.memory_space<vmem>> -> memref<64xi32, #tpu.memory_space<vmem>>
    %dma_wait3A_589 = arith.constant 0 : i32
    %dma_wait3A_590 = arith.constant 0 : i32
    %dma_wait3A_591 = tpu.memref_slice %arg5[%dma_wait3A_589, %dma_wait3A_590] : memref<10000x128xf32, #tpu.memory_space<hbm>> -> memref<10000x128xf32, #tpu.memory_space<hbm>>
    tpu.wait_indirect_dma semaphore(%arg21 : memref<!tpu.dma_semaphore, #tpu.memory_space<semaphore_mem>>) src(%dma_wait3A_591 : memref<10000x128xf32, #tpu.memory_space<hbm>>) dst(%dma_wait3A_586 : memref<64x128xf32, #tpu.memory_space<vmem>>)
    %dma_wait3A_592 = arith.constant 256 : i32
    %dma_wait3A_593 = arith.constant 0 : i32
    %dma_wait3A_594 = tpu.memref_slice %arg14[%dma_wait3A_592, %dma_wait3A_593] : memref<320x128xf32, #tpu.memory_space<vmem>> -> memref<64x128xf32, #tpu.memory_space<vmem>>
    %dma_wait3A_595 = arith.constant 7936 : i32
    %dma_wait3A_596 = tpu.memref_slice %arg11[%dma_wait3A_595] : memref<8000xi32, #tpu.memory_space<vmem>> -> memref<64xi32, #tpu.memory_space<vmem>>
    %dma_wait3A_597 = arith.constant 0 : i32
    %dma_wait3A_598 = arith.constant 0 : i32
    %dma_wait3A_599 = tpu.memref_slice %arg5[%dma_wait3A_597, %dma_wait3A_598] : memref<10000x128xf32, #tpu.memory_space<hbm>> -> memref<10000x128xf32, #tpu.memory_space<hbm>>
    tpu.wait_indirect_dma semaphore(%arg21 : memref<!tpu.dma_semaphore, #tpu.memory_space<semaphore_mem>>) src(%dma_wait3A_599 : memref<10000x128xf32, #tpu.memory_space<hbm>>) dst(%dma_wait3A_594 : memref<64x128xf32, #tpu.memory_space<vmem>>)
    %dma_start3A_600 = arith.constant 0 : i32
    %dma_start3A_601 = arith.constant 0 : i32
    %dma_start3A_602 = arith.constant 0 : i32
    %dma_start3A_603 = arith.constant 0 : i32
    %dma_start3A_604 = tpu.memref_slice %arg14[%dma_start3A_602, %dma_start3A_603] : memref<320x128xf32, #tpu.memory_space<vmem>> -> memref<64x128xf32, #tpu.memory_space<vmem>>
    %dma_start3A_605 = arith.constant 0 : i32
    %dma_start3A_606 = tpu.memref_slice %arg16[%dma_start3A_600, %dma_start3A_601, %dma_start3A_605] : memref<2x5x64xi32, #tpu.memory_space<vmem>> -> memref<1x1x64xi32, #tpu.memory_space<vmem>>
    %dma_start3A_607 = tpu.memref_squeeze %dma_start3A_606 : memref<1x1x64xi32, #tpu.memory_space<vmem>> -> memref<64xi32, #tpu.memory_space<vmem>>
    %dma_start3A_608 = arith.constant 0 : i32
    %dma_start3A_609 = arith.constant 0 : i32
    %dma_start3A_610 = tpu.memref_slice %arg18[%dma_start3A_608, %dma_start3A_609] : memref<1024x128xf32, #tpu.memory_space<vmem_shared>> -> memref<1024x128xf32, #tpu.memory_space<vmem_shared>>
    tpu.enqueue_indirect_dma source(%dma_start3A_604 : memref<64x128xf32, #tpu.memory_space<vmem>>) target(%dma_start3A_610 : memref<1024x128xf32, #tpu.memory_space<vmem_shared>>) offsets(%dma_start3A_607 : memref<64xi32, #tpu.memory_space<vmem>>) semaphore(%arg23 : memref<!tpu.dma_semaphore, #tpu.memory_space<semaphore_mem>>) {add = true}
    %dma_start3A_611 = arith.constant 0 : i32
    %dma_start3A_612 = arith.constant 1 : i32
    %dma_start3A_613 = arith.constant 64 : i32
    %dma_start3A_614 = arith.constant 0 : i32
    %dma_start3A_615 = tpu.memref_slice %arg14[%dma_start3A_613, %dma_start3A_614] : memref<320x128xf32, #tpu.memory_space<vmem>> -> memref<64x128xf32, #tpu.memory_space<vmem>>
    %dma_start3A_616 = arith.constant 0 : i32
    %dma_start3A_617 = tpu.memref_slice %arg16[%dma_start3A_611, %dma_start3A_612, %dma_start3A_616] : memref<2x5x64xi32, #tpu.memory_space<vmem>> -> memref<1x1x64xi32, #tpu.memory_space<vmem>>
    %dma_start3A_618 = tpu.memref_squeeze %dma_start3A_617 : memref<1x1x64xi32, #tpu.memory_space<vmem>> -> memref<64xi32, #tpu.memory_space<vmem>>
    %dma_start3A_619 = arith.constant 0 : i32
    %dma_start3A_620 = arith.constant 0 : i32
    %dma_start3A_621 = tpu.memref_slice %arg18[%dma_start3A_619, %dma_start3A_620] : memref<1024x128xf32, #tpu.memory_space<vmem_shared>> -> memref<1024x128xf32, #tpu.memory_space<vmem_shared>>
    tpu.enqueue_indirect_dma source(%dma_start3A_615 : memref<64x128xf32, #tpu.memory_space<vmem>>) target(%dma_start3A_621 : memref<1024x128xf32, #tpu.memory_space<vmem_shared>>) offsets(%dma_start3A_618 : memref<64xi32, #tpu.memory_space<vmem>>) semaphore(%arg23 : memref<!tpu.dma_semaphore, #tpu.memory_space<semaphore_mem>>) {add = true}
    %dma_start3A_622 = arith.constant 0 : i32
    %dma_start3A_623 = arith.constant 2 : i32
    %dma_start3A_624 = arith.constant 128 : i32
    %dma_start3A_625 = arith.constant 0 : i32
    %dma_start3A_626 = tpu.memref_slice %arg14[%dma_start3A_624, %dma_start3A_625] : memref<320x128xf32, #tpu.memory_space<vmem>> -> memref<64x128xf32, #tpu.memory_space<vmem>>
    %dma_start3A_627 = arith.constant 0 : i32
    %dma_start3A_628 = tpu.memref_slice %arg16[%dma_start3A_622, %dma_start3A_623, %dma_start3A_627] : memref<2x5x64xi32, #tpu.memory_space<vmem>> -> memref<1x1x64xi32, #tpu.memory_space<vmem>>
    %dma_start3A_629 = tpu.memref_squeeze %dma_start3A_628 : memref<1x1x64xi32, #tpu.memory_space<vmem>> -> memref<64xi32, #tpu.memory_space<vmem>>
    %dma_start3A_630 = arith.constant 0 : i32
    %dma_start3A_631 = arith.constant 0 : i32
    %dma_start3A_632 = tpu.memref_slice %arg18[%dma_start3A_630, %dma_start3A_631] : memref<1024x128xf32, #tpu.memory_space<vmem_shared>> -> memref<1024x128xf32, #tpu.memory_space<vmem_shared>>
    tpu.enqueue_indirect_dma source(%dma_start3A_626 : memref<64x128xf32, #tpu.memory_space<vmem>>) target(%dma_start3A_632 : memref<1024x128xf32, #tpu.memory_space<vmem_shared>>) offsets(%dma_start3A_629 : memref<64xi32, #tpu.memory_space<vmem>>) semaphore(%arg23 : memref<!tpu.dma_semaphore, #tpu.memory_space<semaphore_mem>>) {add = true}
    %dma_start3A_633 = arith.constant 0 : i32
    %dma_start3A_634 = arith.constant 3 : i32
    %dma_start3A_635 = arith.constant 192 : i32
    %dma_start3A_636 = arith.constant 0 : i32
    %dma_start3A_637 = tpu.memref_slice %arg14[%dma_start3A_635, %dma_start3A_636] : memref<320x128xf32, #tpu.memory_space<vmem>> -> memref<64x128xf32, #tpu.memory_space<vmem>>
    %dma_start3A_638 = arith.constant 0 : i32
    %dma_start3A_639 = tpu.memref_slice %arg16[%dma_start3A_633, %dma_start3A_634, %dma_start3A_638] : memref<2x5x64xi32, #tpu.memory_space<vmem>> -> memref<1x1x64xi32, #tpu.memory_space<vmem>>
    %dma_start3A_640 = tpu.memref_squeeze %dma_start3A_639 : memref<1x1x64xi32, #tpu.memory_space<vmem>> -> memref<64xi32, #tpu.memory_space<vmem>>
    %dma_start3A_641 = arith.constant 0 : i32
    %dma_start3A_642 = arith.constant 0 : i32
    %dma_start3A_643 = tpu.memref_slice %arg18[%dma_start3A_641, %dma_start3A_642] : memref<1024x128xf32, #tpu.memory_space<vmem_shared>> -> memref<1024x128xf32, #tpu.memory_space<vmem_shared>>
    tpu.enqueue_indirect_dma source(%dma_start3A_637 : memref<64x128xf32, #tpu.memory_space<vmem>>) target(%dma_start3A_643 : memref<1024x128xf32, #tpu.memory_space<vmem_shared>>) offsets(%dma_start3A_640 : memref<64xi32, #tpu.memory_space<vmem>>) semaphore(%arg23 : memref<!tpu.dma_semaphore, #tpu.memory_space<semaphore_mem>>) {add = true}
    %dma_start3A_644 = arith.constant 0 : i32
    %dma_start3A_645 = arith.constant 4 : i32
    %dma_start3A_646 = arith.constant 256 : i32
    %dma_start3A_647 = arith.constant 0 : i32
    %dma_start3A_648 = tpu.memref_slice %arg14[%dma_start3A_646, %dma_start3A_647] : memref<320x128xf32, #tpu.memory_space<vmem>> -> memref<64x128xf32, #tpu.memory_space<vmem>>
    %dma_start3A_649 = arith.constant 0 : i32
    %dma_start3A_650 = tpu.memref_slice %arg16[%dma_start3A_644, %dma_start3A_645, %dma_start3A_649] : memref<2x5x64xi32, #tpu.memory_space<vmem>> -> memref<1x1x64xi32, #tpu.memory_space<vmem>>
    %dma_start3A_651 = tpu.memref_squeeze %dma_start3A_650 : memref<1x1x64xi32, #tpu.memory_space<vmem>> -> memref<64xi32, #tpu.memory_space<vmem>>
    %dma_start3A_652 = arith.constant 0 : i32
    %dma_start3A_653 = arith.constant 0 : i32
    %dma_start3A_654 = tpu.memref_slice %arg18[%dma_start3A_652, %dma_start3A_653] : memref<1024x128xf32, #tpu.memory_space<vmem_shared>> -> memref<1024x128xf32, #tpu.memory_space<vmem_shared>>
    tpu.enqueue_indirect_dma source(%dma_start3A_648 : memref<64x128xf32, #tpu.memory_space<vmem>>) target(%dma_start3A_654 : memref<1024x128xf32, #tpu.memory_space<vmem_shared>>) offsets(%dma_start3A_651 : memref<64xi32, #tpu.memory_space<vmem>>) semaphore(%arg23 : memref<!tpu.dma_semaphore, #tpu.memory_space<semaphore_mem>>) {add = true}
    %dma_wait3A_655 = arith.constant 0 : i32
    %dma_wait3A_656 = arith.constant 0 : i32
    %dma_wait3A_657 = arith.constant 0 : i32
    %dma_wait3A_658 = arith.constant 0 : i32
    %dma_wait3A_659 = tpu.memref_slice %arg14[%dma_wait3A_657, %dma_wait3A_658] : memref<320x128xf32, #tpu.memory_space<vmem>> -> memref<64x128xf32, #tpu.memory_space<vmem>>
    %dma_wait3A_660 = arith.constant 0 : i32
    %dma_wait3A_661 = tpu.memref_slice %arg16[%dma_wait3A_655, %dma_wait3A_656, %dma_wait3A_660] : memref<2x5x64xi32, #tpu.memory_space<vmem>> -> memref<1x1x64xi32, #tpu.memory_space<vmem>>
    %dma_wait3A_662 = tpu.memref_squeeze %dma_wait3A_661 : memref<1x1x64xi32, #tpu.memory_space<vmem>> -> memref<64xi32, #tpu.memory_space<vmem>>
    %dma_wait3A_663 = arith.constant 0 : i32
    %dma_wait3A_664 = arith.constant 0 : i32
    %dma_wait3A_665 = tpu.memref_slice %arg18[%dma_wait3A_663, %dma_wait3A_664] : memref<1024x128xf32, #tpu.memory_space<vmem_shared>> -> memref<1024x128xf32, #tpu.memory_space<vmem_shared>>
    tpu.wait_indirect_dma semaphore(%arg23 : memref<!tpu.dma_semaphore, #tpu.memory_space<semaphore_mem>>) src(%dma_wait3A_659 : memref<64x128xf32, #tpu.memory_space<vmem>>) dst(%dma_wait3A_665 : memref<1024x128xf32, #tpu.memory_space<vmem_shared>>)
    %dma_wait3A_666 = arith.constant 0 : i32
    %dma_wait3A_667 = arith.constant 1 : i32
    %dma_wait3A_668 = arith.constant 64 : i32
    %dma_wait3A_669 = arith.constant 0 : i32
    %dma_wait3A_670 = tpu.memref_slice %arg14[%dma_wait3A_668, %dma_wait3A_669] : memref<320x128xf32, #tpu.memory_space<vmem>> -> memref<64x128xf32, #tpu.memory_space<vmem>>
    %dma_wait3A_671 = arith.constant 0 : i32
    %dma_wait3A_672 = tpu.memref_slice %arg16[%dma_wait3A_666, %dma_wait3A_667, %dma_wait3A_671] : memref<2x5x64xi32, #tpu.memory_space<vmem>> -> memref<1x1x64xi32, #tpu.memory_space<vmem>>
    %dma_wait3A_673 = tpu.memref_squeeze %dma_wait3A_672 : memref<1x1x64xi32, #tpu.memory_space<vmem>> -> memref<64xi32, #tpu.memory_space<vmem>>
    %dma_wait3A_674 = arith.constant 0 : i32
    %dma_wait3A_675 = arith.constant 0 : i32
    %dma_wait3A_676 = tpu.memref_slice %arg18[%dma_wait3A_674, %dma_wait3A_675] : memref<1024x128xf32, #tpu.memory_space<vmem_shared>> -> memref<1024x128xf32, #tpu.memory_space<vmem_shared>>
    tpu.wait_indirect_dma semaphore(%arg23 : memref<!tpu.dma_semaphore, #tpu.memory_space<semaphore_mem>>) src(%dma_wait3A_670 : memref<64x128xf32, #tpu.memory_space<vmem>>) dst(%dma_wait3A_676 : memref<1024x128xf32, #tpu.memory_space<vmem_shared>>)
    %dma_wait3A_677 = arith.constant 0 : i32
    %dma_wait3A_678 = arith.constant 2 : i32
    %dma_wait3A_679 = arith.constant 128 : i32
    %dma_wait3A_680 = arith.constant 0 : i32
    %dma_wait3A_681 = tpu.memref_slice %arg14[%dma_wait3A_679, %dma_wait3A_680] : memref<320x128xf32, #tpu.memory_space<vmem>> -> memref<64x128xf32, #tpu.memory_space<vmem>>
    %dma_wait3A_682 = arith.constant 0 : i32
    %dma_wait3A_683 = tpu.memref_slice %arg16[%dma_wait3A_677, %dma_wait3A_678, %dma_wait3A_682] : memref<2x5x64xi32, #tpu.memory_space<vmem>> -> memref<1x1x64xi32, #tpu.memory_space<vmem>>
    %dma_wait3A_684 = tpu.memref_squeeze %dma_wait3A_683 : memref<1x1x64xi32, #tpu.memory_space<vmem>> -> memref<64xi32, #tpu.memory_space<vmem>>
    %dma_wait3A_685 = arith.constant 0 : i32
    %dma_wait3A_686 = arith.constant 0 : i32
    %dma_wait3A_687 = tpu.memref_slice %arg18[%dma_wait3A_685, %dma_wait3A_686] : memref<1024x128xf32, #tpu.memory_space<vmem_shared>> -> memref<1024x128xf32, #tpu.memory_space<vmem_shared>>
    tpu.wait_indirect_dma semaphore(%arg23 : memref<!tpu.dma_semaphore, #tpu.memory_space<semaphore_mem>>) src(%dma_wait3A_681 : memref<64x128xf32, #tpu.memory_space<vmem>>) dst(%dma_wait3A_687 : memref<1024x128xf32, #tpu.memory_space<vmem_shared>>)
    %dma_wait3A_688 = arith.constant 0 : i32
    %dma_wait3A_689 = arith.constant 3 : i32
    %dma_wait3A_690 = arith.constant 192 : i32
    %dma_wait3A_691 = arith.constant 0 : i32
    %dma_wait3A_692 = tpu.memref_slice %arg14[%dma_wait3A_690, %dma_wait3A_691] : memref<320x128xf32, #tpu.memory_space<vmem>> -> memref<64x128xf32, #tpu.memory_space<vmem>>
    %dma_wait3A_693 = arith.constant 0 : i32
    %dma_wait3A_694 = tpu.memref_slice %arg16[%dma_wait3A_688, %dma_wait3A_689, %dma_wait3A_693] : memref<2x5x64xi32, #tpu.memory_space<vmem>> -> memref<1x1x64xi32, #tpu.memory_space<vmem>>
    %dma_wait3A_695 = tpu.memref_squeeze %dma_wait3A_694 : memref<1x1x64xi32, #tpu.memory_space<vmem>> -> memref<64xi32, #tpu.memory_space<vmem>>
    %dma_wait3A_696 = arith.constant 0 : i32
    %dma_wait3A_697 = arith.constant 0 : i32
    %dma_wait3A_698 = tpu.memref_slice %arg18[%dma_wait3A_696, %dma_wait3A_697] : memref<1024x128xf32, #tpu.memory_space<vmem_shared>> -> memref<1024x128xf32, #tpu.memory_space<vmem_shared>>
    tpu.wait_indirect_dma semaphore(%arg23 : memref<!tpu.dma_semaphore, #tpu.memory_space<semaphore_mem>>) src(%dma_wait3A_692 : memref<64x128xf32, #tpu.memory_space<vmem>>) dst(%dma_wait3A_698 : memref<1024x128xf32, #tpu.memory_space<vmem_shared>>)
    %dma_wait3A_699 = arith.constant 0 : i32
    %dma_wait3A_700 = arith.constant 4 : i32
    %dma_wait3A_701 = arith.constant 256 : i32
    %dma_wait3A_702 = arith.constant 0 : i32
    %dma_wait3A_703 = tpu.memref_slice %arg14[%dma_wait3A_701, %dma_wait3A_702] : memref<320x128xf32, #tpu.memory_space<vmem>> -> memref<64x128xf32, #tpu.memory_space<vmem>>
    %dma_wait3A_704 = arith.constant 0 : i32
    %dma_wait3A_705 = tpu.memref_slice %arg16[%dma_wait3A_699, %dma_wait3A_700, %dma_wait3A_704] : memref<2x5x64xi32, #tpu.memory_space<vmem>> -> memref<1x1x64xi32, #tpu.memory_space<vmem>>
    %dma_wait3A_706 = tpu.memref_squeeze %dma_wait3A_705 : memref<1x1x64xi32, #tpu.memory_space<vmem>> -> memref<64xi32, #tpu.memory_space<vmem>>
    %dma_wait3A_707 = arith.constant 0 : i32
    %dma_wait3A_708 = arith.constant 0 : i32
    %dma_wait3A_709 = tpu.memref_slice %arg18[%dma_wait3A_707, %dma_wait3A_708] : memref<1024x128xf32, #tpu.memory_space<vmem_shared>> -> memref<1024x128xf32, #tpu.memory_space<vmem_shared>>
    tpu.wait_indirect_dma semaphore(%arg23 : memref<!tpu.dma_semaphore, #tpu.memory_space<semaphore_mem>>) src(%dma_wait3A_703 : memref<64x128xf32, #tpu.memory_space<vmem>>) dst(%dma_wait3A_709 : memref<1024x128xf32, #tpu.memory_space<vmem_shared>>)
    %mul3A_710 = arith.constant 2 : i32
    %mul3A_711 = arith.muli %arg1, %mul3A_710 : i32
    %add3A_712 = arith.constant 0 : i32
    %add3A_713 = arith.addi %mul3A_711, %add3A_712 : i32
    %mul3A_714 = arith.constant 32 : i32
    %mul3A_715 = arith.muli %add3A_713, %mul3A_714 : i32
    %add3A_716 = arith.constant 768 : i32
    %add3A_717 = arith.addi %mul3A_2, %add3A_716 : i32
    %dma_start3A_718 = arith.constant 0 : i32
    %dma_start3A_719 = tpu.memref_slice %arg9[%add3A_717, %dma_start3A_718] : memref<25600x128xf32, #tpu.memory_space<hbm>> -> memref<32x128xf32, #tpu.memory_space<hbm>>
    %dma_start3A_720 = arith.constant 0 : i32
    %dma_start3A_721 = tpu.memref_slice %arg18[%mul3A_715, %dma_start3A_720] : memref<1024x128xf32, #tpu.memory_space<vmem_shared>> -> memref<32x128xf32, #tpu.memory_space<vmem_shared>>
    tpu.enqueue_dma source(%dma_start3A_721 : memref<32x128xf32, #tpu.memory_space<vmem_shared>>) target(%dma_start3A_719 : memref<32x128xf32, #tpu.memory_space<hbm>>) target_semaphore(%arg27 : memref<!tpu.dma_semaphore, #tpu.memory_space<semaphore_mem>>)
    %add3A_722 = arith.constant 736 : i32
    %add3A_723 = arith.addi %mul3A_2, %add3A_722 : i32
    %dma_wait3A_724 = arith.constant 0 : i32
    %dma_wait3A_725 = tpu.memref_slice %arg8[%add3A_723, %dma_wait3A_724] : memref<25600x128xf32, #tpu.memory_space<hbm>> -> memref<32x128xf32, #tpu.memory_space<hbm>>
    %dma_wait3A_726 = arith.constant 0 : i32
    %dma_wait3A_727 = tpu.memref_slice %arg8[%add3A_723, %dma_wait3A_726] : memref<25600x128xf32, #tpu.memory_space<hbm>> -> memref<32x128xf32, #tpu.memory_space<hbm>>
    tpu.wait_dma2 semaphore(%arg26 : memref<!tpu.dma_semaphore, #tpu.memory_space<semaphore_mem>>) src(%arg13 : memref<32x128xf32, #tpu.memory_space<vmem>>) dst(%dma_wait3A_727 : memref<32x128xf32, #tpu.memory_space<hbm>>)
    %mul3A_728 = arith.constant 2 : i32
    %mul3A_729 = arith.muli %arg1, %mul3A_728 : i32
    %add3A_730 = arith.constant 1 : i32
    %add3A_731 = arith.addi %mul3A_729, %add3A_730 : i32
    %mul3A_732 = arith.constant 32 : i32
    %mul3A_733 = arith.muli %add3A_731, %mul3A_732 : i32
    %add3A_734 = arith.constant 736 : i32
    %add3A_735 = arith.addi %mul3A_2, %add3A_734 : i32
    %dma_wait3A_736 = arith.constant 0 : i32
    %dma_wait3A_737 = tpu.memref_slice %arg9[%add3A_735, %dma_wait3A_736] : memref<25600x128xf32, #tpu.memory_space<hbm>> -> memref<32x128xf32, #tpu.memory_space<hbm>>
    %dma_wait3A_738 = arith.constant 0 : i32
    %dma_wait3A_739 = tpu.memref_slice %arg18[%mul3A_733, %dma_wait3A_738] : memref<1024x128xf32, #tpu.memory_space<vmem_shared>> -> memref<32x128xf32, #tpu.memory_space<vmem_shared>>
    tpu.wait_dma2 semaphore(%arg28 : memref<!tpu.dma_semaphore, #tpu.memory_space<semaphore_mem>>) src(%dma_wait3A_739 : memref<32x128xf32, #tpu.memory_space<vmem_shared>>) dst(%dma_wait3A_737 : memref<32x128xf32, #tpu.memory_space<hbm>>)
    %add3A_740 = arith.constant 768 : i32
    %add3A_741 = arith.addi %mul3A_2, %add3A_740 : i32
    %dma_wait3A_742 = arith.constant 0 : i32
    %dma_wait3A_743 = tpu.memref_slice %arg8[%add3A_741, %dma_wait3A_742] : memref<25600x128xf32, #tpu.memory_space<hbm>> -> memref<32x128xf32, #tpu.memory_space<hbm>>
    %dma_wait3A_744 = arith.constant 0 : i32
    %dma_wait3A_745 = tpu.memref_slice %arg8[%add3A_741, %dma_wait3A_744] : memref<25600x128xf32, #tpu.memory_space<hbm>> -> memref<32x128xf32, #tpu.memory_space<hbm>>
    tpu.wait_dma2 semaphore(%arg25 : memref<!tpu.dma_semaphore, #tpu.memory_space<semaphore_mem>>) src(%arg12 : memref<32x128xf32, #tpu.memory_space<vmem>>) dst(%dma_wait3A_745 : memref<32x128xf32, #tpu.memory_space<hbm>>)
    %mul3A_746 = arith.constant 2 : i32
    %mul3A_747 = arith.muli %arg1, %mul3A_746 : i32
    %add3A_748 = arith.constant 0 : i32
    %add3A_749 = arith.addi %mul3A_747, %add3A_748 : i32
    %mul3A_750 = arith.constant 32 : i32
    %mul3A_751 = arith.muli %add3A_749, %mul3A_750 : i32
    %add3A_752 = arith.constant 768 : i32
    %add3A_753 = arith.addi %mul3A_2, %add3A_752 : i32
    %dma_wait3A_754 = arith.constant 0 : i32
    %dma_wait3A_755 = tpu.memref_slice %arg9[%add3A_753, %dma_wait3A_754] : memref<25600x128xf32, #tpu.memory_space<hbm>> -> memref<32x128xf32, #tpu.memory_space<hbm>>
    %dma_wait3A_756 = arith.constant 0 : i32
    %dma_wait3A_757 = tpu.memref_slice %arg18[%mul3A_751, %dma_wait3A_756] : memref<1024x128xf32, #tpu.memory_space<vmem_shared>> -> memref<32x128xf32, #tpu.memory_space<vmem_shared>>
    tpu.wait_dma2 semaphore(%arg27 : memref<!tpu.dma_semaphore, #tpu.memory_space<semaphore_mem>>) src(%dma_wait3A_757 : memref<32x128xf32, #tpu.memory_space<vmem_shared>>) dst(%dma_wait3A_755 : memref<32x128xf32, #tpu.memory_space<hbm>>)
    return
  }
}

#map = affine_map<(d0, d1) -> (0)>
#map1 = affine_map<(d0, d1) -> (0, 0)>
#map2 = affine_map<(d0, d1) -> (0, 0, 0, 0)>
module attributes {stable_mosaic.version = 14 : i64} {
  func.func @k(%arg0: i32, %arg1: i32, %arg2: memref<25600xi32, #tpu.memory_space<hbm>>, %arg3: memref<256000xi32, #tpu.memory_space<hbm>>, %arg4: memref<100000x128xf32, #tpu.memory_space<hbm>>, %arg5: memref<10000x128xf32, #tpu.memory_space<hbm>>, %arg6: memref<32x128xf32, #tpu.memory_space<hbm>>, %arg7: memref<16x2x5x64xi32, #tpu.memory_space<hbm>>, %arg8: memref<25600x128xf32, #tpu.memory_space<hbm>>, %arg9: memref<25600x128xf32, #tpu.memory_space<hbm>>, %arg10: memref<800xi32, #tpu.memory_space<vmem>>, %arg11: memref<8000xi32, #tpu.memory_space<vmem>>, %arg12: memref<32x128xf32, #tpu.memory_space<vmem>>, %arg13: memref<32x128xf32, #tpu.memory_space<vmem>>, %arg14: memref<320x128xf32, #tpu.memory_space<vmem>>, %arg15: memref<320x128xf32, #tpu.memory_space<vmem>>, %arg16: memref<2x5x64xi32, #tpu.memory_space<vmem>>, %arg17: memref<32x128xf32, #tpu.memory_space<vmem>>, %arg18: memref<1024x128xf32, #tpu.memory_space<vmem_shared>>, %arg19: memref<!tpu.dma_semaphore, #tpu.memory_space<semaphore_mem>>, %arg20: memref<!tpu.dma_semaphore, #tpu.memory_space<semaphore_mem>>, %arg21: memref<!tpu.dma_semaphore, #tpu.memory_space<semaphore_mem>>, %arg22: memref<!tpu.dma_semaphore, #tpu.memory_space<semaphore_mem>>, %arg23: memref<!tpu.dma_semaphore, #tpu.memory_space<semaphore_mem>>, %arg24: memref<!tpu.dma_semaphore, #tpu.memory_space<semaphore_mem>>, %arg25: memref<!tpu.dma_semaphore, #tpu.memory_space<semaphore_mem>>, %arg26: memref<!tpu.dma_semaphore, #tpu.memory_space<semaphore_mem>>, %arg27: memref<!tpu.dma_semaphore, #tpu.memory_space<semaphore_mem>>, %arg28: memref<!tpu.dma_semaphore, #tpu.memory_space<semaphore_mem>>) attributes {dimension_semantics = [#tpu.dimension_semantics<core_parallel>, #tpu.dimension_semantics<subcore_parallel>], iteration_bounds = array<i64: 2, 16>, scalar_prefetch = 0 : i64, scratch_operands = 19 : i64, tpu.core_type = #tpu.core_type<sc_vector_subcore>, window_params = [{transform_indices = #map}, {transform_indices = #map}, {transform_indices = #map1}, {transform_indices = #map1}, {transform_indices = #map1}, {transform_indices = #map2}, {transform_indices = #map1}, {transform_indices = #map1}]} {
    %mul3A = arith.constant 2 : i32
    %mul3A_0 = arith.muli %arg1, %mul3A : i32
    %add3A = arith.addi %mul3A_0, %arg0 : i32
    %mul3A_1 = arith.constant 800 : i32
    %mul3A_2 = arith.muli %add3A, %mul3A_1 : i32
    "tpu.region"() ({
      %run_scoped3A = tpu.sem_alloc : memref<!tpu.dma_semaphore, #tpu.memory_space<semaphore_mem>>
      tpu.enqueue_dma source(%arg6 : memref<32x128xf32, #tpu.memory_space<hbm>>) target(%arg17 : memref<32x128xf32, #tpu.memory_space<vmem>>) target_semaphore(%run_scoped3A : memref<!tpu.dma_semaphore, #tpu.memory_space<semaphore_mem>>)
      tpu.wait_dma2 semaphore(%run_scoped3A : memref<!tpu.dma_semaphore, #tpu.memory_space<semaphore_mem>>) src(%arg6 : memref<32x128xf32, #tpu.memory_space<hbm>>) dst(%arg17 : memref<32x128xf32, #tpu.memory_space<vmem>>)
      tpu.yield
    }) : () -> ()
    "tpu.region"() ({
      %run_scoped3A = tpu.sem_alloc : memref<!tpu.dma_semaphore, #tpu.memory_space<semaphore_mem>>
      %dma_start3A_758 = arith.constant 0 : i32
      %dma_start3A_759 = arith.constant 0 : i32
      %dma_start3A_760 = arith.constant 0 : i32
      %dma_start3A_761 = tpu.memref_slice %arg7[%arg1, %dma_start3A_758, %dma_start3A_759, %dma_start3A_760] : memref<16x2x5x64xi32, #tpu.memory_space<hbm>> -> memref<1x2x5x64xi32, #tpu.memory_space<hbm>>
      %dma_start3A_762 = tpu.memref_squeeze %dma_start3A_761 : memref<1x2x5x64xi32, #tpu.memory_space<hbm>> -> memref<2x5x64xi32, #tpu.memory_space<hbm>>
      %dma_start3A_763 = arith.constant 0 : i32
      %dma_start3A_764 = arith.constant 0 : i32
      %dma_start3A_765 = arith.constant 0 : i32
      %dma_start3A_766 = tpu.memref_slice %arg7[%arg1, %dma_start3A_763, %dma_start3A_764, %dma_start3A_765] : memref<16x2x5x64xi32, #tpu.memory_space<hbm>> -> memref<1x2x5x64xi32, #tpu.memory_space<hbm>>
      %dma_start3A_767 = tpu.memref_squeeze %dma_start3A_766 : memref<1x2x5x64xi32, #tpu.memory_space<hbm>> -> memref<2x5x64xi32, #tpu.memory_space<hbm>>
      tpu.enqueue_dma source(%dma_start3A_767 : memref<2x5x64xi32, #tpu.memory_space<hbm>>) target(%arg16 : memref<2x5x64xi32, #tpu.memory_space<vmem>>) target_semaphore(%run_scoped3A : memref<!tpu.dma_semaphore, #tpu.memory_space<semaphore_mem>>)
      %dma_wait3A_768 = arith.constant 0 : i32
      %dma_wait3A_769 = arith.constant 0 : i32
      %dma_wait3A_770 = arith.constant 0 : i32
      %dma_wait3A_771 = tpu.memref_slice %arg7[%arg1, %dma_wait3A_768, %dma_wait3A_769, %dma_wait3A_770] : memref<16x2x5x64xi32, #tpu.memory_space<hbm>> -> memref<1x2x5x64xi32, #tpu.memory_space<hbm>>
      %dma_wait3A_772 = tpu.memref_squeeze %dma_wait3A_771 : memref<1x2x5x64xi32, #tpu.memory_space<hbm>> -> memref<2x5x64xi32, #tpu.memory_space<hbm>>
      %dma_wait3A_773 = arith.constant 0 : i32
      %dma_wait3A_774 = arith.constant 0 : i32
      %dma_wait3A_775 = arith.constant 0 : i32
      %dma_wait3A_776 = tpu.memref_slice %arg7[%arg1, %dma_wait3A_773, %dma_wait3A_774, %dma_wait3A_775] : memref<16x2x5x64xi32, #tpu.memory_space<hbm>> -> memref<1x2x5x64xi32, #tpu.memory_space<hbm>>
      %dma_wait3A_777 = tpu.memref_squeeze %dma_wait3A_776 : memref<1x2x5x64xi32, #tpu.memory_space<hbm>> -> memref<2x5x64xi32, #tpu.memory_space<hbm>>
      tpu.wait_dma2 semaphore(%run_scoped3A : memref<!tpu.dma_semaphore, #tpu.memory_space<semaphore_mem>>) src(%dma_wait3A_777 : memref<2x5x64xi32, #tpu.memory_space<hbm>>) dst(%arg16 : memref<2x5x64xi32, #tpu.memory_space<vmem>>)
      tpu.yield
    }) : () -> ()
    "tpu.region"() ({
      %run_scoped3A = tpu.sem_alloc : memref<!tpu.dma_semaphore, #tpu.memory_space<semaphore_mem>>
      %dma_start3A_758 = tpu.memref_slice %arg2[%mul3A_2] : memref<25600xi32, #tpu.memory_space<hbm>> -> memref<800xi32, #tpu.memory_space<hbm>>
      %dma_start3A_759 = tpu.memref_slice %arg2[%mul3A_2] : memref<25600xi32, #tpu.memory_space<hbm>> -> memref<800xi32, #tpu.memory_space<hbm>>
      tpu.enqueue_dma source(%dma_start3A_759 : memref<800xi32, #tpu.memory_space<hbm>>) target(%arg10 : memref<800xi32, #tpu.memory_space<vmem>>) target_semaphore(%run_scoped3A : memref<!tpu.dma_semaphore, #tpu.memory_space<semaphore_mem>>)
      %dma_wait3A_760 = tpu.memref_slice %arg2[%mul3A_2] : memref<25600xi32, #tpu.memory_space<hbm>> -> memref<800xi32, #tpu.memory_space<hbm>>
      %dma_wait3A_761 = tpu.memref_slice %arg2[%mul3A_2] : memref<25600xi32, #tpu.memory_space<hbm>> -> memref<800xi32, #tpu.memory_space<hbm>>
      tpu.wait_dma2 semaphore(%run_scoped3A : memref<!tpu.dma_semaphore, #tpu.memory_space<semaphore_mem>>) src(%dma_wait3A_761 : memref<800xi32, #tpu.memory_space<hbm>>) dst(%arg10 : memref<800xi32, #tpu.memory_space<vmem>>)
      tpu.yield
    }) : () -> ()
    %mul3A_3 = arith.constant 10 : i32
    %mul3A_4 = arith.muli %mul3A_2, %mul3A_3 : i32
    "tpu.region"() ({
      %run_scoped3A = tpu.sem_alloc : memref<!tpu.dma_semaphore, #tpu.memory_space<semaphore_mem>>
      %dma_start3A_758 = tpu.memref_slice %arg3[%mul3A_4] : memref<256000xi32, #tpu.memory_space<hbm>> -> memref<8000xi32, #tpu.memory_space<hbm>>
      %dma_start3A_759 = tpu.memref_slice %arg3[%mul3A_4] : memref<256000xi32, #tpu.memory_space<hbm>> -> memref<8000xi32, #tpu.memory_space<hbm>>
      tpu.enqueue_dma source(%dma_start3A_759 : memref<8000xi32, #tpu.memory_space<hbm>>) target(%arg11 : memref<8000xi32, #tpu.memory_space<vmem>>) target_semaphore(%run_scoped3A : memref<!tpu.dma_semaphore, #tpu.memory_space<semaphore_mem>>)
      %dma_wait3A_760 = tpu.memref_slice %arg3[%mul3A_4] : memref<256000xi32, #tpu.memory_space<hbm>> -> memref<8000xi32, #tpu.memory_space<hbm>>
      %dma_wait3A_761 = tpu.memref_slice %arg3[%mul3A_4] : memref<256000xi32, #tpu.memory_space<hbm>> -> memref<8000xi32, #tpu.memory_space<hbm>>
      tpu.wait_dma2 semaphore(%run_scoped3A : memref<!tpu.dma_semaphore, #tpu.memory_space<semaphore_mem>>) src(%dma_wait3A_761 : memref<8000xi32, #tpu.memory_space<hbm>>) dst(%arg11 : memref<8000xi32, #tpu.memory_space<vmem>>)
      tpu.yield
    }) : () -> ()
    %dma_start3A = arith.constant 0 : i32
    %dma_start3A_5 = tpu.memref_slice %arg10[%dma_start3A] : memref<800xi32, #tpu.memory_space<vmem>> -> memref<32xi32, #tpu.memory_space<vmem>>
    %dma_start3A_6 = arith.constant 0 : i32
    %dma_start3A_7 = arith.constant 0 : i32
    %dma_start3A_8 = tpu.memref_slice %arg4[%dma_start3A_6, %dma_start3A_7] : memref<100000x128xf32, #tpu.memory_space<hbm>> -> memref<100000x128xf32, #tpu.memory_space<hbm>>
    tpu.enqueue_indirect_dma source(%dma_start3A_8 : memref<100000x128xf32, #tpu.memory_space<hbm>>) target(%arg12 : memref<32x128xf32, #tpu.memory_space<vmem>>) offsets(%dma_start3A_5 : memref<32xi32, #tpu.memory_space<vmem>>) semaphore(%arg19 : memref<!tpu.dma_semaphore, #tpu.memory_space<semaphore_mem>>)
    %dma_start3A_9 = arith.constant 0 : i32
    %dma_start3A_10 = arith.constant 0 : i32
    %dma_start3A_11 = tpu.memref_slice %arg14[%dma_start3A_9, %dma_start3A_10] : memref<320x128xf32, #tpu.memory_space<vmem>> -> memref<64x128xf32, #tpu.memory_space<vmem>>
    %dma_start3A_12 = arith.constant 0 : i32
    %dma_start3A_13 = tpu.memref_slice %arg11[%dma_start3A_12] : memref<8000xi32, #tpu.memory_space<vmem>> -> memref<64xi32, #tpu.memory_space<vmem>>
    %dma_start3A_14 = arith.constant 0 : i32
    %dma_start3A_15 = arith.constant 0 : i32
    %dma_start3A_16 = tpu.memref_slice %arg5[%dma_start3A_14, %dma_start3A_15] : memref<10000x128xf32, #tpu.memory_space<hbm>> -> memref<10000x128xf32, #tpu.memory_space<hbm>>
    tpu.enqueue_indirect_dma source(%dma_start3A_16 : memref<10000x128xf32, #tpu.memory_space<hbm>>) target(%dma_start3A_11 : memref<64x128xf32, #tpu.memory_space<vmem>>) offsets(%dma_start3A_13 : memref<64xi32, #tpu.memory_space<vmem>>) semaphore(%arg21 : memref<!tpu.dma_semaphore, #tpu.memory_space<semaphore_mem>>)
    %dma_start3A_17 = arith.constant 64 : i32
    %dma_start3A_18 = arith.constant 0 : i32
    %dma_start3A_19 = tpu.memref_slice %arg14[%dma_start3A_17, %dma_start3A_18] : memref<320x128xf32, #tpu.memory_space<vmem>> -> memref<64x128xf32, #tpu.memory_space<vmem>>
    %dma_start3A_20 = arith.constant 64 : i32
    %dma_start3A_21 = tpu.memref_slice %arg11[%dma_start3A_20] : memref<8000xi32, #tpu.memory_space<vmem>> -> memref<64xi32, #tpu.memory_space<vmem>>
    %dma_start3A_22 = arith.constant 0 : i32
    %dma_start3A_23 = arith.constant 0 : i32
    %dma_start3A_24 = tpu.memref_slice %arg5[%dma_start3A_22, %dma_start3A_23] : memref<10000x128xf32, #tpu.memory_space<hbm>> -> memref<10000x128xf32, #tpu.memory_space<hbm>>
    tpu.enqueue_indirect_dma source(%dma_start3A_24 : memref<10000x128xf32, #tpu.memory_space<hbm>>) target(%dma_start3A_19 : memref<64x128xf32, #tpu.memory_space<vmem>>) offsets(%dma_start3A_21 : memref<64xi32, #tpu.memory_space<vmem>>) semaphore(%arg21 : memref<!tpu.dma_semaphore, #tpu.memory_space<semaphore_mem>>)
    %dma_start3A_25 = arith.constant 128 : i32
    %dma_start3A_26 = arith.constant 0 : i32
    %dma_start3A_27 = tpu.memref_slice %arg14[%dma_start3A_25, %dma_start3A_26] : memref<320x128xf32, #tpu.memory_space<vmem>> -> memref<64x128xf32, #tpu.memory_space<vmem>>
    %dma_start3A_28 = arith.constant 128 : i32
    %dma_start3A_29 = tpu.memref_slice %arg11[%dma_start3A_28] : memref<8000xi32, #tpu.memory_space<vmem>> -> memref<64xi32, #tpu.memory_space<vmem>>
    %dma_start3A_30 = arith.constant 0 : i32
    %dma_start3A_31 = arith.constant 0 : i32
    %dma_start3A_32 = tpu.memref_slice %arg5[%dma_start3A_30, %dma_start3A_31] : memref<10000x128xf32, #tpu.memory_space<hbm>> -> memref<10000x128xf32, #tpu.memory_space<hbm>>
    tpu.enqueue_indirect_dma source(%dma_start3A_32 : memref<10000x128xf32, #tpu.memory_space<hbm>>) target(%dma_start3A_27 : memref<64x128xf32, #tpu.memory_space<vmem>>) offsets(%dma_start3A_29 : memref<64xi32, #tpu.memory_space<vmem>>) semaphore(%arg21 : memref<!tpu.dma_semaphore, #tpu.memory_space<semaphore_mem>>)
    %dma_start3A_33 = arith.constant 192 : i32
    %dma_start3A_34 = arith.constant 0 : i32
    %dma_start3A_35 = tpu.memref_slice %arg14[%dma_start3A_33, %dma_start3A_34] : memref<320x128xf32, #tpu.memory_space<vmem>> -> memref<64x128xf32, #tpu.memory_space<vmem>>
    %dma_start3A_36 = arith.constant 192 : i32
    %dma_start3A_37 = tpu.memref_slice %arg11[%dma_start3A_36] : memref<8000xi32, #tpu.memory_space<vmem>> -> memref<64xi32, #tpu.memory_space<vmem>>
    %dma_start3A_38 = arith.constant 0 : i32
    %dma_start3A_39 = arith.constant 0 : i32
    %dma_start3A_40 = tpu.memref_slice %arg5[%dma_start3A_38, %dma_start3A_39] : memref<10000x128xf32, #tpu.memory_space<hbm>> -> memref<10000x128xf32, #tpu.memory_space<hbm>>
    tpu.enqueue_indirect_dma source(%dma_start3A_40 : memref<10000x128xf32, #tpu.memory_space<hbm>>) target(%dma_start3A_35 : memref<64x128xf32, #tpu.memory_space<vmem>>) offsets(%dma_start3A_37 : memref<64xi32, #tpu.memory_space<vmem>>) semaphore(%arg21 : memref<!tpu.dma_semaphore, #tpu.memory_space<semaphore_mem>>)
    %dma_start3A_41 = arith.constant 256 : i32
    %dma_start3A_42 = arith.constant 0 : i32
    %dma_start3A_43 = tpu.memref_slice %arg14[%dma_start3A_41, %dma_start3A_42] : memref<320x128xf32, #tpu.memory_space<vmem>> -> memref<64x128xf32, #tpu.memory_space<vmem>>
    %dma_start3A_44 = arith.constant 256 : i32
    %dma_start3A_45 = tpu.memref_slice %arg11[%dma_start3A_44] : memref<8000xi32, #tpu.memory_space<vmem>> -> memref<64xi32, #tpu.memory_space<vmem>>
    %dma_start3A_46 = arith.constant 0 : i32
    %dma_start3A_47 = arith.constant 0 : i32
    %dma_start3A_48 = tpu.memref_slice %arg5[%dma_start3A_46, %dma_start3A_47] : memref<10000x128xf32, #tpu.memory_space<hbm>> -> memref<10000x128xf32, #tpu.memory_space<hbm>>
    tpu.enqueue_indirect_dma source(%dma_start3A_48 : memref<10000x128xf32, #tpu.memory_space<hbm>>) target(%dma_start3A_43 : memref<64x128xf32, #tpu.memory_space<vmem>>) offsets(%dma_start3A_45 : memref<64xi32, #tpu.memory_space<vmem>>) semaphore(%arg21 : memref<!tpu.dma_semaphore, #tpu.memory_space<semaphore_mem>>)
    %dma_start3A_49 = arith.constant 32 : i32
    %dma_start3A_50 = tpu.memref_slice %arg10[%dma_start3A_49] : memref<800xi32, #tpu.memory_space<vmem>> -> memref<32xi32, #tpu.memory_space<vmem>>
    %dma_start3A_51 = arith.constant 0 : i32
    %dma_start3A_52 = arith.constant 0 : i32
    %dma_start3A_53 = tpu.memref_slice %arg4[%dma_start3A_51, %dma_start3A_52] : memref<100000x128xf32, #tpu.memory_space<hbm>> -> memref<100000x128xf32, #tpu.memory_space<hbm>>
    tpu.enqueue_indirect_dma source(%dma_start3A_53 : memref<100000x128xf32, #tpu.memory_space<hbm>>) target(%arg13 : memref<32x128xf32, #tpu.memory_space<vmem>>) offsets(%dma_start3A_50 : memref<32xi32, #tpu.memory_space<vmem>>) semaphore(%arg20 : memref<!tpu.dma_semaphore, #tpu.memory_space<semaphore_mem>>)
    %dma_start3A_54 = arith.constant 0 : i32
    %dma_start3A_55 = arith.constant 0 : i32
    %dma_start3A_56 = tpu.memref_slice %arg15[%dma_start3A_54, %dma_start3A_55] : memref<320x128xf32, #tpu.memory_space<vmem>> -> memref<64x128xf32, #tpu.memory_space<vmem>>
    %dma_start3A_57 = arith.constant 320 : i32
    %dma_start3A_58 = tpu.memref_slice %arg11[%dma_start3A_57] : memref<8000xi32, #tpu.memory_space<vmem>> -> memref<64xi32, #tpu.memory_space<vmem>>
    %dma_start3A_59 = arith.constant 0 : i32
    %dma_start3A_60 = arith.constant 0 : i32
    %dma_start3A_61 = tpu.memref_slice %arg5[%dma_start3A_59, %dma_start3A_60] : memref<10000x128xf32, #tpu.memory_space<hbm>> -> memref<10000x128xf32, #tpu.memory_space<hbm>>
    tpu.enqueue_indirect_dma source(%dma_start3A_61 : memref<10000x128xf32, #tpu.memory_space<hbm>>) target(%dma_start3A_56 : memref<64x128xf32, #tpu.memory_space<vmem>>) offsets(%dma_start3A_58 : memref<64xi32, #tpu.memory_space<vmem>>) semaphore(%arg22 : memref<!tpu.dma_semaphore, #tpu.memory_space<semaphore_mem>>)
    %dma_start3A_62 = arith.constant 64 : i32
    %dma_start3A_63 = arith.constant 0 : i32
    %dma_start3A_64 = tpu.memref_slice %arg15[%dma_start3A_62, %dma_start3A_63] : memref<320x128xf32, #tpu.memory_space<vmem>> -> memref<64x128xf32, #tpu.memory_space<vmem>>
    %dma_start3A_65 = arith.constant 384 : i32
    %dma_start3A_66 = tpu.memref_slice %arg11[%dma_start3A_65] : memref<8000xi32, #tpu.memory_space<vmem>> -> memref<64xi32, #tpu.memory_space<vmem>>
    %dma_start3A_67 = arith.constant 0 : i32
    %dma_start3A_68 = arith.constant 0 : i32
    %dma_start3A_69 = tpu.memref_slice %arg5[%dma_start3A_67, %dma_start3A_68] : memref<10000x128xf32, #tpu.memory_space<hbm>> -> memref<10000x128xf32, #tpu.memory_space<hbm>>
    tpu.enqueue_indirect_dma source(%dma_start3A_69 : memref<10000x128xf32, #tpu.memory_space<hbm>>) target(%dma_start3A_64 : memref<64x128xf32, #tpu.memory_space<vmem>>) offsets(%dma_start3A_66 : memref<64xi32, #tpu.memory_space<vmem>>) semaphore(%arg22 : memref<!tpu.dma_semaphore, #tpu.memory_space<semaphore_mem>>)
    %dma_start3A_70 = arith.constant 128 : i32
    %dma_start3A_71 = arith.constant 0 : i32
    %dma_start3A_72 = tpu.memref_slice %arg15[%dma_start3A_70, %dma_start3A_71] : memref<320x128xf32, #tpu.memory_space<vmem>> -> memref<64x128xf32, #tpu.memory_space<vmem>>
    %dma_start3A_73 = arith.constant 448 : i32
    %dma_start3A_74 = tpu.memref_slice %arg11[%dma_start3A_73] : memref<8000xi32, #tpu.memory_space<vmem>> -> memref<64xi32, #tpu.memory_space<vmem>>
    %dma_start3A_75 = arith.constant 0 : i32
    %dma_start3A_76 = arith.constant 0 : i32
    %dma_start3A_77 = tpu.memref_slice %arg5[%dma_start3A_75, %dma_start3A_76] : memref<10000x128xf32, #tpu.memory_space<hbm>> -> memref<10000x128xf32, #tpu.memory_space<hbm>>
    tpu.enqueue_indirect_dma source(%dma_start3A_77 : memref<10000x128xf32, #tpu.memory_space<hbm>>) target(%dma_start3A_72 : memref<64x128xf32, #tpu.memory_space<vmem>>) offsets(%dma_start3A_74 : memref<64xi32, #tpu.memory_space<vmem>>) semaphore(%arg22 : memref<!tpu.dma_semaphore, #tpu.memory_space<semaphore_mem>>)
    %dma_start3A_78 = arith.constant 192 : i32
    %dma_start3A_79 = arith.constant 0 : i32
    %dma_start3A_80 = tpu.memref_slice %arg15[%dma_start3A_78, %dma_start3A_79] : memref<320x128xf32, #tpu.memory_space<vmem>> -> memref<64x128xf32, #tpu.memory_space<vmem>>
    %dma_start3A_81 = arith.constant 512 : i32
    %dma_start3A_82 = tpu.memref_slice %arg11[%dma_start3A_81] : memref<8000xi32, #tpu.memory_space<vmem>> -> memref<64xi32, #tpu.memory_space<vmem>>
    %dma_start3A_83 = arith.constant 0 : i32
    %dma_start3A_84 = arith.constant 0 : i32
    %dma_start3A_85 = tpu.memref_slice %arg5[%dma_start3A_83, %dma_start3A_84] : memref<10000x128xf32, #tpu.memory_space<hbm>> -> memref<10000x128xf32, #tpu.memory_space<hbm>>
    tpu.enqueue_indirect_dma source(%dma_start3A_85 : memref<10000x128xf32, #tpu.memory_space<hbm>>) target(%dma_start3A_80 : memref<64x128xf32, #tpu.memory_space<vmem>>) offsets(%dma_start3A_82 : memref<64xi32, #tpu.memory_space<vmem>>) semaphore(%arg22 : memref<!tpu.dma_semaphore, #tpu.memory_space<semaphore_mem>>)
    %dma_start3A_86 = arith.constant 256 : i32
    %dma_start3A_87 = arith.constant 0 : i32
    %dma_start3A_88 = tpu.memref_slice %arg15[%dma_start3A_86, %dma_start3A_87] : memref<320x128xf32, #tpu.memory_space<vmem>> -> memref<64x128xf32, #tpu.memory_space<vmem>>
    %dma_start3A_89 = arith.constant 576 : i32
    %dma_start3A_90 = tpu.memref_slice %arg11[%dma_start3A_89] : memref<8000xi32, #tpu.memory_space<vmem>> -> memref<64xi32, #tpu.memory_space<vmem>>
    %dma_start3A_91 = arith.constant 0 : i32
    %dma_start3A_92 = arith.constant 0 : i32
    %dma_start3A_93 = tpu.memref_slice %arg5[%dma_start3A_91, %dma_start3A_92] : memref<10000x128xf32, #tpu.memory_space<hbm>> -> memref<10000x128xf32, #tpu.memory_space<hbm>>
    tpu.enqueue_indirect_dma source(%dma_start3A_93 : memref<10000x128xf32, #tpu.memory_space<hbm>>) target(%dma_start3A_88 : memref<64x128xf32, #tpu.memory_space<vmem>>) offsets(%dma_start3A_90 : memref<64xi32, #tpu.memory_space<vmem>>) semaphore(%arg22 : memref<!tpu.dma_semaphore, #tpu.memory_space<semaphore_mem>>)
    %scan3A = arith.constant 0 : i32
    %scan3A_94 = arith.constant 0 : i32
    %scan3A_95 = arith.constant 11 : i32
    %scan3A_96 = arith.addi %scan3A_94, %scan3A_95 : i32
    %scan3A_97 = arith.constant 1 : i32
    scf.for %scan3A_758 = %scan3A_94 to %scan3A_96 step %scan3A_97  : i32 {
      %mul3A_759 = arith.constant 2 : i32
      %mul3A_760 = arith.muli %scan3A_758, %mul3A_759 : i32
      %mul3A_761 = arith.constant 32 : i32
      %mul3A_762 = arith.muli %mul3A_760, %mul3A_761 : i32
      %dma_wait3A_763 = tpu.memref_slice %arg10[%mul3A_762] : memref<800xi32, #tpu.memory_space<vmem>> -> memref<32xi32, #tpu.memory_space<vmem>>
      %dma_wait3A_764 = arith.constant 0 : i32
      %dma_wait3A_765 = arith.constant 0 : i32
      %dma_wait3A_766 = tpu.memref_slice %arg4[%dma_wait3A_764, %dma_wait3A_765] : memref<100000x128xf32, #tpu.memory_space<hbm>> -> memref<100000x128xf32, #tpu.memory_space<hbm>>
      tpu.wait_indirect_dma semaphore(%arg19 : memref<!tpu.dma_semaphore, #tpu.memory_space<semaphore_mem>>) src(%dma_wait3A_766 : memref<100000x128xf32, #tpu.memory_space<hbm>>) dst(%arg12 : memref<32x128xf32, #tpu.memory_space<vmem>>)
      %mul3A_767 = arith.constant 32 : i32
      %mul3A_768 = arith.muli %mul3A_760, %mul3A_767 : i32
      %add3A_769 = arith.addi %mul3A_2, %mul3A_768 : i32
      %dma_start3A_770 = arith.constant 0 : i32
      %dma_start3A_771 = tpu.memref_slice %arg8[%add3A_769, %dma_start3A_770] : memref<25600x128xf32, #tpu.memory_space<hbm>> -> memref<32x128xf32, #tpu.memory_space<hbm>>
      %dma_start3A_772 = arith.constant 0 : i32
      %dma_start3A_773 = tpu.memref_slice %arg8[%add3A_769, %dma_start3A_772] : memref<25600x128xf32, #tpu.memory_space<hbm>> -> memref<32x128xf32, #tpu.memory_space<hbm>>
      tpu.enqueue_dma source(%arg12 : memref<32x128xf32, #tpu.memory_space<vmem>>) target(%dma_start3A_773 : memref<32x128xf32, #tpu.memory_space<hbm>>) target_semaphore(%arg25 : memref<!tpu.dma_semaphore, #tpu.memory_space<semaphore_mem>>)
      %ge3A = arith.constant 2 : i32
      %ge3A_774 = arith.cmpi sge, %mul3A_760, %ge3A : i32
      %convert_element_type3A = arith.extui %ge3A_774 : i1 to i32
      %cond3A = arith.constant 0 : i32
      %cond3A_775 = arith.cmpi ne, %convert_element_type3A, %cond3A : i32
      scf.if %cond3A_775 {
        %mul3A_1304 = arith.constant 2 : i32
        %mul3A_1305 = arith.muli %arg1, %mul3A_1304 : i32
        %add3A_1306 = arith.constant 0 : i32
        %add3A_1307 = arith.addi %mul3A_1305, %add3A_1306 : i32
        %mul3A_1308 = arith.constant 32 : i32
        %mul3A_1309 = arith.muli %add3A_1307, %mul3A_1308 : i32
        %mul3A_1310 = arith.constant 32 : i32
        %mul3A_1311 = arith.muli %mul3A_760, %mul3A_1310 : i32
        %add3A_1312 = arith.addi %mul3A_2, %mul3A_1311 : i32
        %dma_wait3A_1313 = arith.constant 0 : i32
        %dma_wait3A_1314 = tpu.memref_slice %arg9[%add3A_1312, %dma_wait3A_1313] : memref<25600x128xf32, #tpu.memory_space<hbm>> -> memref<32x128xf32, #tpu.memory_space<hbm>>
        %dma_wait3A_1315 = arith.constant 0 : i32
        %dma_wait3A_1316 = tpu.memref_slice %arg18[%mul3A_1309, %dma_wait3A_1315] : memref<1024x128xf32, #tpu.memory_space<vmem_shared>> -> memref<32x128xf32, #tpu.memory_space<vmem_shared>>
        tpu.wait_dma2 semaphore(%arg27 : memref<!tpu.dma_semaphore, #tpu.memory_space<semaphore_mem>>) src(%dma_wait3A_1316 : memref<32x128xf32, #tpu.memory_space<vmem_shared>>) dst(%dma_wait3A_1314 : memref<32x128xf32, #tpu.memory_space<hbm>>)
      } else {
      }
      %mul3A_776 = arith.constant 2 : i32
      %mul3A_777 = arith.muli %arg1, %mul3A_776 : i32
      %add3A_778 = arith.constant 0 : i32
      %add3A_779 = arith.addi %mul3A_777, %add3A_778 : i32
      %mul3A_780 = arith.constant 32 : i32
      %mul3A_781 = arith.muli %add3A_779, %mul3A_780 : i32
      "tpu.region"() ({
        %run_scoped3A = tpu.sem_alloc : memref<!tpu.dma_semaphore, #tpu.memory_space<semaphore_mem>>
        %dma_start3A_1304 = arith.constant 0 : i32
        %dma_start3A_1305 = tpu.memref_slice %arg18[%mul3A_781, %dma_start3A_1304] : memref<1024x128xf32, #tpu.memory_space<vmem_shared>> -> memref<32x128xf32, #tpu.memory_space<vmem_shared>>
        %dma_start3A_1306 = arith.constant 0 : i32
        %dma_start3A_1307 = tpu.memref_slice %arg18[%mul3A_781, %dma_start3A_1306] : memref<1024x128xf32, #tpu.memory_space<vmem_shared>> -> memref<32x128xf32, #tpu.memory_space<vmem_shared>>
        tpu.enqueue_dma source(%arg17 : memref<32x128xf32, #tpu.memory_space<vmem>>) target(%dma_start3A_1307 : memref<32x128xf32, #tpu.memory_space<vmem_shared>>) target_semaphore(%run_scoped3A : memref<!tpu.dma_semaphore, #tpu.memory_space<semaphore_mem>>)
        %dma_wait3A_1308 = arith.constant 0 : i32
        %dma_wait3A_1309 = tpu.memref_slice %arg18[%mul3A_781, %dma_wait3A_1308] : memref<1024x128xf32, #tpu.memory_space<vmem_shared>> -> memref<32x128xf32, #tpu.memory_space<vmem_shared>>
        %dma_wait3A_1310 = arith.constant 0 : i32
        %dma_wait3A_1311 = tpu.memref_slice %arg18[%mul3A_781, %dma_wait3A_1310] : memref<1024x128xf32, #tpu.memory_space<vmem_shared>> -> memref<32x128xf32, #tpu.memory_space<vmem_shared>>
        tpu.wait_dma2 semaphore(%run_scoped3A : memref<!tpu.dma_semaphore, #tpu.memory_space<semaphore_mem>>) src(%arg17 : memref<32x128xf32, #tpu.memory_space<vmem>>) dst(%dma_wait3A_1311 : memref<32x128xf32, #tpu.memory_space<vmem_shared>>)
        tpu.yield
      }) : () -> ()
      %mul3A_782 = arith.constant 320 : i32
      %mul3A_783 = arith.muli %mul3A_760, %mul3A_782 : i32
      %add3A_784 = arith.constant 0 : i32
      %add3A_785 = arith.addi %mul3A_783, %add3A_784 : i32
      %dma_wait3A_786 = arith.constant 0 : i32
      %dma_wait3A_787 = arith.constant 0 : i32
      %dma_wait3A_788 = tpu.memref_slice %arg14[%dma_wait3A_786, %dma_wait3A_787] : memref<320x128xf32, #tpu.memory_space<vmem>> -> memref<64x128xf32, #tpu.memory_space<vmem>>
      %dma_wait3A_789 = tpu.memref_slice %arg11[%add3A_785] : memref<8000xi32, #tpu.memory_space<vmem>> -> memref<64xi32, #tpu.memory_space<vmem>>
      %dma_wait3A_790 = arith.constant 0 : i32
      %dma_wait3A_791 = arith.constant 0 : i32
      %dma_wait3A_792 = tpu.memref_slice %arg5[%dma_wait3A_790, %dma_wait3A_791] : memref<10000x128xf32, #tpu.memory_space<hbm>> -> memref<10000x128xf32, #tpu.memory_space<hbm>>
      tpu.wait_indirect_dma semaphore(%arg21 : memref<!tpu.dma_semaphore, #tpu.memory_space<semaphore_mem>>) src(%dma_wait3A_792 : memref<10000x128xf32, #tpu.memory_space<hbm>>) dst(%dma_wait3A_788 : memref<64x128xf32, #tpu.memory_space<vmem>>)
      %mul3A_793 = arith.constant 320 : i32
      %mul3A_794 = arith.muli %mul3A_760, %mul3A_793 : i32
      %add3A_795 = arith.constant 64 : i32
      %add3A_796 = arith.addi %mul3A_794, %add3A_795 : i32
      %dma_wait3A_797 = arith.constant 64 : i32
      %dma_wait3A_798 = arith.constant 0 : i32
      %dma_wait3A_799 = tpu.memref_slice %arg14[%dma_wait3A_797, %dma_wait3A_798] : memref<320x128xf32, #tpu.memory_space<vmem>> -> memref<64x128xf32, #tpu.memory_space<vmem>>
      %dma_wait3A_800 = tpu.memref_slice %arg11[%add3A_796] : memref<8000xi32, #tpu.memory_space<vmem>> -> memref<64xi32, #tpu.memory_space<vmem>>
      %dma_wait3A_801 = arith.constant 0 : i32
      %dma_wait3A_802 = arith.constant 0 : i32
      %dma_wait3A_803 = tpu.memref_slice %arg5[%dma_wait3A_801, %dma_wait3A_802] : memref<10000x128xf32, #tpu.memory_space<hbm>> -> memref<10000x128xf32, #tpu.memory_space<hbm>>
      tpu.wait_indirect_dma semaphore(%arg21 : memref<!tpu.dma_semaphore, #tpu.memory_space<semaphore_mem>>) src(%dma_wait3A_803 : memref<10000x128xf32, #tpu.memory_space<hbm>>) dst(%dma_wait3A_799 : memref<64x128xf32, #tpu.memory_space<vmem>>)
      %mul3A_804 = arith.constant 320 : i32
      %mul3A_805 = arith.muli %mul3A_760, %mul3A_804 : i32
      %add3A_806 = arith.constant 128 : i32
      %add3A_807 = arith.addi %mul3A_805, %add3A_806 : i32
      %dma_wait3A_808 = arith.constant 128 : i32
      %dma_wait3A_809 = arith.constant 0 : i32
      %dma_wait3A_810 = tpu.memref_slice %arg14[%dma_wait3A_808, %dma_wait3A_809] : memref<320x128xf32, #tpu.memory_space<vmem>> -> memref<64x128xf32, #tpu.memory_space<vmem>>
      %dma_wait3A_811 = tpu.memref_slice %arg11[%add3A_807] : memref<8000xi32, #tpu.memory_space<vmem>> -> memref<64xi32, #tpu.memory_space<vmem>>
      %dma_wait3A_812 = arith.constant 0 : i32
      %dma_wait3A_813 = arith.constant 0 : i32
      %dma_wait3A_814 = tpu.memref_slice %arg5[%dma_wait3A_812, %dma_wait3A_813] : memref<10000x128xf32, #tpu.memory_space<hbm>> -> memref<10000x128xf32, #tpu.memory_space<hbm>>
      tpu.wait_indirect_dma semaphore(%arg21 : memref<!tpu.dma_semaphore, #tpu.memory_space<semaphore_mem>>) src(%dma_wait3A_814 : memref<10000x128xf32, #tpu.memory_space<hbm>>) dst(%dma_wait3A_810 : memref<64x128xf32, #tpu.memory_space<vmem>>)
      %mul3A_815 = arith.constant 320 : i32
      %mul3A_816 = arith.muli %mul3A_760, %mul3A_815 : i32
      %add3A_817 = arith.constant 192 : i32
      %add3A_818 = arith.addi %mul3A_816, %add3A_817 : i32
      %dma_wait3A_819 = arith.constant 192 : i32
      %dma_wait3A_820 = arith.constant 0 : i32
      %dma_wait3A_821 = tpu.memref_slice %arg14[%dma_wait3A_819, %dma_wait3A_820] : memref<320x128xf32, #tpu.memory_space<vmem>> -> memref<64x128xf32, #tpu.memory_space<vmem>>
      %dma_wait3A_822 = tpu.memref_slice %arg11[%add3A_818] : memref<8000xi32, #tpu.memory_space<vmem>> -> memref<64xi32, #tpu.memory_space<vmem>>
      %dma_wait3A_823 = arith.constant 0 : i32
      %dma_wait3A_824 = arith.constant 0 : i32
      %dma_wait3A_825 = tpu.memref_slice %arg5[%dma_wait3A_823, %dma_wait3A_824] : memref<10000x128xf32, #tpu.memory_space<hbm>> -> memref<10000x128xf32, #tpu.memory_space<hbm>>
      tpu.wait_indirect_dma semaphore(%arg21 : memref<!tpu.dma_semaphore, #tpu.memory_space<semaphore_mem>>) src(%dma_wait3A_825 : memref<10000x128xf32, #tpu.memory_space<hbm>>) dst(%dma_wait3A_821 : memref<64x128xf32, #tpu.memory_space<vmem>>)
      %mul3A_826 = arith.constant 320 : i32
      %mul3A_827 = arith.muli %mul3A_760, %mul3A_826 : i32
      %add3A_828 = arith.constant 256 : i32
      %add3A_829 = arith.addi %mul3A_827, %add3A_828 : i32
      %dma_wait3A_830 = arith.constant 256 : i32
      %dma_wait3A_831 = arith.constant 0 : i32
      %dma_wait3A_832 = tpu.memref_slice %arg14[%dma_wait3A_830, %dma_wait3A_831] : memref<320x128xf32, #tpu.memory_space<vmem>> -> memref<64x128xf32, #tpu.memory_space<vmem>>
      %dma_wait3A_833 = tpu.memref_slice %arg11[%add3A_829] : memref<8000xi32, #tpu.memory_space<vmem>> -> memref<64xi32, #tpu.memory_space<vmem>>
      %dma_wait3A_834 = arith.constant 0 : i32
      %dma_wait3A_835 = arith.constant 0 : i32
      %dma_wait3A_836 = tpu.memref_slice %arg5[%dma_wait3A_834, %dma_wait3A_835] : memref<10000x128xf32, #tpu.memory_space<hbm>> -> memref<10000x128xf32, #tpu.memory_space<hbm>>
      tpu.wait_indirect_dma semaphore(%arg21 : memref<!tpu.dma_semaphore, #tpu.memory_space<semaphore_mem>>) src(%dma_wait3A_836 : memref<10000x128xf32, #tpu.memory_space<hbm>>) dst(%dma_wait3A_832 : memref<64x128xf32, #tpu.memory_space<vmem>>)
      %dma_start3A_837 = arith.constant 0 : i32
      %dma_start3A_838 = arith.constant 0 : i32
      %dma_start3A_839 = arith.constant 0 : i32
      %dma_start3A_840 = arith.constant 0 : i32
      %dma_start3A_841 = tpu.memref_slice %arg14[%dma_start3A_839, %dma_start3A_840] : memref<320x128xf32, #tpu.memory_space<vmem>> -> memref<64x128xf32, #tpu.memory_space<vmem>>
      %dma_start3A_842 = arith.constant 0 : i32
      %dma_start3A_843 = tpu.memref_slice %arg16[%dma_start3A_837, %dma_start3A_838, %dma_start3A_842] : memref<2x5x64xi32, #tpu.memory_space<vmem>> -> memref<1x1x64xi32, #tpu.memory_space<vmem>>
      %dma_start3A_844 = tpu.memref_squeeze %dma_start3A_843 : memref<1x1x64xi32, #tpu.memory_space<vmem>> -> memref<64xi32, #tpu.memory_space<vmem>>
      %dma_start3A_845 = arith.constant 0 : i32
      %dma_start3A_846 = arith.constant 0 : i32
      %dma_start3A_847 = tpu.memref_slice %arg18[%dma_start3A_845, %dma_start3A_846] : memref<1024x128xf32, #tpu.memory_space<vmem_shared>> -> memref<1024x128xf32, #tpu.memory_space<vmem_shared>>
      tpu.enqueue_indirect_dma source(%dma_start3A_841 : memref<64x128xf32, #tpu.memory_space<vmem>>) target(%dma_start3A_847 : memref<1024x128xf32, #tpu.memory_space<vmem_shared>>) offsets(%dma_start3A_844 : memref<64xi32, #tpu.memory_space<vmem>>) semaphore(%arg23 : memref<!tpu.dma_semaphore, #tpu.memory_space<semaphore_mem>>) {add = true}
      %dma_start3A_848 = arith.constant 0 : i32
      %dma_start3A_849 = arith.constant 1 : i32
      %dma_start3A_850 = arith.constant 64 : i32
      %dma_start3A_851 = arith.constant 0 : i32
      %dma_start3A_852 = tpu.memref_slice %arg14[%dma_start3A_850, %dma_start3A_851] : memref<320x128xf32, #tpu.memory_space<vmem>> -> memref<64x128xf32, #tpu.memory_space<vmem>>
      %dma_start3A_853 = arith.constant 0 : i32
      %dma_start3A_854 = tpu.memref_slice %arg16[%dma_start3A_848, %dma_start3A_849, %dma_start3A_853] : memref<2x5x64xi32, #tpu.memory_space<vmem>> -> memref<1x1x64xi32, #tpu.memory_space<vmem>>
      %dma_start3A_855 = tpu.memref_squeeze %dma_start3A_854 : memref<1x1x64xi32, #tpu.memory_space<vmem>> -> memref<64xi32, #tpu.memory_space<vmem>>
      %dma_start3A_856 = arith.constant 0 : i32
      %dma_start3A_857 = arith.constant 0 : i32
      %dma_start3A_858 = tpu.memref_slice %arg18[%dma_start3A_856, %dma_start3A_857] : memref<1024x128xf32, #tpu.memory_space<vmem_shared>> -> memref<1024x128xf32, #tpu.memory_space<vmem_shared>>
      tpu.enqueue_indirect_dma source(%dma_start3A_852 : memref<64x128xf32, #tpu.memory_space<vmem>>) target(%dma_start3A_858 : memref<1024x128xf32, #tpu.memory_space<vmem_shared>>) offsets(%dma_start3A_855 : memref<64xi32, #tpu.memory_space<vmem>>) semaphore(%arg23 : memref<!tpu.dma_semaphore, #tpu.memory_space<semaphore_mem>>) {add = true}
      %dma_start3A_859 = arith.constant 0 : i32
      %dma_start3A_860 = arith.constant 2 : i32
      %dma_start3A_861 = arith.constant 128 : i32
      %dma_start3A_862 = arith.constant 0 : i32
      %dma_start3A_863 = tpu.memref_slice %arg14[%dma_start3A_861, %dma_start3A_862] : memref<320x128xf32, #tpu.memory_space<vmem>> -> memref<64x128xf32, #tpu.memory_space<vmem>>
      %dma_start3A_864 = arith.constant 0 : i32
      %dma_start3A_865 = tpu.memref_slice %arg16[%dma_start3A_859, %dma_start3A_860, %dma_start3A_864] : memref<2x5x64xi32, #tpu.memory_space<vmem>> -> memref<1x1x64xi32, #tpu.memory_space<vmem>>
      %dma_start3A_866 = tpu.memref_squeeze %dma_start3A_865 : memref<1x1x64xi32, #tpu.memory_space<vmem>> -> memref<64xi32, #tpu.memory_space<vmem>>
      %dma_start3A_867 = arith.constant 0 : i32
      %dma_start3A_868 = arith.constant 0 : i32
      %dma_start3A_869 = tpu.memref_slice %arg18[%dma_start3A_867, %dma_start3A_868] : memref<1024x128xf32, #tpu.memory_space<vmem_shared>> -> memref<1024x128xf32, #tpu.memory_space<vmem_shared>>
      tpu.enqueue_indirect_dma source(%dma_start3A_863 : memref<64x128xf32, #tpu.memory_space<vmem>>) target(%dma_start3A_869 : memref<1024x128xf32, #tpu.memory_space<vmem_shared>>) offsets(%dma_start3A_866 : memref<64xi32, #tpu.memory_space<vmem>>) semaphore(%arg23 : memref<!tpu.dma_semaphore, #tpu.memory_space<semaphore_mem>>) {add = true}
      %dma_start3A_870 = arith.constant 0 : i32
      %dma_start3A_871 = arith.constant 3 : i32
      %dma_start3A_872 = arith.constant 192 : i32
      %dma_start3A_873 = arith.constant 0 : i32
      %dma_start3A_874 = tpu.memref_slice %arg14[%dma_start3A_872, %dma_start3A_873] : memref<320x128xf32, #tpu.memory_space<vmem>> -> memref<64x128xf32, #tpu.memory_space<vmem>>
      %dma_start3A_875 = arith.constant 0 : i32
      %dma_start3A_876 = tpu.memref_slice %arg16[%dma_start3A_870, %dma_start3A_871, %dma_start3A_875] : memref<2x5x64xi32, #tpu.memory_space<vmem>> -> memref<1x1x64xi32, #tpu.memory_space<vmem>>
      %dma_start3A_877 = tpu.memref_squeeze %dma_start3A_876 : memref<1x1x64xi32, #tpu.memory_space<vmem>> -> memref<64xi32, #tpu.memory_space<vmem>>
      %dma_start3A_878 = arith.constant 0 : i32
      %dma_start3A_879 = arith.constant 0 : i32
      %dma_start3A_880 = tpu.memref_slice %arg18[%dma_start3A_878, %dma_start3A_879] : memref<1024x128xf32, #tpu.memory_space<vmem_shared>> -> memref<1024x128xf32, #tpu.memory_space<vmem_shared>>
      tpu.enqueue_indirect_dma source(%dma_start3A_874 : memref<64x128xf32, #tpu.memory_space<vmem>>) target(%dma_start3A_880 : memref<1024x128xf32, #tpu.memory_space<vmem_shared>>) offsets(%dma_start3A_877 : memref<64xi32, #tpu.memory_space<vmem>>) semaphore(%arg23 : memref<!tpu.dma_semaphore, #tpu.memory_space<semaphore_mem>>) {add = true}
      %dma_start3A_881 = arith.constant 0 : i32
      %dma_start3A_882 = arith.constant 4 : i32
      %dma_start3A_883 = arith.constant 256 : i32
      %dma_start3A_884 = arith.constant 0 : i32
      %dma_start3A_885 = tpu.memref_slice %arg14[%dma_start3A_883, %dma_start3A_884] : memref<320x128xf32, #tpu.memory_space<vmem>> -> memref<64x128xf32, #tpu.memory_space<vmem>>
      %dma_start3A_886 = arith.constant 0 : i32
      %dma_start3A_887 = tpu.memref_slice %arg16[%dma_start3A_881, %dma_start3A_882, %dma_start3A_886] : memref<2x5x64xi32, #tpu.memory_space<vmem>> -> memref<1x1x64xi32, #tpu.memory_space<vmem>>
      %dma_start3A_888 = tpu.memref_squeeze %dma_start3A_887 : memref<1x1x64xi32, #tpu.memory_space<vmem>> -> memref<64xi32, #tpu.memory_space<vmem>>
      %dma_start3A_889 = arith.constant 0 : i32
      %dma_start3A_890 = arith.constant 0 : i32
      %dma_start3A_891 = tpu.memref_slice %arg18[%dma_start3A_889, %dma_start3A_890] : memref<1024x128xf32, #tpu.memory_space<vmem_shared>> -> memref<1024x128xf32, #tpu.memory_space<vmem_shared>>
      tpu.enqueue_indirect_dma source(%dma_start3A_885 : memref<64x128xf32, #tpu.memory_space<vmem>>) target(%dma_start3A_891 : memref<1024x128xf32, #tpu.memory_space<vmem_shared>>) offsets(%dma_start3A_888 : memref<64xi32, #tpu.memory_space<vmem>>) semaphore(%arg23 : memref<!tpu.dma_semaphore, #tpu.memory_space<semaphore_mem>>) {add = true}
      %dma_wait3A_892 = arith.constant 0 : i32
      %dma_wait3A_893 = arith.constant 0 : i32
      %dma_wait3A_894 = arith.constant 0 : i32
      %dma_wait3A_895 = arith.constant 0 : i32
      %dma_wait3A_896 = tpu.memref_slice %arg14[%dma_wait3A_894, %dma_wait3A_895] : memref<320x128xf32, #tpu.memory_space<vmem>> -> memref<64x128xf32, #tpu.memory_space<vmem>>
      %dma_wait3A_897 = arith.constant 0 : i32
      %dma_wait3A_898 = tpu.memref_slice %arg16[%dma_wait3A_892, %dma_wait3A_893, %dma_wait3A_897] : memref<2x5x64xi32, #tpu.memory_space<vmem>> -> memref<1x1x64xi32, #tpu.memory_space<vmem>>
      %dma_wait3A_899 = tpu.memref_squeeze %dma_wait3A_898 : memref<1x1x64xi32, #tpu.memory_space<vmem>> -> memref<64xi32, #tpu.memory_space<vmem>>
      %dma_wait3A_900 = arith.constant 0 : i32
      %dma_wait3A_901 = arith.constant 0 : i32
      %dma_wait3A_902 = tpu.memref_slice %arg18[%dma_wait3A_900, %dma_wait3A_901] : memref<1024x128xf32, #tpu.memory_space<vmem_shared>> -> memref<1024x128xf32, #tpu.memory_space<vmem_shared>>
      tpu.wait_indirect_dma semaphore(%arg23 : memref<!tpu.dma_semaphore, #tpu.memory_space<semaphore_mem>>) src(%dma_wait3A_896 : memref<64x128xf32, #tpu.memory_space<vmem>>) dst(%dma_wait3A_902 : memref<1024x128xf32, #tpu.memory_space<vmem_shared>>)
      %dma_wait3A_903 = arith.constant 0 : i32
      %dma_wait3A_904 = arith.constant 1 : i32
      %dma_wait3A_905 = arith.constant 64 : i32
      %dma_wait3A_906 = arith.constant 0 : i32
      %dma_wait3A_907 = tpu.memref_slice %arg14[%dma_wait3A_905, %dma_wait3A_906] : memref<320x128xf32, #tpu.memory_space<vmem>> -> memref<64x128xf32, #tpu.memory_space<vmem>>
      %dma_wait3A_908 = arith.constant 0 : i32
      %dma_wait3A_909 = tpu.memref_slice %arg16[%dma_wait3A_903, %dma_wait3A_904, %dma_wait3A_908] : memref<2x5x64xi32, #tpu.memory_space<vmem>> -> memref<1x1x64xi32, #tpu.memory_space<vmem>>
      %dma_wait3A_910 = tpu.memref_squeeze %dma_wait3A_909 : memref<1x1x64xi32, #tpu.memory_space<vmem>> -> memref<64xi32, #tpu.memory_space<vmem>>
      %dma_wait3A_911 = arith.constant 0 : i32
      %dma_wait3A_912 = arith.constant 0 : i32
      %dma_wait3A_913 = tpu.memref_slice %arg18[%dma_wait3A_911, %dma_wait3A_912] : memref<1024x128xf32, #tpu.memory_space<vmem_shared>> -> memref<1024x128xf32, #tpu.memory_space<vmem_shared>>
      tpu.wait_indirect_dma semaphore(%arg23 : memref<!tpu.dma_semaphore, #tpu.memory_space<semaphore_mem>>) src(%dma_wait3A_907 : memref<64x128xf32, #tpu.memory_space<vmem>>) dst(%dma_wait3A_913 : memref<1024x128xf32, #tpu.memory_space<vmem_shared>>)
      %dma_wait3A_914 = arith.constant 0 : i32
      %dma_wait3A_915 = arith.constant 2 : i32
      %dma_wait3A_916 = arith.constant 128 : i32
      %dma_wait3A_917 = arith.constant 0 : i32
      %dma_wait3A_918 = tpu.memref_slice %arg14[%dma_wait3A_916, %dma_wait3A_917] : memref<320x128xf32, #tpu.memory_space<vmem>> -> memref<64x128xf32, #tpu.memory_space<vmem>>
      %dma_wait3A_919 = arith.constant 0 : i32
      %dma_wait3A_920 = tpu.memref_slice %arg16[%dma_wait3A_914, %dma_wait3A_915, %dma_wait3A_919] : memref<2x5x64xi32, #tpu.memory_space<vmem>> -> memref<1x1x64xi32, #tpu.memory_space<vmem>>
      %dma_wait3A_921 = tpu.memref_squeeze %dma_wait3A_920 : memref<1x1x64xi32, #tpu.memory_space<vmem>> -> memref<64xi32, #tpu.memory_space<vmem>>
      %dma_wait3A_922 = arith.constant 0 : i32
      %dma_wait3A_923 = arith.constant 0 : i32
      %dma_wait3A_924 = tpu.memref_slice %arg18[%dma_wait3A_922, %dma_wait3A_923] : memref<1024x128xf32, #tpu.memory_space<vmem_shared>> -> memref<1024x128xf32, #tpu.memory_space<vmem_shared>>
      tpu.wait_indirect_dma semaphore(%arg23 : memref<!tpu.dma_semaphore, #tpu.memory_space<semaphore_mem>>) src(%dma_wait3A_918 : memref<64x128xf32, #tpu.memory_space<vmem>>) dst(%dma_wait3A_924 : memref<1024x128xf32, #tpu.memory_space<vmem_shared>>)
      %dma_wait3A_925 = arith.constant 0 : i32
      %dma_wait3A_926 = arith.constant 3 : i32
      %dma_wait3A_927 = arith.constant 192 : i32
      %dma_wait3A_928 = arith.constant 0 : i32
      %dma_wait3A_929 = tpu.memref_slice %arg14[%dma_wait3A_927, %dma_wait3A_928] : memref<320x128xf32, #tpu.memory_space<vmem>> -> memref<64x128xf32, #tpu.memory_space<vmem>>
      %dma_wait3A_930 = arith.constant 0 : i32
      %dma_wait3A_931 = tpu.memref_slice %arg16[%dma_wait3A_925, %dma_wait3A_926, %dma_wait3A_930] : memref<2x5x64xi32, #tpu.memory_space<vmem>> -> memref<1x1x64xi32, #tpu.memory_space<vmem>>
      %dma_wait3A_932 = tpu.memref_squeeze %dma_wait3A_931 : memref<1x1x64xi32, #tpu.memory_space<vmem>> -> memref<64xi32, #tpu.memory_space<vmem>>
      %dma_wait3A_933 = arith.constant 0 : i32
      %dma_wait3A_934 = arith.constant 0 : i32
      %dma_wait3A_935 = tpu.memref_slice %arg18[%dma_wait3A_933, %dma_wait3A_934] : memref<1024x128xf32, #tpu.memory_space<vmem_shared>> -> memref<1024x128xf32, #tpu.memory_space<vmem_shared>>
      tpu.wait_indirect_dma semaphore(%arg23 : memref<!tpu.dma_semaphore, #tpu.memory_space<semaphore_mem>>) src(%dma_wait3A_929 : memref<64x128xf32, #tpu.memory_space<vmem>>) dst(%dma_wait3A_935 : memref<1024x128xf32, #tpu.memory_space<vmem_shared>>)
      %dma_wait3A_936 = arith.constant 0 : i32
      %dma_wait3A_937 = arith.constant 4 : i32
      %dma_wait3A_938 = arith.constant 256 : i32
      %dma_wait3A_939 = arith.constant 0 : i32
      %dma_wait3A_940 = tpu.memref_slice %arg14[%dma_wait3A_938, %dma_wait3A_939] : memref<320x128xf32, #tpu.memory_space<vmem>> -> memref<64x128xf32, #tpu.memory_space<vmem>>
      %dma_wait3A_941 = arith.constant 0 : i32
      %dma_wait3A_942 = tpu.memref_slice %arg16[%dma_wait3A_936, %dma_wait3A_937, %dma_wait3A_941] : memref<2x5x64xi32, #tpu.memory_space<vmem>> -> memref<1x1x64xi32, #tpu.memory_space<vmem>>
      %dma_wait3A_943 = tpu.memref_squeeze %dma_wait3A_942 : memref<1x1x64xi32, #tpu.memory_space<vmem>> -> memref<64xi32, #tpu.memory_space<vmem>>
      %dma_wait3A_944 = arith.constant 0 : i32
      %dma_wait3A_945 = arith.constant 0 : i32
      %dma_wait3A_946 = tpu.memref_slice %arg18[%dma_wait3A_944, %dma_wait3A_945] : memref<1024x128xf32, #tpu.memory_space<vmem_shared>> -> memref<1024x128xf32, #tpu.memory_space<vmem_shared>>
      tpu.wait_indirect_dma semaphore(%arg23 : memref<!tpu.dma_semaphore, #tpu.memory_space<semaphore_mem>>) src(%dma_wait3A_940 : memref<64x128xf32, #tpu.memory_space<vmem>>) dst(%dma_wait3A_946 : memref<1024x128xf32, #tpu.memory_space<vmem_shared>>)
      %mul3A_947 = arith.constant 2 : i32
      %mul3A_948 = arith.muli %arg1, %mul3A_947 : i32
      %add3A_949 = arith.constant 0 : i32
      %add3A_950 = arith.addi %mul3A_948, %add3A_949 : i32
      %mul3A_951 = arith.constant 32 : i32
      %mul3A_952 = arith.muli %add3A_950, %mul3A_951 : i32
      %mul3A_953 = arith.constant 32 : i32
      %mul3A_954 = arith.muli %mul3A_760, %mul3A_953 : i32
      %add3A_955 = arith.addi %mul3A_2, %mul3A_954 : i32
      %dma_start3A_956 = arith.constant 0 : i32
      %dma_start3A_957 = tpu.memref_slice %arg9[%add3A_955, %dma_start3A_956] : memref<25600x128xf32, #tpu.memory_space<hbm>> -> memref<32x128xf32, #tpu.memory_space<hbm>>
      %dma_start3A_958 = arith.constant 0 : i32
      %dma_start3A_959 = tpu.memref_slice %arg18[%mul3A_952, %dma_start3A_958] : memref<1024x128xf32, #tpu.memory_space<vmem_shared>> -> memref<32x128xf32, #tpu.memory_space<vmem_shared>>
      tpu.enqueue_dma source(%dma_start3A_959 : memref<32x128xf32, #tpu.memory_space<vmem_shared>>) target(%dma_start3A_957 : memref<32x128xf32, #tpu.memory_space<hbm>>) target_semaphore(%arg27 : memref<!tpu.dma_semaphore, #tpu.memory_space<semaphore_mem>>)
      %add3A_960 = arith.constant 1 : i32
      %add3A_961 = arith.addi %mul3A_760, %add3A_960 : i32
      %mul3A_962 = arith.constant 32 : i32
      %mul3A_963 = arith.muli %add3A_961, %mul3A_962 : i32
      %dma_wait3A_964 = tpu.memref_slice %arg10[%mul3A_963] : memref<800xi32, #tpu.memory_space<vmem>> -> memref<32xi32, #tpu.memory_space<vmem>>
      %dma_wait3A_965 = arith.constant 0 : i32
      %dma_wait3A_966 = arith.constant 0 : i32
      %dma_wait3A_967 = tpu.memref_slice %arg4[%dma_wait3A_965, %dma_wait3A_966] : memref<100000x128xf32, #tpu.memory_space<hbm>> -> memref<100000x128xf32, #tpu.memory_space<hbm>>
      tpu.wait_indirect_dma semaphore(%arg20 : memref<!tpu.dma_semaphore, #tpu.memory_space<semaphore_mem>>) src(%dma_wait3A_967 : memref<100000x128xf32, #tpu.memory_space<hbm>>) dst(%arg13 : memref<32x128xf32, #tpu.memory_space<vmem>>)
      %mul3A_968 = arith.constant 32 : i32
      %mul3A_969 = arith.muli %add3A_961, %mul3A_968 : i32
      %add3A_970 = arith.addi %mul3A_2, %mul3A_969 : i32
      %dma_start3A_971 = arith.constant 0 : i32
      %dma_start3A_972 = tpu.memref_slice %arg8[%add3A_970, %dma_start3A_971] : memref<25600x128xf32, #tpu.memory_space<hbm>> -> memref<32x128xf32, #tpu.memory_space<hbm>>
      %dma_start3A_973 = arith.constant 0 : i32
      %dma_start3A_974 = tpu.memref_slice %arg8[%add3A_970, %dma_start3A_973] : memref<25600x128xf32, #tpu.memory_space<hbm>> -> memref<32x128xf32, #tpu.memory_space<hbm>>
      tpu.enqueue_dma source(%arg13 : memref<32x128xf32, #tpu.memory_space<vmem>>) target(%dma_start3A_974 : memref<32x128xf32, #tpu.memory_space<hbm>>) target_semaphore(%arg26 : memref<!tpu.dma_semaphore, #tpu.memory_space<semaphore_mem>>)
      %ge3A_975 = arith.constant 2 : i32
      %ge3A_976 = arith.cmpi sge, %add3A_961, %ge3A_975 : i32
      %convert_element_type3A_977 = arith.extui %ge3A_976 : i1 to i32
      %cond3A_978 = arith.constant 0 : i32
      %cond3A_979 = arith.cmpi ne, %convert_element_type3A_977, %cond3A_978 : i32
      scf.if %cond3A_979 {
        %mul3A_1304 = arith.constant 2 : i32
        %mul3A_1305 = arith.muli %arg1, %mul3A_1304 : i32
        %add3A_1306 = arith.constant 1 : i32
        %add3A_1307 = arith.addi %mul3A_1305, %add3A_1306 : i32
        %mul3A_1308 = arith.constant 32 : i32
        %mul3A_1309 = arith.muli %add3A_1307, %mul3A_1308 : i32
        %mul3A_1310 = arith.constant 32 : i32
        %mul3A_1311 = arith.muli %add3A_961, %mul3A_1310 : i32
        %add3A_1312 = arith.addi %mul3A_2, %mul3A_1311 : i32
        %dma_wait3A_1313 = arith.constant 0 : i32
        %dma_wait3A_1314 = tpu.memref_slice %arg9[%add3A_1312, %dma_wait3A_1313] : memref<25600x128xf32, #tpu.memory_space<hbm>> -> memref<32x128xf32, #tpu.memory_space<hbm>>
        %dma_wait3A_1315 = arith.constant 0 : i32
        %dma_wait3A_1316 = tpu.memref_slice %arg18[%mul3A_1309, %dma_wait3A_1315] : memref<1024x128xf32, #tpu.memory_space<vmem_shared>> -> memref<32x128xf32, #tpu.memory_space<vmem_shared>>
        tpu.wait_dma2 semaphore(%arg28 : memref<!tpu.dma_semaphore, #tpu.memory_space<semaphore_mem>>) src(%dma_wait3A_1316 : memref<32x128xf32, #tpu.memory_space<vmem_shared>>) dst(%dma_wait3A_1314 : memref<32x128xf32, #tpu.memory_space<hbm>>)
      } else {
      }
      %mul3A_980 = arith.constant 2 : i32
      %mul3A_981 = arith.muli %arg1, %mul3A_980 : i32
      %add3A_982 = arith.constant 1 : i32
      %add3A_983 = arith.addi %mul3A_981, %add3A_982 : i32
      %mul3A_984 = arith.constant 32 : i32
      %mul3A_985 = arith.muli %add3A_983, %mul3A_984 : i32
      "tpu.region"() ({
        %run_scoped3A = tpu.sem_alloc : memref<!tpu.dma_semaphore, #tpu.memory_space<semaphore_mem>>
        %dma_start3A_1304 = arith.constant 0 : i32
        %dma_start3A_1305 = tpu.memref_slice %arg18[%mul3A_985, %dma_start3A_1304] : memref<1024x128xf32, #tpu.memory_space<vmem_shared>> -> memref<32x128xf32, #tpu.memory_space<vmem_shared>>
        %dma_start3A_1306 = arith.constant 0 : i32
        %dma_start3A_1307 = tpu.memref_slice %arg18[%mul3A_985, %dma_start3A_1306] : memref<1024x128xf32, #tpu.memory_space<vmem_shared>> -> memref<32x128xf32, #tpu.memory_space<vmem_shared>>
        tpu.enqueue_dma source(%arg17 : memref<32x128xf32, #tpu.memory_space<vmem>>) target(%dma_start3A_1307 : memref<32x128xf32, #tpu.memory_space<vmem_shared>>) target_semaphore(%run_scoped3A : memref<!tpu.dma_semaphore, #tpu.memory_space<semaphore_mem>>)
        %dma_wait3A_1308 = arith.constant 0 : i32
        %dma_wait3A_1309 = tpu.memref_slice %arg18[%mul3A_985, %dma_wait3A_1308] : memref<1024x128xf32, #tpu.memory_space<vmem_shared>> -> memref<32x128xf32, #tpu.memory_space<vmem_shared>>
        %dma_wait3A_1310 = arith.constant 0 : i32
        %dma_wait3A_1311 = tpu.memref_slice %arg18[%mul3A_985, %dma_wait3A_1310] : memref<1024x128xf32, #tpu.memory_space<vmem_shared>> -> memref<32x128xf32, #tpu.memory_space<vmem_shared>>
        tpu.wait_dma2 semaphore(%run_scoped3A : memref<!tpu.dma_semaphore, #tpu.memory_space<semaphore_mem>>) src(%arg17 : memref<32x128xf32, #tpu.memory_space<vmem>>) dst(%dma_wait3A_1311 : memref<32x128xf32, #tpu.memory_space<vmem_shared>>)
        tpu.yield
      }) : () -> ()
      %mul3A_986 = arith.constant 320 : i32
      %mul3A_987 = arith.muli %add3A_961, %mul3A_986 : i32
      %add3A_988 = arith.constant 0 : i32
      %add3A_989 = arith.addi %mul3A_987, %add3A_988 : i32
      %dma_wait3A_990 = arith.constant 0 : i32
      %dma_wait3A_991 = arith.constant 0 : i32
      %dma_wait3A_992 = tpu.memref_slice %arg15[%dma_wait3A_990, %dma_wait3A_991] : memref<320x128xf32, #tpu.memory_space<vmem>> -> memref<64x128xf32, #tpu.memory_space<vmem>>
      %dma_wait3A_993 = tpu.memref_slice %arg11[%add3A_989] : memref<8000xi32, #tpu.memory_space<vmem>> -> memref<64xi32, #tpu.memory_space<vmem>>
      %dma_wait3A_994 = arith.constant 0 : i32
      %dma_wait3A_995 = arith.constant 0 : i32
      %dma_wait3A_996 = tpu.memref_slice %arg5[%dma_wait3A_994, %dma_wait3A_995] : memref<10000x128xf32, #tpu.memory_space<hbm>> -> memref<10000x128xf32, #tpu.memory_space<hbm>>
      tpu.wait_indirect_dma semaphore(%arg22 : memref<!tpu.dma_semaphore, #tpu.memory_space<semaphore_mem>>) src(%dma_wait3A_996 : memref<10000x128xf32, #tpu.memory_space<hbm>>) dst(%dma_wait3A_992 : memref<64x128xf32, #tpu.memory_space<vmem>>)
      %mul3A_997 = arith.constant 320 : i32
      %mul3A_998 = arith.muli %add3A_961, %mul3A_997 : i32
      %add3A_999 = arith.constant 64 : i32
      %add3A_1000 = arith.addi %mul3A_998, %add3A_999 : i32
      %dma_wait3A_1001 = arith.constant 64 : i32
      %dma_wait3A_1002 = arith.constant 0 : i32
      %dma_wait3A_1003 = tpu.memref_slice %arg15[%dma_wait3A_1001, %dma_wait3A_1002] : memref<320x128xf32, #tpu.memory_space<vmem>> -> memref<64x128xf32, #tpu.memory_space<vmem>>
      %dma_wait3A_1004 = tpu.memref_slice %arg11[%add3A_1000] : memref<8000xi32, #tpu.memory_space<vmem>> -> memref<64xi32, #tpu.memory_space<vmem>>
      %dma_wait3A_1005 = arith.constant 0 : i32
      %dma_wait3A_1006 = arith.constant 0 : i32
      %dma_wait3A_1007 = tpu.memref_slice %arg5[%dma_wait3A_1005, %dma_wait3A_1006] : memref<10000x128xf32, #tpu.memory_space<hbm>> -> memref<10000x128xf32, #tpu.memory_space<hbm>>
      tpu.wait_indirect_dma semaphore(%arg22 : memref<!tpu.dma_semaphore, #tpu.memory_space<semaphore_mem>>) src(%dma_wait3A_1007 : memref<10000x128xf32, #tpu.memory_space<hbm>>) dst(%dma_wait3A_1003 : memref<64x128xf32, #tpu.memory_space<vmem>>)
      %mul3A_1008 = arith.constant 320 : i32
      %mul3A_1009 = arith.muli %add3A_961, %mul3A_1008 : i32
      %add3A_1010 = arith.constant 128 : i32
      %add3A_1011 = arith.addi %mul3A_1009, %add3A_1010 : i32
      %dma_wait3A_1012 = arith.constant 128 : i32
      %dma_wait3A_1013 = arith.constant 0 : i32
      %dma_wait3A_1014 = tpu.memref_slice %arg15[%dma_wait3A_1012, %dma_wait3A_1013] : memref<320x128xf32, #tpu.memory_space<vmem>> -> memref<64x128xf32, #tpu.memory_space<vmem>>
      %dma_wait3A_1015 = tpu.memref_slice %arg11[%add3A_1011] : memref<8000xi32, #tpu.memory_space<vmem>> -> memref<64xi32, #tpu.memory_space<vmem>>
      %dma_wait3A_1016 = arith.constant 0 : i32
      %dma_wait3A_1017 = arith.constant 0 : i32
      %dma_wait3A_1018 = tpu.memref_slice %arg5[%dma_wait3A_1016, %dma_wait3A_1017] : memref<10000x128xf32, #tpu.memory_space<hbm>> -> memref<10000x128xf32, #tpu.memory_space<hbm>>
      tpu.wait_indirect_dma semaphore(%arg22 : memref<!tpu.dma_semaphore, #tpu.memory_space<semaphore_mem>>) src(%dma_wait3A_1018 : memref<10000x128xf32, #tpu.memory_space<hbm>>) dst(%dma_wait3A_1014 : memref<64x128xf32, #tpu.memory_space<vmem>>)
      %mul3A_1019 = arith.constant 320 : i32
      %mul3A_1020 = arith.muli %add3A_961, %mul3A_1019 : i32
      %add3A_1021 = arith.constant 192 : i32
      %add3A_1022 = arith.addi %mul3A_1020, %add3A_1021 : i32
      %dma_wait3A_1023 = arith.constant 192 : i32
      %dma_wait3A_1024 = arith.constant 0 : i32
      %dma_wait3A_1025 = tpu.memref_slice %arg15[%dma_wait3A_1023, %dma_wait3A_1024] : memref<320x128xf32, #tpu.memory_space<vmem>> -> memref<64x128xf32, #tpu.memory_space<vmem>>
      %dma_wait3A_1026 = tpu.memref_slice %arg11[%add3A_1022] : memref<8000xi32, #tpu.memory_space<vmem>> -> memref<64xi32, #tpu.memory_space<vmem>>
      %dma_wait3A_1027 = arith.constant 0 : i32
      %dma_wait3A_1028 = arith.constant 0 : i32
      %dma_wait3A_1029 = tpu.memref_slice %arg5[%dma_wait3A_1027, %dma_wait3A_1028] : memref<10000x128xf32, #tpu.memory_space<hbm>> -> memref<10000x128xf32, #tpu.memory_space<hbm>>
      tpu.wait_indirect_dma semaphore(%arg22 : memref<!tpu.dma_semaphore, #tpu.memory_space<semaphore_mem>>) src(%dma_wait3A_1029 : memref<10000x128xf32, #tpu.memory_space<hbm>>) dst(%dma_wait3A_1025 : memref<64x128xf32, #tpu.memory_space<vmem>>)
      %mul3A_1030 = arith.constant 320 : i32
      %mul3A_1031 = arith.muli %add3A_961, %mul3A_1030 : i32
      %add3A_1032 = arith.constant 256 : i32
      %add3A_1033 = arith.addi %mul3A_1031, %add3A_1032 : i32
      %dma_wait3A_1034 = arith.constant 256 : i32
      %dma_wait3A_1035 = arith.constant 0 : i32
      %dma_wait3A_1036 = tpu.memref_slice %arg15[%dma_wait3A_1034, %dma_wait3A_1035] : memref<320x128xf32, #tpu.memory_space<vmem>> -> memref<64x128xf32, #tpu.memory_space<vmem>>
      %dma_wait3A_1037 = tpu.memref_slice %arg11[%add3A_1033] : memref<8000xi32, #tpu.memory_space<vmem>> -> memref<64xi32, #tpu.memory_space<vmem>>
      %dma_wait3A_1038 = arith.constant 0 : i32
      %dma_wait3A_1039 = arith.constant 0 : i32
      %dma_wait3A_1040 = tpu.memref_slice %arg5[%dma_wait3A_1038, %dma_wait3A_1039] : memref<10000x128xf32, #tpu.memory_space<hbm>> -> memref<10000x128xf32, #tpu.memory_space<hbm>>
      tpu.wait_indirect_dma semaphore(%arg22 : memref<!tpu.dma_semaphore, #tpu.memory_space<semaphore_mem>>) src(%dma_wait3A_1040 : memref<10000x128xf32, #tpu.memory_space<hbm>>) dst(%dma_wait3A_1036 : memref<64x128xf32, #tpu.memory_space<vmem>>)
      %dma_start3A_1041 = arith.constant 1 : i32
      %dma_start3A_1042 = arith.constant 0 : i32
      %dma_start3A_1043 = arith.constant 0 : i32
      %dma_start3A_1044 = arith.constant 0 : i32
      %dma_start3A_1045 = tpu.memref_slice %arg15[%dma_start3A_1043, %dma_start3A_1044] : memref<320x128xf32, #tpu.memory_space<vmem>> -> memref<64x128xf32, #tpu.memory_space<vmem>>
      %dma_start3A_1046 = arith.constant 0 : i32
      %dma_start3A_1047 = tpu.memref_slice %arg16[%dma_start3A_1041, %dma_start3A_1042, %dma_start3A_1046] : memref<2x5x64xi32, #tpu.memory_space<vmem>> -> memref<1x1x64xi32, #tpu.memory_space<vmem>>
      %dma_start3A_1048 = tpu.memref_squeeze %dma_start3A_1047 : memref<1x1x64xi32, #tpu.memory_space<vmem>> -> memref<64xi32, #tpu.memory_space<vmem>>
      %dma_start3A_1049 = arith.constant 0 : i32
      %dma_start3A_1050 = arith.constant 0 : i32
      %dma_start3A_1051 = tpu.memref_slice %arg18[%dma_start3A_1049, %dma_start3A_1050] : memref<1024x128xf32, #tpu.memory_space<vmem_shared>> -> memref<1024x128xf32, #tpu.memory_space<vmem_shared>>
      tpu.enqueue_indirect_dma source(%dma_start3A_1045 : memref<64x128xf32, #tpu.memory_space<vmem>>) target(%dma_start3A_1051 : memref<1024x128xf32, #tpu.memory_space<vmem_shared>>) offsets(%dma_start3A_1048 : memref<64xi32, #tpu.memory_space<vmem>>) semaphore(%arg24 : memref<!tpu.dma_semaphore, #tpu.memory_space<semaphore_mem>>) {add = true}
      %dma_start3A_1052 = arith.constant 1 : i32
      %dma_start3A_1053 = arith.constant 1 : i32
      %dma_start3A_1054 = arith.constant 64 : i32
      %dma_start3A_1055 = arith.constant 0 : i32
      %dma_start3A_1056 = tpu.memref_slice %arg15[%dma_start3A_1054, %dma_start3A_1055] : memref<320x128xf32, #tpu.memory_space<vmem>> -> memref<64x128xf32, #tpu.memory_space<vmem>>
      %dma_start3A_1057 = arith.constant 0 : i32
      %dma_start3A_1058 = tpu.memref_slice %arg16[%dma_start3A_1052, %dma_start3A_1053, %dma_start3A_1057] : memref<2x5x64xi32, #tpu.memory_space<vmem>> -> memref<1x1x64xi32, #tpu.memory_space<vmem>>
      %dma_start3A_1059 = tpu.memref_squeeze %dma_start3A_1058 : memref<1x1x64xi32, #tpu.memory_space<vmem>> -> memref<64xi32, #tpu.memory_space<vmem>>
      %dma_start3A_1060 = arith.constant 0 : i32
      %dma_start3A_1061 = arith.constant 0 : i32
      %dma_start3A_1062 = tpu.memref_slice %arg18[%dma_start3A_1060, %dma_start3A_1061] : memref<1024x128xf32, #tpu.memory_space<vmem_shared>> -> memref<1024x128xf32, #tpu.memory_space<vmem_shared>>
      tpu.enqueue_indirect_dma source(%dma_start3A_1056 : memref<64x128xf32, #tpu.memory_space<vmem>>) target(%dma_start3A_1062 : memref<1024x128xf32, #tpu.memory_space<vmem_shared>>) offsets(%dma_start3A_1059 : memref<64xi32, #tpu.memory_space<vmem>>) semaphore(%arg24 : memref<!tpu.dma_semaphore, #tpu.memory_space<semaphore_mem>>) {add = true}
      %dma_start3A_1063 = arith.constant 1 : i32
      %dma_start3A_1064 = arith.constant 2 : i32
      %dma_start3A_1065 = arith.constant 128 : i32
      %dma_start3A_1066 = arith.constant 0 : i32
      %dma_start3A_1067 = tpu.memref_slice %arg15[%dma_start3A_1065, %dma_start3A_1066] : memref<320x128xf32, #tpu.memory_space<vmem>> -> memref<64x128xf32, #tpu.memory_space<vmem>>
      %dma_start3A_1068 = arith.constant 0 : i32
      %dma_start3A_1069 = tpu.memref_slice %arg16[%dma_start3A_1063, %dma_start3A_1064, %dma_start3A_1068] : memref<2x5x64xi32, #tpu.memory_space<vmem>> -> memref<1x1x64xi32, #tpu.memory_space<vmem>>
      %dma_start3A_1070 = tpu.memref_squeeze %dma_start3A_1069 : memref<1x1x64xi32, #tpu.memory_space<vmem>> -> memref<64xi32, #tpu.memory_space<vmem>>
      %dma_start3A_1071 = arith.constant 0 : i32
      %dma_start3A_1072 = arith.constant 0 : i32
      %dma_start3A_1073 = tpu.memref_slice %arg18[%dma_start3A_1071, %dma_start3A_1072] : memref<1024x128xf32, #tpu.memory_space<vmem_shared>> -> memref<1024x128xf32, #tpu.memory_space<vmem_shared>>
      tpu.enqueue_indirect_dma source(%dma_start3A_1067 : memref<64x128xf32, #tpu.memory_space<vmem>>) target(%dma_start3A_1073 : memref<1024x128xf32, #tpu.memory_space<vmem_shared>>) offsets(%dma_start3A_1070 : memref<64xi32, #tpu.memory_space<vmem>>) semaphore(%arg24 : memref<!tpu.dma_semaphore, #tpu.memory_space<semaphore_mem>>) {add = true}
      %dma_start3A_1074 = arith.constant 1 : i32
      %dma_start3A_1075 = arith.constant 3 : i32
      %dma_start3A_1076 = arith.constant 192 : i32
      %dma_start3A_1077 = arith.constant 0 : i32
      %dma_start3A_1078 = tpu.memref_slice %arg15[%dma_start3A_1076, %dma_start3A_1077] : memref<320x128xf32, #tpu.memory_space<vmem>> -> memref<64x128xf32, #tpu.memory_space<vmem>>
      %dma_start3A_1079 = arith.constant 0 : i32
      %dma_start3A_1080 = tpu.memref_slice %arg16[%dma_start3A_1074, %dma_start3A_1075, %dma_start3A_1079] : memref<2x5x64xi32, #tpu.memory_space<vmem>> -> memref<1x1x64xi32, #tpu.memory_space<vmem>>
      %dma_start3A_1081 = tpu.memref_squeeze %dma_start3A_1080 : memref<1x1x64xi32, #tpu.memory_space<vmem>> -> memref<64xi32, #tpu.memory_space<vmem>>
      %dma_start3A_1082 = arith.constant 0 : i32
      %dma_start3A_1083 = arith.constant 0 : i32
      %dma_start3A_1084 = tpu.memref_slice %arg18[%dma_start3A_1082, %dma_start3A_1083] : memref<1024x128xf32, #tpu.memory_space<vmem_shared>> -> memref<1024x128xf32, #tpu.memory_space<vmem_shared>>
      tpu.enqueue_indirect_dma source(%dma_start3A_1078 : memref<64x128xf32, #tpu.memory_space<vmem>>) target(%dma_start3A_1084 : memref<1024x128xf32, #tpu.memory_space<vmem_shared>>) offsets(%dma_start3A_1081 : memref<64xi32, #tpu.memory_space<vmem>>) semaphore(%arg24 : memref<!tpu.dma_semaphore, #tpu.memory_space<semaphore_mem>>) {add = true}
      %dma_start3A_1085 = arith.constant 1 : i32
      %dma_start3A_1086 = arith.constant 4 : i32
      %dma_start3A_1087 = arith.constant 256 : i32
      %dma_start3A_1088 = arith.constant 0 : i32
      %dma_start3A_1089 = tpu.memref_slice %arg15[%dma_start3A_1087, %dma_start3A_1088] : memref<320x128xf32, #tpu.memory_space<vmem>> -> memref<64x128xf32, #tpu.memory_space<vmem>>
      %dma_start3A_1090 = arith.constant 0 : i32
      %dma_start3A_1091 = tpu.memref_slice %arg16[%dma_start3A_1085, %dma_start3A_1086, %dma_start3A_1090] : memref<2x5x64xi32, #tpu.memory_space<vmem>> -> memref<1x1x64xi32, #tpu.memory_space<vmem>>
      %dma_start3A_1092 = tpu.memref_squeeze %dma_start3A_1091 : memref<1x1x64xi32, #tpu.memory_space<vmem>> -> memref<64xi32, #tpu.memory_space<vmem>>
      %dma_start3A_1093 = arith.constant 0 : i32
      %dma_start3A_1094 = arith.constant 0 : i32
      %dma_start3A_1095 = tpu.memref_slice %arg18[%dma_start3A_1093, %dma_start3A_1094] : memref<1024x128xf32, #tpu.memory_space<vmem_shared>> -> memref<1024x128xf32, #tpu.memory_space<vmem_shared>>
      tpu.enqueue_indirect_dma source(%dma_start3A_1089 : memref<64x128xf32, #tpu.memory_space<vmem>>) target(%dma_start3A_1095 : memref<1024x128xf32, #tpu.memory_space<vmem_shared>>) offsets(%dma_start3A_1092 : memref<64xi32, #tpu.memory_space<vmem>>) semaphore(%arg24 : memref<!tpu.dma_semaphore, #tpu.memory_space<semaphore_mem>>) {add = true}
      %dma_wait3A_1096 = arith.constant 1 : i32
      %dma_wait3A_1097 = arith.constant 0 : i32
      %dma_wait3A_1098 = arith.constant 0 : i32
      %dma_wait3A_1099 = arith.constant 0 : i32
      %dma_wait3A_1100 = tpu.memref_slice %arg15[%dma_wait3A_1098, %dma_wait3A_1099] : memref<320x128xf32, #tpu.memory_space<vmem>> -> memref<64x128xf32, #tpu.memory_space<vmem>>
      %dma_wait3A_1101 = arith.constant 0 : i32
      %dma_wait3A_1102 = tpu.memref_slice %arg16[%dma_wait3A_1096, %dma_wait3A_1097, %dma_wait3A_1101] : memref<2x5x64xi32, #tpu.memory_space<vmem>> -> memref<1x1x64xi32, #tpu.memory_space<vmem>>
      %dma_wait3A_1103 = tpu.memref_squeeze %dma_wait3A_1102 : memref<1x1x64xi32, #tpu.memory_space<vmem>> -> memref<64xi32, #tpu.memory_space<vmem>>
      %dma_wait3A_1104 = arith.constant 0 : i32
      %dma_wait3A_1105 = arith.constant 0 : i32
      %dma_wait3A_1106 = tpu.memref_slice %arg18[%dma_wait3A_1104, %dma_wait3A_1105] : memref<1024x128xf32, #tpu.memory_space<vmem_shared>> -> memref<1024x128xf32, #tpu.memory_space<vmem_shared>>
      tpu.wait_indirect_dma semaphore(%arg24 : memref<!tpu.dma_semaphore, #tpu.memory_space<semaphore_mem>>) src(%dma_wait3A_1100 : memref<64x128xf32, #tpu.memory_space<vmem>>) dst(%dma_wait3A_1106 : memref<1024x128xf32, #tpu.memory_space<vmem_shared>>)
      %dma_wait3A_1107 = arith.constant 1 : i32
      %dma_wait3A_1108 = arith.constant 1 : i32
      %dma_wait3A_1109 = arith.constant 64 : i32
      %dma_wait3A_1110 = arith.constant 0 : i32
      %dma_wait3A_1111 = tpu.memref_slice %arg15[%dma_wait3A_1109, %dma_wait3A_1110] : memref<320x128xf32, #tpu.memory_space<vmem>> -> memref<64x128xf32, #tpu.memory_space<vmem>>
      %dma_wait3A_1112 = arith.constant 0 : i32
      %dma_wait3A_1113 = tpu.memref_slice %arg16[%dma_wait3A_1107, %dma_wait3A_1108, %dma_wait3A_1112] : memref<2x5x64xi32, #tpu.memory_space<vmem>> -> memref<1x1x64xi32, #tpu.memory_space<vmem>>
      %dma_wait3A_1114 = tpu.memref_squeeze %dma_wait3A_1113 : memref<1x1x64xi32, #tpu.memory_space<vmem>> -> memref<64xi32, #tpu.memory_space<vmem>>
      %dma_wait3A_1115 = arith.constant 0 : i32
      %dma_wait3A_1116 = arith.constant 0 : i32
      %dma_wait3A_1117 = tpu.memref_slice %arg18[%dma_wait3A_1115, %dma_wait3A_1116] : memref<1024x128xf32, #tpu.memory_space<vmem_shared>> -> memref<1024x128xf32, #tpu.memory_space<vmem_shared>>
      tpu.wait_indirect_dma semaphore(%arg24 : memref<!tpu.dma_semaphore, #tpu.memory_space<semaphore_mem>>) src(%dma_wait3A_1111 : memref<64x128xf32, #tpu.memory_space<vmem>>) dst(%dma_wait3A_1117 : memref<1024x128xf32, #tpu.memory_space<vmem_shared>>)
      %dma_wait3A_1118 = arith.constant 1 : i32
      %dma_wait3A_1119 = arith.constant 2 : i32
      %dma_wait3A_1120 = arith.constant 128 : i32
      %dma_wait3A_1121 = arith.constant 0 : i32
      %dma_wait3A_1122 = tpu.memref_slice %arg15[%dma_wait3A_1120, %dma_wait3A_1121] : memref<320x128xf32, #tpu.memory_space<vmem>> -> memref<64x128xf32, #tpu.memory_space<vmem>>
      %dma_wait3A_1123 = arith.constant 0 : i32
      %dma_wait3A_1124 = tpu.memref_slice %arg16[%dma_wait3A_1118, %dma_wait3A_1119, %dma_wait3A_1123] : memref<2x5x64xi32, #tpu.memory_space<vmem>> -> memref<1x1x64xi32, #tpu.memory_space<vmem>>
      %dma_wait3A_1125 = tpu.memref_squeeze %dma_wait3A_1124 : memref<1x1x64xi32, #tpu.memory_space<vmem>> -> memref<64xi32, #tpu.memory_space<vmem>>
      %dma_wait3A_1126 = arith.constant 0 : i32
      %dma_wait3A_1127 = arith.constant 0 : i32
      %dma_wait3A_1128 = tpu.memref_slice %arg18[%dma_wait3A_1126, %dma_wait3A_1127] : memref<1024x128xf32, #tpu.memory_space<vmem_shared>> -> memref<1024x128xf32, #tpu.memory_space<vmem_shared>>
      tpu.wait_indirect_dma semaphore(%arg24 : memref<!tpu.dma_semaphore, #tpu.memory_space<semaphore_mem>>) src(%dma_wait3A_1122 : memref<64x128xf32, #tpu.memory_space<vmem>>) dst(%dma_wait3A_1128 : memref<1024x128xf32, #tpu.memory_space<vmem_shared>>)
      %dma_wait3A_1129 = arith.constant 1 : i32
      %dma_wait3A_1130 = arith.constant 3 : i32
      %dma_wait3A_1131 = arith.constant 192 : i32
      %dma_wait3A_1132 = arith.constant 0 : i32
      %dma_wait3A_1133 = tpu.memref_slice %arg15[%dma_wait3A_1131, %dma_wait3A_1132] : memref<320x128xf32, #tpu.memory_space<vmem>> -> memref<64x128xf32, #tpu.memory_space<vmem>>
      %dma_wait3A_1134 = arith.constant 0 : i32
      %dma_wait3A_1135 = tpu.memref_slice %arg16[%dma_wait3A_1129, %dma_wait3A_1130, %dma_wait3A_1134] : memref<2x5x64xi32, #tpu.memory_space<vmem>> -> memref<1x1x64xi32, #tpu.memory_space<vmem>>
      %dma_wait3A_1136 = tpu.memref_squeeze %dma_wait3A_1135 : memref<1x1x64xi32, #tpu.memory_space<vmem>> -> memref<64xi32, #tpu.memory_space<vmem>>
      %dma_wait3A_1137 = arith.constant 0 : i32
      %dma_wait3A_1138 = arith.constant 0 : i32
      %dma_wait3A_1139 = tpu.memref_slice %arg18[%dma_wait3A_1137, %dma_wait3A_1138] : memref<1024x128xf32, #tpu.memory_space<vmem_shared>> -> memref<1024x128xf32, #tpu.memory_space<vmem_shared>>
      tpu.wait_indirect_dma semaphore(%arg24 : memref<!tpu.dma_semaphore, #tpu.memory_space<semaphore_mem>>) src(%dma_wait3A_1133 : memref<64x128xf32, #tpu.memory_space<vmem>>) dst(%dma_wait3A_1139 : memref<1024x128xf32, #tpu.memory_space<vmem_shared>>)
      %dma_wait3A_1140 = arith.constant 1 : i32
      %dma_wait3A_1141 = arith.constant 4 : i32
      %dma_wait3A_1142 = arith.constant 256 : i32
      %dma_wait3A_1143 = arith.constant 0 : i32
      %dma_wait3A_1144 = tpu.memref_slice %arg15[%dma_wait3A_1142, %dma_wait3A_1143] : memref<320x128xf32, #tpu.memory_space<vmem>> -> memref<64x128xf32, #tpu.memory_space<vmem>>
      %dma_wait3A_1145 = arith.constant 0 : i32
      %dma_wait3A_1146 = tpu.memref_slice %arg16[%dma_wait3A_1140, %dma_wait3A_1141, %dma_wait3A_1145] : memref<2x5x64xi32, #tpu.memory_space<vmem>> -> memref<1x1x64xi32, #tpu.memory_space<vmem>>
      %dma_wait3A_1147 = tpu.memref_squeeze %dma_wait3A_1146 : memref<1x1x64xi32, #tpu.memory_space<vmem>> -> memref<64xi32, #tpu.memory_space<vmem>>
      %dma_wait3A_1148 = arith.constant 0 : i32
      %dma_wait3A_1149 = arith.constant 0 : i32
      %dma_wait3A_1150 = tpu.memref_slice %arg18[%dma_wait3A_1148, %dma_wait3A_1149] : memref<1024x128xf32, #tpu.memory_space<vmem_shared>> -> memref<1024x128xf32, #tpu.memory_space<vmem_shared>>
      tpu.wait_indirect_dma semaphore(%arg24 : memref<!tpu.dma_semaphore, #tpu.memory_space<semaphore_mem>>) src(%dma_wait3A_1144 : memref<64x128xf32, #tpu.memory_space<vmem>>) dst(%dma_wait3A_1150 : memref<1024x128xf32, #tpu.memory_space<vmem_shared>>)
      %mul3A_1151 = arith.constant 2 : i32
      %mul3A_1152 = arith.muli %arg1, %mul3A_1151 : i32
      %add3A_1153 = arith.constant 1 : i32
      %add3A_1154 = arith.addi %mul3A_1152, %add3A_1153 : i32
      %mul3A_1155 = arith.constant 32 : i32
      %mul3A_1156 = arith.muli %add3A_1154, %mul3A_1155 : i32
      %mul3A_1157 = arith.constant 32 : i32
      %mul3A_1158 = arith.muli %add3A_961, %mul3A_1157 : i32
      %add3A_1159 = arith.addi %mul3A_2, %mul3A_1158 : i32
      %dma_start3A_1160 = arith.constant 0 : i32
      %dma_start3A_1161 = tpu.memref_slice %arg9[%add3A_1159, %dma_start3A_1160] : memref<25600x128xf32, #tpu.memory_space<hbm>> -> memref<32x128xf32, #tpu.memory_space<hbm>>
      %dma_start3A_1162 = arith.constant 0 : i32
      %dma_start3A_1163 = tpu.memref_slice %arg18[%mul3A_1156, %dma_start3A_1162] : memref<1024x128xf32, #tpu.memory_space<vmem_shared>> -> memref<32x128xf32, #tpu.memory_space<vmem_shared>>
      tpu.enqueue_dma source(%dma_start3A_1163 : memref<32x128xf32, #tpu.memory_space<vmem_shared>>) target(%dma_start3A_1161 : memref<32x128xf32, #tpu.memory_space<hbm>>) target_semaphore(%arg28 : memref<!tpu.dma_semaphore, #tpu.memory_space<semaphore_mem>>)
      %add3A_1164 = arith.constant 2 : i32
      %add3A_1165 = arith.addi %mul3A_760, %add3A_1164 : i32
      %mul3A_1166 = arith.constant 32 : i32
      %mul3A_1167 = arith.muli %add3A_1165, %mul3A_1166 : i32
      %add3A_1168 = arith.addi %mul3A_2, %mul3A_1167 : i32
      %dma_wait3A_1169 = arith.constant 0 : i32
      %dma_wait3A_1170 = tpu.memref_slice %arg8[%add3A_1168, %dma_wait3A_1169] : memref<25600x128xf32, #tpu.memory_space<hbm>> -> memref<32x128xf32, #tpu.memory_space<hbm>>
      %dma_wait3A_1171 = arith.constant 0 : i32
      %dma_wait3A_1172 = tpu.memref_slice %arg8[%add3A_1168, %dma_wait3A_1171] : memref<25600x128xf32, #tpu.memory_space<hbm>> -> memref<32x128xf32, #tpu.memory_space<hbm>>
      tpu.wait_dma2 semaphore(%arg25 : memref<!tpu.dma_semaphore, #tpu.memory_space<semaphore_mem>>) src(%arg12 : memref<32x128xf32, #tpu.memory_space<vmem>>) dst(%dma_wait3A_1172 : memref<32x128xf32, #tpu.memory_space<hbm>>)
      %mul3A_1173 = arith.constant 32 : i32
      %mul3A_1174 = arith.muli %add3A_1165, %mul3A_1173 : i32
      %dma_start3A_1175 = tpu.memref_slice %arg10[%mul3A_1174] : memref<800xi32, #tpu.memory_space<vmem>> -> memref<32xi32, #tpu.memory_space<vmem>>
      %dma_start3A_1176 = arith.constant 0 : i32
      %dma_start3A_1177 = arith.constant 0 : i32
      %dma_start3A_1178 = tpu.memref_slice %arg4[%dma_start3A_1176, %dma_start3A_1177] : memref<100000x128xf32, #tpu.memory_space<hbm>> -> memref<100000x128xf32, #tpu.memory_space<hbm>>
      tpu.enqueue_indirect_dma source(%dma_start3A_1178 : memref<100000x128xf32, #tpu.memory_space<hbm>>) target(%arg12 : memref<32x128xf32, #tpu.memory_space<vmem>>) offsets(%dma_start3A_1175 : memref<32xi32, #tpu.memory_space<vmem>>) semaphore(%arg19 : memref<!tpu.dma_semaphore, #tpu.memory_space<semaphore_mem>>)
      %mul3A_1179 = arith.constant 320 : i32
      %mul3A_1180 = arith.muli %add3A_1165, %mul3A_1179 : i32
      %add3A_1181 = arith.constant 0 : i32
      %add3A_1182 = arith.addi %mul3A_1180, %add3A_1181 : i32
      %dma_start3A_1183 = arith.constant 0 : i32
      %dma_start3A_1184 = arith.constant 0 : i32
      %dma_start3A_1185 = tpu.memref_slice %arg14[%dma_start3A_1183, %dma_start3A_1184] : memref<320x128xf32, #tpu.memory_space<vmem>> -> memref<64x128xf32, #tpu.memory_space<vmem>>
      %dma_start3A_1186 = tpu.memref_slice %arg11[%add3A_1182] : memref<8000xi32, #tpu.memory_space<vmem>> -> memref<64xi32, #tpu.memory_space<vmem>>
      %dma_start3A_1187 = arith.constant 0 : i32
      %dma_start3A_1188 = arith.constant 0 : i32
      %dma_start3A_1189 = tpu.memref_slice %arg5[%dma_start3A_1187, %dma_start3A_1188] : memref<10000x128xf32, #tpu.memory_space<hbm>> -> memref<10000x128xf32, #tpu.memory_space<hbm>>
      tpu.enqueue_indirect_dma source(%dma_start3A_1189 : memref<10000x128xf32, #tpu.memory_space<hbm>>) target(%dma_start3A_1185 : memref<64x128xf32, #tpu.memory_space<vmem>>) offsets(%dma_start3A_1186 : memref<64xi32, #tpu.memory_space<vmem>>) semaphore(%arg21 : memref<!tpu.dma_semaphore, #tpu.memory_space<semaphore_mem>>)
      %mul3A_1190 = arith.constant 320 : i32
      %mul3A_1191 = arith.muli %add3A_1165, %mul3A_1190 : i32
      %add3A_1192 = arith.constant 64 : i32
      %add3A_1193 = arith.addi %mul3A_1191, %add3A_1192 : i32
      %dma_start3A_1194 = arith.constant 64 : i32
      %dma_start3A_1195 = arith.constant 0 : i32
      %dma_start3A_1196 = tpu.memref_slice %arg14[%dma_start3A_1194, %dma_start3A_1195] : memref<320x128xf32, #tpu.memory_space<vmem>> -> memref<64x128xf32, #tpu.memory_space<vmem>>
      %dma_start3A_1197 = tpu.memref_slice %arg11[%add3A_1193] : memref<8000xi32, #tpu.memory_space<vmem>> -> memref<64xi32, #tpu.memory_space<vmem>>
      %dma_start3A_1198 = arith.constant 0 : i32
      %dma_start3A_1199 = arith.constant 0 : i32
      %dma_start3A_1200 = tpu.memref_slice %arg5[%dma_start3A_1198, %dma_start3A_1199] : memref<10000x128xf32, #tpu.memory_space<hbm>> -> memref<10000x128xf32, #tpu.memory_space<hbm>>
      tpu.enqueue_indirect_dma source(%dma_start3A_1200 : memref<10000x128xf32, #tpu.memory_space<hbm>>) target(%dma_start3A_1196 : memref<64x128xf32, #tpu.memory_space<vmem>>) offsets(%dma_start3A_1197 : memref<64xi32, #tpu.memory_space<vmem>>) semaphore(%arg21 : memref<!tpu.dma_semaphore, #tpu.memory_space<semaphore_mem>>)
      %mul3A_1201 = arith.constant 320 : i32
      %mul3A_1202 = arith.muli %add3A_1165, %mul3A_1201 : i32
      %add3A_1203 = arith.constant 128 : i32
      %add3A_1204 = arith.addi %mul3A_1202, %add3A_1203 : i32
      %dma_start3A_1205 = arith.constant 128 : i32
      %dma_start3A_1206 = arith.constant 0 : i32
      %dma_start3A_1207 = tpu.memref_slice %arg14[%dma_start3A_1205, %dma_start3A_1206] : memref<320x128xf32, #tpu.memory_space<vmem>> -> memref<64x128xf32, #tpu.memory_space<vmem>>
      %dma_start3A_1208 = tpu.memref_slice %arg11[%add3A_1204] : memref<8000xi32, #tpu.memory_space<vmem>> -> memref<64xi32, #tpu.memory_space<vmem>>
      %dma_start3A_1209 = arith.constant 0 : i32
      %dma_start3A_1210 = arith.constant 0 : i32
      %dma_start3A_1211 = tpu.memref_slice %arg5[%dma_start3A_1209, %dma_start3A_1210] : memref<10000x128xf32, #tpu.memory_space<hbm>> -> memref<10000x128xf32, #tpu.memory_space<hbm>>
      tpu.enqueue_indirect_dma source(%dma_start3A_1211 : memref<10000x128xf32, #tpu.memory_space<hbm>>) target(%dma_start3A_1207 : memref<64x128xf32, #tpu.memory_space<vmem>>) offsets(%dma_start3A_1208 : memref<64xi32, #tpu.memory_space<vmem>>) semaphore(%arg21 : memref<!tpu.dma_semaphore, #tpu.memory_space<semaphore_mem>>)
      %mul3A_1212 = arith.constant 320 : i32
      %mul3A_1213 = arith.muli %add3A_1165, %mul3A_1212 : i32
      %add3A_1214 = arith.constant 192 : i32
      %add3A_1215 = arith.addi %mul3A_1213, %add3A_1214 : i32
      %dma_start3A_1216 = arith.constant 192 : i32
      %dma_start3A_1217 = arith.constant 0 : i32
      %dma_start3A_1218 = tpu.memref_slice %arg14[%dma_start3A_1216, %dma_start3A_1217] : memref<320x128xf32, #tpu.memory_space<vmem>> -> memref<64x128xf32, #tpu.memory_space<vmem>>
      %dma_start3A_1219 = tpu.memref_slice %arg11[%add3A_1215] : memref<8000xi32, #tpu.memory_space<vmem>> -> memref<64xi32, #tpu.memory_space<vmem>>
      %dma_start3A_1220 = arith.constant 0 : i32
      %dma_start3A_1221 = arith.constant 0 : i32
      %dma_start3A_1222 = tpu.memref_slice %arg5[%dma_start3A_1220, %dma_start3A_1221] : memref<10000x128xf32, #tpu.memory_space<hbm>> -> memref<10000x128xf32, #tpu.memory_space<hbm>>
      tpu.enqueue_indirect_dma source(%dma_start3A_1222 : memref<10000x128xf32, #tpu.memory_space<hbm>>) target(%dma_start3A_1218 : memref<64x128xf32, #tpu.memory_space<vmem>>) offsets(%dma_start3A_1219 : memref<64xi32, #tpu.memory_space<vmem>>) semaphore(%arg21 : memref<!tpu.dma_semaphore, #tpu.memory_space<semaphore_mem>>)
      %mul3A_1223 = arith.constant 320 : i32
      %mul3A_1224 = arith.muli %add3A_1165, %mul3A_1223 : i32
      %add3A_1225 = arith.constant 256 : i32
      %add3A_1226 = arith.addi %mul3A_1224, %add3A_1225 : i32
      %dma_start3A_1227 = arith.constant 256 : i32
      %dma_start3A_1228 = arith.constant 0 : i32
      %dma_start3A_1229 = tpu.memref_slice %arg14[%dma_start3A_1227, %dma_start3A_1228] : memref<320x128xf32, #tpu.memory_space<vmem>> -> memref<64x128xf32, #tpu.memory_space<vmem>>
      %dma_start3A_1230 = tpu.memref_slice %arg11[%add3A_1226] : memref<8000xi32, #tpu.memory_space<vmem>> -> memref<64xi32, #tpu.memory_space<vmem>>
      %dma_start3A_1231 = arith.constant 0 : i32
      %dma_start3A_1232 = arith.constant 0 : i32
      %dma_start3A_1233 = tpu.memref_slice %arg5[%dma_start3A_1231, %dma_start3A_1232] : memref<10000x128xf32, #tpu.memory_space<hbm>> -> memref<10000x128xf32, #tpu.memory_space<hbm>>
      tpu.enqueue_indirect_dma source(%dma_start3A_1233 : memref<10000x128xf32, #tpu.memory_space<hbm>>) target(%dma_start3A_1229 : memref<64x128xf32, #tpu.memory_space<vmem>>) offsets(%dma_start3A_1230 : memref<64xi32, #tpu.memory_space<vmem>>) semaphore(%arg21 : memref<!tpu.dma_semaphore, #tpu.memory_space<semaphore_mem>>)
      %add3A_1234 = arith.constant 3 : i32
      %add3A_1235 = arith.addi %mul3A_760, %add3A_1234 : i32
      %mul3A_1236 = arith.constant 32 : i32
      %mul3A_1237 = arith.muli %add3A_1235, %mul3A_1236 : i32
      %add3A_1238 = arith.addi %mul3A_2, %mul3A_1237 : i32
      %dma_wait3A_1239 = arith.constant 0 : i32
      %dma_wait3A_1240 = tpu.memref_slice %arg8[%add3A_1238, %dma_wait3A_1239] : memref<25600x128xf32, #tpu.memory_space<hbm>> -> memref<32x128xf32, #tpu.memory_space<hbm>>
      %dma_wait3A_1241 = arith.constant 0 : i32
      %dma_wait3A_1242 = tpu.memref_slice %arg8[%add3A_1238, %dma_wait3A_1241] : memref<25600x128xf32, #tpu.memory_space<hbm>> -> memref<32x128xf32, #tpu.memory_space<hbm>>
      tpu.wait_dma2 semaphore(%arg26 : memref<!tpu.dma_semaphore, #tpu.memory_space<semaphore_mem>>) src(%arg13 : memref<32x128xf32, #tpu.memory_space<vmem>>) dst(%dma_wait3A_1242 : memref<32x128xf32, #tpu.memory_space<hbm>>)
      %mul3A_1243 = arith.constant 32 : i32
      %mul3A_1244 = arith.muli %add3A_1235, %mul3A_1243 : i32
      %dma_start3A_1245 = tpu.memref_slice %arg10[%mul3A_1244] : memref<800xi32, #tpu.memory_space<vmem>> -> memref<32xi32, #tpu.memory_space<vmem>>
      %dma_start3A_1246 = arith.constant 0 : i32
      %dma_start3A_1247 = arith.constant 0 : i32
      %dma_start3A_1248 = tpu.memref_slice %arg4[%dma_start3A_1246, %dma_start3A_1247] : memref<100000x128xf32, #tpu.memory_space<hbm>> -> memref<100000x128xf32, #tpu.memory_space<hbm>>
      tpu.enqueue_indirect_dma source(%dma_start3A_1248 : memref<100000x128xf32, #tpu.memory_space<hbm>>) target(%arg13 : memref<32x128xf32, #tpu.memory_space<vmem>>) offsets(%dma_start3A_1245 : memref<32xi32, #tpu.memory_space<vmem>>) semaphore(%arg20 : memref<!tpu.dma_semaphore, #tpu.memory_space<semaphore_mem>>)
      %mul3A_1249 = arith.constant 320 : i32
      %mul3A_1250 = arith.muli %add3A_1235, %mul3A_1249 : i32
      %add3A_1251 = arith.constant 0 : i32
      %add3A_1252 = arith.addi %mul3A_1250, %add3A_1251 : i32
      %dma_start3A_1253 = arith.constant 0 : i32
      %dma_start3A_1254 = arith.constant 0 : i32
      %dma_start3A_1255 = tpu.memref_slice %arg15[%dma_start3A_1253, %dma_start3A_1254] : memref<320x128xf32, #tpu.memory_space<vmem>> -> memref<64x128xf32, #tpu.memory_space<vmem>>
      %dma_start3A_1256 = tpu.memref_slice %arg11[%add3A_1252] : memref<8000xi32, #tpu.memory_space<vmem>> -> memref<64xi32, #tpu.memory_space<vmem>>
      %dma_start3A_1257 = arith.constant 0 : i32
      %dma_start3A_1258 = arith.constant 0 : i32
      %dma_start3A_1259 = tpu.memref_slice %arg5[%dma_start3A_1257, %dma_start3A_1258] : memref<10000x128xf32, #tpu.memory_space<hbm>> -> memref<10000x128xf32, #tpu.memory_space<hbm>>
      tpu.enqueue_indirect_dma source(%dma_start3A_1259 : memref<10000x128xf32, #tpu.memory_space<hbm>>) target(%dma_start3A_1255 : memref<64x128xf32, #tpu.memory_space<vmem>>) offsets(%dma_start3A_1256 : memref<64xi32, #tpu.memory_space<vmem>>) semaphore(%arg22 : memref<!tpu.dma_semaphore, #tpu.memory_space<semaphore_mem>>)
      %mul3A_1260 = arith.constant 320 : i32
      %mul3A_1261 = arith.muli %add3A_1235, %mul3A_1260 : i32
      %add3A_1262 = arith.constant 64 : i32
      %add3A_1263 = arith.addi %mul3A_1261, %add3A_1262 : i32
      %dma_start3A_1264 = arith.constant 64 : i32
      %dma_start3A_1265 = arith.constant 0 : i32
      %dma_start3A_1266 = tpu.memref_slice %arg15[%dma_start3A_1264, %dma_start3A_1265] : memref<320x128xf32, #tpu.memory_space<vmem>> -> memref<64x128xf32, #tpu.memory_space<vmem>>
      %dma_start3A_1267 = tpu.memref_slice %arg11[%add3A_1263] : memref<8000xi32, #tpu.memory_space<vmem>> -> memref<64xi32, #tpu.memory_space<vmem>>
      %dma_start3A_1268 = arith.constant 0 : i32
      %dma_start3A_1269 = arith.constant 0 : i32
      %dma_start3A_1270 = tpu.memref_slice %arg5[%dma_start3A_1268, %dma_start3A_1269] : memref<10000x128xf32, #tpu.memory_space<hbm>> -> memref<10000x128xf32, #tpu.memory_space<hbm>>
      tpu.enqueue_indirect_dma source(%dma_start3A_1270 : memref<10000x128xf32, #tpu.memory_space<hbm>>) target(%dma_start3A_1266 : memref<64x128xf32, #tpu.memory_space<vmem>>) offsets(%dma_start3A_1267 : memref<64xi32, #tpu.memory_space<vmem>>) semaphore(%arg22 : memref<!tpu.dma_semaphore, #tpu.memory_space<semaphore_mem>>)
      %mul3A_1271 = arith.constant 320 : i32
      %mul3A_1272 = arith.muli %add3A_1235, %mul3A_1271 : i32
      %add3A_1273 = arith.constant 128 : i32
      %add3A_1274 = arith.addi %mul3A_1272, %add3A_1273 : i32
      %dma_start3A_1275 = arith.constant 128 : i32
      %dma_start3A_1276 = arith.constant 0 : i32
      %dma_start3A_1277 = tpu.memref_slice %arg15[%dma_start3A_1275, %dma_start3A_1276] : memref<320x128xf32, #tpu.memory_space<vmem>> -> memref<64x128xf32, #tpu.memory_space<vmem>>
      %dma_start3A_1278 = tpu.memref_slice %arg11[%add3A_1274] : memref<8000xi32, #tpu.memory_space<vmem>> -> memref<64xi32, #tpu.memory_space<vmem>>
      %dma_start3A_1279 = arith.constant 0 : i32
      %dma_start3A_1280 = arith.constant 0 : i32
      %dma_start3A_1281 = tpu.memref_slice %arg5[%dma_start3A_1279, %dma_start3A_1280] : memref<10000x128xf32, #tpu.memory_space<hbm>> -> memref<10000x128xf32, #tpu.memory_space<hbm>>
      tpu.enqueue_indirect_dma source(%dma_start3A_1281 : memref<10000x128xf32, #tpu.memory_space<hbm>>) target(%dma_start3A_1277 : memref<64x128xf32, #tpu.memory_space<vmem>>) offsets(%dma_start3A_1278 : memref<64xi32, #tpu.memory_space<vmem>>) semaphore(%arg22 : memref<!tpu.dma_semaphore, #tpu.memory_space<semaphore_mem>>)
      %mul3A_1282 = arith.constant 320 : i32
      %mul3A_1283 = arith.muli %add3A_1235, %mul3A_1282 : i32
      %add3A_1284 = arith.constant 192 : i32
      %add3A_1285 = arith.addi %mul3A_1283, %add3A_1284 : i32
      %dma_start3A_1286 = arith.constant 192 : i32
      %dma_start3A_1287 = arith.constant 0 : i32
      %dma_start3A_1288 = tpu.memref_slice %arg15[%dma_start3A_1286, %dma_start3A_1287] : memref<320x128xf32, #tpu.memory_space<vmem>> -> memref<64x128xf32, #tpu.memory_space<vmem>>
      %dma_start3A_1289 = tpu.memref_slice %arg11[%add3A_1285] : memref<8000xi32, #tpu.memory_space<vmem>> -> memref<64xi32, #tpu.memory_space<vmem>>
      %dma_start3A_1290 = arith.constant 0 : i32
      %dma_start3A_1291 = arith.constant 0 : i32
      %dma_start3A_1292 = tpu.memref_slice %arg5[%dma_start3A_1290, %dma_start3A_1291] : memref<10000x128xf32, #tpu.memory_space<hbm>> -> memref<10000x128xf32, #tpu.memory_space<hbm>>
      tpu.enqueue_indirect_dma source(%dma_start3A_1292 : memref<10000x128xf32, #tpu.memory_space<hbm>>) target(%dma_start3A_1288 : memref<64x128xf32, #tpu.memory_space<vmem>>) offsets(%dma_start3A_1289 : memref<64xi32, #tpu.memory_space<vmem>>) semaphore(%arg22 : memref<!tpu.dma_semaphore, #tpu.memory_space<semaphore_mem>>)
      %mul3A_1293 = arith.constant 320 : i32
      %mul3A_1294 = arith.muli %add3A_1235, %mul3A_1293 : i32
      %add3A_1295 = arith.constant 256 : i32
      %add3A_1296 = arith.addi %mul3A_1294, %add3A_1295 : i32
      %dma_start3A_1297 = arith.constant 256 : i32
      %dma_start3A_1298 = arith.constant 0 : i32
      %dma_start3A_1299 = tpu.memref_slice %arg15[%dma_start3A_1297, %dma_start3A_1298] : memref<320x128xf32, #tpu.memory_space<vmem>> -> memref<64x128xf32, #tpu.memory_space<vmem>>
      %dma_start3A_1300 = tpu.memref_slice %arg11[%add3A_1296] : memref<8000xi32, #tpu.memory_space<vmem>> -> memref<64xi32, #tpu.memory_space<vmem>>
      %dma_start3A_1301 = arith.constant 0 : i32
      %dma_start3A_1302 = arith.constant 0 : i32
      %dma_start3A_1303 = tpu.memref_slice %arg5[%dma_start3A_1301, %dma_start3A_1302] : memref<10000x128xf32, #tpu.memory_space<hbm>> -> memref<10000x128xf32, #tpu.memory_space<hbm>>
      tpu.enqueue_indirect_dma source(%dma_start3A_1303 : memref<10000x128xf32, #tpu.memory_space<hbm>>) target(%dma_start3A_1299 : memref<64x128xf32, #tpu.memory_space<vmem>>) offsets(%dma_start3A_1300 : memref<64xi32, #tpu.memory_space<vmem>>) semaphore(%arg22 : memref<!tpu.dma_semaphore, #tpu.memory_space<semaphore_mem>>)
    }
    %scan3A_98 = arith.constant 11 : i32
    %dma_wait3A = arith.constant 704 : i32
    %dma_wait3A_99 = tpu.memref_slice %arg10[%dma_wait3A] : memref<800xi32, #tpu.memory_space<vmem>> -> memref<32xi32, #tpu.memory_space<vmem>>
    %dma_wait3A_100 = arith.constant 0 : i32
    %dma_wait3A_101 = arith.constant 0 : i32
    %dma_wait3A_102 = tpu.memref_slice %arg4[%dma_wait3A_100, %dma_wait3A_101] : memref<100000x128xf32, #tpu.memory_space<hbm>> -> memref<100000x128xf32, #tpu.memory_space<hbm>>
    tpu.wait_indirect_dma semaphore(%arg19 : memref<!tpu.dma_semaphore, #tpu.memory_space<semaphore_mem>>) src(%dma_wait3A_102 : memref<100000x128xf32, #tpu.memory_space<hbm>>) dst(%arg12 : memref<32x128xf32, #tpu.memory_space<vmem>>)
    %add3A_103 = arith.constant 704 : i32
    %add3A_104 = arith.addi %mul3A_2, %add3A_103 : i32
    %dma_start3A_105 = arith.constant 0 : i32
    %dma_start3A_106 = tpu.memref_slice %arg8[%add3A_104, %dma_start3A_105] : memref<25600x128xf32, #tpu.memory_space<hbm>> -> memref<32x128xf32, #tpu.memory_space<hbm>>
    %dma_start3A_107 = arith.constant 0 : i32
    %dma_start3A_108 = tpu.memref_slice %arg8[%add3A_104, %dma_start3A_107] : memref<25600x128xf32, #tpu.memory_space<hbm>> -> memref<32x128xf32, #tpu.memory_space<hbm>>
    tpu.enqueue_dma source(%arg12 : memref<32x128xf32, #tpu.memory_space<vmem>>) target(%dma_start3A_108 : memref<32x128xf32, #tpu.memory_space<hbm>>) target_semaphore(%arg25 : memref<!tpu.dma_semaphore, #tpu.memory_space<semaphore_mem>>)
    %mul3A_109 = arith.constant 2 : i32
    %mul3A_110 = arith.muli %arg1, %mul3A_109 : i32
    %add3A_111 = arith.constant 0 : i32
    %add3A_112 = arith.addi %mul3A_110, %add3A_111 : i32
    %mul3A_113 = arith.constant 32 : i32
    %mul3A_114 = arith.muli %add3A_112, %mul3A_113 : i32
    %add3A_115 = arith.constant 704 : i32
    %add3A_116 = arith.addi %mul3A_2, %add3A_115 : i32
    %dma_wait3A_117 = arith.constant 0 : i32
    %dma_wait3A_118 = tpu.memref_slice %arg9[%add3A_116, %dma_wait3A_117] : memref<25600x128xf32, #tpu.memory_space<hbm>> -> memref<32x128xf32, #tpu.memory_space<hbm>>
    %dma_wait3A_119 = arith.constant 0 : i32
    %dma_wait3A_120 = tpu.memref_slice %arg18[%mul3A_114, %dma_wait3A_119] : memref<1024x128xf32, #tpu.memory_space<vmem_shared>> -> memref<32x128xf32, #tpu.memory_space<vmem_shared>>
    tpu.wait_dma2 semaphore(%arg27 : memref<!tpu.dma_semaphore, #tpu.memory_space<semaphore_mem>>) src(%dma_wait3A_120 : memref<32x128xf32, #tpu.memory_space<vmem_shared>>) dst(%dma_wait3A_118 : memref<32x128xf32, #tpu.memory_space<hbm>>)
    %mul3A_121 = arith.constant 2 : i32
    %mul3A_122 = arith.muli %arg1, %mul3A_121 : i32
    %add3A_123 = arith.constant 0 : i32
    %add3A_124 = arith.addi %mul3A_122, %add3A_123 : i32
    %mul3A_125 = arith.constant 32 : i32
    %mul3A_126 = arith.muli %add3A_124, %mul3A_125 : i32
    "tpu.region"() ({
      %run_scoped3A = tpu.sem_alloc : memref<!tpu.dma_semaphore, #tpu.memory_space<semaphore_mem>>
      %dma_start3A_758 = arith.constant 0 : i32
      %dma_start3A_759 = tpu.memref_slice %arg18[%mul3A_126, %dma_start3A_758] : memref<1024x128xf32, #tpu.memory_space<vmem_shared>> -> memref<32x128xf32, #tpu.memory_space<vmem_shared>>
      %dma_start3A_760 = arith.constant 0 : i32
      %dma_start3A_761 = tpu.memref_slice %arg18[%mul3A_126, %dma_start3A_760] : memref<1024x128xf32, #tpu.memory_space<vmem_shared>> -> memref<32x128xf32, #tpu.memory_space<vmem_shared>>
      tpu.enqueue_dma source(%arg17 : memref<32x128xf32, #tpu.memory_space<vmem>>) target(%dma_start3A_761 : memref<32x128xf32, #tpu.memory_space<vmem_shared>>) target_semaphore(%run_scoped3A : memref<!tpu.dma_semaphore, #tpu.memory_space<semaphore_mem>>)
      %dma_wait3A_762 = arith.constant 0 : i32
      %dma_wait3A_763 = tpu.memref_slice %arg18[%mul3A_126, %dma_wait3A_762] : memref<1024x128xf32, #tpu.memory_space<vmem_shared>> -> memref<32x128xf32, #tpu.memory_space<vmem_shared>>
      %dma_wait3A_764 = arith.constant 0 : i32
      %dma_wait3A_765 = tpu.memref_slice %arg18[%mul3A_126, %dma_wait3A_764] : memref<1024x128xf32, #tpu.memory_space<vmem_shared>> -> memref<32x128xf32, #tpu.memory_space<vmem_shared>>
      tpu.wait_dma2 semaphore(%run_scoped3A : memref<!tpu.dma_semaphore, #tpu.memory_space<semaphore_mem>>) src(%arg17 : memref<32x128xf32, #tpu.memory_space<vmem>>) dst(%dma_wait3A_765 : memref<32x128xf32, #tpu.memory_space<vmem_shared>>)
      tpu.yield
    }) : () -> ()
    %dma_wait3A_127 = arith.constant 0 : i32
    %dma_wait3A_128 = arith.constant 0 : i32
    %dma_wait3A_129 = tpu.memref_slice %arg14[%dma_wait3A_127, %dma_wait3A_128] : memref<320x128xf32, #tpu.memory_space<vmem>> -> memref<64x128xf32, #tpu.memory_space<vmem>>
    %dma_wait3A_130 = arith.constant 7040 : i32
    %dma_wait3A_131 = tpu.memref_slice %arg11[%dma_wait3A_130] : memref<8000xi32, #tpu.memory_space<vmem>> -> memref<64xi32, #tpu.memory_space<vmem>>
    %dma_wait3A_132 = arith.constant 0 : i32
    %dma_wait3A_133 = arith.constant 0 : i32
    %dma_wait3A_134 = tpu.memref_slice %arg5[%dma_wait3A_132, %dma_wait3A_133] : memref<10000x128xf32, #tpu.memory_space<hbm>> -> memref<10000x128xf32, #tpu.memory_space<hbm>>
    tpu.wait_indirect_dma semaphore(%arg21 : memref<!tpu.dma_semaphore, #tpu.memory_space<semaphore_mem>>) src(%dma_wait3A_134 : memref<10000x128xf32, #tpu.memory_space<hbm>>) dst(%dma_wait3A_129 : memref<64x128xf32, #tpu.memory_space<vmem>>)
    %dma_wait3A_135 = arith.constant 64 : i32
    %dma_wait3A_136 = arith.constant 0 : i32
    %dma_wait3A_137 = tpu.memref_slice %arg14[%dma_wait3A_135, %dma_wait3A_136] : memref<320x128xf32, #tpu.memory_space<vmem>> -> memref<64x128xf32, #tpu.memory_space<vmem>>
    %dma_wait3A_138 = arith.constant 7104 : i32
    %dma_wait3A_139 = tpu.memref_slice %arg11[%dma_wait3A_138] : memref<8000xi32, #tpu.memory_space<vmem>> -> memref<64xi32, #tpu.memory_space<vmem>>
    %dma_wait3A_140 = arith.constant 0 : i32
    %dma_wait3A_141 = arith.constant 0 : i32
    %dma_wait3A_142 = tpu.memref_slice %arg5[%dma_wait3A_140, %dma_wait3A_141] : memref<10000x128xf32, #tpu.memory_space<hbm>> -> memref<10000x128xf32, #tpu.memory_space<hbm>>
    tpu.wait_indirect_dma semaphore(%arg21 : memref<!tpu.dma_semaphore, #tpu.memory_space<semaphore_mem>>) src(%dma_wait3A_142 : memref<10000x128xf32, #tpu.memory_space<hbm>>) dst(%dma_wait3A_137 : memref<64x128xf32, #tpu.memory_space<vmem>>)
    %dma_wait3A_143 = arith.constant 128 : i32
    %dma_wait3A_144 = arith.constant 0 : i32
    %dma_wait3A_145 = tpu.memref_slice %arg14[%dma_wait3A_143, %dma_wait3A_144] : memref<320x128xf32, #tpu.memory_space<vmem>> -> memref<64x128xf32, #tpu.memory_space<vmem>>
    %dma_wait3A_146 = arith.constant 7168 : i32
    %dma_wait3A_147 = tpu.memref_slice %arg11[%dma_wait3A_146] : memref<8000xi32, #tpu.memory_space<vmem>> -> memref<64xi32, #tpu.memory_space<vmem>>
    %dma_wait3A_148 = arith.constant 0 : i32
    %dma_wait3A_149 = arith.constant 0 : i32
    %dma_wait3A_150 = tpu.memref_slice %arg5[%dma_wait3A_148, %dma_wait3A_149] : memref<10000x128xf32, #tpu.memory_space<hbm>> -> memref<10000x128xf32, #tpu.memory_space<hbm>>
    tpu.wait_indirect_dma semaphore(%arg21 : memref<!tpu.dma_semaphore, #tpu.memory_space<semaphore_mem>>) src(%dma_wait3A_150 : memref<10000x128xf32, #tpu.memory_space<hbm>>) dst(%dma_wait3A_145 : memref<64x128xf32, #tpu.memory_space<vmem>>)
    %dma_wait3A_151 = arith.constant 192 : i32
    %dma_wait3A_152 = arith.constant 0 : i32
    %dma_wait3A_153 = tpu.memref_slice %arg14[%dma_wait3A_151, %dma_wait3A_152] : memref<320x128xf32, #tpu.memory_space<vmem>> -> memref<64x128xf32, #tpu.memory_space<vmem>>
    %dma_wait3A_154 = arith.constant 7232 : i32
    %dma_wait3A_155 = tpu.memref_slice %arg11[%dma_wait3A_154] : memref<8000xi32, #tpu.memory_space<vmem>> -> memref<64xi32, #tpu.memory_space<vmem>>
    %dma_wait3A_156 = arith.constant 0 : i32
    %dma_wait3A_157 = arith.constant 0 : i32
    %dma_wait3A_158 = tpu.memref_slice %arg5[%dma_wait3A_156, %dma_wait3A_157] : memref<10000x128xf32, #tpu.memory_space<hbm>> -> memref<10000x128xf32, #tpu.memory_space<hbm>>
    tpu.wait_indirect_dma semaphore(%arg21 : memref<!tpu.dma_semaphore, #tpu.memory_space<semaphore_mem>>) src(%dma_wait3A_158 : memref<10000x128xf32, #tpu.memory_space<hbm>>) dst(%dma_wait3A_153 : memref<64x128xf32, #tpu.memory_space<vmem>>)
    %dma_wait3A_159 = arith.constant 256 : i32
    %dma_wait3A_160 = arith.constant 0 : i32
    %dma_wait3A_161 = tpu.memref_slice %arg14[%dma_wait3A_159, %dma_wait3A_160] : memref<320x128xf32, #tpu.memory_space<vmem>> -> memref<64x128xf32, #tpu.memory_space<vmem>>
    %dma_wait3A_162 = arith.constant 7296 : i32
    %dma_wait3A_163 = tpu.memref_slice %arg11[%dma_wait3A_162] : memref<8000xi32, #tpu.memory_space<vmem>> -> memref<64xi32, #tpu.memory_space<vmem>>
    %dma_wait3A_164 = arith.constant 0 : i32
    %dma_wait3A_165 = arith.constant 0 : i32
    %dma_wait3A_166 = tpu.memref_slice %arg5[%dma_wait3A_164, %dma_wait3A_165] : memref<10000x128xf32, #tpu.memory_space<hbm>> -> memref<10000x128xf32, #tpu.memory_space<hbm>>
    tpu.wait_indirect_dma semaphore(%arg21 : memref<!tpu.dma_semaphore, #tpu.memory_space<semaphore_mem>>) src(%dma_wait3A_166 : memref<10000x128xf32, #tpu.memory_space<hbm>>) dst(%dma_wait3A_161 : memref<64x128xf32, #tpu.memory_space<vmem>>)
    %dma_start3A_167 = arith.constant 0 : i32
    %dma_start3A_168 = arith.constant 0 : i32
    %dma_start3A_169 = arith.constant 0 : i32
    %dma_start3A_170 = arith.constant 0 : i32
    %dma_start3A_171 = tpu.memref_slice %arg14[%dma_start3A_169, %dma_start3A_170] : memref<320x128xf32, #tpu.memory_space<vmem>> -> memref<64x128xf32, #tpu.memory_space<vmem>>
    %dma_start3A_172 = arith.constant 0 : i32
    %dma_start3A_173 = tpu.memref_slice %arg16[%dma_start3A_167, %dma_start3A_168, %dma_start3A_172] : memref<2x5x64xi32, #tpu.memory_space<vmem>> -> memref<1x1x64xi32, #tpu.memory_space<vmem>>
    %dma_start3A_174 = tpu.memref_squeeze %dma_start3A_173 : memref<1x1x64xi32, #tpu.memory_space<vmem>> -> memref<64xi32, #tpu.memory_space<vmem>>
    %dma_start3A_175 = arith.constant 0 : i32
    %dma_start3A_176 = arith.constant 0 : i32
    %dma_start3A_177 = tpu.memref_slice %arg18[%dma_start3A_175, %dma_start3A_176] : memref<1024x128xf32, #tpu.memory_space<vmem_shared>> -> memref<1024x128xf32, #tpu.memory_space<vmem_shared>>
    tpu.enqueue_indirect_dma source(%dma_start3A_171 : memref<64x128xf32, #tpu.memory_space<vmem>>) target(%dma_start3A_177 : memref<1024x128xf32, #tpu.memory_space<vmem_shared>>) offsets(%dma_start3A_174 : memref<64xi32, #tpu.memory_space<vmem>>) semaphore(%arg23 : memref<!tpu.dma_semaphore, #tpu.memory_space<semaphore_mem>>) {add = true}
    %dma_start3A_178 = arith.constant 0 : i32
    %dma_start3A_179 = arith.constant 1 : i32
    %dma_start3A_180 = arith.constant 64 : i32
    %dma_start3A_181 = arith.constant 0 : i32
    %dma_start3A_182 = tpu.memref_slice %arg14[%dma_start3A_180, %dma_start3A_181] : memref<320x128xf32, #tpu.memory_space<vmem>> -> memref<64x128xf32, #tpu.memory_space<vmem>>
    %dma_start3A_183 = arith.constant 0 : i32
    %dma_start3A_184 = tpu.memref_slice %arg16[%dma_start3A_178, %dma_start3A_179, %dma_start3A_183] : memref<2x5x64xi32, #tpu.memory_space<vmem>> -> memref<1x1x64xi32, #tpu.memory_space<vmem>>
    %dma_start3A_185 = tpu.memref_squeeze %dma_start3A_184 : memref<1x1x64xi32, #tpu.memory_space<vmem>> -> memref<64xi32, #tpu.memory_space<vmem>>
    %dma_start3A_186 = arith.constant 0 : i32
    %dma_start3A_187 = arith.constant 0 : i32
    %dma_start3A_188 = tpu.memref_slice %arg18[%dma_start3A_186, %dma_start3A_187] : memref<1024x128xf32, #tpu.memory_space<vmem_shared>> -> memref<1024x128xf32, #tpu.memory_space<vmem_shared>>
    tpu.enqueue_indirect_dma source(%dma_start3A_182 : memref<64x128xf32, #tpu.memory_space<vmem>>) target(%dma_start3A_188 : memref<1024x128xf32, #tpu.memory_space<vmem_shared>>) offsets(%dma_start3A_185 : memref<64xi32, #tpu.memory_space<vmem>>) semaphore(%arg23 : memref<!tpu.dma_semaphore, #tpu.memory_space<semaphore_mem>>) {add = true}
    %dma_start3A_189 = arith.constant 0 : i32
    %dma_start3A_190 = arith.constant 2 : i32
    %dma_start3A_191 = arith.constant 128 : i32
    %dma_start3A_192 = arith.constant 0 : i32
    %dma_start3A_193 = tpu.memref_slice %arg14[%dma_start3A_191, %dma_start3A_192] : memref<320x128xf32, #tpu.memory_space<vmem>> -> memref<64x128xf32, #tpu.memory_space<vmem>>
    %dma_start3A_194 = arith.constant 0 : i32
    %dma_start3A_195 = tpu.memref_slice %arg16[%dma_start3A_189, %dma_start3A_190, %dma_start3A_194] : memref<2x5x64xi32, #tpu.memory_space<vmem>> -> memref<1x1x64xi32, #tpu.memory_space<vmem>>
    %dma_start3A_196 = tpu.memref_squeeze %dma_start3A_195 : memref<1x1x64xi32, #tpu.memory_space<vmem>> -> memref<64xi32, #tpu.memory_space<vmem>>
    %dma_start3A_197 = arith.constant 0 : i32
    %dma_start3A_198 = arith.constant 0 : i32
    %dma_start3A_199 = tpu.memref_slice %arg18[%dma_start3A_197, %dma_start3A_198] : memref<1024x128xf32, #tpu.memory_space<vmem_shared>> -> memref<1024x128xf32, #tpu.memory_space<vmem_shared>>
    tpu.enqueue_indirect_dma source(%dma_start3A_193 : memref<64x128xf32, #tpu.memory_space<vmem>>) target(%dma_start3A_199 : memref<1024x128xf32, #tpu.memory_space<vmem_shared>>) offsets(%dma_start3A_196 : memref<64xi32, #tpu.memory_space<vmem>>) semaphore(%arg23 : memref<!tpu.dma_semaphore, #tpu.memory_space<semaphore_mem>>) {add = true}
    %dma_start3A_200 = arith.constant 0 : i32
    %dma_start3A_201 = arith.constant 3 : i32
    %dma_start3A_202 = arith.constant 192 : i32
    %dma_start3A_203 = arith.constant 0 : i32
    %dma_start3A_204 = tpu.memref_slice %arg14[%dma_start3A_202, %dma_start3A_203] : memref<320x128xf32, #tpu.memory_space<vmem>> -> memref<64x128xf32, #tpu.memory_space<vmem>>
    %dma_start3A_205 = arith.constant 0 : i32
    %dma_start3A_206 = tpu.memref_slice %arg16[%dma_start3A_200, %dma_start3A_201, %dma_start3A_205] : memref<2x5x64xi32, #tpu.memory_space<vmem>> -> memref<1x1x64xi32, #tpu.memory_space<vmem>>
    %dma_start3A_207 = tpu.memref_squeeze %dma_start3A_206 : memref<1x1x64xi32, #tpu.memory_space<vmem>> -> memref<64xi32, #tpu.memory_space<vmem>>
    %dma_start3A_208 = arith.constant 0 : i32
    %dma_start3A_209 = arith.constant 0 : i32
    %dma_start3A_210 = tpu.memref_slice %arg18[%dma_start3A_208, %dma_start3A_209] : memref<1024x128xf32, #tpu.memory_space<vmem_shared>> -> memref<1024x128xf32, #tpu.memory_space<vmem_shared>>
    tpu.enqueue_indirect_dma source(%dma_start3A_204 : memref<64x128xf32, #tpu.memory_space<vmem>>) target(%dma_start3A_210 : memref<1024x128xf32, #tpu.memory_space<vmem_shared>>) offsets(%dma_start3A_207 : memref<64xi32, #tpu.memory_space<vmem>>) semaphore(%arg23 : memref<!tpu.dma_semaphore, #tpu.memory_space<semaphore_mem>>) {add = true}
    %dma_start3A_211 = arith.constant 0 : i32
    %dma_start3A_212 = arith.constant 4 : i32
    %dma_start3A_213 = arith.constant 256 : i32
    %dma_start3A_214 = arith.constant 0 : i32
    %dma_start3A_215 = tpu.memref_slice %arg14[%dma_start3A_213, %dma_start3A_214] : memref<320x128xf32, #tpu.memory_space<vmem>> -> memref<64x128xf32, #tpu.memory_space<vmem>>
    %dma_start3A_216 = arith.constant 0 : i32
    %dma_start3A_217 = tpu.memref_slice %arg16[%dma_start3A_211, %dma_start3A_212, %dma_start3A_216] : memref<2x5x64xi32, #tpu.memory_space<vmem>> -> memref<1x1x64xi32, #tpu.memory_space<vmem>>
    %dma_start3A_218 = tpu.memref_squeeze %dma_start3A_217 : memref<1x1x64xi32, #tpu.memory_space<vmem>> -> memref<64xi32, #tpu.memory_space<vmem>>
    %dma_start3A_219 = arith.constant 0 : i32
    %dma_start3A_220 = arith.constant 0 : i32
    %dma_start3A_221 = tpu.memref_slice %arg18[%dma_start3A_219, %dma_start3A_220] : memref<1024x128xf32, #tpu.memory_space<vmem_shared>> -> memref<1024x128xf32, #tpu.memory_space<vmem_shared>>
    tpu.enqueue_indirect_dma source(%dma_start3A_215 : memref<64x128xf32, #tpu.memory_space<vmem>>) target(%dma_start3A_221 : memref<1024x128xf32, #tpu.memory_space<vmem_shared>>) offsets(%dma_start3A_218 : memref<64xi32, #tpu.memory_space<vmem>>) semaphore(%arg23 : memref<!tpu.dma_semaphore, #tpu.memory_space<semaphore_mem>>) {add = true}
    %dma_wait3A_222 = arith.constant 0 : i32
    %dma_wait3A_223 = arith.constant 0 : i32
    %dma_wait3A_224 = arith.constant 0 : i32
    %dma_wait3A_225 = arith.constant 0 : i32
    %dma_wait3A_226 = tpu.memref_slice %arg14[%dma_wait3A_224, %dma_wait3A_225] : memref<320x128xf32, #tpu.memory_space<vmem>> -> memref<64x128xf32, #tpu.memory_space<vmem>>
    %dma_wait3A_227 = arith.constant 0 : i32
    %dma_wait3A_228 = tpu.memref_slice %arg16[%dma_wait3A_222, %dma_wait3A_223, %dma_wait3A_227] : memref<2x5x64xi32, #tpu.memory_space<vmem>> -> memref<1x1x64xi32, #tpu.memory_space<vmem>>
    %dma_wait3A_229 = tpu.memref_squeeze %dma_wait3A_228 : memref<1x1x64xi32, #tpu.memory_space<vmem>> -> memref<64xi32, #tpu.memory_space<vmem>>
    %dma_wait3A_230 = arith.constant 0 : i32
    %dma_wait3A_231 = arith.constant 0 : i32
    %dma_wait3A_232 = tpu.memref_slice %arg18[%dma_wait3A_230, %dma_wait3A_231] : memref<1024x128xf32, #tpu.memory_space<vmem_shared>> -> memref<1024x128xf32, #tpu.memory_space<vmem_shared>>
    tpu.wait_indirect_dma semaphore(%arg23 : memref<!tpu.dma_semaphore, #tpu.memory_space<semaphore_mem>>) src(%dma_wait3A_226 : memref<64x128xf32, #tpu.memory_space<vmem>>) dst(%dma_wait3A_232 : memref<1024x128xf32, #tpu.memory_space<vmem_shared>>)
    %dma_wait3A_233 = arith.constant 0 : i32
    %dma_wait3A_234 = arith.constant 1 : i32
    %dma_wait3A_235 = arith.constant 64 : i32
    %dma_wait3A_236 = arith.constant 0 : i32
    %dma_wait3A_237 = tpu.memref_slice %arg14[%dma_wait3A_235, %dma_wait3A_236] : memref<320x128xf32, #tpu.memory_space<vmem>> -> memref<64x128xf32, #tpu.memory_space<vmem>>
    %dma_wait3A_238 = arith.constant 0 : i32
    %dma_wait3A_239 = tpu.memref_slice %arg16[%dma_wait3A_233, %dma_wait3A_234, %dma_wait3A_238] : memref<2x5x64xi32, #tpu.memory_space<vmem>> -> memref<1x1x64xi32, #tpu.memory_space<vmem>>
    %dma_wait3A_240 = tpu.memref_squeeze %dma_wait3A_239 : memref<1x1x64xi32, #tpu.memory_space<vmem>> -> memref<64xi32, #tpu.memory_space<vmem>>
    %dma_wait3A_241 = arith.constant 0 : i32
    %dma_wait3A_242 = arith.constant 0 : i32
    %dma_wait3A_243 = tpu.memref_slice %arg18[%dma_wait3A_241, %dma_wait3A_242] : memref<1024x128xf32, #tpu.memory_space<vmem_shared>> -> memref<1024x128xf32, #tpu.memory_space<vmem_shared>>
    tpu.wait_indirect_dma semaphore(%arg23 : memref<!tpu.dma_semaphore, #tpu.memory_space<semaphore_mem>>) src(%dma_wait3A_237 : memref<64x128xf32, #tpu.memory_space<vmem>>) dst(%dma_wait3A_243 : memref<1024x128xf32, #tpu.memory_space<vmem_shared>>)
    %dma_wait3A_244 = arith.constant 0 : i32
    %dma_wait3A_245 = arith.constant 2 : i32
    %dma_wait3A_246 = arith.constant 128 : i32
    %dma_wait3A_247 = arith.constant 0 : i32
    %dma_wait3A_248 = tpu.memref_slice %arg14[%dma_wait3A_246, %dma_wait3A_247] : memref<320x128xf32, #tpu.memory_space<vmem>> -> memref<64x128xf32, #tpu.memory_space<vmem>>
    %dma_wait3A_249 = arith.constant 0 : i32
    %dma_wait3A_250 = tpu.memref_slice %arg16[%dma_wait3A_244, %dma_wait3A_245, %dma_wait3A_249] : memref<2x5x64xi32, #tpu.memory_space<vmem>> -> memref<1x1x64xi32, #tpu.memory_space<vmem>>
    %dma_wait3A_251 = tpu.memref_squeeze %dma_wait3A_250 : memref<1x1x64xi32, #tpu.memory_space<vmem>> -> memref<64xi32, #tpu.memory_space<vmem>>
    %dma_wait3A_252 = arith.constant 0 : i32
    %dma_wait3A_253 = arith.constant 0 : i32
    %dma_wait3A_254 = tpu.memref_slice %arg18[%dma_wait3A_252, %dma_wait3A_253] : memref<1024x128xf32, #tpu.memory_space<vmem_shared>> -> memref<1024x128xf32, #tpu.memory_space<vmem_shared>>
    tpu.wait_indirect_dma semaphore(%arg23 : memref<!tpu.dma_semaphore, #tpu.memory_space<semaphore_mem>>) src(%dma_wait3A_248 : memref<64x128xf32, #tpu.memory_space<vmem>>) dst(%dma_wait3A_254 : memref<1024x128xf32, #tpu.memory_space<vmem_shared>>)
    %dma_wait3A_255 = arith.constant 0 : i32
    %dma_wait3A_256 = arith.constant 3 : i32
    %dma_wait3A_257 = arith.constant 192 : i32
    %dma_wait3A_258 = arith.constant 0 : i32
    %dma_wait3A_259 = tpu.memref_slice %arg14[%dma_wait3A_257, %dma_wait3A_258] : memref<320x128xf32, #tpu.memory_space<vmem>> -> memref<64x128xf32, #tpu.memory_space<vmem>>
    %dma_wait3A_260 = arith.constant 0 : i32
    %dma_wait3A_261 = tpu.memref_slice %arg16[%dma_wait3A_255, %dma_wait3A_256, %dma_wait3A_260] : memref<2x5x64xi32, #tpu.memory_space<vmem>> -> memref<1x1x64xi32, #tpu.memory_space<vmem>>
    %dma_wait3A_262 = tpu.memref_squeeze %dma_wait3A_261 : memref<1x1x64xi32, #tpu.memory_space<vmem>> -> memref<64xi32, #tpu.memory_space<vmem>>
    %dma_wait3A_263 = arith.constant 0 : i32
    %dma_wait3A_264 = arith.constant 0 : i32
    %dma_wait3A_265 = tpu.memref_slice %arg18[%dma_wait3A_263, %dma_wait3A_264] : memref<1024x128xf32, #tpu.memory_space<vmem_shared>> -> memref<1024x128xf32, #tpu.memory_space<vmem_shared>>
    tpu.wait_indirect_dma semaphore(%arg23 : memref<!tpu.dma_semaphore, #tpu.memory_space<semaphore_mem>>) src(%dma_wait3A_259 : memref<64x128xf32, #tpu.memory_space<vmem>>) dst(%dma_wait3A_265 : memref<1024x128xf32, #tpu.memory_space<vmem_shared>>)
    %dma_wait3A_266 = arith.constant 0 : i32
    %dma_wait3A_267 = arith.constant 4 : i32
    %dma_wait3A_268 = arith.constant 256 : i32
    %dma_wait3A_269 = arith.constant 0 : i32
    %dma_wait3A_270 = tpu.memref_slice %arg14[%dma_wait3A_268, %dma_wait3A_269] : memref<320x128xf32, #tpu.memory_space<vmem>> -> memref<64x128xf32, #tpu.memory_space<vmem>>
    %dma_wait3A_271 = arith.constant 0 : i32
    %dma_wait3A_272 = tpu.memref_slice %arg16[%dma_wait3A_266, %dma_wait3A_267, %dma_wait3A_271] : memref<2x5x64xi32, #tpu.memory_space<vmem>> -> memref<1x1x64xi32, #tpu.memory_space<vmem>>
    %dma_wait3A_273 = tpu.memref_squeeze %dma_wait3A_272 : memref<1x1x64xi32, #tpu.memory_space<vmem>> -> memref<64xi32, #tpu.memory_space<vmem>>
    %dma_wait3A_274 = arith.constant 0 : i32
    %dma_wait3A_275 = arith.constant 0 : i32
    %dma_wait3A_276 = tpu.memref_slice %arg18[%dma_wait3A_274, %dma_wait3A_275] : memref<1024x128xf32, #tpu.memory_space<vmem_shared>> -> memref<1024x128xf32, #tpu.memory_space<vmem_shared>>
    tpu.wait_indirect_dma semaphore(%arg23 : memref<!tpu.dma_semaphore, #tpu.memory_space<semaphore_mem>>) src(%dma_wait3A_270 : memref<64x128xf32, #tpu.memory_space<vmem>>) dst(%dma_wait3A_276 : memref<1024x128xf32, #tpu.memory_space<vmem_shared>>)
    %mul3A_277 = arith.constant 2 : i32
    %mul3A_278 = arith.muli %arg1, %mul3A_277 : i32
    %add3A_279 = arith.constant 0 : i32
    %add3A_280 = arith.addi %mul3A_278, %add3A_279 : i32
    %mul3A_281 = arith.constant 32 : i32
    %mul3A_282 = arith.muli %add3A_280, %mul3A_281 : i32
    %add3A_283 = arith.constant 704 : i32
    %add3A_284 = arith.addi %mul3A_2, %add3A_283 : i32
    %dma_start3A_285 = arith.constant 0 : i32
    %dma_start3A_286 = tpu.memref_slice %arg9[%add3A_284, %dma_start3A_285] : memref<25600x128xf32, #tpu.memory_space<hbm>> -> memref<32x128xf32, #tpu.memory_space<hbm>>
    %dma_start3A_287 = arith.constant 0 : i32
    %dma_start3A_288 = tpu.memref_slice %arg18[%mul3A_282, %dma_start3A_287] : memref<1024x128xf32, #tpu.memory_space<vmem_shared>> -> memref<32x128xf32, #tpu.memory_space<vmem_shared>>
    tpu.enqueue_dma source(%dma_start3A_288 : memref<32x128xf32, #tpu.memory_space<vmem_shared>>) target(%dma_start3A_286 : memref<32x128xf32, #tpu.memory_space<hbm>>) target_semaphore(%arg27 : memref<!tpu.dma_semaphore, #tpu.memory_space<semaphore_mem>>)
    %add3A_289 = arith.constant 768 : i32
    %add3A_290 = arith.addi %mul3A_2, %add3A_289 : i32
    %dma_wait3A_291 = arith.constant 0 : i32
    %dma_wait3A_292 = tpu.memref_slice %arg8[%add3A_290, %dma_wait3A_291] : memref<25600x128xf32, #tpu.memory_space<hbm>> -> memref<32x128xf32, #tpu.memory_space<hbm>>
    %dma_wait3A_293 = arith.constant 0 : i32
    %dma_wait3A_294 = tpu.memref_slice %arg8[%add3A_290, %dma_wait3A_293] : memref<25600x128xf32, #tpu.memory_space<hbm>> -> memref<32x128xf32, #tpu.memory_space<hbm>>
    tpu.wait_dma2 semaphore(%arg25 : memref<!tpu.dma_semaphore, #tpu.memory_space<semaphore_mem>>) src(%arg12 : memref<32x128xf32, #tpu.memory_space<vmem>>) dst(%dma_wait3A_294 : memref<32x128xf32, #tpu.memory_space<hbm>>)
    %dma_start3A_295 = arith.constant 768 : i32
    %dma_start3A_296 = tpu.memref_slice %arg10[%dma_start3A_295] : memref<800xi32, #tpu.memory_space<vmem>> -> memref<32xi32, #tpu.memory_space<vmem>>
    %dma_start3A_297 = arith.constant 0 : i32
    %dma_start3A_298 = arith.constant 0 : i32
    %dma_start3A_299 = tpu.memref_slice %arg4[%dma_start3A_297, %dma_start3A_298] : memref<100000x128xf32, #tpu.memory_space<hbm>> -> memref<100000x128xf32, #tpu.memory_space<hbm>>
    tpu.enqueue_indirect_dma source(%dma_start3A_299 : memref<100000x128xf32, #tpu.memory_space<hbm>>) target(%arg12 : memref<32x128xf32, #tpu.memory_space<vmem>>) offsets(%dma_start3A_296 : memref<32xi32, #tpu.memory_space<vmem>>) semaphore(%arg19 : memref<!tpu.dma_semaphore, #tpu.memory_space<semaphore_mem>>)
    %dma_start3A_300 = arith.constant 0 : i32
    %dma_start3A_301 = arith.constant 0 : i32
    %dma_start3A_302 = tpu.memref_slice %arg14[%dma_start3A_300, %dma_start3A_301] : memref<320x128xf32, #tpu.memory_space<vmem>> -> memref<64x128xf32, #tpu.memory_space<vmem>>
    %dma_start3A_303 = arith.constant 7680 : i32
    %dma_start3A_304 = tpu.memref_slice %arg11[%dma_start3A_303] : memref<8000xi32, #tpu.memory_space<vmem>> -> memref<64xi32, #tpu.memory_space<vmem>>
    %dma_start3A_305 = arith.constant 0 : i32
    %dma_start3A_306 = arith.constant 0 : i32
    %dma_start3A_307 = tpu.memref_slice %arg5[%dma_start3A_305, %dma_start3A_306] : memref<10000x128xf32, #tpu.memory_space<hbm>> -> memref<10000x128xf32, #tpu.memory_space<hbm>>
    tpu.enqueue_indirect_dma source(%dma_start3A_307 : memref<10000x128xf32, #tpu.memory_space<hbm>>) target(%dma_start3A_302 : memref<64x128xf32, #tpu.memory_space<vmem>>) offsets(%dma_start3A_304 : memref<64xi32, #tpu.memory_space<vmem>>) semaphore(%arg21 : memref<!tpu.dma_semaphore, #tpu.memory_space<semaphore_mem>>)
    %dma_start3A_308 = arith.constant 64 : i32
    %dma_start3A_309 = arith.constant 0 : i32
    %dma_start3A_310 = tpu.memref_slice %arg14[%dma_start3A_308, %dma_start3A_309] : memref<320x128xf32, #tpu.memory_space<vmem>> -> memref<64x128xf32, #tpu.memory_space<vmem>>
    %dma_start3A_311 = arith.constant 7744 : i32
    %dma_start3A_312 = tpu.memref_slice %arg11[%dma_start3A_311] : memref<8000xi32, #tpu.memory_space<vmem>> -> memref<64xi32, #tpu.memory_space<vmem>>
    %dma_start3A_313 = arith.constant 0 : i32
    %dma_start3A_314 = arith.constant 0 : i32
    %dma_start3A_315 = tpu.memref_slice %arg5[%dma_start3A_313, %dma_start3A_314] : memref<10000x128xf32, #tpu.memory_space<hbm>> -> memref<10000x128xf32, #tpu.memory_space<hbm>>
    tpu.enqueue_indirect_dma source(%dma_start3A_315 : memref<10000x128xf32, #tpu.memory_space<hbm>>) target(%dma_start3A_310 : memref<64x128xf32, #tpu.memory_space<vmem>>) offsets(%dma_start3A_312 : memref<64xi32, #tpu.memory_space<vmem>>) semaphore(%arg21 : memref<!tpu.dma_semaphore, #tpu.memory_space<semaphore_mem>>)
    %dma_start3A_316 = arith.constant 128 : i32
    %dma_start3A_317 = arith.constant 0 : i32
    %dma_start3A_318 = tpu.memref_slice %arg14[%dma_start3A_316, %dma_start3A_317] : memref<320x128xf32, #tpu.memory_space<vmem>> -> memref<64x128xf32, #tpu.memory_space<vmem>>
    %dma_start3A_319 = arith.constant 7808 : i32
    %dma_start3A_320 = tpu.memref_slice %arg11[%dma_start3A_319] : memref<8000xi32, #tpu.memory_space<vmem>> -> memref<64xi32, #tpu.memory_space<vmem>>
    %dma_start3A_321 = arith.constant 0 : i32
    %dma_start3A_322 = arith.constant 0 : i32
    %dma_start3A_323 = tpu.memref_slice %arg5[%dma_start3A_321, %dma_start3A_322] : memref<10000x128xf32, #tpu.memory_space<hbm>> -> memref<10000x128xf32, #tpu.memory_space<hbm>>
    tpu.enqueue_indirect_dma source(%dma_start3A_323 : memref<10000x128xf32, #tpu.memory_space<hbm>>) target(%dma_start3A_318 : memref<64x128xf32, #tpu.memory_space<vmem>>) offsets(%dma_start3A_320 : memref<64xi32, #tpu.memory_space<vmem>>) semaphore(%arg21 : memref<!tpu.dma_semaphore, #tpu.memory_space<semaphore_mem>>)
    %dma_start3A_324 = arith.constant 192 : i32
    %dma_start3A_325 = arith.constant 0 : i32
    %dma_start3A_326 = tpu.memref_slice %arg14[%dma_start3A_324, %dma_start3A_325] : memref<320x128xf32, #tpu.memory_space<vmem>> -> memref<64x128xf32, #tpu.memory_space<vmem>>
    %dma_start3A_327 = arith.constant 7872 : i32
    %dma_start3A_328 = tpu.memref_slice %arg11[%dma_start3A_327] : memref<8000xi32, #tpu.memory_space<vmem>> -> memref<64xi32, #tpu.memory_space<vmem>>
    %dma_start3A_329 = arith.constant 0 : i32
    %dma_start3A_330 = arith.constant 0 : i32
    %dma_start3A_331 = tpu.memref_slice %arg5[%dma_start3A_329, %dma_start3A_330] : memref<10000x128xf32, #tpu.memory_space<hbm>> -> memref<10000x128xf32, #tpu.memory_space<hbm>>
    tpu.enqueue_indirect_dma source(%dma_start3A_331 : memref<10000x128xf32, #tpu.memory_space<hbm>>) target(%dma_start3A_326 : memref<64x128xf32, #tpu.memory_space<vmem>>) offsets(%dma_start3A_328 : memref<64xi32, #tpu.memory_space<vmem>>) semaphore(%arg21 : memref<!tpu.dma_semaphore, #tpu.memory_space<semaphore_mem>>)
    %dma_start3A_332 = arith.constant 256 : i32
    %dma_start3A_333 = arith.constant 0 : i32
    %dma_start3A_334 = tpu.memref_slice %arg14[%dma_start3A_332, %dma_start3A_333] : memref<320x128xf32, #tpu.memory_space<vmem>> -> memref<64x128xf32, #tpu.memory_space<vmem>>
    %dma_start3A_335 = arith.constant 7936 : i32
    %dma_start3A_336 = tpu.memref_slice %arg11[%dma_start3A_335] : memref<8000xi32, #tpu.memory_space<vmem>> -> memref<64xi32, #tpu.memory_space<vmem>>
    %dma_start3A_337 = arith.constant 0 : i32
    %dma_start3A_338 = arith.constant 0 : i32
    %dma_start3A_339 = tpu.memref_slice %arg5[%dma_start3A_337, %dma_start3A_338] : memref<10000x128xf32, #tpu.memory_space<hbm>> -> memref<10000x128xf32, #tpu.memory_space<hbm>>
    tpu.enqueue_indirect_dma source(%dma_start3A_339 : memref<10000x128xf32, #tpu.memory_space<hbm>>) target(%dma_start3A_334 : memref<64x128xf32, #tpu.memory_space<vmem>>) offsets(%dma_start3A_336 : memref<64xi32, #tpu.memory_space<vmem>>) semaphore(%arg21 : memref<!tpu.dma_semaphore, #tpu.memory_space<semaphore_mem>>)
    %dma_wait3A_340 = arith.constant 736 : i32
    %dma_wait3A_341 = tpu.memref_slice %arg10[%dma_wait3A_340] : memref<800xi32, #tpu.memory_space<vmem>> -> memref<32xi32, #tpu.memory_space<vmem>>
    %dma_wait3A_342 = arith.constant 0 : i32
    %dma_wait3A_343 = arith.constant 0 : i32
    %dma_wait3A_344 = tpu.memref_slice %arg4[%dma_wait3A_342, %dma_wait3A_343] : memref<100000x128xf32, #tpu.memory_space<hbm>> -> memref<100000x128xf32, #tpu.memory_space<hbm>>
    tpu.wait_indirect_dma semaphore(%arg20 : memref<!tpu.dma_semaphore, #tpu.memory_space<semaphore_mem>>) src(%dma_wait3A_344 : memref<100000x128xf32, #tpu.memory_space<hbm>>) dst(%arg13 : memref<32x128xf32, #tpu.memory_space<vmem>>)
    %add3A_345 = arith.constant 736 : i32
    %add3A_346 = arith.addi %mul3A_2, %add3A_345 : i32
    %dma_start3A_347 = arith.constant 0 : i32
    %dma_start3A_348 = tpu.memref_slice %arg8[%add3A_346, %dma_start3A_347] : memref<25600x128xf32, #tpu.memory_space<hbm>> -> memref<32x128xf32, #tpu.memory_space<hbm>>
    %dma_start3A_349 = arith.constant 0 : i32
    %dma_start3A_350 = tpu.memref_slice %arg8[%add3A_346, %dma_start3A_349] : memref<25600x128xf32, #tpu.memory_space<hbm>> -> memref<32x128xf32, #tpu.memory_space<hbm>>
    tpu.enqueue_dma source(%arg13 : memref<32x128xf32, #tpu.memory_space<vmem>>) target(%dma_start3A_350 : memref<32x128xf32, #tpu.memory_space<hbm>>) target_semaphore(%arg26 : memref<!tpu.dma_semaphore, #tpu.memory_space<semaphore_mem>>)
    %mul3A_351 = arith.constant 2 : i32
    %mul3A_352 = arith.muli %arg1, %mul3A_351 : i32
    %add3A_353 = arith.constant 1 : i32
    %add3A_354 = arith.addi %mul3A_352, %add3A_353 : i32
    %mul3A_355 = arith.constant 32 : i32
    %mul3A_356 = arith.muli %add3A_354, %mul3A_355 : i32
    %add3A_357 = arith.constant 736 : i32
    %add3A_358 = arith.addi %mul3A_2, %add3A_357 : i32
    %dma_wait3A_359 = arith.constant 0 : i32
    %dma_wait3A_360 = tpu.memref_slice %arg9[%add3A_358, %dma_wait3A_359] : memref<25600x128xf32, #tpu.memory_space<hbm>> -> memref<32x128xf32, #tpu.memory_space<hbm>>
    %dma_wait3A_361 = arith.constant 0 : i32
    %dma_wait3A_362 = tpu.memref_slice %arg18[%mul3A_356, %dma_wait3A_361] : memref<1024x128xf32, #tpu.memory_space<vmem_shared>> -> memref<32x128xf32, #tpu.memory_space<vmem_shared>>
    tpu.wait_dma2 semaphore(%arg28 : memref<!tpu.dma_semaphore, #tpu.memory_space<semaphore_mem>>) src(%dma_wait3A_362 : memref<32x128xf32, #tpu.memory_space<vmem_shared>>) dst(%dma_wait3A_360 : memref<32x128xf32, #tpu.memory_space<hbm>>)
    %mul3A_363 = arith.constant 2 : i32
    %mul3A_364 = arith.muli %arg1, %mul3A_363 : i32
    %add3A_365 = arith.constant 1 : i32
    %add3A_366 = arith.addi %mul3A_364, %add3A_365 : i32
    %mul3A_367 = arith.constant 32 : i32
    %mul3A_368 = arith.muli %add3A_366, %mul3A_367 : i32
    "tpu.region"() ({
      %run_scoped3A = tpu.sem_alloc : memref<!tpu.dma_semaphore, #tpu.memory_space<semaphore_mem>>
      %dma_start3A_758 = arith.constant 0 : i32
      %dma_start3A_759 = tpu.memref_slice %arg18[%mul3A_368, %dma_start3A_758] : memref<1024x128xf32, #tpu.memory_space<vmem_shared>> -> memref<32x128xf32, #tpu.memory_space<vmem_shared>>
      %dma_start3A_760 = arith.constant 0 : i32
      %dma_start3A_761 = tpu.memref_slice %arg18[%mul3A_368, %dma_start3A_760] : memref<1024x128xf32, #tpu.memory_space<vmem_shared>> -> memref<32x128xf32, #tpu.memory_space<vmem_shared>>
      tpu.enqueue_dma source(%arg17 : memref<32x128xf32, #tpu.memory_space<vmem>>) target(%dma_start3A_761 : memref<32x128xf32, #tpu.memory_space<vmem_shared>>) target_semaphore(%run_scoped3A : memref<!tpu.dma_semaphore, #tpu.memory_space<semaphore_mem>>)
      %dma_wait3A_762 = arith.constant 0 : i32
      %dma_wait3A_763 = tpu.memref_slice %arg18[%mul3A_368, %dma_wait3A_762] : memref<1024x128xf32, #tpu.memory_space<vmem_shared>> -> memref<32x128xf32, #tpu.memory_space<vmem_shared>>
      %dma_wait3A_764 = arith.constant 0 : i32
      %dma_wait3A_765 = tpu.memref_slice %arg18[%mul3A_368, %dma_wait3A_764] : memref<1024x128xf32, #tpu.memory_space<vmem_shared>> -> memref<32x128xf32, #tpu.memory_space<vmem_shared>>
      tpu.wait_dma2 semaphore(%run_scoped3A : memref<!tpu.dma_semaphore, #tpu.memory_space<semaphore_mem>>) src(%arg17 : memref<32x128xf32, #tpu.memory_space<vmem>>) dst(%dma_wait3A_765 : memref<32x128xf32, #tpu.memory_space<vmem_shared>>)
      tpu.yield
    }) : () -> ()
    %dma_wait3A_369 = arith.constant 0 : i32
    %dma_wait3A_370 = arith.constant 0 : i32
    %dma_wait3A_371 = tpu.memref_slice %arg15[%dma_wait3A_369, %dma_wait3A_370] : memref<320x128xf32, #tpu.memory_space<vmem>> -> memref<64x128xf32, #tpu.memory_space<vmem>>
    %dma_wait3A_372 = arith.constant 7360 : i32
    %dma_wait3A_373 = tpu.memref_slice %arg11[%dma_wait3A_372] : memref<8000xi32, #tpu.memory_space<vmem>> -> memref<64xi32, #tpu.memory_space<vmem>>
    %dma_wait3A_374 = arith.constant 0 : i32
    %dma_wait3A_375 = arith.constant 0 : i32
    %dma_wait3A_376 = tpu.memref_slice %arg5[%dma_wait3A_374, %dma_wait3A_375] : memref<10000x128xf32, #tpu.memory_space<hbm>> -> memref<10000x128xf32, #tpu.memory_space<hbm>>
    tpu.wait_indirect_dma semaphore(%arg22 : memref<!tpu.dma_semaphore, #tpu.memory_space<semaphore_mem>>) src(%dma_wait3A_376 : memref<10000x128xf32, #tpu.memory_space<hbm>>) dst(%dma_wait3A_371 : memref<64x128xf32, #tpu.memory_space<vmem>>)
    %dma_wait3A_377 = arith.constant 64 : i32
    %dma_wait3A_378 = arith.constant 0 : i32
    %dma_wait3A_379 = tpu.memref_slice %arg15[%dma_wait3A_377, %dma_wait3A_378] : memref<320x128xf32, #tpu.memory_space<vmem>> -> memref<64x128xf32, #tpu.memory_space<vmem>>
    %dma_wait3A_380 = arith.constant 7424 : i32
    %dma_wait3A_381 = tpu.memref_slice %arg11[%dma_wait3A_380] : memref<8000xi32, #tpu.memory_space<vmem>> -> memref<64xi32, #tpu.memory_space<vmem>>
    %dma_wait3A_382 = arith.constant 0 : i32
    %dma_wait3A_383 = arith.constant 0 : i32
    %dma_wait3A_384 = tpu.memref_slice %arg5[%dma_wait3A_382, %dma_wait3A_383] : memref<10000x128xf32, #tpu.memory_space<hbm>> -> memref<10000x128xf32, #tpu.memory_space<hbm>>
    tpu.wait_indirect_dma semaphore(%arg22 : memref<!tpu.dma_semaphore, #tpu.memory_space<semaphore_mem>>) src(%dma_wait3A_384 : memref<10000x128xf32, #tpu.memory_space<hbm>>) dst(%dma_wait3A_379 : memref<64x128xf32, #tpu.memory_space<vmem>>)
    %dma_wait3A_385 = arith.constant 128 : i32
    %dma_wait3A_386 = arith.constant 0 : i32
    %dma_wait3A_387 = tpu.memref_slice %arg15[%dma_wait3A_385, %dma_wait3A_386] : memref<320x128xf32, #tpu.memory_space<vmem>> -> memref<64x128xf32, #tpu.memory_space<vmem>>
    %dma_wait3A_388 = arith.constant 7488 : i32
    %dma_wait3A_389 = tpu.memref_slice %arg11[%dma_wait3A_388] : memref<8000xi32, #tpu.memory_space<vmem>> -> memref<64xi32, #tpu.memory_space<vmem>>
    %dma_wait3A_390 = arith.constant 0 : i32
    %dma_wait3A_391 = arith.constant 0 : i32
    %dma_wait3A_392 = tpu.memref_slice %arg5[%dma_wait3A_390, %dma_wait3A_391] : memref<10000x128xf32, #tpu.memory_space<hbm>> -> memref<10000x128xf32, #tpu.memory_space<hbm>>
    tpu.wait_indirect_dma semaphore(%arg22 : memref<!tpu.dma_semaphore, #tpu.memory_space<semaphore_mem>>) src(%dma_wait3A_392 : memref<10000x128xf32, #tpu.memory_space<hbm>>) dst(%dma_wait3A_387 : memref<64x128xf32, #tpu.memory_space<vmem>>)
    %dma_wait3A_393 = arith.constant 192 : i32
    %dma_wait3A_394 = arith.constant 0 : i32
    %dma_wait3A_395 = tpu.memref_slice %arg15[%dma_wait3A_393, %dma_wait3A_394] : memref<320x128xf32, #tpu.memory_space<vmem>> -> memref<64x128xf32, #tpu.memory_space<vmem>>
    %dma_wait3A_396 = arith.constant 7552 : i32
    %dma_wait3A_397 = tpu.memref_slice %arg11[%dma_wait3A_396] : memref<8000xi32, #tpu.memory_space<vmem>> -> memref<64xi32, #tpu.memory_space<vmem>>
    %dma_wait3A_398 = arith.constant 0 : i32
    %dma_wait3A_399 = arith.constant 0 : i32
    %dma_wait3A_400 = tpu.memref_slice %arg5[%dma_wait3A_398, %dma_wait3A_399] : memref<10000x128xf32, #tpu.memory_space<hbm>> -> memref<10000x128xf32, #tpu.memory_space<hbm>>
    tpu.wait_indirect_dma semaphore(%arg22 : memref<!tpu.dma_semaphore, #tpu.memory_space<semaphore_mem>>) src(%dma_wait3A_400 : memref<10000x128xf32, #tpu.memory_space<hbm>>) dst(%dma_wait3A_395 : memref<64x128xf32, #tpu.memory_space<vmem>>)
    %dma_wait3A_401 = arith.constant 256 : i32
    %dma_wait3A_402 = arith.constant 0 : i32
    %dma_wait3A_403 = tpu.memref_slice %arg15[%dma_wait3A_401, %dma_wait3A_402] : memref<320x128xf32, #tpu.memory_space<vmem>> -> memref<64x128xf32, #tpu.memory_space<vmem>>
    %dma_wait3A_404 = arith.constant 7616 : i32
    %dma_wait3A_405 = tpu.memref_slice %arg11[%dma_wait3A_404] : memref<8000xi32, #tpu.memory_space<vmem>> -> memref<64xi32, #tpu.memory_space<vmem>>
    %dma_wait3A_406 = arith.constant 0 : i32
    %dma_wait3A_407 = arith.constant 0 : i32
    %dma_wait3A_408 = tpu.memref_slice %arg5[%dma_wait3A_406, %dma_wait3A_407] : memref<10000x128xf32, #tpu.memory_space<hbm>> -> memref<10000x128xf32, #tpu.memory_space<hbm>>
    tpu.wait_indirect_dma semaphore(%arg22 : memref<!tpu.dma_semaphore, #tpu.memory_space<semaphore_mem>>) src(%dma_wait3A_408 : memref<10000x128xf32, #tpu.memory_space<hbm>>) dst(%dma_wait3A_403 : memref<64x128xf32, #tpu.memory_space<vmem>>)
    %dma_start3A_409 = arith.constant 1 : i32
    %dma_start3A_410 = arith.constant 0 : i32
    %dma_start3A_411 = arith.constant 0 : i32
    %dma_start3A_412 = arith.constant 0 : i32
    %dma_start3A_413 = tpu.memref_slice %arg15[%dma_start3A_411, %dma_start3A_412] : memref<320x128xf32, #tpu.memory_space<vmem>> -> memref<64x128xf32, #tpu.memory_space<vmem>>
    %dma_start3A_414 = arith.constant 0 : i32
    %dma_start3A_415 = tpu.memref_slice %arg16[%dma_start3A_409, %dma_start3A_410, %dma_start3A_414] : memref<2x5x64xi32, #tpu.memory_space<vmem>> -> memref<1x1x64xi32, #tpu.memory_space<vmem>>
    %dma_start3A_416 = tpu.memref_squeeze %dma_start3A_415 : memref<1x1x64xi32, #tpu.memory_space<vmem>> -> memref<64xi32, #tpu.memory_space<vmem>>
    %dma_start3A_417 = arith.constant 0 : i32
    %dma_start3A_418 = arith.constant 0 : i32
    %dma_start3A_419 = tpu.memref_slice %arg18[%dma_start3A_417, %dma_start3A_418] : memref<1024x128xf32, #tpu.memory_space<vmem_shared>> -> memref<1024x128xf32, #tpu.memory_space<vmem_shared>>
    tpu.enqueue_indirect_dma source(%dma_start3A_413 : memref<64x128xf32, #tpu.memory_space<vmem>>) target(%dma_start3A_419 : memref<1024x128xf32, #tpu.memory_space<vmem_shared>>) offsets(%dma_start3A_416 : memref<64xi32, #tpu.memory_space<vmem>>) semaphore(%arg24 : memref<!tpu.dma_semaphore, #tpu.memory_space<semaphore_mem>>) {add = true}
    %dma_start3A_420 = arith.constant 1 : i32
    %dma_start3A_421 = arith.constant 1 : i32
    %dma_start3A_422 = arith.constant 64 : i32
    %dma_start3A_423 = arith.constant 0 : i32
    %dma_start3A_424 = tpu.memref_slice %arg15[%dma_start3A_422, %dma_start3A_423] : memref<320x128xf32, #tpu.memory_space<vmem>> -> memref<64x128xf32, #tpu.memory_space<vmem>>
    %dma_start3A_425 = arith.constant 0 : i32
    %dma_start3A_426 = tpu.memref_slice %arg16[%dma_start3A_420, %dma_start3A_421, %dma_start3A_425] : memref<2x5x64xi32, #tpu.memory_space<vmem>> -> memref<1x1x64xi32, #tpu.memory_space<vmem>>
    %dma_start3A_427 = tpu.memref_squeeze %dma_start3A_426 : memref<1x1x64xi32, #tpu.memory_space<vmem>> -> memref<64xi32, #tpu.memory_space<vmem>>
    %dma_start3A_428 = arith.constant 0 : i32
    %dma_start3A_429 = arith.constant 0 : i32
    %dma_start3A_430 = tpu.memref_slice %arg18[%dma_start3A_428, %dma_start3A_429] : memref<1024x128xf32, #tpu.memory_space<vmem_shared>> -> memref<1024x128xf32, #tpu.memory_space<vmem_shared>>
    tpu.enqueue_indirect_dma source(%dma_start3A_424 : memref<64x128xf32, #tpu.memory_space<vmem>>) target(%dma_start3A_430 : memref<1024x128xf32, #tpu.memory_space<vmem_shared>>) offsets(%dma_start3A_427 : memref<64xi32, #tpu.memory_space<vmem>>) semaphore(%arg24 : memref<!tpu.dma_semaphore, #tpu.memory_space<semaphore_mem>>) {add = true}
    %dma_start3A_431 = arith.constant 1 : i32
    %dma_start3A_432 = arith.constant 2 : i32
    %dma_start3A_433 = arith.constant 128 : i32
    %dma_start3A_434 = arith.constant 0 : i32
    %dma_start3A_435 = tpu.memref_slice %arg15[%dma_start3A_433, %dma_start3A_434] : memref<320x128xf32, #tpu.memory_space<vmem>> -> memref<64x128xf32, #tpu.memory_space<vmem>>
    %dma_start3A_436 = arith.constant 0 : i32
    %dma_start3A_437 = tpu.memref_slice %arg16[%dma_start3A_431, %dma_start3A_432, %dma_start3A_436] : memref<2x5x64xi32, #tpu.memory_space<vmem>> -> memref<1x1x64xi32, #tpu.memory_space<vmem>>
    %dma_start3A_438 = tpu.memref_squeeze %dma_start3A_437 : memref<1x1x64xi32, #tpu.memory_space<vmem>> -> memref<64xi32, #tpu.memory_space<vmem>>
    %dma_start3A_439 = arith.constant 0 : i32
    %dma_start3A_440 = arith.constant 0 : i32
    %dma_start3A_441 = tpu.memref_slice %arg18[%dma_start3A_439, %dma_start3A_440] : memref<1024x128xf32, #tpu.memory_space<vmem_shared>> -> memref<1024x128xf32, #tpu.memory_space<vmem_shared>>
    tpu.enqueue_indirect_dma source(%dma_start3A_435 : memref<64x128xf32, #tpu.memory_space<vmem>>) target(%dma_start3A_441 : memref<1024x128xf32, #tpu.memory_space<vmem_shared>>) offsets(%dma_start3A_438 : memref<64xi32, #tpu.memory_space<vmem>>) semaphore(%arg24 : memref<!tpu.dma_semaphore, #tpu.memory_space<semaphore_mem>>) {add = true}
    %dma_start3A_442 = arith.constant 1 : i32
    %dma_start3A_443 = arith.constant 3 : i32
    %dma_start3A_444 = arith.constant 192 : i32
    %dma_start3A_445 = arith.constant 0 : i32
    %dma_start3A_446 = tpu.memref_slice %arg15[%dma_start3A_444, %dma_start3A_445] : memref<320x128xf32, #tpu.memory_space<vmem>> -> memref<64x128xf32, #tpu.memory_space<vmem>>
    %dma_start3A_447 = arith.constant 0 : i32
    %dma_start3A_448 = tpu.memref_slice %arg16[%dma_start3A_442, %dma_start3A_443, %dma_start3A_447] : memref<2x5x64xi32, #tpu.memory_space<vmem>> -> memref<1x1x64xi32, #tpu.memory_space<vmem>>
    %dma_start3A_449 = tpu.memref_squeeze %dma_start3A_448 : memref<1x1x64xi32, #tpu.memory_space<vmem>> -> memref<64xi32, #tpu.memory_space<vmem>>
    %dma_start3A_450 = arith.constant 0 : i32
    %dma_start3A_451 = arith.constant 0 : i32
    %dma_start3A_452 = tpu.memref_slice %arg18[%dma_start3A_450, %dma_start3A_451] : memref<1024x128xf32, #tpu.memory_space<vmem_shared>> -> memref<1024x128xf32, #tpu.memory_space<vmem_shared>>
    tpu.enqueue_indirect_dma source(%dma_start3A_446 : memref<64x128xf32, #tpu.memory_space<vmem>>) target(%dma_start3A_452 : memref<1024x128xf32, #tpu.memory_space<vmem_shared>>) offsets(%dma_start3A_449 : memref<64xi32, #tpu.memory_space<vmem>>) semaphore(%arg24 : memref<!tpu.dma_semaphore, #tpu.memory_space<semaphore_mem>>) {add = true}
    %dma_start3A_453 = arith.constant 1 : i32
    %dma_start3A_454 = arith.constant 4 : i32
    %dma_start3A_455 = arith.constant 256 : i32
    %dma_start3A_456 = arith.constant 0 : i32
    %dma_start3A_457 = tpu.memref_slice %arg15[%dma_start3A_455, %dma_start3A_456] : memref<320x128xf32, #tpu.memory_space<vmem>> -> memref<64x128xf32, #tpu.memory_space<vmem>>
    %dma_start3A_458 = arith.constant 0 : i32
    %dma_start3A_459 = tpu.memref_slice %arg16[%dma_start3A_453, %dma_start3A_454, %dma_start3A_458] : memref<2x5x64xi32, #tpu.memory_space<vmem>> -> memref<1x1x64xi32, #tpu.memory_space<vmem>>
    %dma_start3A_460 = tpu.memref_squeeze %dma_start3A_459 : memref<1x1x64xi32, #tpu.memory_space<vmem>> -> memref<64xi32, #tpu.memory_space<vmem>>
    %dma_start3A_461 = arith.constant 0 : i32
    %dma_start3A_462 = arith.constant 0 : i32
    %dma_start3A_463 = tpu.memref_slice %arg18[%dma_start3A_461, %dma_start3A_462] : memref<1024x128xf32, #tpu.memory_space<vmem_shared>> -> memref<1024x128xf32, #tpu.memory_space<vmem_shared>>
    tpu.enqueue_indirect_dma source(%dma_start3A_457 : memref<64x128xf32, #tpu.memory_space<vmem>>) target(%dma_start3A_463 : memref<1024x128xf32, #tpu.memory_space<vmem_shared>>) offsets(%dma_start3A_460 : memref<64xi32, #tpu.memory_space<vmem>>) semaphore(%arg24 : memref<!tpu.dma_semaphore, #tpu.memory_space<semaphore_mem>>) {add = true}
    %dma_wait3A_464 = arith.constant 1 : i32
    %dma_wait3A_465 = arith.constant 0 : i32
    %dma_wait3A_466 = arith.constant 0 : i32
    %dma_wait3A_467 = arith.constant 0 : i32
    %dma_wait3A_468 = tpu.memref_slice %arg15[%dma_wait3A_466, %dma_wait3A_467] : memref<320x128xf32, #tpu.memory_space<vmem>> -> memref<64x128xf32, #tpu.memory_space<vmem>>
    %dma_wait3A_469 = arith.constant 0 : i32
    %dma_wait3A_470 = tpu.memref_slice %arg16[%dma_wait3A_464, %dma_wait3A_465, %dma_wait3A_469] : memref<2x5x64xi32, #tpu.memory_space<vmem>> -> memref<1x1x64xi32, #tpu.memory_space<vmem>>
    %dma_wait3A_471 = tpu.memref_squeeze %dma_wait3A_470 : memref<1x1x64xi32, #tpu.memory_space<vmem>> -> memref<64xi32, #tpu.memory_space<vmem>>
    %dma_wait3A_472 = arith.constant 0 : i32
    %dma_wait3A_473 = arith.constant 0 : i32
    %dma_wait3A_474 = tpu.memref_slice %arg18[%dma_wait3A_472, %dma_wait3A_473] : memref<1024x128xf32, #tpu.memory_space<vmem_shared>> -> memref<1024x128xf32, #tpu.memory_space<vmem_shared>>
    tpu.wait_indirect_dma semaphore(%arg24 : memref<!tpu.dma_semaphore, #tpu.memory_space<semaphore_mem>>) src(%dma_wait3A_468 : memref<64x128xf32, #tpu.memory_space<vmem>>) dst(%dma_wait3A_474 : memref<1024x128xf32, #tpu.memory_space<vmem_shared>>)
    %dma_wait3A_475 = arith.constant 1 : i32
    %dma_wait3A_476 = arith.constant 1 : i32
    %dma_wait3A_477 = arith.constant 64 : i32
    %dma_wait3A_478 = arith.constant 0 : i32
    %dma_wait3A_479 = tpu.memref_slice %arg15[%dma_wait3A_477, %dma_wait3A_478] : memref<320x128xf32, #tpu.memory_space<vmem>> -> memref<64x128xf32, #tpu.memory_space<vmem>>
    %dma_wait3A_480 = arith.constant 0 : i32
    %dma_wait3A_481 = tpu.memref_slice %arg16[%dma_wait3A_475, %dma_wait3A_476, %dma_wait3A_480] : memref<2x5x64xi32, #tpu.memory_space<vmem>> -> memref<1x1x64xi32, #tpu.memory_space<vmem>>
    %dma_wait3A_482 = tpu.memref_squeeze %dma_wait3A_481 : memref<1x1x64xi32, #tpu.memory_space<vmem>> -> memref<64xi32, #tpu.memory_space<vmem>>
    %dma_wait3A_483 = arith.constant 0 : i32
    %dma_wait3A_484 = arith.constant 0 : i32
    %dma_wait3A_485 = tpu.memref_slice %arg18[%dma_wait3A_483, %dma_wait3A_484] : memref<1024x128xf32, #tpu.memory_space<vmem_shared>> -> memref<1024x128xf32, #tpu.memory_space<vmem_shared>>
    tpu.wait_indirect_dma semaphore(%arg24 : memref<!tpu.dma_semaphore, #tpu.memory_space<semaphore_mem>>) src(%dma_wait3A_479 : memref<64x128xf32, #tpu.memory_space<vmem>>) dst(%dma_wait3A_485 : memref<1024x128xf32, #tpu.memory_space<vmem_shared>>)
    %dma_wait3A_486 = arith.constant 1 : i32
    %dma_wait3A_487 = arith.constant 2 : i32
    %dma_wait3A_488 = arith.constant 128 : i32
    %dma_wait3A_489 = arith.constant 0 : i32
    %dma_wait3A_490 = tpu.memref_slice %arg15[%dma_wait3A_488, %dma_wait3A_489] : memref<320x128xf32, #tpu.memory_space<vmem>> -> memref<64x128xf32, #tpu.memory_space<vmem>>
    %dma_wait3A_491 = arith.constant 0 : i32
    %dma_wait3A_492 = tpu.memref_slice %arg16[%dma_wait3A_486, %dma_wait3A_487, %dma_wait3A_491] : memref<2x5x64xi32, #tpu.memory_space<vmem>> -> memref<1x1x64xi32, #tpu.memory_space<vmem>>
    %dma_wait3A_493 = tpu.memref_squeeze %dma_wait3A_492 : memref<1x1x64xi32, #tpu.memory_space<vmem>> -> memref<64xi32, #tpu.memory_space<vmem>>
    %dma_wait3A_494 = arith.constant 0 : i32
    %dma_wait3A_495 = arith.constant 0 : i32
    %dma_wait3A_496 = tpu.memref_slice %arg18[%dma_wait3A_494, %dma_wait3A_495] : memref<1024x128xf32, #tpu.memory_space<vmem_shared>> -> memref<1024x128xf32, #tpu.memory_space<vmem_shared>>
    tpu.wait_indirect_dma semaphore(%arg24 : memref<!tpu.dma_semaphore, #tpu.memory_space<semaphore_mem>>) src(%dma_wait3A_490 : memref<64x128xf32, #tpu.memory_space<vmem>>) dst(%dma_wait3A_496 : memref<1024x128xf32, #tpu.memory_space<vmem_shared>>)
    %dma_wait3A_497 = arith.constant 1 : i32
    %dma_wait3A_498 = arith.constant 3 : i32
    %dma_wait3A_499 = arith.constant 192 : i32
    %dma_wait3A_500 = arith.constant 0 : i32
    %dma_wait3A_501 = tpu.memref_slice %arg15[%dma_wait3A_499, %dma_wait3A_500] : memref<320x128xf32, #tpu.memory_space<vmem>> -> memref<64x128xf32, #tpu.memory_space<vmem>>
    %dma_wait3A_502 = arith.constant 0 : i32
    %dma_wait3A_503 = tpu.memref_slice %arg16[%dma_wait3A_497, %dma_wait3A_498, %dma_wait3A_502] : memref<2x5x64xi32, #tpu.memory_space<vmem>> -> memref<1x1x64xi32, #tpu.memory_space<vmem>>
    %dma_wait3A_504 = tpu.memref_squeeze %dma_wait3A_503 : memref<1x1x64xi32, #tpu.memory_space<vmem>> -> memref<64xi32, #tpu.memory_space<vmem>>
    %dma_wait3A_505 = arith.constant 0 : i32
    %dma_wait3A_506 = arith.constant 0 : i32
    %dma_wait3A_507 = tpu.memref_slice %arg18[%dma_wait3A_505, %dma_wait3A_506] : memref<1024x128xf32, #tpu.memory_space<vmem_shared>> -> memref<1024x128xf32, #tpu.memory_space<vmem_shared>>
    tpu.wait_indirect_dma semaphore(%arg24 : memref<!tpu.dma_semaphore, #tpu.memory_space<semaphore_mem>>) src(%dma_wait3A_501 : memref<64x128xf32, #tpu.memory_space<vmem>>) dst(%dma_wait3A_507 : memref<1024x128xf32, #tpu.memory_space<vmem_shared>>)
    %dma_wait3A_508 = arith.constant 1 : i32
    %dma_wait3A_509 = arith.constant 4 : i32
    %dma_wait3A_510 = arith.constant 256 : i32
    %dma_wait3A_511 = arith.constant 0 : i32
    %dma_wait3A_512 = tpu.memref_slice %arg15[%dma_wait3A_510, %dma_wait3A_511] : memref<320x128xf32, #tpu.memory_space<vmem>> -> memref<64x128xf32, #tpu.memory_space<vmem>>
    %dma_wait3A_513 = arith.constant 0 : i32
    %dma_wait3A_514 = tpu.memref_slice %arg16[%dma_wait3A_508, %dma_wait3A_509, %dma_wait3A_513] : memref<2x5x64xi32, #tpu.memory_space<vmem>> -> memref<1x1x64xi32, #tpu.memory_space<vmem>>
    %dma_wait3A_515 = tpu.memref_squeeze %dma_wait3A_514 : memref<1x1x64xi32, #tpu.memory_space<vmem>> -> memref<64xi32, #tpu.memory_space<vmem>>
    %dma_wait3A_516 = arith.constant 0 : i32
    %dma_wait3A_517 = arith.constant 0 : i32
    %dma_wait3A_518 = tpu.memref_slice %arg18[%dma_wait3A_516, %dma_wait3A_517] : memref<1024x128xf32, #tpu.memory_space<vmem_shared>> -> memref<1024x128xf32, #tpu.memory_space<vmem_shared>>
    tpu.wait_indirect_dma semaphore(%arg24 : memref<!tpu.dma_semaphore, #tpu.memory_space<semaphore_mem>>) src(%dma_wait3A_512 : memref<64x128xf32, #tpu.memory_space<vmem>>) dst(%dma_wait3A_518 : memref<1024x128xf32, #tpu.memory_space<vmem_shared>>)
    %mul3A_519 = arith.constant 2 : i32
    %mul3A_520 = arith.muli %arg1, %mul3A_519 : i32
    %add3A_521 = arith.constant 1 : i32
    %add3A_522 = arith.addi %mul3A_520, %add3A_521 : i32
    %mul3A_523 = arith.constant 32 : i32
    %mul3A_524 = arith.muli %add3A_522, %mul3A_523 : i32
    %add3A_525 = arith.constant 736 : i32
    %add3A_526 = arith.addi %mul3A_2, %add3A_525 : i32
    %dma_start3A_527 = arith.constant 0 : i32
    %dma_start3A_528 = tpu.memref_slice %arg9[%add3A_526, %dma_start3A_527] : memref<25600x128xf32, #tpu.memory_space<hbm>> -> memref<32x128xf32, #tpu.memory_space<hbm>>
    %dma_start3A_529 = arith.constant 0 : i32
    %dma_start3A_530 = tpu.memref_slice %arg18[%mul3A_524, %dma_start3A_529] : memref<1024x128xf32, #tpu.memory_space<vmem_shared>> -> memref<32x128xf32, #tpu.memory_space<vmem_shared>>
    tpu.enqueue_dma source(%dma_start3A_530 : memref<32x128xf32, #tpu.memory_space<vmem_shared>>) target(%dma_start3A_528 : memref<32x128xf32, #tpu.memory_space<hbm>>) target_semaphore(%arg28 : memref<!tpu.dma_semaphore, #tpu.memory_space<semaphore_mem>>)
    %dma_wait3A_531 = arith.constant 768 : i32
    %dma_wait3A_532 = tpu.memref_slice %arg10[%dma_wait3A_531] : memref<800xi32, #tpu.memory_space<vmem>> -> memref<32xi32, #tpu.memory_space<vmem>>
    %dma_wait3A_533 = arith.constant 0 : i32
    %dma_wait3A_534 = arith.constant 0 : i32
    %dma_wait3A_535 = tpu.memref_slice %arg4[%dma_wait3A_533, %dma_wait3A_534] : memref<100000x128xf32, #tpu.memory_space<hbm>> -> memref<100000x128xf32, #tpu.memory_space<hbm>>
    tpu.wait_indirect_dma semaphore(%arg19 : memref<!tpu.dma_semaphore, #tpu.memory_space<semaphore_mem>>) src(%dma_wait3A_535 : memref<100000x128xf32, #tpu.memory_space<hbm>>) dst(%arg12 : memref<32x128xf32, #tpu.memory_space<vmem>>)
    %add3A_536 = arith.constant 768 : i32
    %add3A_537 = arith.addi %mul3A_2, %add3A_536 : i32
    %dma_start3A_538 = arith.constant 0 : i32
    %dma_start3A_539 = tpu.memref_slice %arg8[%add3A_537, %dma_start3A_538] : memref<25600x128xf32, #tpu.memory_space<hbm>> -> memref<32x128xf32, #tpu.memory_space<hbm>>
    %dma_start3A_540 = arith.constant 0 : i32
    %dma_start3A_541 = tpu.memref_slice %arg8[%add3A_537, %dma_start3A_540] : memref<25600x128xf32, #tpu.memory_space<hbm>> -> memref<32x128xf32, #tpu.memory_space<hbm>>
    tpu.enqueue_dma source(%arg12 : memref<32x128xf32, #tpu.memory_space<vmem>>) target(%dma_start3A_541 : memref<32x128xf32, #tpu.memory_space<hbm>>) target_semaphore(%arg25 : memref<!tpu.dma_semaphore, #tpu.memory_space<semaphore_mem>>)
    %mul3A_542 = arith.constant 2 : i32
    %mul3A_543 = arith.muli %arg1, %mul3A_542 : i32
    %add3A_544 = arith.constant 0 : i32
    %add3A_545 = arith.addi %mul3A_543, %add3A_544 : i32
    %mul3A_546 = arith.constant 32 : i32
    %mul3A_547 = arith.muli %add3A_545, %mul3A_546 : i32
    %add3A_548 = arith.constant 768 : i32
    %add3A_549 = arith.addi %mul3A_2, %add3A_548 : i32
    %dma_wait3A_550 = arith.constant 0 : i32
    %dma_wait3A_551 = tpu.memref_slice %arg9[%add3A_549, %dma_wait3A_550] : memref<25600x128xf32, #tpu.memory_space<hbm>> -> memref<32x128xf32, #tpu.memory_space<hbm>>
    %dma_wait3A_552 = arith.constant 0 : i32
    %dma_wait3A_553 = tpu.memref_slice %arg18[%mul3A_547, %dma_wait3A_552] : memref<1024x128xf32, #tpu.memory_space<vmem_shared>> -> memref<32x128xf32, #tpu.memory_space<vmem_shared>>
    tpu.wait_dma2 semaphore(%arg27 : memref<!tpu.dma_semaphore, #tpu.memory_space<semaphore_mem>>) src(%dma_wait3A_553 : memref<32x128xf32, #tpu.memory_space<vmem_shared>>) dst(%dma_wait3A_551 : memref<32x128xf32, #tpu.memory_space<hbm>>)
    %mul3A_554 = arith.constant 2 : i32
    %mul3A_555 = arith.muli %arg1, %mul3A_554 : i32
    %add3A_556 = arith.constant 0 : i32
    %add3A_557 = arith.addi %mul3A_555, %add3A_556 : i32
    %mul3A_558 = arith.constant 32 : i32
    %mul3A_559 = arith.muli %add3A_557, %mul3A_558 : i32
    "tpu.region"() ({
      %run_scoped3A = tpu.sem_alloc : memref<!tpu.dma_semaphore, #tpu.memory_space<semaphore_mem>>
      %dma_start3A_758 = arith.constant 0 : i32
      %dma_start3A_759 = tpu.memref_slice %arg18[%mul3A_559, %dma_start3A_758] : memref<1024x128xf32, #tpu.memory_space<vmem_shared>> -> memref<32x128xf32, #tpu.memory_space<vmem_shared>>
      %dma_start3A_760 = arith.constant 0 : i32
      %dma_start3A_761 = tpu.memref_slice %arg18[%mul3A_559, %dma_start3A_760] : memref<1024x128xf32, #tpu.memory_space<vmem_shared>> -> memref<32x128xf32, #tpu.memory_space<vmem_shared>>
      tpu.enqueue_dma source(%arg17 : memref<32x128xf32, #tpu.memory_space<vmem>>) target(%dma_start3A_761 : memref<32x128xf32, #tpu.memory_space<vmem_shared>>) target_semaphore(%run_scoped3A : memref<!tpu.dma_semaphore, #tpu.memory_space<semaphore_mem>>)
      %dma_wait3A_762 = arith.constant 0 : i32
      %dma_wait3A_763 = tpu.memref_slice %arg18[%mul3A_559, %dma_wait3A_762] : memref<1024x128xf32, #tpu.memory_space<vmem_shared>> -> memref<32x128xf32, #tpu.memory_space<vmem_shared>>
      %dma_wait3A_764 = arith.constant 0 : i32
      %dma_wait3A_765 = tpu.memref_slice %arg18[%mul3A_559, %dma_wait3A_764] : memref<1024x128xf32, #tpu.memory_space<vmem_shared>> -> memref<32x128xf32, #tpu.memory_space<vmem_shared>>
      tpu.wait_dma2 semaphore(%run_scoped3A : memref<!tpu.dma_semaphore, #tpu.memory_space<semaphore_mem>>) src(%arg17 : memref<32x128xf32, #tpu.memory_space<vmem>>) dst(%dma_wait3A_765 : memref<32x128xf32, #tpu.memory_space<vmem_shared>>)
      tpu.yield
    }) : () -> ()
    %dma_wait3A_560 = arith.constant 0 : i32
    %dma_wait3A_561 = arith.constant 0 : i32
    %dma_wait3A_562 = tpu.memref_slice %arg14[%dma_wait3A_560, %dma_wait3A_561] : memref<320x128xf32, #tpu.memory_space<vmem>> -> memref<64x128xf32, #tpu.memory_space<vmem>>
    %dma_wait3A_563 = arith.constant 7680 : i32
    %dma_wait3A_564 = tpu.memref_slice %arg11[%dma_wait3A_563] : memref<8000xi32, #tpu.memory_space<vmem>> -> memref<64xi32, #tpu.memory_space<vmem>>
    %dma_wait3A_565 = arith.constant 0 : i32
    %dma_wait3A_566 = arith.constant 0 : i32
    %dma_wait3A_567 = tpu.memref_slice %arg5[%dma_wait3A_565, %dma_wait3A_566] : memref<10000x128xf32, #tpu.memory_space<hbm>> -> memref<10000x128xf32, #tpu.memory_space<hbm>>
    tpu.wait_indirect_dma semaphore(%arg21 : memref<!tpu.dma_semaphore, #tpu.memory_space<semaphore_mem>>) src(%dma_wait3A_567 : memref<10000x128xf32, #tpu.memory_space<hbm>>) dst(%dma_wait3A_562 : memref<64x128xf32, #tpu.memory_space<vmem>>)
    %dma_wait3A_568 = arith.constant 64 : i32
    %dma_wait3A_569 = arith.constant 0 : i32
    %dma_wait3A_570 = tpu.memref_slice %arg14[%dma_wait3A_568, %dma_wait3A_569] : memref<320x128xf32, #tpu.memory_space<vmem>> -> memref<64x128xf32, #tpu.memory_space<vmem>>
    %dma_wait3A_571 = arith.constant 7744 : i32
    %dma_wait3A_572 = tpu.memref_slice %arg11[%dma_wait3A_571] : memref<8000xi32, #tpu.memory_space<vmem>> -> memref<64xi32, #tpu.memory_space<vmem>>
    %dma_wait3A_573 = arith.constant 0 : i32
    %dma_wait3A_574 = arith.constant 0 : i32
    %dma_wait3A_575 = tpu.memref_slice %arg5[%dma_wait3A_573, %dma_wait3A_574] : memref<10000x128xf32, #tpu.memory_space<hbm>> -> memref<10000x128xf32, #tpu.memory_space<hbm>>
    tpu.wait_indirect_dma semaphore(%arg21 : memref<!tpu.dma_semaphore, #tpu.memory_space<semaphore_mem>>) src(%dma_wait3A_575 : memref<10000x128xf32, #tpu.memory_space<hbm>>) dst(%dma_wait3A_570 : memref<64x128xf32, #tpu.memory_space<vmem>>)
    %dma_wait3A_576 = arith.constant 128 : i32
    %dma_wait3A_577 = arith.constant 0 : i32
    %dma_wait3A_578 = tpu.memref_slice %arg14[%dma_wait3A_576, %dma_wait3A_577] : memref<320x128xf32, #tpu.memory_space<vmem>> -> memref<64x128xf32, #tpu.memory_space<vmem>>
    %dma_wait3A_579 = arith.constant 7808 : i32
    %dma_wait3A_580 = tpu.memref_slice %arg11[%dma_wait3A_579] : memref<8000xi32, #tpu.memory_space<vmem>> -> memref<64xi32, #tpu.memory_space<vmem>>
    %dma_wait3A_581 = arith.constant 0 : i32
    %dma_wait3A_582 = arith.constant 0 : i32
    %dma_wait3A_583 = tpu.memref_slice %arg5[%dma_wait3A_581, %dma_wait3A_582] : memref<10000x128xf32, #tpu.memory_space<hbm>> -> memref<10000x128xf32, #tpu.memory_space<hbm>>
    tpu.wait_indirect_dma semaphore(%arg21 : memref<!tpu.dma_semaphore, #tpu.memory_space<semaphore_mem>>) src(%dma_wait3A_583 : memref<10000x128xf32, #tpu.memory_space<hbm>>) dst(%dma_wait3A_578 : memref<64x128xf32, #tpu.memory_space<vmem>>)
    %dma_wait3A_584 = arith.constant 192 : i32
    %dma_wait3A_585 = arith.constant 0 : i32
    %dma_wait3A_586 = tpu.memref_slice %arg14[%dma_wait3A_584, %dma_wait3A_585] : memref<320x128xf32, #tpu.memory_space<vmem>> -> memref<64x128xf32, #tpu.memory_space<vmem>>
    %dma_wait3A_587 = arith.constant 7872 : i32
    %dma_wait3A_588 = tpu.memref_slice %arg11[%dma_wait3A_587] : memref<8000xi32, #tpu.memory_space<vmem>> -> memref<64xi32, #tpu.memory_space<vmem>>
    %dma_wait3A_589 = arith.constant 0 : i32
    %dma_wait3A_590 = arith.constant 0 : i32
    %dma_wait3A_591 = tpu.memref_slice %arg5[%dma_wait3A_589, %dma_wait3A_590] : memref<10000x128xf32, #tpu.memory_space<hbm>> -> memref<10000x128xf32, #tpu.memory_space<hbm>>
    tpu.wait_indirect_dma semaphore(%arg21 : memref<!tpu.dma_semaphore, #tpu.memory_space<semaphore_mem>>) src(%dma_wait3A_591 : memref<10000x128xf32, #tpu.memory_space<hbm>>) dst(%dma_wait3A_586 : memref<64x128xf32, #tpu.memory_space<vmem>>)
    %dma_wait3A_592 = arith.constant 256 : i32
    %dma_wait3A_593 = arith.constant 0 : i32
    %dma_wait3A_594 = tpu.memref_slice %arg14[%dma_wait3A_592, %dma_wait3A_593] : memref<320x128xf32, #tpu.memory_space<vmem>> -> memref<64x128xf32, #tpu.memory_space<vmem>>
    %dma_wait3A_595 = arith.constant 7936 : i32
    %dma_wait3A_596 = tpu.memref_slice %arg11[%dma_wait3A_595] : memref<8000xi32, #tpu.memory_space<vmem>> -> memref<64xi32, #tpu.memory_space<vmem>>
    %dma_wait3A_597 = arith.constant 0 : i32
    %dma_wait3A_598 = arith.constant 0 : i32
    %dma_wait3A_599 = tpu.memref_slice %arg5[%dma_wait3A_597, %dma_wait3A_598] : memref<10000x128xf32, #tpu.memory_space<hbm>> -> memref<10000x128xf32, #tpu.memory_space<hbm>>
    tpu.wait_indirect_dma semaphore(%arg21 : memref<!tpu.dma_semaphore, #tpu.memory_space<semaphore_mem>>) src(%dma_wait3A_599 : memref<10000x128xf32, #tpu.memory_space<hbm>>) dst(%dma_wait3A_594 : memref<64x128xf32, #tpu.memory_space<vmem>>)
    %dma_start3A_600 = arith.constant 0 : i32
    %dma_start3A_601 = arith.constant 0 : i32
    %dma_start3A_602 = arith.constant 0 : i32
    %dma_start3A_603 = arith.constant 0 : i32
    %dma_start3A_604 = tpu.memref_slice %arg14[%dma_start3A_602, %dma_start3A_603] : memref<320x128xf32, #tpu.memory_space<vmem>> -> memref<64x128xf32, #tpu.memory_space<vmem>>
    %dma_start3A_605 = arith.constant 0 : i32
    %dma_start3A_606 = tpu.memref_slice %arg16[%dma_start3A_600, %dma_start3A_601, %dma_start3A_605] : memref<2x5x64xi32, #tpu.memory_space<vmem>> -> memref<1x1x64xi32, #tpu.memory_space<vmem>>
    %dma_start3A_607 = tpu.memref_squeeze %dma_start3A_606 : memref<1x1x64xi32, #tpu.memory_space<vmem>> -> memref<64xi32, #tpu.memory_space<vmem>>
    %dma_start3A_608 = arith.constant 0 : i32
    %dma_start3A_609 = arith.constant 0 : i32
    %dma_start3A_610 = tpu.memref_slice %arg18[%dma_start3A_608, %dma_start3A_609] : memref<1024x128xf32, #tpu.memory_space<vmem_shared>> -> memref<1024x128xf32, #tpu.memory_space<vmem_shared>>
    tpu.enqueue_indirect_dma source(%dma_start3A_604 : memref<64x128xf32, #tpu.memory_space<vmem>>) target(%dma_start3A_610 : memref<1024x128xf32, #tpu.memory_space<vmem_shared>>) offsets(%dma_start3A_607 : memref<64xi32, #tpu.memory_space<vmem>>) semaphore(%arg23 : memref<!tpu.dma_semaphore, #tpu.memory_space<semaphore_mem>>) {add = true}
    %dma_start3A_611 = arith.constant 0 : i32
    %dma_start3A_612 = arith.constant 1 : i32
    %dma_start3A_613 = arith.constant 64 : i32
    %dma_start3A_614 = arith.constant 0 : i32
    %dma_start3A_615 = tpu.memref_slice %arg14[%dma_start3A_613, %dma_start3A_614] : memref<320x128xf32, #tpu.memory_space<vmem>> -> memref<64x128xf32, #tpu.memory_space<vmem>>
    %dma_start3A_616 = arith.constant 0 : i32
    %dma_start3A_617 = tpu.memref_slice %arg16[%dma_start3A_611, %dma_start3A_612, %dma_start3A_616] : memref<2x5x64xi32, #tpu.memory_space<vmem>> -> memref<1x1x64xi32, #tpu.memory_space<vmem>>
    %dma_start3A_618 = tpu.memref_squeeze %dma_start3A_617 : memref<1x1x64xi32, #tpu.memory_space<vmem>> -> memref<64xi32, #tpu.memory_space<vmem>>
    %dma_start3A_619 = arith.constant 0 : i32
    %dma_start3A_620 = arith.constant 0 : i32
    %dma_start3A_621 = tpu.memref_slice %arg18[%dma_start3A_619, %dma_start3A_620] : memref<1024x128xf32, #tpu.memory_space<vmem_shared>> -> memref<1024x128xf32, #tpu.memory_space<vmem_shared>>
    tpu.enqueue_indirect_dma source(%dma_start3A_615 : memref<64x128xf32, #tpu.memory_space<vmem>>) target(%dma_start3A_621 : memref<1024x128xf32, #tpu.memory_space<vmem_shared>>) offsets(%dma_start3A_618 : memref<64xi32, #tpu.memory_space<vmem>>) semaphore(%arg23 : memref<!tpu.dma_semaphore, #tpu.memory_space<semaphore_mem>>) {add = true}
    %dma_start3A_622 = arith.constant 0 : i32
    %dma_start3A_623 = arith.constant 2 : i32
    %dma_start3A_624 = arith.constant 128 : i32
    %dma_start3A_625 = arith.constant 0 : i32
    %dma_start3A_626 = tpu.memref_slice %arg14[%dma_start3A_624, %dma_start3A_625] : memref<320x128xf32, #tpu.memory_space<vmem>> -> memref<64x128xf32, #tpu.memory_space<vmem>>
    %dma_start3A_627 = arith.constant 0 : i32
    %dma_start3A_628 = tpu.memref_slice %arg16[%dma_start3A_622, %dma_start3A_623, %dma_start3A_627] : memref<2x5x64xi32, #tpu.memory_space<vmem>> -> memref<1x1x64xi32, #tpu.memory_space<vmem>>
    %dma_start3A_629 = tpu.memref_squeeze %dma_start3A_628 : memref<1x1x64xi32, #tpu.memory_space<vmem>> -> memref<64xi32, #tpu.memory_space<vmem>>
    %dma_start3A_630 = arith.constant 0 : i32
    %dma_start3A_631 = arith.constant 0 : i32
    %dma_start3A_632 = tpu.memref_slice %arg18[%dma_start3A_630, %dma_start3A_631] : memref<1024x128xf32, #tpu.memory_space<vmem_shared>> -> memref<1024x128xf32, #tpu.memory_space<vmem_shared>>
    tpu.enqueue_indirect_dma source(%dma_start3A_626 : memref<64x128xf32, #tpu.memory_space<vmem>>) target(%dma_start3A_632 : memref<1024x128xf32, #tpu.memory_space<vmem_shared>>) offsets(%dma_start3A_629 : memref<64xi32, #tpu.memory_space<vmem>>) semaphore(%arg23 : memref<!tpu.dma_semaphore, #tpu.memory_space<semaphore_mem>>) {add = true}
    %dma_start3A_633 = arith.constant 0 : i32
    %dma_start3A_634 = arith.constant 3 : i32
    %dma_start3A_635 = arith.constant 192 : i32
    %dma_start3A_636 = arith.constant 0 : i32
    %dma_start3A_637 = tpu.memref_slice %arg14[%dma_start3A_635, %dma_start3A_636] : memref<320x128xf32, #tpu.memory_space<vmem>> -> memref<64x128xf32, #tpu.memory_space<vmem>>
    %dma_start3A_638 = arith.constant 0 : i32
    %dma_start3A_639 = tpu.memref_slice %arg16[%dma_start3A_633, %dma_start3A_634, %dma_start3A_638] : memref<2x5x64xi32, #tpu.memory_space<vmem>> -> memref<1x1x64xi32, #tpu.memory_space<vmem>>
    %dma_start3A_640 = tpu.memref_squeeze %dma_start3A_639 : memref<1x1x64xi32, #tpu.memory_space<vmem>> -> memref<64xi32, #tpu.memory_space<vmem>>
    %dma_start3A_641 = arith.constant 0 : i32
    %dma_start3A_642 = arith.constant 0 : i32
    %dma_start3A_643 = tpu.memref_slice %arg18[%dma_start3A_641, %dma_start3A_642] : memref<1024x128xf32, #tpu.memory_space<vmem_shared>> -> memref<1024x128xf32, #tpu.memory_space<vmem_shared>>
    tpu.enqueue_indirect_dma source(%dma_start3A_637 : memref<64x128xf32, #tpu.memory_space<vmem>>) target(%dma_start3A_643 : memref<1024x128xf32, #tpu.memory_space<vmem_shared>>) offsets(%dma_start3A_640 : memref<64xi32, #tpu.memory_space<vmem>>) semaphore(%arg23 : memref<!tpu.dma_semaphore, #tpu.memory_space<semaphore_mem>>) {add = true}
    %dma_start3A_644 = arith.constant 0 : i32
    %dma_start3A_645 = arith.constant 4 : i32
    %dma_start3A_646 = arith.constant 256 : i32
    %dma_start3A_647 = arith.constant 0 : i32
    %dma_start3A_648 = tpu.memref_slice %arg14[%dma_start3A_646, %dma_start3A_647] : memref<320x128xf32, #tpu.memory_space<vmem>> -> memref<64x128xf32, #tpu.memory_space<vmem>>
    %dma_start3A_649 = arith.constant 0 : i32
    %dma_start3A_650 = tpu.memref_slice %arg16[%dma_start3A_644, %dma_start3A_645, %dma_start3A_649] : memref<2x5x64xi32, #tpu.memory_space<vmem>> -> memref<1x1x64xi32, #tpu.memory_space<vmem>>
    %dma_start3A_651 = tpu.memref_squeeze %dma_start3A_650 : memref<1x1x64xi32, #tpu.memory_space<vmem>> -> memref<64xi32, #tpu.memory_space<vmem>>
    %dma_start3A_652 = arith.constant 0 : i32
    %dma_start3A_653 = arith.constant 0 : i32
    %dma_start3A_654 = tpu.memref_slice %arg18[%dma_start3A_652, %dma_start3A_653] : memref<1024x128xf32, #tpu.memory_space<vmem_shared>> -> memref<1024x128xf32, #tpu.memory_space<vmem_shared>>
    tpu.enqueue_indirect_dma source(%dma_start3A_648 : memref<64x128xf32, #tpu.memory_space<vmem>>) target(%dma_start3A_654 : memref<1024x128xf32, #tpu.memory_space<vmem_shared>>) offsets(%dma_start3A_651 : memref<64xi32, #tpu.memory_space<vmem>>) semaphore(%arg23 : memref<!tpu.dma_semaphore, #tpu.memory_space<semaphore_mem>>) {add = true}
    %dma_wait3A_655 = arith.constant 0 : i32
    %dma_wait3A_656 = arith.constant 0 : i32
    %dma_wait3A_657 = arith.constant 0 : i32
    %dma_wait3A_658 = arith.constant 0 : i32
    %dma_wait3A_659 = tpu.memref_slice %arg14[%dma_wait3A_657, %dma_wait3A_658] : memref<320x128xf32, #tpu.memory_space<vmem>> -> memref<64x128xf32, #tpu.memory_space<vmem>>
    %dma_wait3A_660 = arith.constant 0 : i32
    %dma_wait3A_661 = tpu.memref_slice %arg16[%dma_wait3A_655, %dma_wait3A_656, %dma_wait3A_660] : memref<2x5x64xi32, #tpu.memory_space<vmem>> -> memref<1x1x64xi32, #tpu.memory_space<vmem>>
    %dma_wait3A_662 = tpu.memref_squeeze %dma_wait3A_661 : memref<1x1x64xi32, #tpu.memory_space<vmem>> -> memref<64xi32, #tpu.memory_space<vmem>>
    %dma_wait3A_663 = arith.constant 0 : i32
    %dma_wait3A_664 = arith.constant 0 : i32
    %dma_wait3A_665 = tpu.memref_slice %arg18[%dma_wait3A_663, %dma_wait3A_664] : memref<1024x128xf32, #tpu.memory_space<vmem_shared>> -> memref<1024x128xf32, #tpu.memory_space<vmem_shared>>
    tpu.wait_indirect_dma semaphore(%arg23 : memref<!tpu.dma_semaphore, #tpu.memory_space<semaphore_mem>>) src(%dma_wait3A_659 : memref<64x128xf32, #tpu.memory_space<vmem>>) dst(%dma_wait3A_665 : memref<1024x128xf32, #tpu.memory_space<vmem_shared>>)
    %dma_wait3A_666 = arith.constant 0 : i32
    %dma_wait3A_667 = arith.constant 1 : i32
    %dma_wait3A_668 = arith.constant 64 : i32
    %dma_wait3A_669 = arith.constant 0 : i32
    %dma_wait3A_670 = tpu.memref_slice %arg14[%dma_wait3A_668, %dma_wait3A_669] : memref<320x128xf32, #tpu.memory_space<vmem>> -> memref<64x128xf32, #tpu.memory_space<vmem>>
    %dma_wait3A_671 = arith.constant 0 : i32
    %dma_wait3A_672 = tpu.memref_slice %arg16[%dma_wait3A_666, %dma_wait3A_667, %dma_wait3A_671] : memref<2x5x64xi32, #tpu.memory_space<vmem>> -> memref<1x1x64xi32, #tpu.memory_space<vmem>>
    %dma_wait3A_673 = tpu.memref_squeeze %dma_wait3A_672 : memref<1x1x64xi32, #tpu.memory_space<vmem>> -> memref<64xi32, #tpu.memory_space<vmem>>
    %dma_wait3A_674 = arith.constant 0 : i32
    %dma_wait3A_675 = arith.constant 0 : i32
    %dma_wait3A_676 = tpu.memref_slice %arg18[%dma_wait3A_674, %dma_wait3A_675] : memref<1024x128xf32, #tpu.memory_space<vmem_shared>> -> memref<1024x128xf32, #tpu.memory_space<vmem_shared>>
    tpu.wait_indirect_dma semaphore(%arg23 : memref<!tpu.dma_semaphore, #tpu.memory_space<semaphore_mem>>) src(%dma_wait3A_670 : memref<64x128xf32, #tpu.memory_space<vmem>>) dst(%dma_wait3A_676 : memref<1024x128xf32, #tpu.memory_space<vmem_shared>>)
    %dma_wait3A_677 = arith.constant 0 : i32
    %dma_wait3A_678 = arith.constant 2 : i32
    %dma_wait3A_679 = arith.constant 128 : i32
    %dma_wait3A_680 = arith.constant 0 : i32
    %dma_wait3A_681 = tpu.memref_slice %arg14[%dma_wait3A_679, %dma_wait3A_680] : memref<320x128xf32, #tpu.memory_space<vmem>> -> memref<64x128xf32, #tpu.memory_space<vmem>>
    %dma_wait3A_682 = arith.constant 0 : i32
    %dma_wait3A_683 = tpu.memref_slice %arg16[%dma_wait3A_677, %dma_wait3A_678, %dma_wait3A_682] : memref<2x5x64xi32, #tpu.memory_space<vmem>> -> memref<1x1x64xi32, #tpu.memory_space<vmem>>
    %dma_wait3A_684 = tpu.memref_squeeze %dma_wait3A_683 : memref<1x1x64xi32, #tpu.memory_space<vmem>> -> memref<64xi32, #tpu.memory_space<vmem>>
    %dma_wait3A_685 = arith.constant 0 : i32
    %dma_wait3A_686 = arith.constant 0 : i32
    %dma_wait3A_687 = tpu.memref_slice %arg18[%dma_wait3A_685, %dma_wait3A_686] : memref<1024x128xf32, #tpu.memory_space<vmem_shared>> -> memref<1024x128xf32, #tpu.memory_space<vmem_shared>>
    tpu.wait_indirect_dma semaphore(%arg23 : memref<!tpu.dma_semaphore, #tpu.memory_space<semaphore_mem>>) src(%dma_wait3A_681 : memref<64x128xf32, #tpu.memory_space<vmem>>) dst(%dma_wait3A_687 : memref<1024x128xf32, #tpu.memory_space<vmem_shared>>)
    %dma_wait3A_688 = arith.constant 0 : i32
    %dma_wait3A_689 = arith.constant 3 : i32
    %dma_wait3A_690 = arith.constant 192 : i32
    %dma_wait3A_691 = arith.constant 0 : i32
    %dma_wait3A_692 = tpu.memref_slice %arg14[%dma_wait3A_690, %dma_wait3A_691] : memref<320x128xf32, #tpu.memory_space<vmem>> -> memref<64x128xf32, #tpu.memory_space<vmem>>
    %dma_wait3A_693 = arith.constant 0 : i32
    %dma_wait3A_694 = tpu.memref_slice %arg16[%dma_wait3A_688, %dma_wait3A_689, %dma_wait3A_693] : memref<2x5x64xi32, #tpu.memory_space<vmem>> -> memref<1x1x64xi32, #tpu.memory_space<vmem>>
    %dma_wait3A_695 = tpu.memref_squeeze %dma_wait3A_694 : memref<1x1x64xi32, #tpu.memory_space<vmem>> -> memref<64xi32, #tpu.memory_space<vmem>>
    %dma_wait3A_696 = arith.constant 0 : i32
    %dma_wait3A_697 = arith.constant 0 : i32
    %dma_wait3A_698 = tpu.memref_slice %arg18[%dma_wait3A_696, %dma_wait3A_697] : memref<1024x128xf32, #tpu.memory_space<vmem_shared>> -> memref<1024x128xf32, #tpu.memory_space<vmem_shared>>
    tpu.wait_indirect_dma semaphore(%arg23 : memref<!tpu.dma_semaphore, #tpu.memory_space<semaphore_mem>>) src(%dma_wait3A_692 : memref<64x128xf32, #tpu.memory_space<vmem>>) dst(%dma_wait3A_698 : memref<1024x128xf32, #tpu.memory_space<vmem_shared>>)
    %dma_wait3A_699 = arith.constant 0 : i32
    %dma_wait3A_700 = arith.constant 4 : i32
    %dma_wait3A_701 = arith.constant 256 : i32
    %dma_wait3A_702 = arith.constant 0 : i32
    %dma_wait3A_703 = tpu.memref_slice %arg14[%dma_wait3A_701, %dma_wait3A_702] : memref<320x128xf32, #tpu.memory_space<vmem>> -> memref<64x128xf32, #tpu.memory_space<vmem>>
    %dma_wait3A_704 = arith.constant 0 : i32
    %dma_wait3A_705 = tpu.memref_slice %arg16[%dma_wait3A_699, %dma_wait3A_700, %dma_wait3A_704] : memref<2x5x64xi32, #tpu.memory_space<vmem>> -> memref<1x1x64xi32, #tpu.memory_space<vmem>>
    %dma_wait3A_706 = tpu.memref_squeeze %dma_wait3A_705 : memref<1x1x64xi32, #tpu.memory_space<vmem>> -> memref<64xi32, #tpu.memory_space<vmem>>
    %dma_wait3A_707 = arith.constant 0 : i32
    %dma_wait3A_708 = arith.constant 0 : i32
    %dma_wait3A_709 = tpu.memref_slice %arg18[%dma_wait3A_707, %dma_wait3A_708] : memref<1024x128xf32, #tpu.memory_space<vmem_shared>> -> memref<1024x128xf32, #tpu.memory_space<vmem_shared>>
    tpu.wait_indirect_dma semaphore(%arg23 : memref<!tpu.dma_semaphore, #tpu.memory_space<semaphore_mem>>) src(%dma_wait3A_703 : memref<64x128xf32, #tpu.memory_space<vmem>>) dst(%dma_wait3A_709 : memref<1024x128xf32, #tpu.memory_space<vmem_shared>>)
    %mul3A_710 = arith.constant 2 : i32
    %mul3A_711 = arith.muli %arg1, %mul3A_710 : i32
    %add3A_712 = arith.constant 0 : i32
    %add3A_713 = arith.addi %mul3A_711, %add3A_712 : i32
    %mul3A_714 = arith.constant 32 : i32
    %mul3A_715 = arith.muli %add3A_713, %mul3A_714 : i32
    %add3A_716 = arith.constant 768 : i32
    %add3A_717 = arith.addi %mul3A_2, %add3A_716 : i32
    %dma_start3A_718 = arith.constant 0 : i32
    %dma_start3A_719 = tpu.memref_slice %arg9[%add3A_717, %dma_start3A_718] : memref<25600x128xf32, #tpu.memory_space<hbm>> -> memref<32x128xf32, #tpu.memory_space<hbm>>
    %dma_start3A_720 = arith.constant 0 : i32
    %dma_start3A_721 = tpu.memref_slice %arg18[%mul3A_715, %dma_start3A_720] : memref<1024x128xf32, #tpu.memory_space<vmem_shared>> -> memref<32x128xf32, #tpu.memory_space<vmem_shared>>
    tpu.enqueue_dma source(%dma_start3A_721 : memref<32x128xf32, #tpu.memory_space<vmem_shared>>) target(%dma_start3A_719 : memref<32x128xf32, #tpu.memory_space<hbm>>) target_semaphore(%arg27 : memref<!tpu.dma_semaphore, #tpu.memory_space<semaphore_mem>>)
    %add3A_722 = arith.constant 736 : i32
    %add3A_723 = arith.addi %mul3A_2, %add3A_722 : i32
    %dma_wait3A_724 = arith.constant 0 : i32
    %dma_wait3A_725 = tpu.memref_slice %arg8[%add3A_723, %dma_wait3A_724] : memref<25600x128xf32, #tpu.memory_space<hbm>> -> memref<32x128xf32, #tpu.memory_space<hbm>>
    %dma_wait3A_726 = arith.constant 0 : i32
    %dma_wait3A_727 = tpu.memref_slice %arg8[%add3A_723, %dma_wait3A_726] : memref<25600x128xf32, #tpu.memory_space<hbm>> -> memref<32x128xf32, #tpu.memory_space<hbm>>
    tpu.wait_dma2 semaphore(%arg26 : memref<!tpu.dma_semaphore, #tpu.memory_space<semaphore_mem>>) src(%arg13 : memref<32x128xf32, #tpu.memory_space<vmem>>) dst(%dma_wait3A_727 : memref<32x128xf32, #tpu.memory_space<hbm>>)
    %mul3A_728 = arith.constant 2 : i32
    %mul3A_729 = arith.muli %arg1, %mul3A_728 : i32
    %add3A_730 = arith.constant 1 : i32
    %add3A_731 = arith.addi %mul3A_729, %add3A_730 : i32
    %mul3A_732 = arith.constant 32 : i32
    %mul3A_733 = arith.muli %add3A_731, %mul3A_732 : i32
    %add3A_734 = arith.constant 736 : i32
    %add3A_735 = arith.addi %mul3A_2, %add3A_734 : i32
    %dma_wait3A_736 = arith.constant 0 : i32
    %dma_wait3A_737 = tpu.memref_slice %arg9[%add3A_735, %dma_wait3A_736] : memref<25600x128xf32, #tpu.memory_space<hbm>> -> memref<32x128xf32, #tpu.memory_space<hbm>>
    %dma_wait3A_738 = arith.constant 0 : i32
    %dma_wait3A_739 = tpu.memref_slice %arg18[%mul3A_733, %dma_wait3A_738] : memref<1024x128xf32, #tpu.memory_space<vmem_shared>> -> memref<32x128xf32, #tpu.memory_space<vmem_shared>>
    tpu.wait_dma2 semaphore(%arg28 : memref<!tpu.dma_semaphore, #tpu.memory_space<semaphore_mem>>) src(%dma_wait3A_739 : memref<32x128xf32, #tpu.memory_space<vmem_shared>>) dst(%dma_wait3A_737 : memref<32x128xf32, #tpu.memory_space<hbm>>)
    %add3A_740 = arith.constant 768 : i32
    %add3A_741 = arith.addi %mul3A_2, %add3A_740 : i32
    %dma_wait3A_742 = arith.constant 0 : i32
    %dma_wait3A_743 = tpu.memref_slice %arg8[%add3A_741, %dma_wait3A_742] : memref<25600x128xf32, #tpu.memory_space<hbm>> -> memref<32x128xf32, #tpu.memory_space<hbm>>
    %dma_wait3A_744 = arith.constant 0 : i32
    %dma_wait3A_745 = tpu.memref_slice %arg8[%add3A_741, %dma_wait3A_744] : memref<25600x128xf32, #tpu.memory_space<hbm>> -> memref<32x128xf32, #tpu.memory_space<hbm>>
    tpu.wait_dma2 semaphore(%arg25 : memref<!tpu.dma_semaphore, #tpu.memory_space<semaphore_mem>>) src(%arg12 : memref<32x128xf32, #tpu.memory_space<vmem>>) dst(%dma_wait3A_745 : memref<32x128xf32, #tpu.memory_space<hbm>>)
    %mul3A_746 = arith.constant 2 : i32
    %mul3A_747 = arith.muli %arg1, %mul3A_746 : i32
    %add3A_748 = arith.constant 0 : i32
    %add3A_749 = arith.addi %mul3A_747, %add3A_748 : i32
    %mul3A_750 = arith.constant 32 : i32
    %mul3A_751 = arith.muli %add3A_749, %mul3A_750 : i32
    %add3A_752 = arith.constant 768 : i32
    %add3A_753 = arith.addi %mul3A_2, %add3A_752 : i32
    %dma_wait3A_754 = arith.constant 0 : i32
    %dma_wait3A_755 = tpu.memref_slice %arg9[%add3A_753, %dma_wait3A_754] : memref<25600x128xf32, #tpu.memory_space<hbm>> -> memref<32x128xf32, #tpu.memory_space<hbm>>
    %dma_wait3A_756 = arith.constant 0 : i32
    %dma_wait3A_757 = tpu.memref_slice %arg18[%mul3A_751, %dma_wait3A_756] : memref<1024x128xf32, #tpu.memory_space<vmem_shared>> -> memref<32x128xf32, #tpu.memory_space<vmem_shared>>
    tpu.wait_dma2 semaphore(%arg27 : memref<!tpu.dma_semaphore, #tpu.memory_space<semaphore_mem>>) src(%dma_wait3A_757 : memref<32x128xf32, #tpu.memory_space<vmem_shared>>) dst(%dma_wait3A_755 : memref<32x128xf32, #tpu.memory_space<hbm>>)
    return
  }
}

module attributes {stable_mosaic.version = 14 : i64} {
  func.func @_tc_body(%arg0: i32, %arg1: memref<8x50xf32, #tpu.memory_space<vmem>>, %arg2: memref<8x50x10xf32, #tpu.memory_space<vmem>>, %arg3: memref<8x50xi32, #tpu.memory_space<vmem>>, %arg4: memref<400x128xf32, #tpu.memory_space<vmem>>, %arg5: memref<400x128xf32, #tpu.memory_space<vmem>>, %arg6: memref<384x128xbf16, #tpu.memory_space<vmem>>, %arg7: memref<128x128xbf16, #tpu.memory_space<vmem>>, %arg8: memref<128x128xbf16, #tpu.memory_space<vmem>>, %arg9: memref<128x128xbf16, #tpu.memory_space<vmem>>, %arg10: memref<128x128xbf16, #tpu.memory_space<vmem>>, %arg11: memref<1x128xf32, #tpu.memory_space<vmem>>, %arg12: memref<400x128xf32, #tpu.memory_space<vmem>>, %arg13: memref<400x8xbf16, #tpu.memory_space<vmem>>, %arg14: memref<400x200xbf16, #tpu.memory_space<vmem>>, %arg15: memref<200x512xbf16, #tpu.memory_space<vmem>>, %arg16: memref<400x512xf32, #tpu.memory_space<vmem>>, %arg17: memref<8x50x128xf32, #tpu.memory_space<vmem>>) attributes {dimension_semantics = [#tpu.dimension_semantics<arbitrary>], iteration_bounds = array<i64: 64>, scalar_prefetch = 0 : i64, scratch_operands = 0 : i64, tpu.core_type = #tpu.core_type<tc>, window_params = [{transform_indices = @transform_0, window_bounds = array<i64: 8, 50>}, {transform_indices = @transform_1, window_bounds = array<i64: 8, 50, 10>}, {transform_indices = @transform_2, window_bounds = array<i64: 8, 50>}, {transform_indices = @transform_3, window_bounds = array<i64: 400, 128>}, {transform_indices = @transform_4, window_bounds = array<i64: 400, 128>}, {pipeline_mode = #tpu.pipeline_mode<synchronous>, transform_indices = @transform_5, window_bounds = array<i64: 384, 128>}, {pipeline_mode = #tpu.pipeline_mode<synchronous>, transform_indices = @transform_6, window_bounds = array<i64: 128, 128>}, {pipeline_mode = #tpu.pipeline_mode<synchronous>, transform_indices = @transform_7, window_bounds = array<i64: 128, 128>}, {pipeline_mode = #tpu.pipeline_mode<synchronous>, transform_indices = @transform_8, window_bounds = array<i64: 128, 128>}, {pipeline_mode = #tpu.pipeline_mode<synchronous>, transform_indices = @transform_9, window_bounds = array<i64: 128, 128>}, {pipeline_mode = #tpu.pipeline_mode<synchronous>, transform_indices = @transform_10, window_bounds = array<i64: 1, 128>}, {pipeline_mode = #tpu.pipeline_mode<synchronous>, transform_indices = @transform_11, window_bounds = array<i64: 400, 128>}, {pipeline_mode = #tpu.pipeline_mode<synchronous>, transform_indices = @transform_12, window_bounds = array<i64: 400, 8>}, {pipeline_mode = #tpu.pipeline_mode<synchronous>, transform_indices = @transform_13, window_bounds = array<i64: 400, 200>}, {pipeline_mode = #tpu.pipeline_mode<synchronous>, transform_indices = @transform_14, window_bounds = array<i64: 200, 512>}, {pipeline_mode = #tpu.pipeline_mode<synchronous>, transform_indices = @transform_15, window_bounds = array<i64: 400, 512>}, {transform_indices = @transform_16, window_bounds = array<i64: 8, 50, 128>}]} {
    %get3A = arith.constant 0 : index
    %get3A_0 = arith.constant 0 : index
    %get3A_1 = vector.load %arg1[%get3A, %get3A_0] : memref<8x50xf32, #tpu.memory_space<vmem>>, vector<8x50xf32>
    %broadcast_in_dim3A = arith.constant 0.000000e+00 : f32
    %broadcast_in_dim3A_2 = vector.broadcast %broadcast_in_dim3A : f32 to vector<8x1xf32>
    %slice3A = vector.extract_strided_slice %get3A_1 {offsets = [0, 1], sizes = [8, 49], strides = [1, 1]} : vector<8x50xf32> to vector<8x49xf32>
    %slice3A_3 = vector.extract_strided_slice %get3A_1 {offsets = [0, 0], sizes = [8, 49], strides = [1, 1]} : vector<8x50xf32> to vector<8x49xf32>
    %sub3A = arith.subf %slice3A, %slice3A_3 : vector<8x49xf32>
    %concatenate3A = tpu.concatenate %broadcast_in_dim3A_2, %sub3A in 1 : vector<8x1xf32>, vector<8x49xf32> -> vector<8x50xf32>
    %slice3A_4 = vector.extract_strided_slice %get3A_1 {offsets = [0, 0], sizes = [8, 1], strides = [1, 1]} : vector<8x50xf32> to vector<8x1xf32>
    %sub3A_5 = vector.broadcast %slice3A_4 : vector<8x1xf32> to vector<8x50xf32>
    %sub3A_6 = arith.subf %get3A_1, %sub3A_5 : vector<8x50xf32>
    %max3A = arith.constant 1.000000e+00 : f32
    %max3A_7 = vector.broadcast %max3A : f32 to vector<8x50xf32>
    %max3A_8 = arith.maximumf %get3A_1, %max3A_7 : vector<8x50xf32>
    %log3A = math.log %max3A_8 : vector<8x50xf32>
    %div3A = arith.constant 13.8155107 : f32
    %div3A_9 = vector.broadcast %div3A : f32 to vector<8x50xf32>
    %div3A_10 = arith.divf %log3A, %div3A_9 : vector<8x50xf32>
    %mul3A = arith.constant 9.900000e+01 : f32
    %mul3A_11 = vector.broadcast %mul3A : f32 to vector<8x50xf32>
    %mul3A_12 = arith.mulf %div3A_10, %mul3A_11 : vector<8x50xf32>
    %convert_element_type3A = arith.fptosi %mul3A_12 : vector<8x50xf32> to vector<8x50xi32>
    %jit3A = arith.constant 0 : i32
    %jit3A_13 = arith.constant 99 : i32
    %max3A_14 = vector.broadcast %jit3A : i32 to vector<8x50xi32>
    %max3A_15 = arith.maxsi %max3A_14, %convert_element_type3A : vector<8x50xi32>
    %min3A = vector.broadcast %jit3A_13 : i32 to vector<8x50xi32>
    %min3A_16 = arith.minsi %min3A, %max3A_15 : vector<8x50xi32>
    %max3A_17 = arith.constant 1.000000e+00 : f32
    %max3A_18 = vector.broadcast %max3A_17 : f32 to vector<8x50xf32>
    %max3A_19 = arith.maximumf %concatenate3A, %max3A_18 : vector<8x50xf32>
    %log3A_20 = math.log %max3A_19 : vector<8x50xf32>
    %div3A_21 = arith.constant 13.8155107 : f32
    %div3A_22 = vector.broadcast %div3A_21 : f32 to vector<8x50xf32>
    %div3A_23 = arith.divf %log3A_20, %div3A_22 : vector<8x50xf32>
    %mul3A_24 = arith.constant 9.900000e+01 : f32
    %mul3A_25 = vector.broadcast %mul3A_24 : f32 to vector<8x50xf32>
    %mul3A_26 = arith.mulf %div3A_23, %mul3A_25 : vector<8x50xf32>
    %convert_element_type3A_27 = arith.fptosi %mul3A_26 : vector<8x50xf32> to vector<8x50xi32>
    %jit3A_28 = arith.constant 0 : i32
    %jit3A_29 = arith.constant 99 : i32
    %max3A_30 = vector.broadcast %jit3A_28 : i32 to vector<8x50xi32>
    %max3A_31 = arith.maxsi %max3A_30, %convert_element_type3A_27 : vector<8x50xi32>
    %min3A_32 = vector.broadcast %jit3A_29 : i32 to vector<8x50xi32>
    %min3A_33 = arith.minsi %min3A_32, %max3A_31 : vector<8x50xi32>
    %max3A_34 = arith.constant 1.000000e+00 : f32
    %max3A_35 = vector.broadcast %max3A_34 : f32 to vector<8x50xf32>
    %max3A_36 = arith.maximumf %sub3A_6, %max3A_35 : vector<8x50xf32>
    %log3A_37 = math.log %max3A_36 : vector<8x50xf32>
    %div3A_38 = arith.constant 13.8155107 : f32
    %div3A_39 = vector.broadcast %div3A_38 : f32 to vector<8x50xf32>
    %div3A_40 = arith.divf %log3A_37, %div3A_39 : vector<8x50xf32>
    %mul3A_41 = arith.constant 9.900000e+01 : f32
    %mul3A_42 = vector.broadcast %mul3A_41 : f32 to vector<8x50xf32>
    %mul3A_43 = arith.mulf %div3A_40, %mul3A_42 : vector<8x50xf32>
    %convert_element_type3A_44 = arith.fptosi %mul3A_43 : vector<8x50xf32> to vector<8x50xi32>
    %jit3A_45 = arith.constant 0 : i32
    %jit3A_46 = arith.constant 99 : i32
    %max3A_47 = vector.broadcast %jit3A_45 : i32 to vector<8x50xi32>
    %max3A_48 = arith.maxsi %max3A_47, %convert_element_type3A_44 : vector<8x50xi32>
    %min3A_49 = vector.broadcast %jit3A_46 : i32 to vector<8x50xi32>
    %min3A_50 = arith.minsi %min3A_49, %max3A_48 : vector<8x50xi32>
    %get3A_51 = arith.constant 0 : index
    %get3A_52 = arith.constant 0 : index
    %get3A_53 = vector.load %arg3[%get3A_51, %get3A_52] : memref<8x50xi32, #tpu.memory_space<vmem>>, vector<8x50xi32>
    %concatenate3A_54 = tpu.concatenate %min3A_16, %min3A_33, %min3A_50, %get3A_53 in 1 : vector<8x50xi32>, vector<8x50xi32>, vector<8x50xi32>, vector<8x50xi32> -> vector<8x200xi32>
    %convert_element_type3A_55 = arith.sitofp %concatenate3A_54 : vector<8x200xi32> to vector<8x200xbf16>
    %get3A_56 = arith.constant 0 : index
    %get3A_57 = arith.constant 0 : index
    %get3A_58 = vector.load %arg13[%get3A_56, %get3A_57] : memref<400x8xbf16, #tpu.memory_space<vmem>>, vector<400x8xbf16>
    %dot_general3A = arith.constant dense<0.000000e+00> : vector<400x200xf32>
    %dot_general3A_59 = tpu.matmul %get3A_58, %convert_element_type3A_55, %dot_general3A {dimension_numbers = #tpu.dot_dimension_numbers<[1], [0], [0], [1], [0, 0, 1, 1], [], []>, transpose_lhs_hint = false} : vector<400x8xbf16>, vector<8x200xbf16>, vector<400x200xf32> -> vector<400x200xf32>
    %convert_element_type3A_60 = arith.truncf %dot_general3A_59 : vector<400x200xf32> to vector<400x200xbf16>
    %get3A_61 = arith.constant 0 : index
    %get3A_62 = arith.constant 0 : index
    %get3A_63 = vector.load %arg14[%get3A_61, %get3A_62] : memref<400x200xbf16, #tpu.memory_space<vmem>>, vector<400x200xbf16>
    %mul3A_64 = arith.mulf %convert_element_type3A_60, %get3A_63 : vector<400x200xbf16>
    %get3A_65 = arith.constant 0 : index
    %get3A_66 = arith.constant 0 : index
    %get3A_67 = vector.load %arg15[%get3A_65, %get3A_66] : memref<200x512xbf16, #tpu.memory_space<vmem>>, vector<200x512xbf16>
    %dot_general3A_68 = arith.constant dense<0.000000e+00> : vector<400x512xf32>
    %dot_general3A_69 = tpu.matmul %mul3A_64, %get3A_67, %dot_general3A_68 {dimension_numbers = #tpu.dot_dimension_numbers<[1], [0], [0], [1], [0, 0, 1, 1], [], []>, transpose_lhs_hint = false} : vector<400x200xbf16>, vector<200x512xbf16>, vector<400x512xf32> -> vector<400x512xf32>
    %get3A_70 = arith.constant 0 : index
    %get3A_71 = arith.constant 0 : index
    %get3A_72 = vector.load %arg16[%get3A_70, %get3A_71] : memref<400x512xf32, #tpu.memory_space<vmem>>, vector<400x512xf32>
    %eq3A = arith.cmpf oeq, %dot_general3A_69, %get3A_72 : vector<400x512xf32>
    %convert_element_type3A_73 = arith.extui %eq3A : vector<400x512xi1> to vector<400x512xi32>
    %convert_element_type3A_74 = arith.sitofp %convert_element_type3A_73 : vector<400x512xi32> to vector<400x512xf32>
    %convert_element_type3A_75 = arith.truncf %convert_element_type3A_74 : vector<400x512xf32> to vector<400x512xbf16>
    %slice3A_76 = vector.extract_strided_slice %convert_element_type3A_75 {offsets = [0, 0], sizes = [400, 384], strides = [1, 1]} : vector<400x512xbf16> to vector<400x384xbf16>
    %slice3A_77 = vector.extract_strided_slice %convert_element_type3A_75 {offsets = [0, 384], sizes = [400, 128], strides = [1, 1]} : vector<400x512xbf16> to vector<400x128xbf16>
    %get3A_78 = arith.constant 0 : index
    %get3A_79 = arith.constant 0 : index
    %get3A_80 = vector.load %arg6[%get3A_78, %get3A_79] : memref<384x128xbf16, #tpu.memory_space<vmem>>, vector<384x128xbf16>
    %dot_general3A_81 = arith.constant dense<0.000000e+00> : vector<400x128xf32>
    %dot_general3A_82 = tpu.matmul %slice3A_76, %get3A_80, %dot_general3A_81 {dimension_numbers = #tpu.dot_dimension_numbers<[1], [0], [0], [1], [0, 0, 1, 1], [], []>, transpose_lhs_hint = false} : vector<400x384xbf16>, vector<384x128xbf16>, vector<400x128xf32> -> vector<400x128xf32>
    %get3A_83 = arith.constant 0 : index
    %get3A_84 = arith.constant 0 : index
    %get3A_85 = arith.constant 0 : index
    %get3A_86 = vector.load %arg2[%get3A_83, %get3A_84, %get3A_85] : memref<8x50x10xf32, #tpu.memory_space<vmem>>, vector<8x50x10xf32>
    %broadcast_in_dim3A_87 = arith.constant 0.000000e+00 : f32
    %broadcast_in_dim3A_88 = vector.broadcast %broadcast_in_dim3A_87 : f32 to vector<8x50x118xf32>
    %concatenate3A_89 = tpu.concatenate %get3A_86, %broadcast_in_dim3A_88 in 2 : vector<8x50x10xf32>, vector<8x50x118xf32> -> vector<8x50x128xf32>
    %convert_element_type3A_90 = arith.truncf %concatenate3A_89 : vector<8x50x128xf32> to vector<8x50x128xbf16>
    %reshape3A = vector.shape_cast %convert_element_type3A_90 : vector<8x50x128xbf16> to vector<400x128xbf16>
    %get3A_91 = arith.constant 0 : index
    %get3A_92 = arith.constant 0 : index
    %get3A_93 = vector.load %arg8[%get3A_91, %get3A_92] : memref<128x128xbf16, #tpu.memory_space<vmem>>, vector<128x128xbf16>
    %dot_general3A_94 = arith.constant dense<0.000000e+00> : vector<400x128xf32>
    %dot_general3A_95 = tpu.matmul %reshape3A, %get3A_93, %dot_general3A_94 {dimension_numbers = #tpu.dot_dimension_numbers<[1], [0], [0], [1], [0, 0, 1, 1], [], []>, transpose_lhs_hint = false} : vector<400x128xbf16>, vector<128x128xbf16>, vector<400x128xf32> -> vector<400x128xf32>
    %get3A_96 = arith.constant 0 : index
    %get3A_97 = arith.constant 0 : index
    %get3A_98 = vector.load %arg5[%get3A_96, %get3A_97] : memref<400x128xf32, #tpu.memory_space<vmem>>, vector<400x128xf32>
    %mul3A_99 = arith.constant 1.000000e-01 : f32
    %mul3A_100 = vector.broadcast %mul3A_99 : f32 to vector<400x128xf32>
    %mul3A_101 = arith.mulf %get3A_98, %mul3A_100 : vector<400x128xf32>
    %convert_element_type3A_102 = arith.truncf %mul3A_101 : vector<400x128xf32> to vector<400x128xbf16>
    %get3A_103 = arith.constant 0 : index
    %get3A_104 = arith.constant 0 : index
    %get3A_105 = vector.load %arg9[%get3A_103, %get3A_104] : memref<128x128xbf16, #tpu.memory_space<vmem>>, vector<128x128xbf16>
    %dot_general3A_106 = arith.constant dense<0.000000e+00> : vector<400x128xf32>
    %dot_general3A_107 = tpu.matmul %convert_element_type3A_102, %get3A_105, %dot_general3A_106 {dimension_numbers = #tpu.dot_dimension_numbers<[1], [0], [0], [1], [0, 0, 1, 1], [], []>, transpose_lhs_hint = false} : vector<400x128xbf16>, vector<128x128xbf16>, vector<400x128xf32> -> vector<400x128xf32>
    %add3A = arith.addf %dot_general3A_95, %dot_general3A_107 : vector<400x128xf32>
    %get3A_108 = arith.constant 0 : index
    %get3A_109 = arith.constant 0 : index
    %get3A_110 = vector.load %arg7[%get3A_108, %get3A_109] : memref<128x128xbf16, #tpu.memory_space<vmem>>, vector<128x128xbf16>
    %dot_general3A_111 = arith.constant dense<0.000000e+00> : vector<400x128xf32>
    %dot_general3A_112 = tpu.matmul %slice3A_77, %get3A_110, %dot_general3A_111 {dimension_numbers = #tpu.dot_dimension_numbers<[1], [0], [0], [1], [0, 0, 1, 1], [], []>, transpose_lhs_hint = false} : vector<400x128xbf16>, vector<128x128xbf16>, vector<400x128xf32> -> vector<400x128xf32>
    %add3A_113 = arith.addf %add3A, %dot_general3A_112 : vector<400x128xf32>
    %get3A_114 = arith.constant 0 : index
    %get3A_115 = arith.constant 0 : index
    %get3A_116 = vector.load %arg11[%get3A_114, %get3A_115] : memref<1x128xf32, #tpu.memory_space<vmem>>, vector<1x128xf32>
    %add3A_117 = vector.broadcast %get3A_116 : vector<1x128xf32> to vector<400x128xf32>
    %add3A_118 = arith.addf %add3A_113, %add3A_117 : vector<400x128xf32>
    %max3A_119 = arith.constant 0.000000e+00 : f32
    %max3A_120 = vector.broadcast %max3A_119 : f32 to vector<400x128xf32>
    %max3A_121 = arith.maximumf %add3A_118, %max3A_120 : vector<400x128xf32>
    %convert_element_type3A_122 = arith.truncf %max3A_121 : vector<400x128xf32> to vector<400x128xbf16>
    %get3A_123 = arith.constant 0 : index
    %get3A_124 = arith.constant 0 : index
    %get3A_125 = vector.load %arg10[%get3A_123, %get3A_124] : memref<128x128xbf16, #tpu.memory_space<vmem>>, vector<128x128xbf16>
    %dot_general3A_126 = arith.constant dense<0.000000e+00> : vector<400x128xf32>
    %dot_general3A_127 = tpu.matmul %convert_element_type3A_122, %get3A_125, %dot_general3A_126 {dimension_numbers = #tpu.dot_dimension_numbers<[1], [0], [0], [1], [0, 0, 1, 1], [], []>, transpose_lhs_hint = false} : vector<400x128xbf16>, vector<128x128xbf16>, vector<400x128xf32> -> vector<400x128xf32>
    %get3A_128 = arith.constant 0 : index
    %get3A_129 = arith.constant 0 : index
    %get3A_130 = vector.load %arg4[%get3A_128, %get3A_129] : memref<400x128xf32, #tpu.memory_space<vmem>>, vector<400x128xf32>
    %add3A_131 = arith.addf %get3A_130, %dot_general3A_82 : vector<400x128xf32>
    %add3A_132 = arith.addf %add3A_131, %dot_general3A_127 : vector<400x128xf32>
    %get3A_133 = arith.constant 0 : index
    %get3A_134 = arith.constant 0 : index
    %get3A_135 = vector.load %arg12[%get3A_133, %get3A_134] : memref<400x128xf32, #tpu.memory_space<vmem>>, vector<400x128xf32>
    %add3A_136 = arith.addf %add3A_132, %get3A_135 : vector<400x128xf32>
    %reshape3A_137 = vector.shape_cast %add3A_136 : vector<400x128xf32> to vector<8x50x128xf32>
    %swap3A = arith.constant 0 : index
    %swap3A_138 = arith.constant 0 : index
    %swap3A_139 = arith.constant 0 : index
    %swap3A_140 = vector.load %arg17[%swap3A, %swap3A_138, %swap3A_139] : memref<8x50x128xf32, #tpu.memory_space<vmem>>, vector<8x50x128xf32>
    tpu.vector_store %arg17[%swap3A, %swap3A_138, %swap3A_139], %reshape3A_137 {strides = array<i32>} : memref<8x50x128xf32, #tpu.memory_space<vmem>>, vector<8x50x128xf32>,
    return
  }
  func.func @transform_0(%arg0: i32) -> (i32, i32) {
    %c0_i32 = arith.constant 0 : i32
    %c0_i32_0 = arith.constant 0 : i32
    return %arg0, %c0_i32 : i32, i32
  }
  func.func @transform_1(%arg0: i32) -> (i32, i32, i32) {
    %c0_i32 = arith.constant 0 : i32
    %c0_i32_0 = arith.constant 0 : i32
    %c0_i32_1 = arith.constant 0 : i32
    return %arg0, %c0_i32, %c0_i32_0 : i32, i32, i32
  }
  func.func @transform_2(%arg0: i32) -> (i32, i32) {
    %c0_i32 = arith.constant 0 : i32
    %c0_i32_0 = arith.constant 0 : i32
    return %arg0, %c0_i32 : i32, i32
  }
  func.func @transform_3(%arg0: i32) -> (i32, i32) {
    %c0_i32 = arith.constant 0 : i32
    %c0_i32_0 = arith.constant 0 : i32
    return %arg0, %c0_i32 : i32, i32
  }
  func.func @transform_4(%arg0: i32) -> (i32, i32) {
    %c0_i32 = arith.constant 0 : i32
    %c0_i32_0 = arith.constant 0 : i32
    return %arg0, %c0_i32 : i32, i32
  }
  func.func @transform_5(%arg0: i32) -> (i32, i32) {
    %c0_i32 = arith.constant 0 : i32
    %c0_i32_0 = arith.constant 0 : i32
    %c0_i32_1 = arith.constant 0 : i32
    return %c0_i32, %c0_i32_0 : i32, i32
  }
  func.func @transform_6(%arg0: i32) -> (i32, i32) {
    %c0_i32 = arith.constant 0 : i32
    %c0_i32_0 = arith.constant 0 : i32
    %c0_i32_1 = arith.constant 0 : i32
    return %c0_i32, %c0_i32_0 : i32, i32
  }
  func.func @transform_7(%arg0: i32) -> (i32, i32) {
    %c0_i32 = arith.constant 0 : i32
    %c0_i32_0 = arith.constant 0 : i32
    %c0_i32_1 = arith.constant 0 : i32
    return %c0_i32, %c0_i32_0 : i32, i32
  }
  func.func @transform_8(%arg0: i32) -> (i32, i32) {
    %c0_i32 = arith.constant 0 : i32
    %c0_i32_0 = arith.constant 0 : i32
    %c0_i32_1 = arith.constant 0 : i32
    return %c0_i32, %c0_i32_0 : i32, i32
  }
  func.func @transform_9(%arg0: i32) -> (i32, i32) {
    %c0_i32 = arith.constant 0 : i32
    %c0_i32_0 = arith.constant 0 : i32
    %c0_i32_1 = arith.constant 0 : i32
    return %c0_i32, %c0_i32_0 : i32, i32
  }
  func.func @transform_10(%arg0: i32) -> (i32, i32) {
    %c0_i32 = arith.constant 0 : i32
    %c0_i32_0 = arith.constant 0 : i32
    %c0_i32_1 = arith.constant 0 : i32
    return %c0_i32, %c0_i32_0 : i32, i32
  }
  func.func @transform_11(%arg0: i32) -> (i32, i32) {
    %c0_i32 = arith.constant 0 : i32
    %c0_i32_0 = arith.constant 0 : i32
    %c0_i32_1 = arith.constant 0 : i32
    return %c0_i32, %c0_i32_0 : i32, i32
  }
  func.func @transform_12(%arg0: i32) -> (i32, i32) {
    %c0_i32 = arith.constant 0 : i32
    %c0_i32_0 = arith.constant 0 : i32
    %c0_i32_1 = arith.constant 0 : i32
    return %c0_i32, %c0_i32_0 : i32, i32
  }
  func.func @transform_13(%arg0: i32) -> (i32, i32) {
    %c0_i32 = arith.constant 0 : i32
    %c0_i32_0 = arith.constant 0 : i32
    %c0_i32_1 = arith.constant 0 : i32
    return %c0_i32, %c0_i32_0 : i32, i32
  }
  func.func @transform_14(%arg0: i32) -> (i32, i32) {
    %c0_i32 = arith.constant 0 : i32
    %c0_i32_0 = arith.constant 0 : i32
    %c0_i32_1 = arith.constant 0 : i32
    return %c0_i32, %c0_i32_0 : i32, i32
  }
  func.func @transform_15(%arg0: i32) -> (i32, i32) {
    %c0_i32 = arith.constant 0 : i32
    %c0_i32_0 = arith.constant 0 : i32
    %c0_i32_1 = arith.constant 0 : i32
    return %c0_i32, %c0_i32_0 : i32, i32
  }
  func.func @transform_16(%arg0: i32) -> (i32, i32, i32) {
    %add3A = arith.constant 0 : i32
    %add3A_0 = arith.addi %arg0, %add3A : i32
    %c0_i32 = arith.constant 0 : i32
    %c0_i32_1 = arith.constant 0 : i32
    %c0_i32_2 = arith.constant 0 : i32
    return %add3A_0, %c0_i32, %c0_i32_1 : i32, i32, i32
  }
}

module attributes {stable_mosaic.version = 14 : i64} {
  func.func @_lambda_(%arg0: i32, %arg1: memref<8x50xf32, #tpu.memory_space<vmem>>, %arg2: memref<8x50x10xf32, #tpu.memory_space<vmem>>, %arg3: memref<8x50xi32, #tpu.memory_space<vmem>>, %arg4: memref<400x128xf32, #tpu.memory_space<vmem>>, %arg5: memref<400x128xf32, #tpu.memory_space<vmem>>, %arg6: memref<384x128xbf16, #tpu.memory_space<vmem>>, %arg7: memref<128x128xbf16, #tpu.memory_space<vmem>>, %arg8: memref<128x128xbf16, #tpu.memory_space<vmem>>, %arg9: memref<128x128xbf16, #tpu.memory_space<vmem>>, %arg10: memref<128x128xbf16, #tpu.memory_space<vmem>>, %arg11: memref<1x128xf32, #tpu.memory_space<vmem>>, %arg12: memref<400x128xf32, #tpu.memory_space<vmem>>, %arg13: memref<400x8xbf16, #tpu.memory_space<vmem>>, %arg14: memref<400x200xbf16, #tpu.memory_space<vmem>>, %arg15: memref<200x512xbf16, #tpu.memory_space<vmem>>, %arg16: memref<400x512xf32, #tpu.memory_space<vmem>>, %arg17: memref<1024x50x128xf32, #tpu.memory_space<any>>, %arg18: memref<8x50x128xf32, #tpu.memory_space<vmem>>) attributes {dimension_semantics = [#tpu.dimension_semantics<arbitrary>], iteration_bounds = array<i64: 64>, scalar_prefetch = 0 : i64, scratch_operands = 0 : i64, tpu.core_type = #tpu.core_type<tc>, window_params = [{transform_indices = @transform_0, window_bounds = array<i64: 8, 50>}, {transform_indices = @transform_1, window_bounds = array<i64: 8, 50, 10>}, {transform_indices = @transform_2, window_bounds = array<i64: 8, 50>}, {transform_indices = @transform_3, window_bounds = array<i64: 400, 128>}, {transform_indices = @transform_4, window_bounds = array<i64: 400, 128>}, {pipeline_mode = #tpu.pipeline_mode<synchronous>, transform_indices = @transform_5, window_bounds = array<i64: 384, 128>}, {pipeline_mode = #tpu.pipeline_mode<synchronous>, transform_indices = @transform_6, window_bounds = array<i64: 128, 128>}, {pipeline_mode = #tpu.pipeline_mode<synchronous>, transform_indices = @transform_7, window_bounds = array<i64: 128, 128>}, {pipeline_mode = #tpu.pipeline_mode<synchronous>, transform_indices = @transform_8, window_bounds = array<i64: 128, 128>}, {pipeline_mode = #tpu.pipeline_mode<synchronous>, transform_indices = @transform_9, window_bounds = array<i64: 128, 128>}, {pipeline_mode = #tpu.pipeline_mode<synchronous>, transform_indices = @transform_10, window_bounds = array<i64: 1, 128>}, {pipeline_mode = #tpu.pipeline_mode<synchronous>, transform_indices = @transform_11, window_bounds = array<i64: 400, 128>}, {pipeline_mode = #tpu.pipeline_mode<synchronous>, transform_indices = @transform_12, window_bounds = array<i64: 400, 8>}, {pipeline_mode = #tpu.pipeline_mode<synchronous>, transform_indices = @transform_13, window_bounds = array<i64: 400, 200>}, {pipeline_mode = #tpu.pipeline_mode<synchronous>, transform_indices = @transform_14, window_bounds = array<i64: 200, 512>}, {pipeline_mode = #tpu.pipeline_mode<synchronous>, transform_indices = @transform_15, window_bounds = array<i64: 400, 512>}, {}, {transform_indices = @transform_17, window_bounds = array<i64: 8, 50, 128>}]} {
    %get3A = arith.constant 0 : index
    %get3A_0 = arith.constant 0 : index
    %get3A_1 = vector.load %arg1[%get3A, %get3A_0] : memref<8x50xf32, #tpu.memory_space<vmem>>, vector<8x50xf32>
    %broadcast_in_dim3A = arith.constant 0.000000e+00 : f32
    %broadcast_in_dim3A_2 = vector.broadcast %broadcast_in_dim3A : f32 to vector<8x1xf32>
    %slice3A = vector.extract_strided_slice %get3A_1 {offsets = [0, 1], sizes = [8, 49], strides = [1, 1]} : vector<8x50xf32> to vector<8x49xf32>
    %slice3A_3 = vector.extract_strided_slice %get3A_1 {offsets = [0, 0], sizes = [8, 49], strides = [1, 1]} : vector<8x50xf32> to vector<8x49xf32>
    %sub3A = arith.subf %slice3A, %slice3A_3 : vector<8x49xf32>
    %concatenate3A = tpu.concatenate %broadcast_in_dim3A_2, %sub3A in 1 : vector<8x1xf32>, vector<8x49xf32> -> vector<8x50xf32>
    %slice3A_4 = vector.extract_strided_slice %get3A_1 {offsets = [0, 0], sizes = [8, 1], strides = [1, 1]} : vector<8x50xf32> to vector<8x1xf32>
    %sub3A_5 = vector.broadcast %slice3A_4 : vector<8x1xf32> to vector<8x50xf32>
    %sub3A_6 = arith.subf %get3A_1, %sub3A_5 : vector<8x50xf32>
    %max3A = arith.constant 1.000000e+00 : f32
    %max3A_7 = vector.broadcast %max3A : f32 to vector<8x50xf32>
    %max3A_8 = arith.maximumf %get3A_1, %max3A_7 : vector<8x50xf32>
    %log3A = math.log %max3A_8 : vector<8x50xf32>
    %div3A = arith.constant 13.8155107 : f32
    %div3A_9 = vector.broadcast %div3A : f32 to vector<8x50xf32>
    %div3A_10 = arith.divf %log3A, %div3A_9 : vector<8x50xf32>
    %mul3A = arith.constant 9.900000e+01 : f32
    %mul3A_11 = vector.broadcast %mul3A : f32 to vector<8x50xf32>
    %mul3A_12 = arith.mulf %div3A_10, %mul3A_11 : vector<8x50xf32>
    %convert_element_type3A = arith.fptosi %mul3A_12 : vector<8x50xf32> to vector<8x50xi32>
    %jit3A = arith.constant 0 : i32
    %jit3A_13 = arith.constant 99 : i32
    %max3A_14 = vector.broadcast %jit3A : i32 to vector<8x50xi32>
    %max3A_15 = arith.maxsi %max3A_14, %convert_element_type3A : vector<8x50xi32>
    %min3A = vector.broadcast %jit3A_13 : i32 to vector<8x50xi32>
    %min3A_16 = arith.minsi %min3A, %max3A_15 : vector<8x50xi32>
    %max3A_17 = arith.constant 1.000000e+00 : f32
    %max3A_18 = vector.broadcast %max3A_17 : f32 to vector<8x50xf32>
    %max3A_19 = arith.maximumf %concatenate3A, %max3A_18 : vector<8x50xf32>
    %log3A_20 = math.log %max3A_19 : vector<8x50xf32>
    %div3A_21 = arith.constant 13.8155107 : f32
    %div3A_22 = vector.broadcast %div3A_21 : f32 to vector<8x50xf32>
    %div3A_23 = arith.divf %log3A_20, %div3A_22 : vector<8x50xf32>
    %mul3A_24 = arith.constant 9.900000e+01 : f32
    %mul3A_25 = vector.broadcast %mul3A_24 : f32 to vector<8x50xf32>
    %mul3A_26 = arith.mulf %div3A_23, %mul3A_25 : vector<8x50xf32>
    %convert_element_type3A_27 = arith.fptosi %mul3A_26 : vector<8x50xf32> to vector<8x50xi32>
    %jit3A_28 = arith.constant 0 : i32
    %jit3A_29 = arith.constant 99 : i32
    %max3A_30 = vector.broadcast %jit3A_28 : i32 to vector<8x50xi32>
    %max3A_31 = arith.maxsi %max3A_30, %convert_element_type3A_27 : vector<8x50xi32>
    %min3A_32 = vector.broadcast %jit3A_29 : i32 to vector<8x50xi32>
    %min3A_33 = arith.minsi %min3A_32, %max3A_31 : vector<8x50xi32>
    %max3A_34 = arith.constant 1.000000e+00 : f32
    %max3A_35 = vector.broadcast %max3A_34 : f32 to vector<8x50xf32>
    %max3A_36 = arith.maximumf %sub3A_6, %max3A_35 : vector<8x50xf32>
    %log3A_37 = math.log %max3A_36 : vector<8x50xf32>
    %div3A_38 = arith.constant 13.8155107 : f32
    %div3A_39 = vector.broadcast %div3A_38 : f32 to vector<8x50xf32>
    %div3A_40 = arith.divf %log3A_37, %div3A_39 : vector<8x50xf32>
    %mul3A_41 = arith.constant 9.900000e+01 : f32
    %mul3A_42 = vector.broadcast %mul3A_41 : f32 to vector<8x50xf32>
    %mul3A_43 = arith.mulf %div3A_40, %mul3A_42 : vector<8x50xf32>
    %convert_element_type3A_44 = arith.fptosi %mul3A_43 : vector<8x50xf32> to vector<8x50xi32>
    %jit3A_45 = arith.constant 0 : i32
    %jit3A_46 = arith.constant 99 : i32
    %max3A_47 = vector.broadcast %jit3A_45 : i32 to vector<8x50xi32>
    %max3A_48 = arith.maxsi %max3A_47, %convert_element_type3A_44 : vector<8x50xi32>
    %min3A_49 = vector.broadcast %jit3A_46 : i32 to vector<8x50xi32>
    %min3A_50 = arith.minsi %min3A_49, %max3A_48 : vector<8x50xi32>
    %get3A_51 = arith.constant 0 : index
    %get3A_52 = arith.constant 0 : index
    %get3A_53 = vector.load %arg3[%get3A_51, %get3A_52] : memref<8x50xi32, #tpu.memory_space<vmem>>, vector<8x50xi32>
    %concatenate3A_54 = tpu.concatenate %min3A_16, %min3A_33, %min3A_50, %get3A_53 in 1 : vector<8x50xi32>, vector<8x50xi32>, vector<8x50xi32>, vector<8x50xi32> -> vector<8x200xi32>
    %convert_element_type3A_55 = arith.sitofp %concatenate3A_54 : vector<8x200xi32> to vector<8x200xbf16>
    %get3A_56 = arith.constant 0 : index
    %get3A_57 = arith.constant 0 : index
    %get3A_58 = vector.load %arg13[%get3A_56, %get3A_57] : memref<400x8xbf16, #tpu.memory_space<vmem>>, vector<400x8xbf16>
    %dot_general3A = arith.constant dense<0.000000e+00> : vector<400x200xf32>
    %dot_general3A_59 = tpu.matmul %get3A_58, %convert_element_type3A_55, %dot_general3A {dimension_numbers = #tpu.dot_dimension_numbers<[1], [0], [0], [1], [0, 0, 1, 1], [], []>, transpose_lhs_hint = false} : vector<400x8xbf16>, vector<8x200xbf16>, vector<400x200xf32> -> vector<400x200xf32>
    %convert_element_type3A_60 = arith.truncf %dot_general3A_59 : vector<400x200xf32> to vector<400x200xbf16>
    %get3A_61 = arith.constant 0 : index
    %get3A_62 = arith.constant 0 : index
    %get3A_63 = vector.load %arg14[%get3A_61, %get3A_62] : memref<400x200xbf16, #tpu.memory_space<vmem>>, vector<400x200xbf16>
    %mul3A_64 = arith.mulf %convert_element_type3A_60, %get3A_63 : vector<400x200xbf16>
    %get3A_65 = arith.constant 0 : index
    %get3A_66 = arith.constant 0 : index
    %get3A_67 = vector.load %arg15[%get3A_65, %get3A_66] : memref<200x512xbf16, #tpu.memory_space<vmem>>, vector<200x512xbf16>
    %dot_general3A_68 = arith.constant dense<0.000000e+00> : vector<400x512xf32>
    %dot_general3A_69 = tpu.matmul %mul3A_64, %get3A_67, %dot_general3A_68 {dimension_numbers = #tpu.dot_dimension_numbers<[1], [0], [0], [1], [0, 0, 1, 1], [], []>, transpose_lhs_hint = false} : vector<400x200xbf16>, vector<200x512xbf16>, vector<400x512xf32> -> vector<400x512xf32>
    %get3A_70 = arith.constant 0 : index
    %get3A_71 = arith.constant 0 : index
    %get3A_72 = vector.load %arg16[%get3A_70, %get3A_71] : memref<400x512xf32, #tpu.memory_space<vmem>>, vector<400x512xf32>
    %eq3A = arith.cmpf oeq, %dot_general3A_69, %get3A_72 : vector<400x512xf32>
    %convert_element_type3A_73 = arith.extui %eq3A : vector<400x512xi1> to vector<400x512xi32>
    %convert_element_type3A_74 = arith.sitofp %convert_element_type3A_73 : vector<400x512xi32> to vector<400x512xf32>
    %convert_element_type3A_75 = arith.truncf %convert_element_type3A_74 : vector<400x512xf32> to vector<400x512xbf16>
    %slice3A_76 = vector.extract_strided_slice %convert_element_type3A_75 {offsets = [0, 0], sizes = [400, 384], strides = [1, 1]} : vector<400x512xbf16> to vector<400x384xbf16>
    %slice3A_77 = vector.extract_strided_slice %convert_element_type3A_75 {offsets = [0, 384], sizes = [400, 128], strides = [1, 1]} : vector<400x512xbf16> to vector<400x128xbf16>
    %get3A_78 = arith.constant 0 : index
    %get3A_79 = arith.constant 0 : index
    %get3A_80 = vector.load %arg6[%get3A_78, %get3A_79] : memref<384x128xbf16, #tpu.memory_space<vmem>>, vector<384x128xbf16>
    %dot_general3A_81 = arith.constant dense<0.000000e+00> : vector<400x128xf32>
    %dot_general3A_82 = tpu.matmul %slice3A_76, %get3A_80, %dot_general3A_81 {dimension_numbers = #tpu.dot_dimension_numbers<[1], [0], [0], [1], [0, 0, 1, 1], [], []>, transpose_lhs_hint = false} : vector<400x384xbf16>, vector<384x128xbf16>, vector<400x128xf32> -> vector<400x128xf32>
    %get3A_83 = arith.constant 0 : index
    %get3A_84 = arith.constant 0 : index
    %get3A_85 = arith.constant 0 : index
    %get3A_86 = vector.load %arg2[%get3A_83, %get3A_84, %get3A_85] : memref<8x50x10xf32, #tpu.memory_space<vmem>>, vector<8x50x10xf32>
    %broadcast_in_dim3A_87 = arith.constant 0.000000e+00 : f32
    %broadcast_in_dim3A_88 = vector.broadcast %broadcast_in_dim3A_87 : f32 to vector<8x50x118xf32>
    %concatenate3A_89 = tpu.concatenate %get3A_86, %broadcast_in_dim3A_88 in 2 : vector<8x50x10xf32>, vector<8x50x118xf32> -> vector<8x50x128xf32>
    %convert_element_type3A_90 = arith.truncf %concatenate3A_89 : vector<8x50x128xf32> to vector<8x50x128xbf16>
    %reshape3A = vector.shape_cast %convert_element_type3A_90 : vector<8x50x128xbf16> to vector<400x128xbf16>
    %get3A_91 = arith.constant 0 : index
    %get3A_92 = arith.constant 0 : index
    %get3A_93 = vector.load %arg8[%get3A_91, %get3A_92] : memref<128x128xbf16, #tpu.memory_space<vmem>>, vector<128x128xbf16>
    %dot_general3A_94 = arith.constant dense<0.000000e+00> : vector<400x128xf32>
    %dot_general3A_95 = tpu.matmul %reshape3A, %get3A_93, %dot_general3A_94 {dimension_numbers = #tpu.dot_dimension_numbers<[1], [0], [0], [1], [0, 0, 1, 1], [], []>, transpose_lhs_hint = false} : vector<400x128xbf16>, vector<128x128xbf16>, vector<400x128xf32> -> vector<400x128xf32>
    %get3A_96 = arith.constant 0 : index
    %get3A_97 = arith.constant 0 : index
    %get3A_98 = vector.load %arg5[%get3A_96, %get3A_97] : memref<400x128xf32, #tpu.memory_space<vmem>>, vector<400x128xf32>
    %mul3A_99 = arith.constant 1.000000e-01 : f32
    %mul3A_100 = vector.broadcast %mul3A_99 : f32 to vector<400x128xf32>
    %mul3A_101 = arith.mulf %get3A_98, %mul3A_100 : vector<400x128xf32>
    %convert_element_type3A_102 = arith.truncf %mul3A_101 : vector<400x128xf32> to vector<400x128xbf16>
    %get3A_103 = arith.constant 0 : index
    %get3A_104 = arith.constant 0 : index
    %get3A_105 = vector.load %arg9[%get3A_103, %get3A_104] : memref<128x128xbf16, #tpu.memory_space<vmem>>, vector<128x128xbf16>
    %dot_general3A_106 = arith.constant dense<0.000000e+00> : vector<400x128xf32>
    %dot_general3A_107 = tpu.matmul %convert_element_type3A_102, %get3A_105, %dot_general3A_106 {dimension_numbers = #tpu.dot_dimension_numbers<[1], [0], [0], [1], [0, 0, 1, 1], [], []>, transpose_lhs_hint = false} : vector<400x128xbf16>, vector<128x128xbf16>, vector<400x128xf32> -> vector<400x128xf32>
    %add3A = arith.addf %dot_general3A_95, %dot_general3A_107 : vector<400x128xf32>
    %get3A_108 = arith.constant 0 : index
    %get3A_109 = arith.constant 0 : index
    %get3A_110 = vector.load %arg7[%get3A_108, %get3A_109] : memref<128x128xbf16, #tpu.memory_space<vmem>>, vector<128x128xbf16>
    %dot_general3A_111 = arith.constant dense<0.000000e+00> : vector<400x128xf32>
    %dot_general3A_112 = tpu.matmul %slice3A_77, %get3A_110, %dot_general3A_111 {dimension_numbers = #tpu.dot_dimension_numbers<[1], [0], [0], [1], [0, 0, 1, 1], [], []>, transpose_lhs_hint = false} : vector<400x128xbf16>, vector<128x128xbf16>, vector<400x128xf32> -> vector<400x128xf32>
    %add3A_113 = arith.addf %add3A, %dot_general3A_112 : vector<400x128xf32>
    %get3A_114 = arith.constant 0 : index
    %get3A_115 = arith.constant 0 : index
    %get3A_116 = vector.load %arg11[%get3A_114, %get3A_115] : memref<1x128xf32, #tpu.memory_space<vmem>>, vector<1x128xf32>
    %add3A_117 = vector.broadcast %get3A_116 : vector<1x128xf32> to vector<400x128xf32>
    %add3A_118 = arith.addf %add3A_113, %add3A_117 : vector<400x128xf32>
    %max3A_119 = arith.constant 0.000000e+00 : f32
    %max3A_120 = vector.broadcast %max3A_119 : f32 to vector<400x128xf32>
    %max3A_121 = arith.maximumf %add3A_118, %max3A_120 : vector<400x128xf32>
    %convert_element_type3A_122 = arith.truncf %max3A_121 : vector<400x128xf32> to vector<400x128xbf16>
    %get3A_123 = arith.constant 0 : index
    %get3A_124 = arith.constant 0 : index
    %get3A_125 = vector.load %arg10[%get3A_123, %get3A_124] : memref<128x128xbf16, #tpu.memory_space<vmem>>, vector<128x128xbf16>
    %dot_general3A_126 = arith.constant dense<0.000000e+00> : vector<400x128xf32>
    %dot_general3A_127 = tpu.matmul %convert_element_type3A_122, %get3A_125, %dot_general3A_126 {dimension_numbers = #tpu.dot_dimension_numbers<[1], [0], [0], [1], [0, 0, 1, 1], [], []>, transpose_lhs_hint = false} : vector<400x128xbf16>, vector<128x128xbf16>, vector<400x128xf32> -> vector<400x128xf32>
    %get3A_128 = arith.constant 0 : index
    %get3A_129 = arith.constant 0 : index
    %get3A_130 = vector.load %arg4[%get3A_128, %get3A_129] : memref<400x128xf32, #tpu.memory_space<vmem>>, vector<400x128xf32>
    %add3A_131 = arith.addf %get3A_130, %dot_general3A_82 : vector<400x128xf32>
    %add3A_132 = arith.addf %add3A_131, %dot_general3A_127 : vector<400x128xf32>
    %get3A_133 = arith.constant 0 : index
    %get3A_134 = arith.constant 0 : index
    %get3A_135 = vector.load %arg12[%get3A_133, %get3A_134] : memref<400x128xf32, #tpu.memory_space<vmem>>, vector<400x128xf32>
    %add3A_136 = arith.addf %add3A_132, %get3A_135 : vector<400x128xf32>
    %reshape3A_137 = vector.shape_cast %add3A_136 : vector<400x128xf32> to vector<8x50x128xf32>
    %swap3A = arith.constant 0 : index
    %swap3A_138 = arith.constant 0 : index
    %swap3A_139 = arith.constant 0 : index
    %swap3A_140 = vector.load %arg18[%swap3A, %swap3A_138, %swap3A_139] : memref<8x50x128xf32, #tpu.memory_space<vmem>>, vector<8x50x128xf32>
    tpu.vector_store %arg18[%swap3A, %swap3A_138, %swap3A_139], %reshape3A_137 {strides = array<i32>} : memref<8x50x128xf32, #tpu.memory_space<vmem>>, vector<8x50x128xf32>,
    return
  }
  func.func @transform_0(%arg0: i32) -> (i32, i32) {
    %c0_i32 = arith.constant 0 : i32
    %c0_i32_0 = arith.constant 0 : i32
    return %arg0, %c0_i32 : i32, i32
  }
  func.func @transform_1(%arg0: i32) -> (i32, i32, i32) {
    %c0_i32 = arith.constant 0 : i32
    %c0_i32_0 = arith.constant 0 : i32
    %c0_i32_1 = arith.constant 0 : i32
    return %arg0, %c0_i32, %c0_i32_0 : i32, i32, i32
  }
  func.func @transform_2(%arg0: i32) -> (i32, i32) {
    %c0_i32 = arith.constant 0 : i32
    %c0_i32_0 = arith.constant 0 : i32
    return %arg0, %c0_i32 : i32, i32
  }
  func.func @transform_3(%arg0: i32) -> (i32, i32) {
    %c0_i32 = arith.constant 0 : i32
    %c0_i32_0 = arith.constant 0 : i32
    return %arg0, %c0_i32 : i32, i32
  }
  func.func @transform_4(%arg0: i32) -> (i32, i32) {
    %c0_i32 = arith.constant 0 : i32
    %c0_i32_0 = arith.constant 0 : i32
    return %arg0, %c0_i32 : i32, i32
  }
  func.func @transform_5(%arg0: i32) -> (i32, i32) {
    %c0_i32 = arith.constant 0 : i32
    %c0_i32_0 = arith.constant 0 : i32
    %c0_i32_1 = arith.constant 0 : i32
    return %c0_i32, %c0_i32_0 : i32, i32
  }
  func.func @transform_6(%arg0: i32) -> (i32, i32) {
    %c0_i32 = arith.constant 0 : i32
    %c0_i32_0 = arith.constant 0 : i32
    %c0_i32_1 = arith.constant 0 : i32
    return %c0_i32, %c0_i32_0 : i32, i32
  }
  func.func @transform_7(%arg0: i32) -> (i32, i32) {
    %c0_i32 = arith.constant 0 : i32
    %c0_i32_0 = arith.constant 0 : i32
    %c0_i32_1 = arith.constant 0 : i32
    return %c0_i32, %c0_i32_0 : i32, i32
  }
  func.func @transform_8(%arg0: i32) -> (i32, i32) {
    %c0_i32 = arith.constant 0 : i32
    %c0_i32_0 = arith.constant 0 : i32
    %c0_i32_1 = arith.constant 0 : i32
    return %c0_i32, %c0_i32_0 : i32, i32
  }
  func.func @transform_9(%arg0: i32) -> (i32, i32) {
    %c0_i32 = arith.constant 0 : i32
    %c0_i32_0 = arith.constant 0 : i32
    %c0_i32_1 = arith.constant 0 : i32
    return %c0_i32, %c0_i32_0 : i32, i32
  }
  func.func @transform_10(%arg0: i32) -> (i32, i32) {
    %c0_i32 = arith.constant 0 : i32
    %c0_i32_0 = arith.constant 0 : i32
    %c0_i32_1 = arith.constant 0 : i32
    return %c0_i32, %c0_i32_0 : i32, i32
  }
  func.func @transform_11(%arg0: i32) -> (i32, i32) {
    %c0_i32 = arith.constant 0 : i32
    %c0_i32_0 = arith.constant 0 : i32
    %c0_i32_1 = arith.constant 0 : i32
    return %c0_i32, %c0_i32_0 : i32, i32
  }
  func.func @transform_12(%arg0: i32) -> (i32, i32) {
    %c0_i32 = arith.constant 0 : i32
    %c0_i32_0 = arith.constant 0 : i32
    %c0_i32_1 = arith.constant 0 : i32
    return %c0_i32, %c0_i32_0 : i32, i32
  }
  func.func @transform_13(%arg0: i32) -> (i32, i32) {
    %c0_i32 = arith.constant 0 : i32
    %c0_i32_0 = arith.constant 0 : i32
    %c0_i32_1 = arith.constant 0 : i32
    return %c0_i32, %c0_i32_0 : i32, i32
  }
  func.func @transform_14(%arg0: i32) -> (i32, i32) {
    %c0_i32 = arith.constant 0 : i32
    %c0_i32_0 = arith.constant 0 : i32
    %c0_i32_1 = arith.constant 0 : i32
    return %c0_i32, %c0_i32_0 : i32, i32
  }
  func.func @transform_15(%arg0: i32) -> (i32, i32) {
    %c0_i32 = arith.constant 0 : i32
    %c0_i32_0 = arith.constant 0 : i32
    %c0_i32_1 = arith.constant 0 : i32
    return %c0_i32, %c0_i32_0 : i32, i32
  }
  func.func @transform_17(%arg0: i32) -> (i32, i32, i32) {
    %add3A = arith.constant 64 : i32
    %add3A_0 = arith.addi %arg0, %add3A : i32
    %c0_i32 = arith.constant 0 : i32
    %c0_i32_1 = arith.constant 0 : i32
    %c0_i32_2 = arith.constant 0 : i32
    return %add3A_0, %c0_i32, %c0_i32_1 : i32, i32, i32
  }
}

</mosaic_0001>

<sc_bundles>
// kernel: kernel.6.cloned.1.call-start
scs
__scs_entry_jumppad:
0x0: {  	(pc) =	sbr.rel $0x88, $3  }
0x1: {  	(tag) =	ssettag $0x0;
	lr =	simm.s32 $0x1  }
0x2: {  	[smem:$0x3F8D] =	sst lr;
	_ =	strace $0xD0000000  }
0x3: {  	_ = 	snop  }
0x4: {  	_ = 	snop  }
0x5: {  	_ = 	snop  }
0x6: {  	_ = 	snop  }
0x7: {  	_ = 	snop  }
__scs_overlays_trampoline_lowered:
0x8: {  	[smem:$0x3F9C] =	sst s0  }
0x9: {  	[smem:$0x3F9D] =	sst s1  }
0xa: {  	[smem:$0x3F9E] =	sst s2  }
0xb: {  	[smem:$0x3F9F] =	sst s3  }
0xc: {  	[smem:$0x3FA0] =	sst s4  }
0xd: {  	[smem:$0x3FA1] =	sst s5  }
0xe: {  	[smem:$0x3FA2] =	sst s6  }
0xf: {  	[smem:$0x3FA3] =	sst s7  }
0x10: {  	[smem:$0x3FA4] =	sst s8  }
0x11: {  	[smem:$0x3FA5] =	sst s9;
	s0 =	simm.s32 @!p0 $0x0  }
0x12: {  	s1 =	sld [smem:$0x3F8B];
	s0 =	simm.s32 @p0 $0x1  }
0x13: {  	[smem:$0x3FA6] =	sst s0;
	s0 =	simm.s32 @!p1 $0x0  }
0x14: {  	s2 =	sld [smem:$0x3F8A];
	s0 =	simm.s32 @p1 $0x1  }
0x15: {  	[smem:$0x3FA7] =	sst s0;
	s0 =	simm.s32 @!p2 $0x0  }
0x16: {  	s3 =	sld [smem:$0x3FDB];
	s0 =	simm.s32 @p2 $0x1  }
0x17: {  	s4 =	simm.s32 $0x1BF5;
	[smem:$0x3FA9] =	sst s0  }
0x18: {  	s0 =	sld [smem:$0x3F8C];
	_ =	swait.ge [sflag:s4], $0x0  }
0x19: {  	s7 =	sld [smem:$0x3F8D]  }
0x1a: {  	s8 =	sadd.s32 $0xFFFFE003, lr  }
0x1b: {  	s9 =	sadd.s32 $0xFFFFFEF7, lr;
	s5 =	simm.s32 $0xFFFFFFFF;
	p2 =	slt.u32 s8, $0xFFFFF086  }
0x1c: {  	p1 =	slt.u32 s9, $0xF7A;
	s5 =	simm.s32 @!p2 $0x0  }
0x1d: {  	s5 =	simm.s32 @p1 $0x1;
	p0 =	seq.s32 s7, s2  }
0x1e: {  	s7 =	smul.u32 @!p0 $0xF7A, s2;
	p2 =	seq.s32 @!p0 s5, $0x0  }
0x1f: {  	s9 =	smul.u32 $0xF7A, s1;
	s8 =	simm.s32 @!p0 $0x1BF5;
	p2 =	por !p2, p0  }
0x20: {  	[sflag:s8] =	ssyncset.s32 @!p0 $0xFFFFF086;
	s6 =	sadd.s32 @!p0 s3, s7;
	s7 =	simm.s32 @!p0 $0x108  }
0x21: {  	s3 =	sadd.s32 s3, s9;
	s6 =	sadd.s32 @!p0 $0x88, s6;
	s7 =	simm.s32 @p2 $0x1082  }
0x22: {  	[simem:s7], [sflag:s8] =	dma.local @!p0 [hbm:s6], $0xF7A  }
0x23: {  	s9 =	sor.u32 $0xD0000000, s2;
	s6 =	simm.s32 $0x108;
	_ =	swait.ge @!p0 [sflag:s8], $0x0  }
0x24: {  	s3 =	sadd.s32 $0x88, s3;
	s6 =	simm.s32 @!p1 $0x1082;
	[sflag:s4] =	ssyncset.s32 $0xFFFFF086  }
0x25: {  	[simem:s6], [sflag:s4] =	dma.local [hbm:s3], $0xF7A  }
0x26: {  	[smem:$0x3F8D] =	sst s1;
	(tag) =	ssettag s2;
	_ =	strace s9  }
0x27: {  	s1 =	sld [smem:$0x3F9D]  }
0x28: {  	s2 =	sld [smem:$0x3F9E]  }
0x29: {  	s4 =	sld [smem:$0x3FA0]  }
0x2a: {  	p0 =	seq.s32 s5, $0x0;
	s5 =	sld [smem:$0x3FA1]  }
0x2b: {  	s6 =	sld [smem:$0x3FA2]  }
0x2c: {  	s7 =	sld [smem:$0x3FA3]  }
0x2d: {  	s3 =	simm.s32 $0x108;
	s8 =	sld [smem:$0x3FA4]  }
0x2e: {  	s3 =	simm.s32 @!p0 $0x1082;
	s9 =	sld [smem:$0x3FA5]  }
0x2f: {  	lr =	sadd.s32 s0, s3;
	s0 =	sld [smem:$0x3F9C]  }
0x30: {  	s3 =	sld [smem:$0x3F9F]  }
0x31: {  	[smem:$0x3FA8] =	sst s10  }
0x32: {  	s10 =	sld [smem:$0x3FA6];
	_ =	sdelay $0x3  }
0x33: {  	p0 =	seq.s32 s10, $0x1;
	s10 =	sld [smem:$0x3FA8];
	_ =	sdelay $0x3  }
0x34: {  	[smem:$0x3FA8] =	sst s10  }
0x35: {  	s10 =	sld [smem:$0x3FA7];
	_ =	sdelay $0x3  }
0x36: {  	p1 =	seq.s32 s10, $0x1;
	s10 =	sld [smem:$0x3FA8];
	_ =	sdelay $0x3  }
0x37: {  	[smem:$0x3FA8] =	sst s10  }
0x38: {  	s10 =	sld [smem:$0x3FA9]  }
0x39: {  	_ = 	snop;
	(pc) =	sbr.ind lr, $3  }
0x3a: {  	_ = 	snop  }
0x3b: {  	_ = 	snop  }
0x3c: {  	p2 =	seq.s32 s10, $0x1;
	s10 =	sld [smem:$0x3FA8]  }
0x3d: {  	_ =	shalt  }
0x3e: {  	_ =	shalt  }
0x3f: {  	_ =	shalt  }
0x40: {  	_ =	shalt  }
0x41: {  	_ =	shalt  }
0x42: {  	_ =	shalt  }
0x43: {  	_ =	shalt  }
0x44: {  	_ =	shalt  }
0x45: {  	_ =	shalt  }
0x46: {  	_ =	shalt  }
0x47: {  	_ =	shalt  }
0x48: {  	_ =	shalt  }
0x49: {  	_ =	shalt  }
0x4a: {  	_ =	shalt  }
0x4b: {  	_ =	shalt  }
0x4c: {  	_ =	shalt  }
0x4d: {  	_ =	shalt  }
0x4e: {  	_ =	shalt  }
0x4f: {  	_ =	shalt  }
0x50: {  	_ =	shalt  }
0x51: {  	_ =	shalt  }
0x52: {  	_ =	shalt  }
0x53: {  	_ =	shalt  }
0x54: {  	_ =	shalt  }
0x55: {  	_ =	shalt  }
0x56: {  	_ =	shalt  }
0x57: {  	_ =	shalt  }
0x58: {  	_ =	shalt  }
0x59: {  	_ =	shalt  }
0x5a: {  	_ =	shalt  }
0x5b: {  	_ =	shalt  }
0x5c: {  	_ =	shalt  }
0x5d: {  	_ =	shalt  }
0x5e: {  	_ =	shalt  }
0x5f: {  	_ =	shalt  }
0x60: {  	_ =	shalt  }
0x61: {  	_ =	shalt  }
0x62: {  	_ =	shalt  }
0x63: {  	_ =	shalt  }
0x64: {  	_ =	shalt  }
0x65: {  	_ =	shalt  }
0x66: {  	_ =	shalt  }
0x67: {  	_ =	shalt  }
0x68: {  	_ =	shalt  }
0x69: {  	_ =	shalt  }
0x6a: {  	_ =	shalt  }
0x6b: {  	_ =	shalt  }
0x6c: {  	_ =	shalt  }
0x6d: {  	_ =	shalt  }
0x6e: {  	_ =	shalt  }
0x6f: {  	_ =	shalt  }
0x70: {  	_ =	shalt  }
0x71: {  	_ =	shalt  }
0x72: {  	_ =	shalt  }
0x73: {  	_ =	shalt  }
0x74: {  	_ =	shalt  }
0x75: {  	_ =	shalt  }
0x76: {  	_ =	shalt  }
0x77: {  	_ =	shalt  }
0x78: {  	_ =	shalt  }
0x79: {  	_ =	shalt  }
0x7a: {  	_ =	shalt  }
0x7b: {  	_ =	shalt  }
0x7c: {  	_ =	shalt  }
0x7d: {  	_ =	shalt  }
0x7e: {  	_ =	shalt  }
0x7f: {  	_ =	shalt  }
0x80: {  	_ =	shalt  }
0x81: {  	_ =	shalt  }
0x82: {  	_ =	shalt  }
0x83: {  	_ =	shalt  }
0x84: {  	_ =	shalt  }
0x85: {  	_ =	shalt  }
0x86: {  	_ =	shalt  }
0x87: {  	_ =	shalt  }
.Lfunc_end0:
.L_simem_size_0:
called_computation_lowered:
.L_overlay_start_0:
0x88: {  	s2 =	sld [smem:$0x3FD9]  }
0x89: {  	s3 =	sld [smem:$0x3FFE];
	_ =	sdelay $0x1  }
0x8a: {  	s1 =	srdreg.scid  }
0x8b: {  	s0 =	sand.u32 $0x1, s1  }
0x8c: {  	s17 =	sshll.u32 s0, $0xA;
	s2 =	sadd.s32 s3, s2  }
0x8d: {  	s2 =	sadd.s32 s2, s17  }
0x8e: {  	[smem:$0x3FB4] =	sst s2  }
0x8f: {  	_ = 	snop  }
0x90: {  	s2 =	sld [smem:$0x3FC4]  }
0x91: {  	s18 =	sld [smem:$0x3FBC];
	(tm) =	ssettm $0x1  }
0x92: {  	s4 =	sld [smem:$0x3FFB];
	_ =	sdelay $0x3  }
0x93: {  	_ =	strace s4  }
0x94: {  	s4 =	sld [smem:$0x3FFC];
	_ =	sdelay $0x3  }
0x95: {  	_ =	strace s4  }
0x96: {  	s4 =	sld [smem:$0x3FFD];
	_ =	sdelay $0x3  }
0x97: {  	_ =	strace s4  }
0x98: {  	_ =	strace $0x8FFFFFFF  }
0x99: {  	s19 =	sld [smem:$0x3FDB];
	_ =	sdelay $0x1  }
0x9a: {  	s5 =	simm.s32 $_scs_section_size  }
0x9b: {  	s6 =	simm.s32 $_size__tile_overlayer_lowered;
	s7 =	simm.s32 $_tile_overlayer_lowered  }
0x9c: {  	s22 =	simm.s32 $0x1BFF;
	s21 =	sshll.u32 s7, $0x1;
	s4 =	sadd.s32 s5, s19  }
0x9d: {  	s8 =	simm.s32 $0x0;
	s20 =	sshll.u32 s6, $0x1;
	s6 =	sadd.s32 s21, s4  }
0x9e: {  	[timem:s8], [sflag:s22] =	dma.local [hbm:s6], s20  }
0x9f: {  	_ =	swait.ge [sflag:s22], s20  }
0xa0: {  	s5 =	ssub.s32 $0x0, s20;
	[sflag:s22] =	ssyncset.done $0x0  }
0xa1: {  	[sflag:s22] =	ssyncadd.s32 s5;
	_ =	sdelay $0x1  }
0xa2: {  	s23 =	simm.s32 $0x1B8B  }
0xa3: {  	_ =	swait.ge [sflag:s23], $0x1  }
0xa4: {  	[sflag:s23] =	ssyncset.done $0x0  }
0xa5: {  	s25 =	simm.s32 $0x1B8E;
	s24 =	sld [smem:$0x3FFE];
	[sflag:s23] =	ssyncadd.s32 $0xFFFFFFFF  }
0xa6: {  	s26 =	simm.s32 $execute0_lowered;
	[smem:$0x3FD2] =	sst s25  }
0xa7: {  	s6 =	sshll.u32 s26, $0x1;
	_ =	strace $0x80000046;
	[dreg:$0x1] =	wrdreg $0xFFFFFFFF  }
0xa8: {  	s28 =	simm.s32 $_size_execute0_lowered;
	s4 =	sadd.s32 s4, s6;
	[dreg:$0x0] =	wrdreg $0x0  }
0xa9: {  	s6 =	sshll.u32 s28, $0x1;
	[dreg:$0x2] =	wrdreg s4  }
0xaa: {  	[dreg:$0x3] =	wrdreg s6  }
0xab: {  	[dreg:$0x4] =	wrdreg $0xC0  }
0xac: {  	_ =	task [dreg:s8], $0x5FFFF  }
0xad: {  	[dreg:$0x1] =	wrdreg $0xFFFFFFFF  }
0xae: {  	[dreg:$0x0] =	wrdreg $0x60  }
0xaf: {  	[dreg:$0x2] =	wrdreg s24  }
0xb0: {  	[dreg:$0x3] =	wrdreg s2  }
0xb1: {  	[dreg:$0x4] =	wrdreg s18  }
0xb2: {  	[dreg:$0x5] =	wrdreg $0x19B000  }
0xb3: {  	[dreg:$0x6] =	wrdreg $0x9  }
0xb4: {  	_ =	task.clear_ibuf [dreg:s8], $0x7FFFF;
	_ =	strace $0x90000046  }
0xb5: {  	s29 =	simm.s32 $0x9;
	_ =	strace $0x80000048  }
0xb6: {  	_ =	swait.ge [sflag:s29], $0x1  }
0xb7: {  	[sflag:s29] =	ssyncadd.s32 $0xFFFFFFFF  }
0xb8: {  	_ =	strace $0x90000048  }
0xb9: {  	_ =	sfence  }
0xba: {  	s30 =	sld [smem:$0x0];
	_ =	sdelay $0x2  }
0xbb: {  	s31 =	sshll.u32 s1, $0xD;
	s1 =	sshrl.u32 s1, $0x2  }
0xbc: {  	s3 =	sand.u32 $0x4000, s31;
	s1 =	sadd.s32 s1, s30  }
0xbd: {  	s0 =	sor.u32 s3, s0;
	s1 =	sshll.u32 s1, $0x11  }
0xbe: {  	s0 =	sor.u32 s1, s0  }
0xbf: {  	s0 =	sadd.s32 $0x8F2B, s0  }
0xc0: {  	[sflag:s0] =	ssyncadd.remote.s32 $0x1  }
0xc1: {  	_ =	sfence.sel $0xFFFF  }
0xc2: {  	[dreg:$0x0] =	wrdreg $0xFFFFFFFF;
	(pc) =	sbr.abs _section_cstart, $3  }
0xc3: {  	[dreg:$0x1] =	wrdreg $0xFFFFFFFF  }
0xc4: {  	_ =	task.clear_ibuf [dreg:s8], $0x2FFFF;
	_ =	strace $0x9FFFFFFF  }
0xc5: {  	(tm) =	ssettm $0x7FFFFFFF  }
tec
execute0_lowered:
.L_overlay_start_1:
0x0: {  	(tag) =	ssettag $0x1  }
0x1: {  	s0 =	rddreg [dreg:$0x0]  }
0x2: {  	s1 =	srdreg.scid;
	s3 =	rddreg [dreg:$0x2]  }
0x3: {  	s9 =	stileid.u32;
	s4 =	rddreg [dreg:$0x3];
	s6 =	simm.s32 $0x0  }
0x4: {  	s1 =	sand.u32 $0x1, s1;
	s2 =	sshll.u32 s9, $0x1;
	[smem:$0x7FF] =	sst s6  }
0x5: {  	s7 =	sshll.u32 s9, $0x8;
	s8 =	sadd.s32 $0xDC00, s0;
	s10 =	sadd.s32 $0xDE00, s0  }
0x6: {  	s11 =	sadd.s32 $0x71E00, s0;
	s21 =	sshll.u32 s9, $0xD;
	s23 =	smul.u32 $0x32000, s9  }
0x7: {  	s2 =	sor.u32 s1, s2;
	_ =	strace $0x80000047;
	[dreg:$0xb] =	wrdreg s8  }
0x8: {  	s7 =	sadd.s32 s7, s0;
	s18 =	ssub.s32 $0x2, s1;
	s1 =	smul.u32 $0x19000, s1  }
0x9: {  	s22 =	sadd.s32 s21, s4;
	[dreg:$0xc] =	wrdreg s10;
	s5 =	smul.u32 $0x64, s2  }
0xa: {  	[dreg:$0xd] =	wrdreg s11;
	s8 =	simm.s32 $0x6;
	s17 =	smul.u32 $0x3E8, s2  }
0xb: {  	s19 =	sshrl.u32 s18, $0x1;
	s7 =	sadd.s32 $0xCC00, s7;
	[dreg:$0x5] =	wrdreg s22  }
0xc: {  	s2 =	smul.u32 $0x19000, s2;
	[dreg:$0xe] =	wrdreg s7;
	s1 =	sadd.s32 s1, s23  }
0xd: {  	s7 =	simm.s32 $0x4;
	s5 =	sadd.s32 s5, s0;
	s6 =	sadd.s32 s17, s0  }
0xe: {  	s0 =	ssub.s32 s18, s19;
	s2 =	sshrl.u32 s2, $0x3;
	s5 =	sadd.s32 $0x4000, s5  }
0xf: {  	s31 =	sadd.s32 $0x1000, s1;
	s20 =	sadd.s32 $0x4E00, s6;
	[dreg:$0xf] =	wrdreg s5  }
0x10: {  	s19 =	simm.s32 $0x3;
	s6 =	sadd.s32 $0x1000, s22;
	[dreg:$0x10] =	wrdreg s20  }
0x11: {  	s24 =	sadd.s32 $0x2C00, s2;
	s0 =	smax.u32 s0, $0x1;
	[dreg:$0x6] =	wrdreg s6  }
0x12: {  	s26 =	sadd.s32 $0x2E00, s2;
	s25 =	sadd.s32 s10, s24;
	[dreg:$0x17] =	wrdreg s0  }
0x13: {  	s2 =	sadd.s32 $0x3000, s2;
	s6 =	sadd.s32 s11, s24;
	[dreg:$0x11] =	wrdreg s25  }
0x14: {  	s21 =	sshrl.u32 s31, $0x3;
	s28 =	sadd.s32 s10, s26;
	[dreg:$0x12] =	wrdreg s6  }
0x15: {  	s22 =	sshrl.u32 s1, $0x3;
	s29 =	sadd.s32 s11, s26;
	[dreg:$0x13] =	wrdreg s28  }
0x16: {  	s30 =	sadd.s32 s10, s2;
	s2 =	sadd.s32 s11, s2;
	[dreg:$0x14] =	wrdreg s29  }
0x17: {  	s24 =	simm.s32 $0xB;
	s20 =	simm.s32 $0x40;
	[dreg:$0x15] =	wrdreg s30  }
0x18: {  	s26 =	simm.s32 $0x5;
	[dreg:$0x16] =	wrdreg s2;
	s2 =	simm.s32 $0x0  }
.LBB2_1:
0x19: {  	[dreg:$0x18] =	wrdreg s2  }
0x1a: {  	s11 =	simm.s32 $0x0;
	s0 =	rddreg [dreg:$0xb];
	s13 =	simm.s32 $0x18B00  }
0x1b: {  	[tilespmem:s13], [sflag:$0xB] =	stream.linear.gather [hbm4b:s0+s11], $0x1000, $0x38;
	[tilespmem:$0x1BB00] =	vst v63  }
0x1c: {  	_ =	swait.ge [sflag:s24], $0x1000  }
0x1d: {  	[sflag:s24] =	ssyncset.done $0x0  }
0x1e: {  	s5 =	simm.s32 $0x18300;
	s23 =	rddreg [dreg:$0xe];
	[sflag:s24] =	ssyncadd.s32 $0xFFFFF000  }
0x1f: {  	[tilespmem:s5], [sflag:$0xB] =	stream.linear.gather [hbm4b:s23+s11], $0x280, $0x38;
	[tilespmem:$0x1BB00] =	vst v63  }
0x20: {  	s1 =	simm.s32 $0x18700;
	s0 =	sadd.s32 $0x80, s23  }
0x21: {  	[tilespmem:s1], [sflag:$0xB] =	stream.linear.gather [hbm4b:s0+s11], $0x280, $0x38;
	[tilespmem:$0x1BB00] =	vst v63  }
0x22: {  	_ =	swait.ge [sflag:s24], $0x500  }
0x23: {  	[sflag:s24] =	ssyncset.done $0x0  }
0x24: {  	s25 =	rddreg [dreg:$0xf];
	[sflag:s24] =	ssyncadd.s32 $0xFFFFFB00  }
0x25: {  	[tilespmem:s11], [sflag:$0xB] =	stream.linear.gather [hbm4b:s25+s11], $0x320, $0x38;
	[tilespmem:$0x1BB00] =	vst v63  }
0x26: {  	_ =	swait.ge [sflag:s24], $0x320  }
0x27: {  	[sflag:s24] =	ssyncset.done $0x0  }
0x28: {  	s1 =	simm.s32 $0x380;
	s28 =	rddreg [dreg:$0x10];
	[sflag:s24] =	ssyncadd.s32 $0xFFFFFCE0  }
0x29: {  	[tilespmem:s1], [sflag:$0xB] =	stream.linear.gather [hbm4b:s28+s11], $0x1F40, $0x38;
	[tilespmem:$0x1BB00] =	vst v63  }
0x2a: {  	_ =	swait.ge [sflag:s24], $0x1F40  }
0x2b: {  	[sflag:s24] =	ssyncset.done $0x0  }
0x2c: {  	[sflag:s24] =	ssyncadd.s32 $0xFFFFE0C0  }
0x2d: {  	s30 =	simm.s32 $0x20;
	s15 =	simm.s32 $0x2300;
	s29 =	rddreg [dreg:$0x1]  }
0x2e: {  	[tilespmem:s15], [sflag:$0x1] =	stream.indirect.gather [hbm4b:s29+s30], $0x80, s11, s30, $0xb8;
	[tilespmem:$0x1BB00] =	vst v63  }
0x2f: {  	s16 =	simm.s32 $0x4300  }
0x30: {  	[tilespmem:s16], [sflag:$0x3] =	stream.indirect.gather [hbm4b:s3+s20], $0x80, s1, s20, $0xb8;
	[tilespmem:$0x1BB00] =	vst v63  }
0x31: {  	s2 =	simm.s32 $0x3C0;
	s17 =	simm.s32 $0x6300  }
0x32: {  	[tilespmem:s17], [sflag:$0x3] =	stream.indirect.gather [hbm4b:s3+s20], $0x80, s2, s20, $0xb8;
	[tilespmem:$0x1BB00] =	vst v63  }
0x33: {  	s6 =	simm.s32 $0x400;
	s28 =	simm.s32 $0x8300  }
0x34: {  	[tilespmem:s28], [sflag:$0x3] =	stream.indirect.gather [hbm4b:s3+s20], $0x80, s6, s20, $0xb8;
	[tilespmem:$0x1BB00] =	vst v63  }
0x35: {  	s9 =	simm.s32 $0x440;
	s12 =	simm.s32 $0xA300  }
0x36: {  	[tilespmem:s12], [sflag:$0x3] =	stream.indirect.gather [hbm4b:s3+s20], $0x80, s9, s20, $0xb8;
	[tilespmem:$0x1BB00] =	vst v63  }
0x37: {  	s10 =	simm.s32 $0x480;
	s18 =	simm.s32 $0xC300  }
0x38: {  	[tilespmem:s18], [sflag:$0x3] =	stream.indirect.gather [hbm4b:s3+s20], $0x80, s10, s20, $0xb8;
	[tilespmem:$0x1BB00] =	vst v63  }
0x39: {  	s14 =	simm.s32 $0x3300  }
0x3a: {  	[tilespmem:s14], [sflag:$0x2] =	stream.indirect.gather [hbm4b:s29+s30], $0x80, s30, s30, $0xb8;
	[tilespmem:$0x1BB00] =	vst v63  }
0x3b: {  	s23 =	simm.s32 $0x4C0;
	s14 =	simm.s32 $0xE300  }
0x3c: {  	[tilespmem:s14], [sflag:$0x4] =	stream.indirect.gather [hbm4b:s3+s20], $0x80, s23, s20, $0xb8;
	[tilespmem:$0x1BB00] =	vst v63  }
0x3d: {  	s25 =	simm.s32 $0x500;
	s23 =	simm.s32 $0x10300  }
0x3e: {  	[tilespmem:s23], [sflag:$0x4] =	stream.indirect.gather [hbm4b:s3+s20], $0x80, s25, s20, $0xb8;
	[tilespmem:$0x1BB00] =	vst v63  }
0x3f: {  	s1 =	simm.s32 $0x540;
	s9 =	simm.s32 $0x12300  }
0x40: {  	[tilespmem:s9], [sflag:$0x4] =	stream.indirect.gather [hbm4b:s3+s20], $0x80, s1, s20, $0xb8;
	[tilespmem:$0x1BB00] =	vst v63  }
0x41: {  	s2 =	simm.s32 $0x580;
	s25 =	simm.s32 $0x14300  }
0x42: {  	[tilespmem:s25], [sflag:$0x4] =	stream.indirect.gather [hbm4b:s3+s20], $0x80, s2, s20, $0xb8;
	[tilespmem:$0x1BB00] =	vst v63  }
0x43: {  	s6 =	simm.s32 $0x5C0;
	s10 =	simm.s32 $0x1;
	s1 =	simm.s32 $0x16300  }
0x44: {  	[tilespmem:s1], [sflag:$0x4] =	stream.indirect.gather [hbm4b:s3+s20], $0x80, s6, s20, $0xb8;
	[tilespmem:$0x1BB00] =	vst v63  }
0x45: {  	_ =	swait.ge [sflag:s10], $0x1000  }
0x46: {  	[sflag:s10] =	ssyncset.done $0x0  }
0x47: {  	p0 =	por $0x1, $0x1;
	[sflag:s10] =	ssyncadd.s32 $0xFFFFF000;
	s10 =	rddreg [dreg:$0xc]  }
0x48: {  	s0 =	simm.s32 @!p0 $0x9;
	s2 =	sadd.s32 s10, s22  }
0x49: {  	[hbm4b:s2+s11] =	stream.linear.scatter [tilespmem:s15], [sflag:$0x7], $0x1000, $0x38;
	[tilespmem:$0x1BB00] =	vst v63  }
0x4a: {  	_ =	swait.ge @!p0 [sflag:s0], $0x200  }
0x4b: {  	[sflag:s0] =	ssyncset.done @!p0 $0x0  }
0x4c: {  	s2 =	rddreg [dreg:$0x5];
	[sflag:s0] =	ssyncadd.s32 @!p0 $0xFFFFFE00  }
0x4d: {  	[spmem:s2] =	stream.linear.scatter [tilespmem:s13], [sflag:$0xB], $0x1000, $0x38;
	[tilespmem:$0x1BB00] =	vst v63  }
0x4e: {  	_ =	swait.ge [sflag:s24], $0x1000  }
0x4f: {  	[sflag:s24] =	ssyncset.done $0x0  }
0x50: {  	[sflag:s24] =	ssyncadd.s32 $0xFFFFF000  }
0x51: {  	_ =	swait.ge [sflag:s19], $0x2000  }
0x52: {  	[sflag:s19] =	ssyncset.done $0x0  }
0x53: {  	[sflag:s19] =	ssyncadd.s32 $0xFFFFE000  }
0x54: {  	_ =	swait.ge [sflag:s19], $0x2000  }
0x55: {  	[sflag:s19] =	ssyncset.done $0x0  }
0x56: {  	[sflag:s19] =	ssyncadd.s32 $0xFFFFE000  }
0x57: {  	_ =	swait.ge [sflag:s19], $0x2000  }
0x58: {  	[sflag:s19] =	ssyncset.done $0x0  }
0x59: {  	[sflag:s19] =	ssyncadd.s32 $0xFFFFE000  }
0x5a: {  	_ =	swait.ge [sflag:s19], $0x2000  }
0x5b: {  	[sflag:s19] =	ssyncset.done $0x0  }
0x5c: {  	[sflag:s19] =	ssyncadd.s32 $0xFFFFE000  }
0x5d: {  	_ =	swait.ge [sflag:s19], $0x2000  }
0x5e: {  	[sflag:s19] =	ssyncset.done $0x0  }
0x5f: {  	[sflag:s19] =	ssyncadd.s32 $0xFFFFE000  }
0x60: {  	[spmem:s4] =	stream.indirect.scatter.add.f32 [tilespmem:s16], [sflag:$0x5], $0x80, s5, s20, $0xb8;
	[tilespmem:$0x1BB00] =	vst v63  }
0x61: {  	s5 =	simm.s32 $0x18380  }
0x62: {  	[spmem:s4] =	stream.indirect.scatter.add.f32 [tilespmem:s17], [sflag:$0x5], $0x80, s5, s20, $0xb8;
	[tilespmem:$0x1BB00] =	vst v63  }
0x63: {  	s6 =	simm.s32 $0x18400  }
0x64: {  	[spmem:s4] =	stream.indirect.scatter.add.f32 [tilespmem:s28], [sflag:$0x5], $0x80, s6, s20, $0xb8;
	[tilespmem:$0x1BB00] =	vst v63  }
0x65: {  	s5 =	simm.s32 $0x18480  }
0x66: {  	[spmem:s4] =	stream.indirect.scatter.add.f32 [tilespmem:s12], [sflag:$0x5], $0x80, s5, s20, $0xb8;
	[tilespmem:$0x1BB00] =	vst v63  }
0x67: {  	s6 =	simm.s32 $0x18500  }
0x68: {  	[spmem:s4] =	stream.indirect.scatter.add.f32 [tilespmem:s18], [sflag:$0x5], $0x80, s6, s20, $0xb8;
	[tilespmem:$0x1BB00] =	vst v63  }
0x69: {  	_ =	swait.ge [sflag:s26], $0x2000  }
0x6a: {  	[sflag:s26] =	ssyncset.done $0x0  }
0x6b: {  	[sflag:s26] =	ssyncadd.s32 $0xFFFFE000  }
0x6c: {  	_ =	swait.ge [sflag:s26], $0x2000  }
0x6d: {  	[sflag:s26] =	ssyncset.done $0x0  }
0x6e: {  	[sflag:s26] =	ssyncadd.s32 $0xFFFFE000  }
0x6f: {  	_ =	swait.ge [sflag:s26], $0x2000  }
0x70: {  	[sflag:s26] =	ssyncset.done $0x0  }
0x71: {  	[sflag:s26] =	ssyncadd.s32 $0xFFFFE000  }
0x72: {  	_ =	swait.ge [sflag:s26], $0x2000  }
0x73: {  	s5 =	stileid.u32;
	[sflag:s26] =	ssyncset.done $0x0  }
0x74: {  	s0 =	sshll.u32 s5, $0x6;
	s5 =	sshrl.u32 s2, $0x3;
	[sflag:s26] =	ssyncadd.s32 $0xFFFFE000  }
0x75: {  	_ =	swait.ge [sflag:s26], $0x2000;
	[dreg:$0x7] =	wrdreg s5  }
0x76: {  	s6 =	sor.u32 $0x1C09, s0;
	[sflag:s26] =	ssyncset.done $0x0;
	s31 =	rddreg [dreg:$0xd]  }
0x77: {  	[dreg:$0x8] =	wrdreg s6;
	s2 =	sadd.s32 s31, s22;
	[sflag:s26] =	ssyncadd.s32 $0xFFFFE000  }
0x78: {  	[hbm:s2], [sflag:s6] =	dma.local [spmem:s5], $0x200  }
0x79: {  	s6 =	simm.s32 $0x2  }
0x7a: {  	_ =	swait.ge [sflag:s6], $0x1000  }
0x7b: {  	s2 =	sadd.s32 s10, s21;
	[sflag:s6] =	ssyncset.done $0x0  }
0x7c: {  	s5 =	simm.s32 $0x3300;
	[sflag:s6] =	ssyncadd.s32 $0xFFFFF000;
	s6 =	simm.s32 @!p0 $0xA  }
0x7d: {  	[hbm4b:s2+s11] =	stream.linear.scatter [tilespmem:s5], [sflag:$0x8], $0x1000, $0x38;
	[tilespmem:$0x1BB00] =	vst v63  }
0x7e: {  	_ =	swait.ge @!p0 [sflag:s6], $0x200  }
0x7f: {  	[sflag:s6] =	ssyncset.done @!p0 $0x0  }
0x80: {  	s2 =	rddreg [dreg:$0x6];
	[sflag:s6] =	ssyncadd.s32 @!p0 $0xFFFFFE00  }
0x81: {  	[spmem:s2] =	stream.linear.scatter [tilespmem:s13], [sflag:$0xB], $0x1000, $0x38;
	[tilespmem:$0x1BB00] =	vst v63  }
0x82: {  	_ =	swait.ge [sflag:s24], $0x1000  }
0x83: {  	[sflag:s24] =	ssyncset.done $0x0  }
0x84: {  	[sflag:s24] =	ssyncadd.s32 $0xFFFFF000  }
0x85: {  	_ =	swait.ge [sflag:s7], $0x2000  }
0x86: {  	[sflag:s7] =	ssyncset.done $0x0  }
0x87: {  	[sflag:s7] =	ssyncadd.s32 $0xFFFFE000  }
0x88: {  	_ =	swait.ge [sflag:s7], $0x2000  }
0x89: {  	[sflag:s7] =	ssyncset.done $0x0  }
0x8a: {  	[sflag:s7] =	ssyncadd.s32 $0xFFFFE000  }
0x8b: {  	_ =	swait.ge [sflag:s7], $0x2000  }
0x8c: {  	[sflag:s7] =	ssyncset.done $0x0  }
0x8d: {  	[sflag:s7] =	ssyncadd.s32 $0xFFFFE000  }
0x8e: {  	_ =	swait.ge [sflag:s7], $0x2000  }
0x8f: {  	[sflag:s7] =	ssyncset.done $0x0  }
0x90: {  	[sflag:s7] =	ssyncadd.s32 $0xFFFFE000  }
0x91: {  	_ =	swait.ge [sflag:s7], $0x2000  }
0x92: {  	[sflag:s7] =	ssyncset.done $0x0  }
0x93: {  	s13 =	simm.s32 $0x18700;
	[sflag:s7] =	ssyncadd.s32 $0xFFFFE000  }
0x94: {  	[spmem:s4] =	stream.indirect.scatter.add.f32 [tilespmem:s14], [sflag:$0x6], $0x80, s13, s20, $0xb8;
	[tilespmem:$0x1BB00] =	vst v63  }
0x95: {  	s6 =	simm.s32 $0x18780  }
0x96: {  	[spmem:s4] =	stream.indirect.scatter.add.f32 [tilespmem:s23], [sflag:$0x6], $0x80, s6, s20, $0xb8;
	[tilespmem:$0x1BB00] =	vst v63  }
0x97: {  	s13 =	simm.s32 $0x18800  }
0x98: {  	[spmem:s4] =	stream.indirect.scatter.add.f32 [tilespmem:s9], [sflag:$0x6], $0x80, s13, s20, $0xb8;
	[tilespmem:$0x1BB00] =	vst v63  }
0x99: {  	s6 =	simm.s32 $0x18880  }
0x9a: {  	[spmem:s4] =	stream.indirect.scatter.add.f32 [tilespmem:s25], [sflag:$0x6], $0x80, s6, s20, $0xb8;
	[tilespmem:$0x1BB00] =	vst v63  }
0x9b: {  	s13 =	simm.s32 $0x18900  }
0x9c: {  	[spmem:s4] =	stream.indirect.scatter.add.f32 [tilespmem:s1], [sflag:$0x6], $0x80, s13, s20, $0xb8;
	[tilespmem:$0x1BB00] =	vst v63  }
0x9d: {  	_ =	swait.ge [sflag:s8], $0x2000  }
0x9e: {  	[sflag:s8] =	ssyncset.done $0x0  }
0x9f: {  	[sflag:s8] =	ssyncadd.s32 $0xFFFFE000  }
0xa0: {  	_ =	swait.ge [sflag:s8], $0x2000  }
0xa1: {  	[sflag:s8] =	ssyncset.done $0x0  }
0xa2: {  	[sflag:s8] =	ssyncadd.s32 $0xFFFFE000  }
0xa3: {  	_ =	swait.ge [sflag:s8], $0x2000  }
0xa4: {  	[sflag:s8] =	ssyncset.done $0x0  }
0xa5: {  	[sflag:s8] =	ssyncadd.s32 $0xFFFFE000  }
0xa6: {  	_ =	swait.ge [sflag:s8], $0x2000  }
0xa7: {  	[sflag:s8] =	ssyncset.done $0x0  }
0xa8: {  	[sflag:s8] =	ssyncadd.s32 $0xFFFFE000  }
0xa9: {  	s0 =	sor.u32 $0x1C0A, s0;
	s5 =	sshrl.u32 s2, $0x3;
	_ =	swait.ge [sflag:s8], $0x2000  }
0xaa: {  	s6 =	sadd.s32 s31, s21;
	[dreg:$0x9] =	wrdreg s5;
	[sflag:s8] =	ssyncset.done $0x0  }
0xab: {  	s13 =	simm.s32 $0x7;
	[dreg:$0xa] =	wrdreg s0;
	[sflag:s8] =	ssyncadd.s32 $0xFFFFE000  }
0xac: {  	[hbm:s6], [sflag:s0] =	dma.local [spmem:s5], $0x200  }
0xad: {  	_ =	swait.ge [sflag:s13], $0x1000  }
0xae: {  	[sflag:s13] =	ssyncset.done $0x0  }
0xaf: {  	[sflag:s13] =	ssyncadd.s32 $0xFFFFF000  }
0xb0: {  	[tilespmem:s15], [sflag:$0x1] =	stream.indirect.gather [hbm4b:s29+s30], $0x80, s20, s30, $0xb8;
	[tilespmem:$0x1BB00] =	vst v63  }
0xb1: {  	s1 =	simm.s32 $0x600  }
0xb2: {  	[tilespmem:s16], [sflag:$0x3] =	stream.indirect.gather [hbm4b:s3+s20], $0x80, s1, s20, $0xb8;
	[tilespmem:$0x1BB00] =	vst v63  }
0xb3: {  	s2 =	simm.s32 $0x640  }
0xb4: {  	[tilespmem:s17], [sflag:$0x3] =	stream.indirect.gather [hbm4b:s3+s20], $0x80, s2, s20, $0xb8;
	[tilespmem:$0x1BB00] =	vst v63  }
0xb5: {  	s5 =	simm.s32 $0x680  }
0xb6: {  	[tilespmem:s28], [sflag:$0x3] =	stream.indirect.gather [hbm4b:s3+s20], $0x80, s5, s20, $0xb8;
	[tilespmem:$0x1BB00] =	vst v63  }
0xb7: {  	s6 =	simm.s32 $0x6C0  }
0xb8: {  	[tilespmem:s12], [sflag:$0x3] =	stream.indirect.gather [hbm4b:s3+s20], $0x80, s6, s20, $0xb8;
	[tilespmem:$0x1BB00] =	vst v63  }
0xb9: {  	s13 =	simm.s32 $0x700;
	s15 =	simm.s32 $0x8  }
0xba: {  	[tilespmem:s18], [sflag:$0x3] =	stream.indirect.gather [hbm4b:s3+s20], $0x80, s13, s20, $0xb8;
	[tilespmem:$0x1BB00] =	vst v63  }
0xbb: {  	_ =	swait.ge [sflag:s15], $0x1000  }
0xbc: {  	[sflag:s15] =	ssyncset.done $0x0  }
0xbd: {  	s11 =	simm.s32 $0x3300;
	s16 =	simm.s32 $0x60;
	[sflag:s15] =	ssyncadd.s32 $0xFFFFF000  }
0xbe: {  	[tilespmem:s11], [sflag:$0x2] =	stream.indirect.gather [hbm4b:s29+s30], $0x80, s16, s30, $0xb8;
	[tilespmem:$0x1BB00] =	vst v63  }
0xbf: {  	s17 =	simm.s32 $0x740  }
0xc0: {  	[tilespmem:s14], [sflag:$0x4] =	stream.indirect.gather [hbm4b:s3+s20], $0x80, s17, s20, $0xb8;
	[tilespmem:$0x1BB00] =	vst v63  }
0xc1: {  	s18 =	simm.s32 $0x780  }
0xc2: {  	[tilespmem:s23], [sflag:$0x4] =	stream.indirect.gather [hbm4b:s3+s20], $0x80, s18, s20, $0xb8;
	[tilespmem:$0x1BB00] =	vst v63  }
0xc3: {  	s2 =	smov.u32 s10;
	s28 =	simm.s32 $0x800;
	s23 =	simm.s32 $0x7C0  }
0xc4: {  	[tilespmem:s9], [sflag:$0x4] =	stream.indirect.gather [hbm4b:s3+s20], $0x80, s23, s20, $0xb8;
	[tilespmem:$0x1BB00] =	vst v63  }
0xc5: {  	s6 =	simm.s32 $0x840;
	s29 =	simm.s32 $0xA00;
	s30 =	simm.s32 $0x80  }
0xc6: {  	[tilespmem:s25], [sflag:$0x4] =	stream.indirect.gather [hbm4b:s3+s20], $0x80, s28, s20, $0xb8;
	[tilespmem:$0x1BB00] =	vst v63  }
.LBB2_2:
0xc7: {  	s2 =	sadd.s32 $0x400, s2;
	s15 =	simm.s32 $0x16300;
	s1 =	simm.s32 $0x1  }
0xc8: {  	[tilespmem:s15], [sflag:$0x4] =	stream.indirect.gather [hbm4b:s3+s20], $0x80, s6, s20, $0xb8;
	[tilespmem:$0x1BB00] =	vst v63  }
0xc9: {  	s0 =	smov.u32 s29;
	s11 =	simm.s32 $0x0;
	_ =	swait.ge [sflag:s1], $0x1000  }
0xca: {  	s16 =	simm.s32 $0x2300;
	p1 =	seq.s32 s0, $0x0;
	[sflag:s1] =	ssyncset.done $0x0  }
0xcb: {  	s9 =	sadd.s32 s2, s22;
	s6 =	simm.s32 @!p1 $0x9;
	[sflag:s1] =	ssyncadd.s32 $0xFFFFF000  }
0xcc: {  	[hbm4b:s9+s11] =	stream.linear.scatter [tilespmem:s16], [sflag:$0x7], $0x1000, $0x38;
	[tilespmem:$0x1BB00] =	vst v63  }
0xcd: {  	_ =	swait.ge @!p1 [sflag:s6], $0x200  }
0xce: {  	[sflag:s6] =	ssyncset.done @!p1 $0x0  }
0xcf: {  	s14 =	simm.s32 $0x18B00;
	s10 =	rddreg [dreg:$0x5];
	[sflag:s6] =	ssyncadd.s32 @!p1 $0xFFFFFE00  }
0xd0: {  	[spmem:s10] =	stream.linear.scatter [tilespmem:s14], [sflag:$0xB], $0x1000, $0x38;
	[tilespmem:$0x1BB00] =	vst v63  }
0xd1: {  	_ =	swait.ge [sflag:s24], $0x1000  }
0xd2: {  	[sflag:s24] =	ssyncset.done $0x0  }
0xd3: {  	[sflag:s24] =	ssyncadd.s32 $0xFFFFF000  }
0xd4: {  	_ =	swait.ge [sflag:s19], $0x2000  }
0xd5: {  	[sflag:s19] =	ssyncset.done $0x0  }
0xd6: {  	[sflag:s19] =	ssyncadd.s32 $0xFFFFE000  }
0xd7: {  	_ =	swait.ge [sflag:s19], $0x2000  }
0xd8: {  	[sflag:s19] =	ssyncset.done $0x0  }
0xd9: {  	[sflag:s19] =	ssyncadd.s32 $0xFFFFE000  }
0xda: {  	_ =	swait.ge [sflag:s19], $0x2000  }
0xdb: {  	[sflag:s19] =	ssyncset.done $0x0  }
0xdc: {  	[sflag:s19] =	ssyncadd.s32 $0xFFFFE000  }
0xdd: {  	_ =	swait.ge [sflag:s19], $0x2000  }
0xde: {  	[sflag:s19] =	ssyncset.done $0x0  }
0xdf: {  	[sflag:s19] =	ssyncadd.s32 $0xFFFFE000  }
0xe0: {  	_ =	swait.ge [sflag:s19], $0x2000  }
0xe1: {  	[sflag:s19] =	ssyncset.done $0x0  }
0xe2: {  	s12 =	simm.s32 $0x18300;
	s17 =	simm.s32 $0x4300;
	[sflag:s19] =	ssyncadd.s32 $0xFFFFE000  }
0xe3: {  	[spmem:s4] =	stream.indirect.scatter.add.f32 [tilespmem:s17], [sflag:$0x5], $0x80, s12, s20, $0xb8;
	[tilespmem:$0x1BB00] =	vst v63  }
0xe4: {  	s28 =	simm.s32 $0x6300;
	s13 =	simm.s32 $0x18380  }
0xe5: {  	[spmem:s4] =	stream.indirect.scatter.add.f32 [tilespmem:s28], [sflag:$0x5], $0x80, s13, s20, $0xb8;
	[tilespmem:$0x1BB00] =	vst v63  }
0xe6: {  	s5 =	simm.s32 $0x8300;
	s18 =	simm.s32 $0x18400  }
0xe7: {  	[spmem:s4] =	stream.indirect.scatter.add.f32 [tilespmem:s5], [sflag:$0x5], $0x80, s18, s20, $0xb8;
	[tilespmem:$0x1BB00] =	vst v63  }
0xe8: {  	s23 =	simm.s32 $0x18480;
	s12 =	simm.s32 $0xA300  }
0xe9: {  	[spmem:s4] =	stream.indirect.scatter.add.f32 [tilespmem:s12], [sflag:$0x5], $0x80, s23, s20, $0xb8;
	[tilespmem:$0x1BB00] =	vst v63  }
0xea: {  	s25 =	simm.s32 $0x18500;
	s18 =	simm.s32 $0xC300  }
0xeb: {  	[spmem:s4] =	stream.indirect.scatter.add.f32 [tilespmem:s18], [sflag:$0x5], $0x80, s25, s20, $0xb8;
	[tilespmem:$0x1BB00] =	vst v63  }
0xec: {  	_ =	swait.ge [sflag:s26], $0x2000  }
0xed: {  	[sflag:s26] =	ssyncset.done $0x0  }
0xee: {  	[sflag:s26] =	ssyncadd.s32 $0xFFFFE000  }
0xef: {  	_ =	swait.ge [sflag:s26], $0x2000  }
0xf0: {  	[sflag:s26] =	ssyncset.done $0x0  }
0xf1: {  	[sflag:s26] =	ssyncadd.s32 $0xFFFFE000  }
0xf2: {  	_ =	swait.ge [sflag:s26], $0x2000  }
0xf3: {  	[sflag:s26] =	ssyncset.done $0x0  }
0xf4: {  	[sflag:s26] =	ssyncadd.s32 $0xFFFFE000  }
0xf5: {  	_ =	swait.ge [sflag:s26], $0x2000  }
0xf6: {  	[sflag:s26] =	ssyncset.done $0x0  }
0xf7: {  	[sflag:s26] =	ssyncadd.s32 $0xFFFFE000  }
0xf8: {  	s31 =	sadd.s32 $0x400, s31;
	_ =	swait.ge [sflag:s26], $0x2000  }
0xf9: {  	s1 =	sadd.s32 s31, s22;
	[sflag:s26] =	ssyncset.done $0x0;
	s10 =	rddreg [dreg:$0x7]  }
0xfa: {  	s13 =	simm.s32 $0x2;
	s9 =	rddreg [dreg:$0x8];
	[sflag:s26] =	ssyncadd.s32 $0xFFFFE000  }
0xfb: {  	[hbm:s1], [sflag:s9] =	dma.local [spmem:s10], $0x200  }
0xfc: {  	_ =	swait.ge [sflag:s13], $0x1000  }
0xfd: {  	s23 =	sadd.s32 s2, s21;
	[sflag:s13] =	ssyncset.done $0x0  }
0xfe: {  	s10 =	simm.s32 @!p1 $0xA;
	[sflag:s13] =	ssyncadd.s32 $0xFFFFF000;
	s13 =	simm.s32 $0x3300  }
0xff: {  	[hbm4b:s23+s11] =	stream.linear.scatter [tilespmem:s13], [sflag:$0x8], $0x1000, $0x38;
	[tilespmem:$0x1BB00] =	vst v63  }
0x100: {  	_ =	swait.ge @!p1 [sflag:s10], $0x200  }
0x101: {  	[sflag:s10] =	ssyncset.done @!p1 $0x0  }
0x102: {  	s25 =	rddreg [dreg:$0x6];
	[sflag:s10] =	ssyncadd.s32 @!p1 $0xFFFFFE00  }
0x103: {  	[spmem:s25] =	stream.linear.scatter [tilespmem:s14], [sflag:$0xB], $0x1000, $0x38;
	[tilespmem:$0x1BB00] =	vst v63  }
0x104: {  	_ =	swait.ge [sflag:s24], $0x1000  }
0x105: {  	[sflag:s24] =	ssyncset.done $0x0  }
0x106: {  	[sflag:s24] =	ssyncadd.s32 $0xFFFFF000  }
0x107: {  	_ =	swait.ge [sflag:s7], $0x2000  }
0x108: {  	[sflag:s7] =	ssyncset.done $0x0  }
0x109: {  	[sflag:s7] =	ssyncadd.s32 $0xFFFFE000  }
0x10a: {  	_ =	swait.ge [sflag:s7], $0x2000  }
0x10b: {  	[sflag:s7] =	ssyncset.done $0x0  }
0x10c: {  	[sflag:s7] =	ssyncadd.s32 $0xFFFFE000  }
0x10d: {  	_ =	swait.ge [sflag:s7], $0x2000  }
0x10e: {  	[sflag:s7] =	ssyncset.done $0x0  }
0x10f: {  	[sflag:s7] =	ssyncadd.s32 $0xFFFFE000  }
0x110: {  	_ =	swait.ge [sflag:s7], $0x2000  }
0x111: {  	[sflag:s7] =	ssyncset.done $0x0  }
0x112: {  	[sflag:s7] =	ssyncadd.s32 $0xFFFFE000  }
0x113: {  	_ =	swait.ge [sflag:s7], $0x2000  }
0x114: {  	[sflag:s7] =	ssyncset.done $0x0  }
0x115: {  	s1 =	simm.s32 $0x18700;
	s23 =	simm.s32 $0xE300;
	[sflag:s7] =	ssyncadd.s32 $0xFFFFE000  }
0x116: {  	[spmem:s4] =	stream.indirect.scatter.add.f32 [tilespmem:s23], [sflag:$0x6], $0x80, s1, s20, $0xb8;
	[tilespmem:$0x1BB00] =	vst v63  }
0x117: {  	s6 =	simm.s32 $0x18780;
	s9 =	simm.s32 $0x10300  }
0x118: {  	[spmem:s4] =	stream.indirect.scatter.add.f32 [tilespmem:s9], [sflag:$0x6], $0x80, s6, s20, $0xb8;
	[tilespmem:$0x1BB00] =	vst v63  }
0x119: {  	s10 =	simm.s32 $0x18800;
	s25 =	simm.s32 $0x12300  }
0x11a: {  	[spmem:s4] =	stream.indirect.scatter.add.f32 [tilespmem:s25], [sflag:$0x6], $0x80, s10, s20, $0xb8;
	[tilespmem:$0x1BB00] =	vst v63  }
0x11b: {  	s11 =	simm.s32 $0x18880;
	s1 =	simm.s32 $0x14300  }
0x11c: {  	[spmem:s4] =	stream.indirect.scatter.add.f32 [tilespmem:s1], [sflag:$0x6], $0x80, s11, s20, $0xb8;
	[tilespmem:$0x1BB00] =	vst v63  }
0x11d: {  	s14 =	simm.s32 $0x18900  }
0x11e: {  	[spmem:s4] =	stream.indirect.scatter.add.f32 [tilespmem:s15], [sflag:$0x6], $0x80, s14, s20, $0xb8;
	[tilespmem:$0x1BB00] =	vst v63  }
0x11f: {  	_ =	swait.ge [sflag:s8], $0x2000  }
0x120: {  	[sflag:s8] =	ssyncset.done $0x0  }
0x121: {  	[sflag:s8] =	ssyncadd.s32 $0xFFFFE000  }
0x122: {  	_ =	swait.ge [sflag:s8], $0x2000  }
0x123: {  	[sflag:s8] =	ssyncset.done $0x0  }
0x124: {  	[sflag:s8] =	ssyncadd.s32 $0xFFFFE000  }
0x125: {  	_ =	swait.ge [sflag:s8], $0x2000  }
0x126: {  	[sflag:s8] =	ssyncset.done $0x0  }
0x127: {  	[sflag:s8] =	ssyncadd.s32 $0xFFFFE000  }
0x128: {  	_ =	swait.ge [sflag:s8], $0x2000  }
0x129: {  	[sflag:s8] =	ssyncset.done $0x0  }
0x12a: {  	[sflag:s8] =	ssyncadd.s32 $0xFFFFE000  }
0x12b: {  	_ =	swait.ge [sflag:s8], $0x2000  }
0x12c: {  	s10 =	sadd.s32 s31, s21;
	[sflag:s8] =	ssyncset.done $0x0;
	s11 =	rddreg [dreg:$0x9]  }
0x12d: {  	s15 =	simm.s32 $0x7;
	s14 =	rddreg [dreg:$0xa];
	[sflag:s8] =	ssyncadd.s32 $0xFFFFE000  }
0x12e: {  	[hbm:s10], [sflag:s14] =	dma.local [spmem:s11], $0x200  }
0x12f: {  	_ =	swait.ge [sflag:s15], $0x1000  }
0x130: {  	[sflag:s15] =	ssyncset.done $0x0  }
0x131: {  	[sflag:s15] =	ssyncadd.s32 $0xFFFFF000  }
0x132: {  	s0 =	sshra.s32 s0, $0x2;
	s15 =	simm.s32 $0x20;
	s11 =	rddreg [dreg:$0x1]  }
0x133: {  	[tilespmem:s16], [sflag:$0x1] =	stream.indirect.gather [hbm4b:s11+s15], $0x80, s30, s15, $0xb8;
	[tilespmem:$0x1BB00] =	vst v63  }
0x134: {  	s10 =	sadd.s32 $0x600, s0  }
0x135: {  	[tilespmem:s17], [sflag:$0x3] =	stream.indirect.gather [hbm4b:s3+s20], $0x80, s10, s20, $0xb8;
	[tilespmem:$0x1BB00] =	vst v63  }
0x136: {  	s14 =	sadd.s32 $0x640, s0  }
0x137: {  	[tilespmem:s28], [sflag:$0x3] =	stream.indirect.gather [hbm4b:s3+s20], $0x80, s14, s20, $0xb8;
	[tilespmem:$0x1BB00] =	vst v63  }
0x138: {  	s16 =	sadd.s32 $0x680, s0  }
0x139: {  	[tilespmem:s5], [sflag:$0x3] =	stream.indirect.gather [hbm4b:s3+s20], $0x80, s16, s20, $0xb8;
	[tilespmem:$0x1BB00] =	vst v63  }
0x13a: {  	s17 =	sadd.s32 $0x6C0, s0  }
0x13b: {  	[tilespmem:s12], [sflag:$0x3] =	stream.indirect.gather [hbm4b:s3+s20], $0x80, s17, s20, $0xb8;
	[tilespmem:$0x1BB00] =	vst v63  }
0x13c: {  	s6 =	simm.s32 $0x8;
	s5 =	sadd.s32 $0x700, s0  }
0x13d: {  	[tilespmem:s18], [sflag:$0x3] =	stream.indirect.gather [hbm4b:s3+s20], $0x80, s5, s20, $0xb8;
	[tilespmem:$0x1BB00] =	vst v63  }
0x13e: {  	_ =	swait.ge [sflag:s6], $0x1000  }
0x13f: {  	[sflag:s6] =	ssyncset.done $0x0  }
0x140: {  	s29 =	sadd.s32 $0xA00, s29;
	s10 =	sadd.s32 $0x20, s30;
	[sflag:s6] =	ssyncadd.s32 $0xFFFFF000  }
0x141: {  	[tilespmem:s13], [sflag:$0x2] =	stream.indirect.gather [hbm4b:s11+s15], $0x80, s10, s15, $0xb8;
	[tilespmem:$0x1BB00] =	vst v63  }
0x142: {  	p0 =	sne.s32 s29, $0x6E00;
	s12 =	sadd.s32 $0x740, s0  }
0x143: {  	[tilespmem:s23], [sflag:$0x4] =	stream.indirect.gather [hbm4b:s3+s20], $0x80, s12, s20, $0xb8;
	[tilespmem:$0x1BB00] =	vst v63  }
0x144: {  	s30 =	sadd.s32 $0x40, s30;
	s14 =	simm.s32 $0x20;
	s16 =	sadd.s32 $0x780, s0  }
0x145: {  	[tilespmem:s9], [sflag:$0x4] =	stream.indirect.gather [hbm4b:s3+s20], $0x80, s16, s20, $0xb8;
	[tilespmem:$0x1BB00] =	vst v63  }
.Ltmp0:
0x146: {  	s28 =	simm.s32 $0x3300;
	s17 =	sadd.s32 $0x7C0, s0;
	(pc) =	sbr.rel @p0 .LBB2_2-.Ltmp0, $4  }
0x147: {  	s18 =	sadd.s32 $0x800, s0;
	s6 =	sadd.s32 $0x840, s0;
	s13 =	simm.s32 $0xE300  }
0x148: {  	[tilespmem:s25], [sflag:$0x4] =	stream.indirect.gather [hbm4b:s3+s20], $0x80, s17, s20, $0xb8;
	[tilespmem:$0x1BB00] =	vst v63  }
0x149: {  	s23 =	simm.s32 $0x10300;
	s9 =	simm.s32 $0x12300;
	s25 =	simm.s32 $0x14300  }
0x14a: {  	[tilespmem:s1], [sflag:$0x4] =	stream.indirect.gather [hbm4b:s3+s20], $0x80, s18, s20, $0xb8;
	[tilespmem:$0x1BB00] =	vst v63  }
0x14b: {  	s0 =	simm.s32 $0x16300;
	s29 =	simm.s32 $0x1  }
0x14c: {  	[tilespmem:s0], [sflag:$0x4] =	stream.indirect.gather [hbm4b:s3+s20], $0x80, s6, s20, $0xb8;
	[tilespmem:$0x1BB00] =	vst v63  }
0x14d: {  	_ =	swait.ge [sflag:s29], $0x1000  }
0x14e: {  	s1 =	simm.s32 $0x0;
	[sflag:s29] =	ssyncset.done $0x0  }
0x14f: {  	s15 =	simm.s32 $0x2300;
	s2 =	rddreg [dreg:$0x11];
	[sflag:s29] =	ssyncadd.s32 $0xFFFFF000  }
0x150: {  	[hbm4b:s2+s1] =	stream.linear.scatter [tilespmem:s15], [sflag:$0x7], $0x1000, $0x38;
	[tilespmem:$0x1BB00] =	vst v63  }
0x151: {  	s1 =	simm.s32 $0x9  }
0x152: {  	_ =	swait.ge [sflag:s1], $0x200  }
0x153: {  	[sflag:s1] =	ssyncset.done $0x0  }
0x154: {  	s11 =	simm.s32 $0x18B00;
	s10 =	rddreg [dreg:$0x5];
	[sflag:s1] =	ssyncadd.s32 $0xFFFFFE00  }
0x155: {  	[spmem:s10] =	stream.linear.scatter [tilespmem:s11], [sflag:$0xB], $0x1000, $0x38;
	[tilespmem:$0x1BB00] =	vst v63  }
0x156: {  	_ =	swait.ge [sflag:s24], $0x1000  }
0x157: {  	[sflag:s24] =	ssyncset.done $0x0  }
0x158: {  	[sflag:s24] =	ssyncadd.s32 $0xFFFFF000  }
0x159: {  	_ =	swait.ge [sflag:s19], $0x2000  }
0x15a: {  	[sflag:s19] =	ssyncset.done $0x0  }
0x15b: {  	[sflag:s19] =	ssyncadd.s32 $0xFFFFE000  }
0x15c: {  	_ =	swait.ge [sflag:s19], $0x2000  }
0x15d: {  	[sflag:s19] =	ssyncset.done $0x0  }
0x15e: {  	[sflag:s19] =	ssyncadd.s32 $0xFFFFE000  }
0x15f: {  	_ =	swait.ge [sflag:s19], $0x2000  }
0x160: {  	[sflag:s19] =	ssyncset.done $0x0  }
0x161: {  	[sflag:s19] =	ssyncadd.s32 $0xFFFFE000  }
0x162: {  	_ =	swait.ge [sflag:s19], $0x2000  }
0x163: {  	[sflag:s19] =	ssyncset.done $0x0  }
0x164: {  	[sflag:s19] =	ssyncadd.s32 $0xFFFFE000  }
0x165: {  	_ =	swait.ge [sflag:s19], $0x2000  }
0x166: {  	[sflag:s19] =	ssyncset.done $0x0  }
0x167: {  	s5 =	simm.s32 $0x18300;
	s16 =	simm.s32 $0x4300;
	[sflag:s19] =	ssyncadd.s32 $0xFFFFE000  }
0x168: {  	[spmem:s4] =	stream.indirect.scatter.add.f32 [tilespmem:s16], [sflag:$0x5], $0x80, s5, s20, $0xb8;
	[tilespmem:$0x1BB00] =	vst v63  }
0x169: {  	s17 =	simm.s32 $0x6300;
	s6 =	simm.s32 $0x18380  }
0x16a: {  	[spmem:s4] =	stream.indirect.scatter.add.f32 [tilespmem:s17], [sflag:$0x5], $0x80, s6, s20, $0xb8;
	[tilespmem:$0x1BB00] =	vst v63  }
0x16b: {  	s30 =	simm.s32 $0x8300;
	s12 =	simm.s32 $0x18400  }
0x16c: {  	[spmem:s4] =	stream.indirect.scatter.add.f32 [tilespmem:s30], [sflag:$0x5], $0x80, s12, s20, $0xb8;
	[tilespmem:$0x1BB00] =	vst v63  }
0x16d: {  	s18 =	simm.s32 $0x18480;
	s12 =	simm.s32 $0xA300  }
0x16e: {  	[spmem:s4] =	stream.indirect.scatter.add.f32 [tilespmem:s12], [sflag:$0x5], $0x80, s18, s20, $0xb8;
	[tilespmem:$0x1BB00] =	vst v63  }
0x16f: {  	s31 =	simm.s32 $0x18500;
	s18 =	simm.s32 $0xC300  }
0x170: {  	[spmem:s4] =	stream.indirect.scatter.add.f32 [tilespmem:s18], [sflag:$0x5], $0x80, s31, s20, $0xb8;
	[tilespmem:$0x1BB00] =	vst v63  }
0x171: {  	_ =	swait.ge [sflag:s26], $0x2000  }
0x172: {  	[sflag:s26] =	ssyncset.done $0x0  }
0x173: {  	[sflag:s26] =	ssyncadd.s32 $0xFFFFE000  }
0x174: {  	_ =	swait.ge [sflag:s26], $0x2000  }
0x175: {  	[sflag:s26] =	ssyncset.done $0x0  }
0x176: {  	[sflag:s26] =	ssyncadd.s32 $0xFFFFE000  }
0x177: {  	_ =	swait.ge [sflag:s26], $0x2000  }
0x178: {  	[sflag:s26] =	ssyncset.done $0x0  }
0x179: {  	[sflag:s26] =	ssyncadd.s32 $0xFFFFE000  }
0x17a: {  	_ =	swait.ge [sflag:s26], $0x2000  }
0x17b: {  	[sflag:s26] =	ssyncset.done $0x0  }
0x17c: {  	[sflag:s26] =	ssyncadd.s32 $0xFFFFE000  }
0x17d: {  	_ =	swait.ge [sflag:s26], $0x2000  }
0x17e: {  	s2 =	rddreg [dreg:$0x12]  }
0x17f: {  	[sflag:s26] =	ssyncset.done $0x0;
	s6 =	rddreg [dreg:$0x7]  }
0x180: {  	s5 =	rddreg [dreg:$0x8];
	[sflag:s26] =	ssyncadd.s32 $0xFFFFE000  }
0x181: {  	[hbm:s2], [sflag:s5] =	dma.local [spmem:s6], $0x200  }
0x182: {  	s2 =	simm.s32 $0x7  }
0x183: {  	_ =	swait.ge [sflag:s2], $0x1000  }
0x184: {  	[sflag:s2] =	ssyncset.done $0x0  }
0x185: {  	[sflag:s2] =	ssyncadd.s32 $0xFFFFF000  }
0x186: {  	s31 =	simm.s32 $0x300;
	s0 =	rddreg [dreg:$0x1]  }
0x187: {  	[tilespmem:s15], [sflag:$0x1] =	stream.indirect.gather [hbm4b:s0+s14], $0x80, s31, s14, $0xb8;
	[tilespmem:$0x1BB00] =	vst v63  }
0x188: {  	s14 =	simm.s32 $0x2180  }
0x189: {  	[tilespmem:s16], [sflag:$0x3] =	stream.indirect.gather [hbm4b:s3+s20], $0x80, s14, s20, $0xb8;
	[tilespmem:$0x1BB00] =	vst v63  }
0x18a: {  	s31 =	simm.s32 $0x21C0  }
0x18b: {  	[tilespmem:s17], [sflag:$0x3] =	stream.indirect.gather [hbm4b:s3+s20], $0x80, s31, s20, $0xb8;
	[tilespmem:$0x1BB00] =	vst v63  }
0x18c: {  	s14 =	simm.s32 $0x2200  }
0x18d: {  	[tilespmem:s30], [sflag:$0x3] =	stream.indirect.gather [hbm4b:s3+s20], $0x80, s14, s20, $0xb8;
	[tilespmem:$0x1BB00] =	vst v63  }
0x18e: {  	s31 =	simm.s32 $0x2240  }
0x18f: {  	[tilespmem:s12], [sflag:$0x3] =	stream.indirect.gather [hbm4b:s3+s20], $0x80, s31, s20, $0xb8;
	[tilespmem:$0x1BB00] =	vst v63  }
0x190: {  	s14 =	simm.s32 $0x2280;
	s31 =	simm.s32 $0x2  }
0x191: {  	[tilespmem:s18], [sflag:$0x3] =	stream.indirect.gather [hbm4b:s3+s20], $0x80, s14, s20, $0xb8;
	[tilespmem:$0x1BB00] =	vst v63  }
0x192: {  	_ =	swait.ge [sflag:s31], $0x1000  }
0x193: {  	[sflag:s31] =	ssyncset.done $0x0  }
0x194: {  	s14 =	rddreg [dreg:$0x13];
	[sflag:s31] =	ssyncadd.s32 $0xFFFFF000;
	s31 =	simm.s32 $0x0  }
0x195: {  	[hbm4b:s14+s31] =	stream.linear.scatter [tilespmem:s28], [sflag:$0x8], $0x1000, $0x38;
	[tilespmem:$0x1BB00] =	vst v63  }
0x196: {  	s14 =	simm.s32 $0xA  }
0x197: {  	_ =	swait.ge [sflag:s14], $0x200  }
0x198: {  	[sflag:s14] =	ssyncset.done $0x0  }
0x199: {  	s28 =	rddreg [dreg:$0x6];
	[sflag:s14] =	ssyncadd.s32 $0xFFFFFE00  }
0x19a: {  	[spmem:s28] =	stream.linear.scatter [tilespmem:s11], [sflag:$0xB], $0x1000, $0x38;
	[tilespmem:$0x1BB00] =	vst v63  }
0x19b: {  	_ =	swait.ge [sflag:s24], $0x1000  }
0x19c: {  	[sflag:s24] =	ssyncset.done $0x0  }
0x19d: {  	[sflag:s24] =	ssyncadd.s32 $0xFFFFF000  }
0x19e: {  	_ =	swait.ge [sflag:s7], $0x2000  }
0x19f: {  	[sflag:s7] =	ssyncset.done $0x0  }
0x1a0: {  	[sflag:s7] =	ssyncadd.s32 $0xFFFFE000  }
0x1a1: {  	_ =	swait.ge [sflag:s7], $0x2000  }
0x1a2: {  	[sflag:s7] =	ssyncset.done $0x0  }
0x1a3: {  	[sflag:s7] =	ssyncadd.s32 $0xFFFFE000  }
0x1a4: {  	_ =	swait.ge [sflag:s7], $0x2000  }
0x1a5: {  	[sflag:s7] =	ssyncset.done $0x0  }
0x1a6: {  	[sflag:s7] =	ssyncadd.s32 $0xFFFFE000  }
0x1a7: {  	_ =	swait.ge [sflag:s7], $0x2000  }
0x1a8: {  	[sflag:s7] =	ssyncset.done $0x0  }
0x1a9: {  	[sflag:s7] =	ssyncadd.s32 $0xFFFFE000  }
0x1aa: {  	_ =	swait.ge [sflag:s7], $0x2000  }
0x1ab: {  	[sflag:s7] =	ssyncset.done $0x0  }
0x1ac: {  	s28 =	simm.s32 $0x18700;
	[sflag:s7] =	ssyncadd.s32 $0xFFFFE000  }
0x1ad: {  	[spmem:s4] =	stream.indirect.scatter.add.f32 [tilespmem:s13], [sflag:$0x6], $0x80, s28, s20, $0xb8;
	[tilespmem:$0x1BB00] =	vst v63  }
0x1ae: {  	s13 =	simm.s32 $0x18780  }
0x1af: {  	[spmem:s4] =	stream.indirect.scatter.add.f32 [tilespmem:s23], [sflag:$0x6], $0x80, s13, s20, $0xb8;
	[tilespmem:$0x1BB00] =	vst v63  }
0x1b0: {  	s23 =	simm.s32 $0x18800  }
0x1b1: {  	[spmem:s4] =	stream.indirect.scatter.add.f32 [tilespmem:s9], [sflag:$0x6], $0x80, s23, s20, $0xb8;
	[tilespmem:$0x1BB00] =	vst v63  }
0x1b2: {  	s28 =	simm.s32 $0x18880  }
0x1b3: {  	[spmem:s4] =	stream.indirect.scatter.add.f32 [tilespmem:s25], [sflag:$0x6], $0x80, s28, s20, $0xb8;
	[tilespmem:$0x1BB00] =	vst v63  }
0x1b4: {  	s13 =	simm.s32 $0x16300;
	s9 =	simm.s32 $0x18900  }
0x1b5: {  	[spmem:s4] =	stream.indirect.scatter.add.f32 [tilespmem:s13], [sflag:$0x6], $0x80, s9, s20, $0xb8;
	[tilespmem:$0x1BB00] =	vst v63  }
0x1b6: {  	_ =	swait.ge [sflag:s8], $0x2000  }
0x1b7: {  	[sflag:s8] =	ssyncset.done $0x0  }
0x1b8: {  	[sflag:s8] =	ssyncadd.s32 $0xFFFFE000  }
0x1b9: {  	_ =	swait.ge [sflag:s8], $0x2000  }
0x1ba: {  	[sflag:s8] =	ssyncset.done $0x0  }
0x1bb: {  	[sflag:s8] =	ssyncadd.s32 $0xFFFFE000  }
0x1bc: {  	_ =	swait.ge [sflag:s8], $0x2000  }
0x1bd: {  	[sflag:s8] =	ssyncset.done $0x0  }
0x1be: {  	[sflag:s8] =	ssyncadd.s32 $0xFFFFE000  }
0x1bf: {  	_ =	swait.ge [sflag:s8], $0x2000  }
0x1c0: {  	[sflag:s8] =	ssyncset.done $0x0  }
0x1c1: {  	[sflag:s8] =	ssyncadd.s32 $0xFFFFE000  }
0x1c2: {  	_ =	swait.ge [sflag:s8], $0x2000  }
0x1c3: {  	s23 =	rddreg [dreg:$0x14]  }
0x1c4: {  	[sflag:s8] =	ssyncset.done $0x0;
	s25 =	rddreg [dreg:$0x9]  }
0x1c5: {  	s28 =	rddreg [dreg:$0xa];
	[sflag:s8] =	ssyncadd.s32 $0xFFFFE000  }
0x1c6: {  	[hbm:s23], [sflag:s28] =	dma.local [spmem:s25], $0x200  }
0x1c7: {  	_ =	swait.ge [sflag:s29], $0x1000  }
0x1c8: {  	[sflag:s29] =	ssyncset.done $0x0  }
0x1c9: {  	s13 =	rddreg [dreg:$0x15];
	[sflag:s29] =	ssyncadd.s32 $0xFFFFF000  }
0x1ca: {  	[hbm4b:s13+s31] =	stream.linear.scatter [tilespmem:s15], [sflag:$0x7], $0x1000, $0x38;
	[tilespmem:$0x1BB00] =	vst v63  }
0x1cb: {  	_ =	swait.ge [sflag:s1], $0x200  }
0x1cc: {  	[sflag:s1] =	ssyncset.done $0x0  }
0x1cd: {  	[sflag:s1] =	ssyncadd.s32 $0xFFFFFE00  }
0x1ce: {  	[spmem:s10] =	stream.linear.scatter [tilespmem:s11], [sflag:$0xB], $0x1000, $0x38;
	[tilespmem:$0x1BB00] =	vst v63  }
0x1cf: {  	_ =	swait.ge [sflag:s24], $0x1000  }
0x1d0: {  	[sflag:s24] =	ssyncset.done $0x0  }
0x1d1: {  	[sflag:s24] =	ssyncadd.s32 $0xFFFFF000  }
0x1d2: {  	_ =	swait.ge [sflag:s19], $0x2000  }
0x1d3: {  	[sflag:s19] =	ssyncset.done $0x0  }
0x1d4: {  	[sflag:s19] =	ssyncadd.s32 $0xFFFFE000  }
0x1d5: {  	_ =	swait.ge [sflag:s19], $0x2000  }
0x1d6: {  	[sflag:s19] =	ssyncset.done $0x0  }
0x1d7: {  	[sflag:s19] =	ssyncadd.s32 $0xFFFFE000  }
0x1d8: {  	_ =	swait.ge [sflag:s19], $0x2000  }
0x1d9: {  	[sflag:s19] =	ssyncset.done $0x0  }
0x1da: {  	[sflag:s19] =	ssyncadd.s32 $0xFFFFE000  }
0x1db: {  	_ =	swait.ge [sflag:s19], $0x2000  }
0x1dc: {  	[sflag:s19] =	ssyncset.done $0x0  }
0x1dd: {  	[sflag:s19] =	ssyncadd.s32 $0xFFFFE000  }
0x1de: {  	_ =	swait.ge [sflag:s19], $0x2000  }
0x1df: {  	[sflag:s19] =	ssyncset.done $0x0  }
0x1e0: {  	s15 =	simm.s32 $0x18300;
	[sflag:s19] =	ssyncadd.s32 $0xFFFFE000  }
0x1e1: {  	[spmem:s4] =	stream.indirect.scatter.add.f32 [tilespmem:s16], [sflag:$0x5], $0x80, s15, s20, $0xb8;
	[tilespmem:$0x1BB00] =	vst v63  }
0x1e2: {  	s16 =	simm.s32 $0x18380  }
0x1e3: {  	[spmem:s4] =	stream.indirect.scatter.add.f32 [tilespmem:s17], [sflag:$0x5], $0x80, s16, s20, $0xb8;
	[tilespmem:$0x1BB00] =	vst v63  }
0x1e4: {  	s17 =	simm.s32 $0x18400  }
0x1e5: {  	[spmem:s4] =	stream.indirect.scatter.add.f32 [tilespmem:s30], [sflag:$0x5], $0x80, s17, s20, $0xb8;
	[tilespmem:$0x1BB00] =	vst v63  }
0x1e6: {  	s23 =	simm.s32 $0x18480  }
0x1e7: {  	[spmem:s4] =	stream.indirect.scatter.add.f32 [tilespmem:s12], [sflag:$0x5], $0x80, s23, s20, $0xb8;
	[tilespmem:$0x1BB00] =	vst v63  }
0x1e8: {  	s25 =	simm.s32 $0x18500  }
0x1e9: {  	[spmem:s4] =	stream.indirect.scatter.add.f32 [tilespmem:s18], [sflag:$0x5], $0x80, s25, s20, $0xb8;
	[tilespmem:$0x1BB00] =	vst v63  }
0x1ea: {  	_ =	swait.ge [sflag:s26], $0x2000  }
0x1eb: {  	[sflag:s26] =	ssyncset.done $0x0  }
0x1ec: {  	[sflag:s26] =	ssyncadd.s32 $0xFFFFE000  }
0x1ed: {  	_ =	swait.ge [sflag:s26], $0x2000  }
0x1ee: {  	[sflag:s26] =	ssyncset.done $0x0  }
0x1ef: {  	[sflag:s26] =	ssyncadd.s32 $0xFFFFE000  }
0x1f0: {  	_ =	swait.ge [sflag:s26], $0x2000  }
0x1f1: {  	[sflag:s26] =	ssyncset.done $0x0  }
0x1f2: {  	[sflag:s26] =	ssyncadd.s32 $0xFFFFE000  }
0x1f3: {  	_ =	swait.ge [sflag:s26], $0x2000  }
0x1f4: {  	[sflag:s26] =	ssyncset.done $0x0  }
0x1f5: {  	[sflag:s26] =	ssyncadd.s32 $0xFFFFE000  }
0x1f6: {  	_ =	swait.ge [sflag:s26], $0x2000  }
0x1f7: {  	[sflag:s26] =	ssyncset.done $0x0  }
0x1f8: {  	s29 =	simm.s32 $0x8;
	s28 =	rddreg [dreg:$0x16];
	[sflag:s26] =	ssyncadd.s32 $0xFFFFE000  }
0x1f9: {  	[hbm:s28], [sflag:s5] =	dma.local [spmem:s6], $0x200  }
0x1fa: {  	_ =	swait.ge [sflag:s29], $0x1000  }
0x1fb: {  	[sflag:s29] =	ssyncset.done $0x0  }
0x1fc: {  	[sflag:s29] =	ssyncadd.s32 $0xFFFFF000  }
0x1fd: {  	_ =	swait.ge [sflag:s14], $0x200  }
0x1fe: {  	[sflag:s14] =	ssyncset.done $0x0  }
0x1ff: {  	[sflag:s14] =	ssyncadd.s32 $0xFFFFFE00  }
0x200: {  	_ =	swait.ge [sflag:s2], $0x1000  }
0x201: {  	[sflag:s2] =	ssyncset.done $0x0  }
0x202: {  	[sflag:s2] =	ssyncadd.s32 $0xFFFFF000  }
0x203: {  	_ =	swait.ge [sflag:s1], $0x200  }
0x204: {  	s30 =	rddreg [dreg:$0x18]  }
0x205: {  	s31 =	rddreg [dreg:$0x17];
	s2 =	sadd.s32 $0x1, s30  }
0x206: {  	p0 =	sne.s32 s2, s31  }
.Ltmp1:
0x207: {  	_ = 	snop;
	(pc) =	sbr.rel @p0 .LBB2_1-.Ltmp1, $3  }
0x208: {  	_ =	sdelay $0x1  }
0x209: {  	[sflag:s1] =	ssyncset.done $0x0  }
0x20a: {  	[sflag:s1] =	ssyncadd.s32 $0xFFFFFE00  }
0x20b: {  	_ =	sfence.sel $0x180000  }
0x20c: {  	[bflag:$0x0] =	sbarrier.arrive $0xFFFF  }
0x20d: {  	_ =	strace $0x90000047  }
0x20e: {  	s0 =	stileid.u32;
	[bflag:$0x2] =	sbarrier.arrive $0xFFFF  }
0x20f: {  	p0 =	sne.s32 s0, $0x0;
	s0 =	rddreg [dreg:$0x4]  }
0x210: {  	s0 =	sadd.s32 @!p0 $0x100000, s0  }
0x211: {  	[sflag:s0] =	ssyncadd.tile.s32 @!p0 $0x1;
	_ =	shalt  }
.Lfunc_end2:
_tile_overlayer_lowered:
.L_overlay_start_2:
0x212: {  	(tag) =	ssettag $0x2  }
0x213: {  	s0 =	rddreg [dreg:$0x0];
	s2 =	stileid.u32  }
0x214: {  	s1 =	rddreg [dreg:$0x1];
	p0 =	sne.s32 s2, $0x0  }
0x215: {  	s3 =	rddreg [dreg:$0x2];
	[bflag:$0x3] =	sbarrier.arrive $0xFFFF;
	s2 =	simm.s32 @!p0 $0x1C0B  }
0x216: {  	[timem:s3], [sflag:s2] =	dma.local @!p0 [hbm:s0], s1  }
0x217: {  	s0 =	simm.s32 @!p0 $0xB  }
0x218: {  	_ =	swait.ge @!p0 [sflag:s0], s1  }
0x219: {  	s1 =	ssub.s32 @!p0 $0x0, s1;
	[sflag:s0] =	ssyncset.done @!p0 $0x0  }
0x21a: {  	[sflag:s0] =	ssyncadd.s32 @!p0 s1  }
0x21b: {  	[bflag:$0x3] =	sbarrier.arrive $0xFFFF  }
0x21c: {  	_ =	shalt  }

// kernel: kernel.9.cloned.1.call-start
scs
__scs_entry_jumppad:
0x0: {  	(pc) =	sbr.rel $0x88, $3  }
0x1: {  	(tag) =	ssettag $0x0;
	lr =	simm.s32 $0x1  }
0x2: {  	[smem:$0x3F8D] =	sst lr;
	_ =	strace $0xD0000000  }
0x3: {  	_ = 	snop  }
0x4: {  	_ = 	snop  }
0x5: {  	_ = 	snop  }
0x6: {  	_ = 	snop  }
0x7: {  	_ = 	snop  }
__scs_overlays_trampoline_lowered:
0x8: {  	[smem:$0x3F9C] =	sst s0  }
0x9: {  	[smem:$0x3F9D] =	sst s1  }
0xa: {  	[smem:$0x3F9E] =	sst s2  }
0xb: {  	[smem:$0x3F9F] =	sst s3  }
0xc: {  	[smem:$0x3FA0] =	sst s4  }
0xd: {  	[smem:$0x3FA1] =	sst s5  }
0xe: {  	[smem:$0x3FA2] =	sst s6  }
0xf: {  	[smem:$0x3FA3] =	sst s7  }
0x10: {  	[smem:$0x3FA4] =	sst s8  }
0x11: {  	[smem:$0x3FA5] =	sst s9;
	s0 =	simm.s32 @!p0 $0x0  }
0x12: {  	s1 =	sld [smem:$0x3F8B];
	s0 =	simm.s32 @p0 $0x1  }
0x13: {  	[smem:$0x3FA6] =	sst s0;
	s0 =	simm.s32 @!p1 $0x0  }
0x14: {  	s2 =	sld [smem:$0x3F8A];
	s0 =	simm.s32 @p1 $0x1  }
0x15: {  	[smem:$0x3FA7] =	sst s0;
	s0 =	simm.s32 @!p2 $0x0  }
0x16: {  	s3 =	sld [smem:$0x3FDB];
	s0 =	simm.s32 @p2 $0x1  }
0x17: {  	s4 =	simm.s32 $0x1BF5;
	[smem:$0x3FA9] =	sst s0  }
0x18: {  	s0 =	sld [smem:$0x3F8C];
	_ =	swait.ge [sflag:s4], $0x0  }
0x19: {  	s7 =	sld [smem:$0x3F8D]  }
0x1a: {  	s8 =	sadd.s32 $0xFFFFE003, lr  }
0x1b: {  	s9 =	sadd.s32 $0xFFFFFEF7, lr;
	s5 =	simm.s32 $0xFFFFFFFF;
	p2 =	slt.u32 s8, $0xFFFFF086  }
0x1c: {  	p1 =	slt.u32 s9, $0xF7A;
	s5 =	simm.s32 @!p2 $0x0  }
0x1d: {  	s5 =	simm.s32 @p1 $0x1;
	p0 =	seq.s32 s7, s2  }
0x1e: {  	s7 =	smul.u32 @!p0 $0xF7A, s2;
	p2 =	seq.s32 @!p0 s5, $0x0  }
0x1f: {  	s9 =	smul.u32 $0xF7A, s1;
	s8 =	simm.s32 @!p0 $0x1BF5;
	p2 =	por !p2, p0  }
0x20: {  	[sflag:s8] =	ssyncset.s32 @!p0 $0xFFFFF086;
	s6 =	sadd.s32 @!p0 s3, s7;
	s7 =	simm.s32 @!p0 $0x108  }
0x21: {  	s3 =	sadd.s32 s3, s9;
	s6 =	sadd.s32 @!p0 $0x88, s6;
	s7 =	simm.s32 @p2 $0x1082  }
0x22: {  	[simem:s7], [sflag:s8] =	dma.local @!p0 [hbm:s6], $0xF7A  }
0x23: {  	s9 =	sor.u32 $0xD0000000, s2;
	s6 =	simm.s32 $0x108;
	_ =	swait.ge @!p0 [sflag:s8], $0x0  }
0x24: {  	s3 =	sadd.s32 $0x88, s3;
	s6 =	simm.s32 @!p1 $0x1082;
	[sflag:s4] =	ssyncset.s32 $0xFFFFF086  }
0x25: {  	[simem:s6], [sflag:s4] =	dma.local [hbm:s3], $0xF7A  }
0x26: {  	[smem:$0x3F8D] =	sst s1;
	(tag) =	ssettag s2;
	_ =	strace s9  }
0x27: {  	s1 =	sld [smem:$0x3F9D]  }
0x28: {  	s2 =	sld [smem:$0x3F9E]  }
0x29: {  	s4 =	sld [smem:$0x3FA0]  }
0x2a: {  	p0 =	seq.s32 s5, $0x0;
	s5 =	sld [smem:$0x3FA1]  }
0x2b: {  	s6 =	sld [smem:$0x3FA2]  }
0x2c: {  	s7 =	sld [smem:$0x3FA3]  }
0x2d: {  	s3 =	simm.s32 $0x108;
	s8 =	sld [smem:$0x3FA4]  }
0x2e: {  	s3 =	simm.s32 @!p0 $0x1082;
	s9 =	sld [smem:$0x3FA5]  }
0x2f: {  	lr =	sadd.s32 s0, s3;
	s0 =	sld [smem:$0x3F9C]  }
0x30: {  	s3 =	sld [smem:$0x3F9F]  }
0x31: {  	[smem:$0x3FA8] =	sst s10  }
0x32: {  	s10 =	sld [smem:$0x3FA6];
	_ =	sdelay $0x3  }
0x33: {  	p0 =	seq.s32 s10, $0x1;
	s10 =	sld [smem:$0x3FA8];
	_ =	sdelay $0x3  }
0x34: {  	[smem:$0x3FA8] =	sst s10  }
0x35: {  	s10 =	sld [smem:$0x3FA7];
	_ =	sdelay $0x3  }
0x36: {  	p1 =	seq.s32 s10, $0x1;
	s10 =	sld [smem:$0x3FA8];
	_ =	sdelay $0x3  }
0x37: {  	[smem:$0x3FA8] =	sst s10  }
0x38: {  	s10 =	sld [smem:$0x3FA9]  }
0x39: {  	_ = 	snop;
	(pc) =	sbr.ind lr, $3  }
0x3a: {  	_ = 	snop  }
0x3b: {  	_ = 	snop  }
0x3c: {  	p2 =	seq.s32 s10, $0x1;
	s10 =	sld [smem:$0x3FA8]  }
0x3d: {  	_ =	shalt  }
0x3e: {  	_ =	shalt  }
0x3f: {  	_ =	shalt  }
0x40: {  	_ =	shalt  }
0x41: {  	_ =	shalt  }
0x42: {  	_ =	shalt  }
0x43: {  	_ =	shalt  }
0x44: {  	_ =	shalt  }
0x45: {  	_ =	shalt  }
0x46: {  	_ =	shalt  }
0x47: {  	_ =	shalt  }
0x48: {  	_ =	shalt  }
0x49: {  	_ =	shalt  }
0x4a: {  	_ =	shalt  }
0x4b: {  	_ =	shalt  }
0x4c: {  	_ =	shalt  }
0x4d: {  	_ =	shalt  }
0x4e: {  	_ =	shalt  }
0x4f: {  	_ =	shalt  }
0x50: {  	_ =	shalt  }
0x51: {  	_ =	shalt  }
0x52: {  	_ =	shalt  }
0x53: {  	_ =	shalt  }
0x54: {  	_ =	shalt  }
0x55: {  	_ =	shalt  }
0x56: {  	_ =	shalt  }
0x57: {  	_ =	shalt  }
0x58: {  	_ =	shalt  }
0x59: {  	_ =	shalt  }
0x5a: {  	_ =	shalt  }
0x5b: {  	_ =	shalt  }
0x5c: {  	_ =	shalt  }
0x5d: {  	_ =	shalt  }
0x5e: {  	_ =	shalt  }
0x5f: {  	_ =	shalt  }
0x60: {  	_ =	shalt  }
0x61: {  	_ =	shalt  }
0x62: {  	_ =	shalt  }
0x63: {  	_ =	shalt  }
0x64: {  	_ =	shalt  }
0x65: {  	_ =	shalt  }
0x66: {  	_ =	shalt  }
0x67: {  	_ =	shalt  }
0x68: {  	_ =	shalt  }
0x69: {  	_ =	shalt  }
0x6a: {  	_ =	shalt  }
0x6b: {  	_ =	shalt  }
0x6c: {  	_ =	shalt  }
0x6d: {  	_ =	shalt  }
0x6e: {  	_ =	shalt  }
0x6f: {  	_ =	shalt  }
0x70: {  	_ =	shalt  }
0x71: {  	_ =	shalt  }
0x72: {  	_ =	shalt  }
0x73: {  	_ =	shalt  }
0x74: {  	_ =	shalt  }
0x75: {  	_ =	shalt  }
0x76: {  	_ =	shalt  }
0x77: {  	_ =	shalt  }
0x78: {  	_ =	shalt  }
0x79: {  	_ =	shalt  }
0x7a: {  	_ =	shalt  }
0x7b: {  	_ =	shalt  }
0x7c: {  	_ =	shalt  }
0x7d: {  	_ =	shalt  }
0x7e: {  	_ =	shalt  }
0x7f: {  	_ =	shalt  }
0x80: {  	_ =	shalt  }
0x81: {  	_ =	shalt  }
0x82: {  	_ =	shalt  }
0x83: {  	_ =	shalt  }
0x84: {  	_ =	shalt  }
0x85: {  	_ =	shalt  }
0x86: {  	_ =	shalt  }
0x87: {  	_ =	shalt  }
.Lfunc_end0:
.L_simem_size_0:
called_computation.1_lowered:
.L_overlay_start_0:
0x88: {  	s2 =	sld [smem:$0x3FD9]  }
0x89: {  	s3 =	sld [smem:$0x3FFE];
	_ =	sdelay $0x1  }
0x8a: {  	s1 =	srdreg.scid  }
0x8b: {  	s0 =	sand.u32 $0x1, s1  }
0x8c: {  	s17 =	sshll.u32 s0, $0xA;
	s2 =	sadd.s32 s3, s2  }
0x8d: {  	s2 =	sadd.s32 s2, s17  }
0x8e: {  	[smem:$0x3FB4] =	sst s2  }
0x8f: {  	_ = 	snop  }
0x90: {  	s18 =	sld [smem:$0x3FC4]  }
0x91: {  	s4 =	sld [smem:$0x3FBC];
	(tm) =	ssettm $0x1  }
0x92: {  	s19 =	sld [smem:$0x3FFB];
	_ =	sdelay $0x3  }
0x93: {  	_ =	strace s19  }
0x94: {  	s2 =	sld [smem:$0x3FFC];
	_ =	sdelay $0x3  }
0x95: {  	_ =	strace s2  }
0x96: {  	s2 =	sld [smem:$0x3FFD];
	_ =	sdelay $0x3  }
0x97: {  	_ =	strace s2  }
0x98: {  	_ =	strace $0x8FFFFFFF  }
0x99: {  	s20 =	sld [smem:$0x3FDB];
	_ =	sdelay $0x1  }
0x9a: {  	s5 =	simm.s32 $_scs_section_size  }
0x9b: {  	s6 =	simm.s32 $_size__tile_overlayer_lowered;
	s7 =	simm.s32 $_tile_overlayer_lowered  }
0x9c: {  	s8 =	simm.s32 $0x1BFF;
	s21 =	sshll.u32 s7, $0x1;
	s5 =	sadd.s32 s5, s20  }
0x9d: {  	s22 =	simm.s32 $0x0;
	s6 =	sshll.u32 s6, $0x1;
	s7 =	sadd.s32 s21, s5  }
0x9e: {  	[timem:s22], [sflag:s8] =	dma.local [hbm:s7], s6  }
0x9f: {  	_ =	swait.ge [sflag:s8], s6  }
0xa0: {  	s6 =	ssub.s32 $0x0, s6;
	[sflag:s8] =	ssyncset.done $0x0  }
0xa1: {  	[sflag:s8] =	ssyncadd.s32 s6;
	_ =	sdelay $0x1  }
0xa2: {  	s23 =	simm.s32 $0x1B8B  }
0xa3: {  	_ =	swait.ge [sflag:s23], $0x1  }
0xa4: {  	[sflag:s23] =	ssyncset.done $0x0  }
0xa5: {  	[sflag:s23] =	ssyncadd.s32 $0xFFFFFFFF  }
0xa6: {  	s6 =	sld [smem:$0x0]  }
0xa7: {  	s7 =	sand.u32 $0xFFFFFFFE, s1  }
0xa8: {  	p0 =	sne.s32 s1, s7  }
0xa9: {  	s7 =	sshll.u32 @p0 s7, $0xE  }
0xaa: {  	s7 =	sadd.s32 @p0 $0x11B8D, s7;
	s8 =	sshll.u32 @p0 s6, $0x11  }
0xab: {  	s7 =	sor.u32 @p0 s8, s7  }
0xac: {  	[sflag:s7] =	ssyncadd.remote.s32 @p0 $0x1;
	_ =	sdelay $0x1  }
0xad: {  	s7 =	simm.s32 @p0 $0x1B8D  }
0xae: {  	_ =	swait.eq @p0 [sflag:s7], $0x1  }
0xaf: {  	[sflag:s7] =	ssyncadd.s32 @p0 $0xFFFFFFFF  }
0xb0: {  	s8 =	sshll.u32 @!p0 s1, $0xE  }
0xb1: {  	s8 =	sor.u32 @!p0 $0x4000, s8;
	s7 =	simm.s32 @!p0 $0x1B8D  }
0xb2: {  	s6 =	sshll.u32 @!p0 s6, $0x11;
	s8 =	sadd.s32 @!p0 $0x11B8D, s8;
	_ =	swait.eq @!p0 [sflag:s7], $0x1  }
0xb3: {  	s6 =	sor.u32 @!p0 s6, s8;
	[sflag:s7] =	ssyncadd.s32 @!p0 $0xFFFFFFFF  }
0xb4: {  	s25 =	simm.s32 $0x1B8E;
	s24 =	sld [smem:$0x3FFE];
	[sflag:s6] =	ssyncadd.remote.s32 @!p0 $0x1  }
0xb5: {  	s26 =	simm.s32 $execute0_lowered;
	[smem:$0x3FD2] =	sst s25  }
0xb6: {  	s7 =	sshll.u32 s26, $0x1;
	_ =	strace $0x80000049;
	[dreg:$0x1] =	wrdreg $0xFFFFFFFF  }
0xb7: {  	s28 =	simm.s32 $_size_execute0_lowered;
	s5 =	sadd.s32 s5, s7;
	[dreg:$0x0] =	wrdreg $0x0  }
0xb8: {  	s7 =	sshll.u32 s28, $0x1;
	[dreg:$0x2] =	wrdreg s5  }
0xb9: {  	[dreg:$0x3] =	wrdreg s7  }
0xba: {  	[dreg:$0x4] =	wrdreg $0xC0  }
0xbb: {  	_ =	task [dreg:s22], $0x5FFFF  }
0xbc: {  	[dreg:$0x1] =	wrdreg $0xFFFFFFFF  }
0xbd: {  	[dreg:$0x0] =	wrdreg $0x60  }
0xbe: {  	[dreg:$0x2] =	wrdreg s24  }
0xbf: {  	[dreg:$0x3] =	wrdreg s18  }
0xc0: {  	[dreg:$0x4] =	wrdreg s4  }
0xc1: {  	[dreg:$0x5] =	wrdreg $0x19B000  }
0xc2: {  	[dreg:$0x6] =	wrdreg $0xA  }
0xc3: {  	_ =	task.clear_ibuf [dreg:s22], $0x7FFFF;
	_ =	strace $0x90000049  }
0xc4: {  	s29 =	simm.s32 $0xA;
	_ =	strace $0x8000004B  }
0xc5: {  	_ =	swait.ge [sflag:s29], $0x1  }
0xc6: {  	[sflag:s29] =	ssyncadd.s32 $0xFFFFFFFF  }
0xc7: {  	_ =	strace $0x9000004B  }
0xc8: {  	_ =	sfence  }
0xc9: {  	s30 =	sld [smem:$0x0];
	_ =	sdelay $0x2  }
0xca: {  	s31 =	sshll.u32 s1, $0xD;
	s1 =	sshrl.u32 s1, $0x2  }
0xcb: {  	s4 =	sand.u32 $0x4000, s31;
	s1 =	sadd.s32 s1, s30  }
0xcc: {  	s0 =	sor.u32 s4, s0;
	s1 =	sshll.u32 s1, $0x11  }
0xcd: {  	s0 =	sor.u32 s1, s0  }
0xce: {  	s0 =	sadd.s32 $0x8F2B, s0  }
0xcf: {  	[sflag:s0] =	ssyncadd.remote.s32 $0x1  }
0xd0: {  	_ =	sfence.sel $0xFFFF  }
0xd1: {  	[dreg:$0x0] =	wrdreg $0xFFFFFFFF;
	(pc) =	sbr.abs _section_cstart, $3  }
0xd2: {  	[dreg:$0x1] =	wrdreg $0xFFFFFFFF  }
0xd3: {  	_ =	task.clear_ibuf [dreg:s22], $0x2FFFF;
	_ =	strace $0x9FFFFFFF  }
0xd4: {  	(tm) =	ssettm $0x7FFFFFFF  }
0xd5: {  	_ =	shalt  }
tec
execute0_lowered:
.L_overlay_start_1:
0x0: {  	(tag) =	ssettag $0x1  }
0x1: {  	s0 =	rddreg [dreg:$0x0]  }
0x2: {  	s1 =	srdreg.scid;
	s3 =	rddreg [dreg:$0x2]  }
0x3: {  	s9 =	stileid.u32;
	s4 =	rddreg [dreg:$0x3];
	s6 =	simm.s32 $0x0  }
0x4: {  	s1 =	sand.u32 $0x1, s1;
	s2 =	sshll.u32 s9, $0x1;
	[smem:$0x7FF] =	sst s6  }
0x5: {  	s7 =	sshll.u32 s9, $0x8;
	s8 =	sadd.s32 $0xDC00, s0;
	s10 =	sadd.s32 $0xDEA00, s0  }
0x6: {  	s11 =	sadd.s32 $0x142A00, s0;
	s21 =	sshll.u32 s9, $0xD;
	s23 =	smul.u32 $0x32000, s9  }
0x7: {  	s2 =	sor.u32 s1, s2;
	_ =	strace $0x8000004A;
	[dreg:$0xb] =	wrdreg s8  }
0x8: {  	s7 =	sadd.s32 s7, s0;
	s18 =	ssub.s32 $0x2, s1;
	s1 =	smul.u32 $0x19000, s1  }
0x9: {  	s22 =	sadd.s32 s21, s4;
	[dreg:$0xc] =	wrdreg s10;
	s5 =	smul.u32 $0x64, s2  }
0xa: {  	[dreg:$0xd] =	wrdreg s11;
	s8 =	simm.s32 $0x6;
	s17 =	smul.u32 $0x3E8, s2  }
0xb: {  	s19 =	sshrl.u32 s18, $0x1;
	s7 =	sadd.s32 $0xCC00, s7;
	[dreg:$0x5] =	wrdreg s22  }
0xc: {  	s2 =	smul.u32 $0x19000, s2;
	[dreg:$0xe] =	wrdreg s7;
	s1 =	sadd.s32 s1, s23  }
0xd: {  	s7 =	simm.s32 $0x4;
	s5 =	sadd.s32 s5, s0;
	s6 =	sadd.s32 s17, s0  }
0xe: {  	s0 =	ssub.s32 s18, s19;
	s2 =	sshrl.u32 s2, $0x3;
	s5 =	sadd.s32 $0xD5E00, s5  }
0xf: {  	s31 =	sadd.s32 $0x1000, s1;
	s20 =	sadd.s32 $0xD6C00, s6;
	[dreg:$0xf] =	wrdreg s5  }
0x10: {  	s19 =	simm.s32 $0x3;
	s6 =	sadd.s32 $0x1000, s22;
	[dreg:$0x10] =	wrdreg s20  }
0x11: {  	s24 =	sadd.s32 $0x2C00, s2;
	s0 =	smax.u32 s0, $0x1;
	[dreg:$0x6] =	wrdreg s6  }
0x12: {  	s26 =	sadd.s32 $0x2E00, s2;
	s25 =	sadd.s32 s10, s24;
	[dreg:$0x17] =	wrdreg s0  }
0x13: {  	s2 =	sadd.s32 $0x3000, s2;
	s6 =	sadd.s32 s11, s24;
	[dreg:$0x11] =	wrdreg s25  }
0x14: {  	s21 =	sshrl.u32 s31, $0x3;
	s28 =	sadd.s32 s10, s26;
	[dreg:$0x12] =	wrdreg s6  }
0x15: {  	s22 =	sshrl.u32 s1, $0x3;
	s29 =	sadd.s32 s11, s26;
	[dreg:$0x13] =	wrdreg s28  }
0x16: {  	s30 =	sadd.s32 s10, s2;
	s2 =	sadd.s32 s11, s2;
	[dreg:$0x14] =	wrdreg s29  }
0x17: {  	s24 =	simm.s32 $0xB;
	s20 =	simm.s32 $0x40;
	[dreg:$0x15] =	wrdreg s30  }
0x18: {  	s26 =	simm.s32 $0x5;
	[dreg:$0x16] =	wrdreg s2;
	s2 =	simm.s32 $0x0  }
.LBB2_1:
0x19: {  	[dreg:$0x18] =	wrdreg s2  }
0x1a: {  	s11 =	simm.s32 $0x0;
	s0 =	rddreg [dreg:$0xb];
	s13 =	simm.s32 $0x18B00  }
0x1b: {  	[tilespmem:s13], [sflag:$0xB] =	stream.linear.gather [hbm4b:s0+s11], $0x1000, $0x38;
	[tilespmem:$0x1BB00] =	vst v63  }
0x1c: {  	_ =	swait.ge [sflag:s24], $0x1000  }
0x1d: {  	[sflag:s24] =	ssyncset.done $0x0  }
0x1e: {  	s5 =	simm.s32 $0x18300;
	s23 =	rddreg [dreg:$0xe];
	[sflag:s24] =	ssyncadd.s32 $0xFFFFF000  }
0x1f: {  	[tilespmem:s5], [sflag:$0xB] =	stream.linear.gather [hbm4b:s23+s11], $0x280, $0x38;
	[tilespmem:$0x1BB00] =	vst v63  }
0x20: {  	s1 =	simm.s32 $0x18700;
	s0 =	sadd.s32 $0x80, s23  }
0x21: {  	[tilespmem:s1], [sflag:$0xB] =	stream.linear.gather [hbm4b:s0+s11], $0x280, $0x38;
	[tilespmem:$0x1BB00] =	vst v63  }
0x22: {  	_ =	swait.ge [sflag:s24], $0x500  }
0x23: {  	[sflag:s24] =	ssyncset.done $0x0  }
0x24: {  	s25 =	rddreg [dreg:$0xf];
	[sflag:s24] =	ssyncadd.s32 $0xFFFFFB00  }
0x25: {  	[tilespmem:s11], [sflag:$0xB] =	stream.linear.gather [hbm4b:s25+s11], $0x320, $0x38;
	[tilespmem:$0x1BB00] =	vst v63  }
0x26: {  	_ =	swait.ge [sflag:s24], $0x320  }
0x27: {  	[sflag:s24] =	ssyncset.done $0x0  }
0x28: {  	s1 =	simm.s32 $0x380;
	s28 =	rddreg [dreg:$0x10];
	[sflag:s24] =	ssyncadd.s32 $0xFFFFFCE0  }
0x29: {  	[tilespmem:s1], [sflag:$0xB] =	stream.linear.gather [hbm4b:s28+s11], $0x1F40, $0x38;
	[tilespmem:$0x1BB00] =	vst v63  }
0x2a: {  	_ =	swait.ge [sflag:s24], $0x1F40  }
0x2b: {  	[sflag:s24] =	ssyncset.done $0x0  }
0x2c: {  	[sflag:s24] =	ssyncadd.s32 $0xFFFFE0C0  }
0x2d: {  	s30 =	simm.s32 $0x20;
	s15 =	simm.s32 $0x2300;
	s29 =	rddreg [dreg:$0x1]  }
0x2e: {  	[tilespmem:s15], [sflag:$0x1] =	stream.indirect.gather [hbm4b:s29+s30], $0x80, s11, s30, $0xb8;
	[tilespmem:$0x1BB00] =	vst v63  }
0x2f: {  	s16 =	simm.s32 $0x4300  }
0x30: {  	[tilespmem:s16], [sflag:$0x3] =	stream.indirect.gather [hbm4b:s3+s20], $0x80, s1, s20, $0xb8;
	[tilespmem:$0x1BB00] =	vst v63  }
0x31: {  	s2 =	simm.s32 $0x3C0;
	s17 =	simm.s32 $0x6300  }
0x32: {  	[tilespmem:s17], [sflag:$0x3] =	stream.indirect.gather [hbm4b:s3+s20], $0x80, s2, s20, $0xb8;
	[tilespmem:$0x1BB00] =	vst v63  }
0x33: {  	s6 =	simm.s32 $0x400;
	s28 =	simm.s32 $0x8300  }
0x34: {  	[tilespmem:s28], [sflag:$0x3] =	stream.indirect.gather [hbm4b:s3+s20], $0x80, s6, s20, $0xb8;
	[tilespmem:$0x1BB00] =	vst v63  }
0x35: {  	s9 =	simm.s32 $0x440;
	s12 =	simm.s32 $0xA300  }
0x36: {  	[tilespmem:s12], [sflag:$0x3] =	stream.indirect.gather [hbm4b:s3+s20], $0x80, s9, s20, $0xb8;
	[tilespmem:$0x1BB00] =	vst v63  }
0x37: {  	s10 =	simm.s32 $0x480;
	s18 =	simm.s32 $0xC300  }
0x38: {  	[tilespmem:s18], [sflag:$0x3] =	stream.indirect.gather [hbm4b:s3+s20], $0x80, s10, s20, $0xb8;
	[tilespmem:$0x1BB00] =	vst v63  }
0x39: {  	s14 =	simm.s32 $0x3300  }
0x3a: {  	[tilespmem:s14], [sflag:$0x2] =	stream.indirect.gather [hbm4b:s29+s30], $0x80, s30, s30, $0xb8;
	[tilespmem:$0x1BB00] =	vst v63  }
0x3b: {  	s23 =	simm.s32 $0x4C0;
	s14 =	simm.s32 $0xE300  }
0x3c: {  	[tilespmem:s14], [sflag:$0x4] =	stream.indirect.gather [hbm4b:s3+s20], $0x80, s23, s20, $0xb8;
	[tilespmem:$0x1BB00] =	vst v63  }
0x3d: {  	s25 =	simm.s32 $0x500;
	s23 =	simm.s32 $0x10300  }
0x3e: {  	[tilespmem:s23], [sflag:$0x4] =	stream.indirect.gather [hbm4b:s3+s20], $0x80, s25, s20, $0xb8;
	[tilespmem:$0x1BB00] =	vst v63  }
0x3f: {  	s1 =	simm.s32 $0x540;
	s9 =	simm.s32 $0x12300  }
0x40: {  	[tilespmem:s9], [sflag:$0x4] =	stream.indirect.gather [hbm4b:s3+s20], $0x80, s1, s20, $0xb8;
	[tilespmem:$0x1BB00] =	vst v63  }
0x41: {  	s2 =	simm.s32 $0x580;
	s25 =	simm.s32 $0x14300  }
0x42: {  	[tilespmem:s25], [sflag:$0x4] =	stream.indirect.gather [hbm4b:s3+s20], $0x80, s2, s20, $0xb8;
	[tilespmem:$0x1BB00] =	vst v63  }
0x43: {  	s6 =	simm.s32 $0x5C0;
	s10 =	simm.s32 $0x1;
	s1 =	simm.s32 $0x16300  }
0x44: {  	[tilespmem:s1], [sflag:$0x4] =	stream.indirect.gather [hbm4b:s3+s20], $0x80, s6, s20, $0xb8;
	[tilespmem:$0x1BB00] =	vst v63  }
0x45: {  	_ =	swait.ge [sflag:s10], $0x1000  }
0x46: {  	[sflag:s10] =	ssyncset.done $0x0  }
0x47: {  	p0 =	por $0x1, $0x1;
	[sflag:s10] =	ssyncadd.s32 $0xFFFFF000;
	s10 =	rddreg [dreg:$0xc]  }
0x48: {  	s0 =	simm.s32 @!p0 $0x9;
	s2 =	sadd.s32 s10, s22  }
0x49: {  	[hbm4b:s2+s11] =	stream.linear.scatter [tilespmem:s15], [sflag:$0x7], $0x1000, $0x38;
	[tilespmem:$0x1BB00] =	vst v63  }
0x4a: {  	_ =	swait.ge @!p0 [sflag:s0], $0x200  }
0x4b: {  	[sflag:s0] =	ssyncset.done @!p0 $0x0  }
0x4c: {  	s2 =	rddreg [dreg:$0x5];
	[sflag:s0] =	ssyncadd.s32 @!p0 $0xFFFFFE00  }
0x4d: {  	[spmem:s2] =	stream.linear.scatter [tilespmem:s13], [sflag:$0xB], $0x1000, $0x38;
	[tilespmem:$0x1BB00] =	vst v63  }
0x4e: {  	_ =	swait.ge [sflag:s24], $0x1000  }
0x4f: {  	[sflag:s24] =	ssyncset.done $0x0  }
0x50: {  	[sflag:s24] =	ssyncadd.s32 $0xFFFFF000  }
0x51: {  	_ =	swait.ge [sflag:s19], $0x2000  }
0x52: {  	[sflag:s19] =	ssyncset.done $0x0  }
0x53: {  	[sflag:s19] =	ssyncadd.s32 $0xFFFFE000  }
0x54: {  	_ =	swait.ge [sflag:s19], $0x2000  }
0x55: {  	[sflag:s19] =	ssyncset.done $0x0  }
0x56: {  	[sflag:s19] =	ssyncadd.s32 $0xFFFFE000  }
0x57: {  	_ =	swait.ge [sflag:s19], $0x2000  }
0x58: {  	[sflag:s19] =	ssyncset.done $0x0  }
0x59: {  	[sflag:s19] =	ssyncadd.s32 $0xFFFFE000  }
0x5a: {  	_ =	swait.ge [sflag:s19], $0x2000  }
0x5b: {  	[sflag:s19] =	ssyncset.done $0x0  }
0x5c: {  	[sflag:s19] =	ssyncadd.s32 $0xFFFFE000  }
0x5d: {  	_ =	swait.ge [sflag:s19], $0x2000  }
0x5e: {  	[sflag:s19] =	ssyncset.done $0x0  }
0x5f: {  	[sflag:s19] =	ssyncadd.s32 $0xFFFFE000  }
0x60: {  	[spmem:s4] =	stream.indirect.scatter.add.f32 [tilespmem:s16], [sflag:$0x5], $0x80, s5, s20, $0xb8;
	[tilespmem:$0x1BB00] =	vst v63  }
0x61: {  	s5 =	simm.s32 $0x18380  }
0x62: {  	[spmem:s4] =	stream.indirect.scatter.add.f32 [tilespmem:s17], [sflag:$0x5], $0x80, s5, s20, $0xb8;
	[tilespmem:$0x1BB00] =	vst v63  }
0x63: {  	s6 =	simm.s32 $0x18400  }
0x64: {  	[spmem:s4] =	stream.indirect.scatter.add.f32 [tilespmem:s28], [sflag:$0x5], $0x80, s6, s20, $0xb8;
	[tilespmem:$0x1BB00] =	vst v63  }
0x65: {  	s5 =	simm.s32 $0x18480  }
0x66: {  	[spmem:s4] =	stream.indirect.scatter.add.f32 [tilespmem:s12], [sflag:$0x5], $0x80, s5, s20, $0xb8;
	[tilespmem:$0x1BB00] =	vst v63  }
0x67: {  	s6 =	simm.s32 $0x18500  }
0x68: {  	[spmem:s4] =	stream.indirect.scatter.add.f32 [tilespmem:s18], [sflag:$0x5], $0x80, s6, s20, $0xb8;
	[tilespmem:$0x1BB00] =	vst v63  }
0x69: {  	_ =	swait.ge [sflag:s26], $0x2000  }
0x6a: {  	[sflag:s26] =	ssyncset.done $0x0  }
0x6b: {  	[sflag:s26] =	ssyncadd.s32 $0xFFFFE000  }
0x6c: {  	_ =	swait.ge [sflag:s26], $0x2000  }
0x6d: {  	[sflag:s26] =	ssyncset.done $0x0  }
0x6e: {  	[sflag:s26] =	ssyncadd.s32 $0xFFFFE000  }
0x6f: {  	_ =	swait.ge [sflag:s26], $0x2000  }
0x70: {  	[sflag:s26] =	ssyncset.done $0x0  }
0x71: {  	[sflag:s26] =	ssyncadd.s32 $0xFFFFE000  }
0x72: {  	_ =	swait.ge [sflag:s26], $0x2000  }
0x73: {  	s5 =	stileid.u32;
	[sflag:s26] =	ssyncset.done $0x0  }
0x74: {  	s0 =	sshll.u32 s5, $0x6;
	s5 =	sshrl.u32 s2, $0x3;
	[sflag:s26] =	ssyncadd.s32 $0xFFFFE000  }
0x75: {  	_ =	swait.ge [sflag:s26], $0x2000;
	[dreg:$0x7] =	wrdreg s5  }
0x76: {  	s6 =	sor.u32 $0x1C09, s0;
	[sflag:s26] =	ssyncset.done $0x0;
	s31 =	rddreg [dreg:$0xd]  }
0x77: {  	[dreg:$0x8] =	wrdreg s6;
	s2 =	sadd.s32 s31, s22;
	[sflag:s26] =	ssyncadd.s32 $0xFFFFE000  }
0x78: {  	[hbm:s2], [sflag:s6] =	dma.local [spmem:s5], $0x200  }
0x79: {  	s6 =	simm.s32 $0x2  }
0x7a: {  	_ =	swait.ge [sflag:s6], $0x1000  }
0x7b: {  	s2 =	sadd.s32 s10, s21;
	[sflag:s6] =	ssyncset.done $0x0  }
0x7c: {  	s5 =	simm.s32 $0x3300;
	[sflag:s6] =	ssyncadd.s32 $0xFFFFF000;
	s6 =	simm.s32 @!p0 $0xA  }
0x7d: {  	[hbm4b:s2+s11] =	stream.linear.scatter [tilespmem:s5], [sflag:$0x8], $0x1000, $0x38;
	[tilespmem:$0x1BB00] =	vst v63  }
0x7e: {  	_ =	swait.ge @!p0 [sflag:s6], $0x200  }
0x7f: {  	[sflag:s6] =	ssyncset.done @!p0 $0x0  }
0x80: {  	s2 =	rddreg [dreg:$0x6];
	[sflag:s6] =	ssyncadd.s32 @!p0 $0xFFFFFE00  }
0x81: {  	[spmem:s2] =	stream.linear.scatter [tilespmem:s13], [sflag:$0xB], $0x1000, $0x38;
	[tilespmem:$0x1BB00] =	vst v63  }
0x82: {  	_ =	swait.ge [sflag:s24], $0x1000  }
0x83: {  	[sflag:s24] =	ssyncset.done $0x0  }
0x84: {  	[sflag:s24] =	ssyncadd.s32 $0xFFFFF000  }
0x85: {  	_ =	swait.ge [sflag:s7], $0x2000  }
0x86: {  	[sflag:s7] =	ssyncset.done $0x0  }
0x87: {  	[sflag:s7] =	ssyncadd.s32 $0xFFFFE000  }
0x88: {  	_ =	swait.ge [sflag:s7], $0x2000  }
0x89: {  	[sflag:s7] =	ssyncset.done $0x0  }
0x8a: {  	[sflag:s7] =	ssyncadd.s32 $0xFFFFE000  }
0x8b: {  	_ =	swait.ge [sflag:s7], $0x2000  }
0x8c: {  	[sflag:s7] =	ssyncset.done $0x0  }
0x8d: {  	[sflag:s7] =	ssyncadd.s32 $0xFFFFE000  }
0x8e: {  	_ =	swait.ge [sflag:s7], $0x2000  }
0x8f: {  	[sflag:s7] =	ssyncset.done $0x0  }
0x90: {  	[sflag:s7] =	ssyncadd.s32 $0xFFFFE000  }
0x91: {  	_ =	swait.ge [sflag:s7], $0x2000  }
0x92: {  	[sflag:s7] =	ssyncset.done $0x0  }
0x93: {  	s13 =	simm.s32 $0x18700;
	[sflag:s7] =	ssyncadd.s32 $0xFFFFE000  }
0x94: {  	[spmem:s4] =	stream.indirect.scatter.add.f32 [tilespmem:s14], [sflag:$0x6], $0x80, s13, s20, $0xb8;
	[tilespmem:$0x1BB00] =	vst v63  }
0x95: {  	s6 =	simm.s32 $0x18780  }
0x96: {  	[spmem:s4] =	stream.indirect.scatter.add.f32 [tilespmem:s23], [sflag:$0x6], $0x80, s6, s20, $0xb8;
	[tilespmem:$0x1BB00] =	vst v63  }
0x97: {  	s13 =	simm.s32 $0x18800  }
0x98: {  	[spmem:s4] =	stream.indirect.scatter.add.f32 [tilespmem:s9], [sflag:$0x6], $0x80, s13, s20, $0xb8;
	[tilespmem:$0x1BB00] =	vst v63  }
0x99: {  	s6 =	simm.s32 $0x18880  }
0x9a: {  	[spmem:s4] =	stream.indirect.scatter.add.f32 [tilespmem:s25], [sflag:$0x6], $0x80, s6, s20, $0xb8;
	[tilespmem:$0x1BB00] =	vst v63  }
0x9b: {  	s13 =	simm.s32 $0x18900  }
0x9c: {  	[spmem:s4] =	stream.indirect.scatter.add.f32 [tilespmem:s1], [sflag:$0x6], $0x80, s13, s20, $0xb8;
	[tilespmem:$0x1BB00] =	vst v63  }
0x9d: {  	_ =	swait.ge [sflag:s8], $0x2000  }
0x9e: {  	[sflag:s8] =	ssyncset.done $0x0  }
0x9f: {  	[sflag:s8] =	ssyncadd.s32 $0xFFFFE000  }
0xa0: {  	_ =	swait.ge [sflag:s8], $0x2000  }
0xa1: {  	[sflag:s8] =	ssyncset.done $0x0  }
0xa2: {  	[sflag:s8] =	ssyncadd.s32 $0xFFFFE000  }
0xa3: {  	_ =	swait.ge [sflag:s8], $0x2000  }
0xa4: {  	[sflag:s8] =	ssyncset.done $0x0  }
0xa5: {  	[sflag:s8] =	ssyncadd.s32 $0xFFFFE000  }
0xa6: {  	_ =	swait.ge [sflag:s8], $0x2000  }
0xa7: {  	[sflag:s8] =	ssyncset.done $0x0  }
0xa8: {  	[sflag:s8] =	ssyncadd.s32 $0xFFFFE000  }
0xa9: {  	s0 =	sor.u32 $0x1C0A, s0;
	s5 =	sshrl.u32 s2, $0x3;
	_ =	swait.ge [sflag:s8], $0x2000  }
0xaa: {  	s6 =	sadd.s32 s31, s21;
	[dreg:$0x9] =	wrdreg s5;
	[sflag:s8] =	ssyncset.done $0x0  }
0xab: {  	s13 =	simm.s32 $0x7;
	[dreg:$0xa] =	wrdreg s0;
	[sflag:s8] =	ssyncadd.s32 $0xFFFFE000  }
0xac: {  	[hbm:s6], [sflag:s0] =	dma.local [spmem:s5], $0x200  }
0xad: {  	_ =	swait.ge [sflag:s13], $0x1000  }
0xae: {  	[sflag:s13] =	ssyncset.done $0x0  }
0xaf: {  	[sflag:s13] =	ssyncadd.s32 $0xFFFFF000  }
0xb0: {  	[tilespmem:s15], [sflag:$0x1] =	stream.indirect.gather [hbm4b:s29+s30], $0x80, s20, s30, $0xb8;
	[tilespmem:$0x1BB00] =	vst v63  }
0xb1: {  	s1 =	simm.s32 $0x600  }
0xb2: {  	[tilespmem:s16], [sflag:$0x3] =	stream.indirect.gather [hbm4b:s3+s20], $0x80, s1, s20, $0xb8;
	[tilespmem:$0x1BB00] =	vst v63  }
0xb3: {  	s2 =	simm.s32 $0x640  }
0xb4: {  	[tilespmem:s17], [sflag:$0x3] =	stream.indirect.gather [hbm4b:s3+s20], $0x80, s2, s20, $0xb8;
	[tilespmem:$0x1BB00] =	vst v63  }
0xb5: {  	s5 =	simm.s32 $0x680  }
0xb6: {  	[tilespmem:s28], [sflag:$0x3] =	stream.indirect.gather [hbm4b:s3+s20], $0x80, s5, s20, $0xb8;
	[tilespmem:$0x1BB00] =	vst v63  }
0xb7: {  	s6 =	simm.s32 $0x6C0  }
0xb8: {  	[tilespmem:s12], [sflag:$0x3] =	stream.indirect.gather [hbm4b:s3+s20], $0x80, s6, s20, $0xb8;
	[tilespmem:$0x1BB00] =	vst v63  }
0xb9: {  	s13 =	simm.s32 $0x700;
	s15 =	simm.s32 $0x8  }
0xba: {  	[tilespmem:s18], [sflag:$0x3] =	stream.indirect.gather [hbm4b:s3+s20], $0x80, s13, s20, $0xb8;
	[tilespmem:$0x1BB00] =	vst v63  }
0xbb: {  	_ =	swait.ge [sflag:s15], $0x1000  }
0xbc: {  	[sflag:s15] =	ssyncset.done $0x0  }
0xbd: {  	s11 =	simm.s32 $0x3300;
	s16 =	simm.s32 $0x60;
	[sflag:s15] =	ssyncadd.s32 $0xFFFFF000  }
0xbe: {  	[tilespmem:s11], [sflag:$0x2] =	stream.indirect.gather [hbm4b:s29+s30], $0x80, s16, s30, $0xb8;
	[tilespmem:$0x1BB00] =	vst v63  }
0xbf: {  	s17 =	simm.s32 $0x740  }
0xc0: {  	[tilespmem:s14], [sflag:$0x4] =	stream.indirect.gather [hbm4b:s3+s20], $0x80, s17, s20, $0xb8;
	[tilespmem:$0x1BB00] =	vst v63  }
0xc1: {  	s18 =	simm.s32 $0x780  }
0xc2: {  	[tilespmem:s23], [sflag:$0x4] =	stream.indirect.gather [hbm4b:s3+s20], $0x80, s18, s20, $0xb8;
	[tilespmem:$0x1BB00] =	vst v63  }
0xc3: {  	s2 =	smov.u32 s10;
	s28 =	simm.s32 $0x800;
	s23 =	simm.s32 $0x7C0  }
0xc4: {  	[tilespmem:s9], [sflag:$0x4] =	stream.indirect.gather [hbm4b:s3+s20], $0x80, s23, s20, $0xb8;
	[tilespmem:$0x1BB00] =	vst v63  }
0xc5: {  	s6 =	simm.s32 $0x840;
	s29 =	simm.s32 $0xA00;
	s30 =	simm.s32 $0x80  }
0xc6: {  	[tilespmem:s25], [sflag:$0x4] =	stream.indirect.gather [hbm4b:s3+s20], $0x80, s28, s20, $0xb8;
	[tilespmem:$0x1BB00] =	vst v63  }
.LBB2_2:
0xc7: {  	s2 =	sadd.s32 $0x400, s2;
	s15 =	simm.s32 $0x16300;
	s1 =	simm.s32 $0x1  }
0xc8: {  	[tilespmem:s15], [sflag:$0x4] =	stream.indirect.gather [hbm4b:s3+s20], $0x80, s6, s20, $0xb8;
	[tilespmem:$0x1BB00] =	vst v63  }
0xc9: {  	s0 =	smov.u32 s29;
	s11 =	simm.s32 $0x0;
	_ =	swait.ge [sflag:s1], $0x1000  }
0xca: {  	s16 =	simm.s32 $0x2300;
	p1 =	seq.s32 s0, $0x0;
	[sflag:s1] =	ssyncset.done $0x0  }
0xcb: {  	s9 =	sadd.s32 s2, s22;
	s6 =	simm.s32 @!p1 $0x9;
	[sflag:s1] =	ssyncadd.s32 $0xFFFFF000  }
0xcc: {  	[hbm4b:s9+s11] =	stream.linear.scatter [tilespmem:s16], [sflag:$0x7], $0x1000, $0x38;
	[tilespmem:$0x1BB00] =	vst v63  }
0xcd: {  	_ =	swait.ge @!p1 [sflag:s6], $0x200  }
0xce: {  	[sflag:s6] =	ssyncset.done @!p1 $0x0  }
0xcf: {  	s14 =	simm.s32 $0x18B00;
	s10 =	rddreg [dreg:$0x5];
	[sflag:s6] =	ssyncadd.s32 @!p1 $0xFFFFFE00  }
0xd0: {  	[spmem:s10] =	stream.linear.scatter [tilespmem:s14], [sflag:$0xB], $0x1000, $0x38;
	[tilespmem:$0x1BB00] =	vst v63  }
0xd1: {  	_ =	swait.ge [sflag:s24], $0x1000  }
0xd2: {  	[sflag:s24] =	ssyncset.done $0x0  }
0xd3: {  	[sflag:s24] =	ssyncadd.s32 $0xFFFFF000  }
0xd4: {  	_ =	swait.ge [sflag:s19], $0x2000  }
0xd5: {  	[sflag:s19] =	ssyncset.done $0x0  }
0xd6: {  	[sflag:s19] =	ssyncadd.s32 $0xFFFFE000  }
0xd7: {  	_ =	swait.ge [sflag:s19], $0x2000  }
0xd8: {  	[sflag:s19] =	ssyncset.done $0x0  }
0xd9: {  	[sflag:s19] =	ssyncadd.s32 $0xFFFFE000  }
0xda: {  	_ =	swait.ge [sflag:s19], $0x2000  }
0xdb: {  	[sflag:s19] =	ssyncset.done $0x0  }
0xdc: {  	[sflag:s19] =	ssyncadd.s32 $0xFFFFE000  }
0xdd: {  	_ =	swait.ge [sflag:s19], $0x2000  }
0xde: {  	[sflag:s19] =	ssyncset.done $0x0  }
0xdf: {  	[sflag:s19] =	ssyncadd.s32 $0xFFFFE000  }
0xe0: {  	_ =	swait.ge [sflag:s19], $0x2000  }
0xe1: {  	[sflag:s19] =	ssyncset.done $0x0  }
0xe2: {  	s12 =	simm.s32 $0x18300;
	s17 =	simm.s32 $0x4300;
	[sflag:s19] =	ssyncadd.s32 $0xFFFFE000  }
0xe3: {  	[spmem:s4] =	stream.indirect.scatter.add.f32 [tilespmem:s17], [sflag:$0x5], $0x80, s12, s20, $0xb8;
	[tilespmem:$0x1BB00] =	vst v63  }
0xe4: {  	s28 =	simm.s32 $0x6300;
	s13 =	simm.s32 $0x18380  }
0xe5: {  	[spmem:s4] =	stream.indirect.scatter.add.f32 [tilespmem:s28], [sflag:$0x5], $0x80, s13, s20, $0xb8;
	[tilespmem:$0x1BB00] =	vst v63  }
0xe6: {  	s5 =	simm.s32 $0x8300;
	s18 =	simm.s32 $0x18400  }
0xe7: {  	[spmem:s4] =	stream.indirect.scatter.add.f32 [tilespmem:s5], [sflag:$0x5], $0x80, s18, s20, $0xb8;
	[tilespmem:$0x1BB00] =	vst v63  }
0xe8: {  	s23 =	simm.s32 $0x18480;
	s12 =	simm.s32 $0xA300  }
0xe9: {  	[spmem:s4] =	stream.indirect.scatter.add.f32 [tilespmem:s12], [sflag:$0x5], $0x80, s23, s20, $0xb8;
	[tilespmem:$0x1BB00] =	vst v63  }
0xea: {  	s25 =	simm.s32 $0x18500;
	s18 =	simm.s32 $0xC300  }
0xeb: {  	[spmem:s4] =	stream.indirect.scatter.add.f32 [tilespmem:s18], [sflag:$0x5], $0x80, s25, s20, $0xb8;
	[tilespmem:$0x1BB00] =	vst v63  }
0xec: {  	_ =	swait.ge [sflag:s26], $0x2000  }
0xed: {  	[sflag:s26] =	ssyncset.done $0x0  }
0xee: {  	[sflag:s26] =	ssyncadd.s32 $0xFFFFE000  }
0xef: {  	_ =	swait.ge [sflag:s26], $0x2000  }
0xf0: {  	[sflag:s26] =	ssyncset.done $0x0  }
0xf1: {  	[sflag:s26] =	ssyncadd.s32 $0xFFFFE000  }
0xf2: {  	_ =	swait.ge [sflag:s26], $0x2000  }
0xf3: {  	[sflag:s26] =	ssyncset.done $0x0  }
0xf4: {  	[sflag:s26] =	ssyncadd.s32 $0xFFFFE000  }
0xf5: {  	_ =	swait.ge [sflag:s26], $0x2000  }
0xf6: {  	[sflag:s26] =	ssyncset.done $0x0  }
0xf7: {  	[sflag:s26] =	ssyncadd.s32 $0xFFFFE000  }
0xf8: {  	s31 =	sadd.s32 $0x400, s31;
	_ =	swait.ge [sflag:s26], $0x2000  }
0xf9: {  	s1 =	sadd.s32 s31, s22;
	[sflag:s26] =	ssyncset.done $0x0;
	s10 =	rddreg [dreg:$0x7]  }
0xfa: {  	s13 =	simm.s32 $0x2;
	s9 =	rddreg [dreg:$0x8];
	[sflag:s26] =	ssyncadd.s32 $0xFFFFE000  }
0xfb: {  	[hbm:s1], [sflag:s9] =	dma.local [spmem:s10], $0x200  }
0xfc: {  	_ =	swait.ge [sflag:s13], $0x1000  }
0xfd: {  	s23 =	sadd.s32 s2, s21;
	[sflag:s13] =	ssyncset.done $0x0  }
0xfe: {  	s10 =	simm.s32 @!p1 $0xA;
	[sflag:s13] =	ssyncadd.s32 $0xFFFFF000;
	s13 =	simm.s32 $0x3300  }
0xff: {  	[hbm4b:s23+s11] =	stream.linear.scatter [tilespmem:s13], [sflag:$0x8], $0x1000, $0x38;
	[tilespmem:$0x1BB00] =	vst v63  }
0x100: {  	_ =	swait.ge @!p1 [sflag:s10], $0x200  }
0x101: {  	[sflag:s10] =	ssyncset.done @!p1 $0x0  }
0x102: {  	s25 =	rddreg [dreg:$0x6];
	[sflag:s10] =	ssyncadd.s32 @!p1 $0xFFFFFE00  }
0x103: {  	[spmem:s25] =	stream.linear.scatter [tilespmem:s14], [sflag:$0xB], $0x1000, $0x38;
	[tilespmem:$0x1BB00] =	vst v63  }
0x104: {  	_ =	swait.ge [sflag:s24], $0x1000  }
0x105: {  	[sflag:s24] =	ssyncset.done $0x0  }
0x106: {  	[sflag:s24] =	ssyncadd.s32 $0xFFFFF000  }
0x107: {  	_ =	swait.ge [sflag:s7], $0x2000  }
0x108: {  	[sflag:s7] =	ssyncset.done $0x0  }
0x109: {  	[sflag:s7] =	ssyncadd.s32 $0xFFFFE000  }
0x10a: {  	_ =	swait.ge [sflag:s7], $0x2000  }
0x10b: {  	[sflag:s7] =	ssyncset.done $0x0  }
0x10c: {  	[sflag:s7] =	ssyncadd.s32 $0xFFFFE000  }
0x10d: {  	_ =	swait.ge [sflag:s7], $0x2000  }
0x10e: {  	[sflag:s7] =	ssyncset.done $0x0  }
0x10f: {  	[sflag:s7] =	ssyncadd.s32 $0xFFFFE000  }
0x110: {  	_ =	swait.ge [sflag:s7], $0x2000  }
0x111: {  	[sflag:s7] =	ssyncset.done $0x0  }
0x112: {  	[sflag:s7] =	ssyncadd.s32 $0xFFFFE000  }
0x113: {  	_ =	swait.ge [sflag:s7], $0x2000  }
0x114: {  	[sflag:s7] =	ssyncset.done $0x0  }
0x115: {  	s1 =	simm.s32 $0x18700;
	s23 =	simm.s32 $0xE300;
	[sflag:s7] =	ssyncadd.s32 $0xFFFFE000  }
0x116: {  	[spmem:s4] =	stream.indirect.scatter.add.f32 [tilespmem:s23], [sflag:$0x6], $0x80, s1, s20, $0xb8;
	[tilespmem:$0x1BB00] =	vst v63  }
0x117: {  	s6 =	simm.s32 $0x18780;
	s9 =	simm.s32 $0x10300  }
0x118: {  	[spmem:s4] =	stream.indirect.scatter.add.f32 [tilespmem:s9], [sflag:$0x6], $0x80, s6, s20, $0xb8;
	[tilespmem:$0x1BB00] =	vst v63  }
0x119: {  	s10 =	simm.s32 $0x18800;
	s25 =	simm.s32 $0x12300  }
0x11a: {  	[spmem:s4] =	stream.indirect.scatter.add.f32 [tilespmem:s25], [sflag:$0x6], $0x80, s10, s20, $0xb8;
	[tilespmem:$0x1BB00] =	vst v63  }
0x11b: {  	s11 =	simm.s32 $0x18880;
	s1 =	simm.s32 $0x14300  }
0x11c: {  	[spmem:s4] =	stream.indirect.scatter.add.f32 [tilespmem:s1], [sflag:$0x6], $0x80, s11, s20, $0xb8;
	[tilespmem:$0x1BB00] =	vst v63  }
0x11d: {  	s14 =	simm.s32 $0x18900  }
0x11e: {  	[spmem:s4] =	stream.indirect.scatter.add.f32 [tilespmem:s15], [sflag:$0x6], $0x80, s14, s20, $0xb8;
	[tilespmem:$0x1BB00] =	vst v63  }
0x11f: {  	_ =	swait.ge [sflag:s8], $0x2000  }
0x120: {  	[sflag:s8] =	ssyncset.done $0x0  }
0x121: {  	[sflag:s8] =	ssyncadd.s32 $0xFFFFE000  }
0x122: {  	_ =	swait.ge [sflag:s8], $0x2000  }
0x123: {  	[sflag:s8] =	ssyncset.done $0x0  }
0x124: {  	[sflag:s8] =	ssyncadd.s32 $0xFFFFE000  }
0x125: {  	_ =	swait.ge [sflag:s8], $0x2000  }
0x126: {  	[sflag:s8] =	ssyncset.done $0x0  }
0x127: {  	[sflag:s8] =	ssyncadd.s32 $0xFFFFE000  }
0x128: {  	_ =	swait.ge [sflag:s8], $0x2000  }
0x129: {  	[sflag:s8] =	ssyncset.done $0x0  }
0x12a: {  	[sflag:s8] =	ssyncadd.s32 $0xFFFFE000  }
0x12b: {  	_ =	swait.ge [sflag:s8], $0x2000  }
0x12c: {  	s10 =	sadd.s32 s31, s21;
	[sflag:s8] =	ssyncset.done $0x0;
	s11 =	rddreg [dreg:$0x9]  }
0x12d: {  	s15 =	simm.s32 $0x7;
	s14 =	rddreg [dreg:$0xa];
	[sflag:s8] =	ssyncadd.s32 $0xFFFFE000  }
0x12e: {  	[hbm:s10], [sflag:s14] =	dma.local [spmem:s11], $0x200  }
0x12f: {  	_ =	swait.ge [sflag:s15], $0x1000  }
0x130: {  	[sflag:s15] =	ssyncset.done $0x0  }
0x131: {  	[sflag:s15] =	ssyncadd.s32 $0xFFFFF000  }
0x132: {  	s0 =	sshra.s32 s0, $0x2;
	s15 =	simm.s32 $0x20;
	s11 =	rddreg [dreg:$0x1]  }
0x133: {  	[tilespmem:s16], [sflag:$0x1] =	stream.indirect.gather [hbm4b:s11+s15], $0x80, s30, s15, $0xb8;
	[tilespmem:$0x1BB00] =	vst v63  }
0x134: {  	s10 =	sadd.s32 $0x600, s0  }
0x135: {  	[tilespmem:s17], [sflag:$0x3] =	stream.indirect.gather [hbm4b:s3+s20], $0x80, s10, s20, $0xb8;
	[tilespmem:$0x1BB00] =	vst v63  }
0x136: {  	s14 =	sadd.s32 $0x640, s0  }
0x137: {  	[tilespmem:s28], [sflag:$0x3] =	stream.indirect.gather [hbm4b:s3+s20], $0x80, s14, s20, $0xb8;
	[tilespmem:$0x1BB00] =	vst v63  }
0x138: {  	s16 =	sadd.s32 $0x680, s0  }
0x139: {  	[tilespmem:s5], [sflag:$0x3] =	stream.indirect.gather [hbm4b:s3+s20], $0x80, s16, s20, $0xb8;
	[tilespmem:$0x1BB00] =	vst v63  }
0x13a: {  	s17 =	sadd.s32 $0x6C0, s0  }
0x13b: {  	[tilespmem:s12], [sflag:$0x3] =	stream.indirect.gather [hbm4b:s3+s20], $0x80, s17, s20, $0xb8;
	[tilespmem:$0x1BB00] =	vst v63  }
0x13c: {  	s6 =	simm.s32 $0x8;
	s5 =	sadd.s32 $0x700, s0  }
0x13d: {  	[tilespmem:s18], [sflag:$0x3] =	stream.indirect.gather [hbm4b:s3+s20], $0x80, s5, s20, $0xb8;
	[tilespmem:$0x1BB00] =	vst v63  }
0x13e: {  	_ =	swait.ge [sflag:s6], $0x1000  }
0x13f: {  	[sflag:s6] =	ssyncset.done $0x0  }
0x140: {  	s29 =	sadd.s32 $0xA00, s29;
	s10 =	sadd.s32 $0x20, s30;
	[sflag:s6] =	ssyncadd.s32 $0xFFFFF000  }
0x141: {  	[tilespmem:s13], [sflag:$0x2] =	stream.indirect.gather [hbm4b:s11+s15], $0x80, s10, s15, $0xb8;
	[tilespmem:$0x1BB00] =	vst v63  }
0x142: {  	p0 =	sne.s32 s29, $0x6E00;
	s12 =	sadd.s32 $0x740, s0  }
0x143: {  	[tilespmem:s23], [sflag:$0x4] =	stream.indirect.gather [hbm4b:s3+s20], $0x80, s12, s20, $0xb8;
	[tilespmem:$0x1BB00] =	vst v63  }
0x144: {  	s30 =	sadd.s32 $0x40, s30;
	s14 =	simm.s32 $0x20;
	s16 =	sadd.s32 $0x780, s0  }
0x145: {  	[tilespmem:s9], [sflag:$0x4] =	stream.indirect.gather [hbm4b:s3+s20], $0x80, s16, s20, $0xb8;
	[tilespmem:$0x1BB00] =	vst v63  }
.Ltmp0:
0x146: {  	s28 =	simm.s32 $0x3300;
	s17 =	sadd.s32 $0x7C0, s0;
	(pc) =	sbr.rel @p0 .LBB2_2-.Ltmp0, $4  }
0x147: {  	s18 =	sadd.s32 $0x800, s0;
	s6 =	sadd.s32 $0x840, s0;
	s13 =	simm.s32 $0xE300  }
0x148: {  	[tilespmem:s25], [sflag:$0x4] =	stream.indirect.gather [hbm4b:s3+s20], $0x80, s17, s20, $0xb8;
	[tilespmem:$0x1BB00] =	vst v63  }
0x149: {  	s23 =	simm.s32 $0x10300;
	s9 =	simm.s32 $0x12300;
	s25 =	simm.s32 $0x14300  }
0x14a: {  	[tilespmem:s1], [sflag:$0x4] =	stream.indirect.gather [hbm4b:s3+s20], $0x80, s18, s20, $0xb8;
	[tilespmem:$0x1BB00] =	vst v63  }
0x14b: {  	s0 =	simm.s32 $0x16300;
	s29 =	simm.s32 $0x1  }
0x14c: {  	[tilespmem:s0], [sflag:$0x4] =	stream.indirect.gather [hbm4b:s3+s20], $0x80, s6, s20, $0xb8;
	[tilespmem:$0x1BB00] =	vst v63  }
0x14d: {  	_ =	swait.ge [sflag:s29], $0x1000  }
0x14e: {  	s1 =	simm.s32 $0x0;
	[sflag:s29] =	ssyncset.done $0x0  }
0x14f: {  	s15 =	simm.s32 $0x2300;
	s2 =	rddreg [dreg:$0x11];
	[sflag:s29] =	ssyncadd.s32 $0xFFFFF000  }
0x150: {  	[hbm4b:s2+s1] =	stream.linear.scatter [tilespmem:s15], [sflag:$0x7], $0x1000, $0x38;
	[tilespmem:$0x1BB00] =	vst v63  }
0x151: {  	s1 =	simm.s32 $0x9  }
0x152: {  	_ =	swait.ge [sflag:s1], $0x200  }
0x153: {  	[sflag:s1] =	ssyncset.done $0x0  }
0x154: {  	s11 =	simm.s32 $0x18B00;
	s10 =	rddreg [dreg:$0x5];
	[sflag:s1] =	ssyncadd.s32 $0xFFFFFE00  }
0x155: {  	[spmem:s10] =	stream.linear.scatter [tilespmem:s11], [sflag:$0xB], $0x1000, $0x38;
	[tilespmem:$0x1BB00] =	vst v63  }
0x156: {  	_ =	swait.ge [sflag:s24], $0x1000  }
0x157: {  	[sflag:s24] =	ssyncset.done $0x0  }
0x158: {  	[sflag:s24] =	ssyncadd.s32 $0xFFFFF000  }
0x159: {  	_ =	swait.ge [sflag:s19], $0x2000  }
0x15a: {  	[sflag:s19] =	ssyncset.done $0x0  }
0x15b: {  	[sflag:s19] =	ssyncadd.s32 $0xFFFFE000  }
0x15c: {  	_ =	swait.ge [sflag:s19], $0x2000  }
0x15d: {  	[sflag:s19] =	ssyncset.done $0x0  }
0x15e: {  	[sflag:s19] =	ssyncadd.s32 $0xFFFFE000  }
0x15f: {  	_ =	swait.ge [sflag:s19], $0x2000  }
0x160: {  	[sflag:s19] =	ssyncset.done $0x0  }
0x161: {  	[sflag:s19] =	ssyncadd.s32 $0xFFFFE000  }
0x162: {  	_ =	swait.ge [sflag:s19], $0x2000  }
0x163: {  	[sflag:s19] =	ssyncset.done $0x0  }
0x164: {  	[sflag:s19] =	ssyncadd.s32 $0xFFFFE000  }
0x165: {  	_ =	swait.ge [sflag:s19], $0x2000  }
0x166: {  	[sflag:s19] =	ssyncset.done $0x0  }
0x167: {  	s5 =	simm.s32 $0x18300;
	s16 =	simm.s32 $0x4300;
	[sflag:s19] =	ssyncadd.s32 $0xFFFFE000  }
0x168: {  	[spmem:s4] =	stream.indirect.scatter.add.f32 [tilespmem:s16], [sflag:$0x5], $0x80, s5, s20, $0xb8;
	[tilespmem:$0x1BB00] =	vst v63  }
0x169: {  	s17 =	simm.s32 $0x6300;
	s6 =	simm.s32 $0x18380  }
0x16a: {  	[spmem:s4] =	stream.indirect.scatter.add.f32 [tilespmem:s17], [sflag:$0x5], $0x80, s6, s20, $0xb8;
	[tilespmem:$0x1BB00] =	vst v63  }
0x16b: {  	s30 =	simm.s32 $0x8300;
	s12 =	simm.s32 $0x18400  }
0x16c: {  	[spmem:s4] =	stream.indirect.scatter.add.f32 [tilespmem:s30], [sflag:$0x5], $0x80, s12, s20, $0xb8;
	[tilespmem:$0x1BB00] =	vst v63  }
0x16d: {  	s18 =	simm.s32 $0x18480;
	s12 =	simm.s32 $0xA300  }
0x16e: {  	[spmem:s4] =	stream.indirect.scatter.add.f32 [tilespmem:s12], [sflag:$0x5], $0x80, s18, s20, $0xb8;
	[tilespmem:$0x1BB00] =	vst v63  }
0x16f: {  	s31 =	simm.s32 $0x18500;
	s18 =	simm.s32 $0xC300  }
0x170: {  	[spmem:s4] =	stream.indirect.scatter.add.f32 [tilespmem:s18], [sflag:$0x5], $0x80, s31, s20, $0xb8;
	[tilespmem:$0x1BB00] =	vst v63  }
0x171: {  	_ =	swait.ge [sflag:s26], $0x2000  }
0x172: {  	[sflag:s26] =	ssyncset.done $0x0  }
0x173: {  	[sflag:s26] =	ssyncadd.s32 $0xFFFFE000  }
0x174: {  	_ =	swait.ge [sflag:s26], $0x2000  }
0x175: {  	[sflag:s26] =	ssyncset.done $0x0  }
0x176: {  	[sflag:s26] =	ssyncadd.s32 $0xFFFFE000  }
0x177: {  	_ =	swait.ge [sflag:s26], $0x2000  }
0x178: {  	[sflag:s26] =	ssyncset.done $0x0  }
0x179: {  	[sflag:s26] =	ssyncadd.s32 $0xFFFFE000  }
0x17a: {  	_ =	swait.ge [sflag:s26], $0x2000  }
0x17b: {  	[sflag:s26] =	ssyncset.done $0x0  }
0x17c: {  	[sflag:s26] =	ssyncadd.s32 $0xFFFFE000  }
0x17d: {  	_ =	swait.ge [sflag:s26], $0x2000  }
0x17e: {  	s2 =	rddreg [dreg:$0x12]  }
0x17f: {  	[sflag:s26] =	ssyncset.done $0x0;
	s6 =	rddreg [dreg:$0x7]  }
0x180: {  	s5 =	rddreg [dreg:$0x8];
	[sflag:s26] =	ssyncadd.s32 $0xFFFFE000  }
0x181: {  	[hbm:s2], [sflag:s5] =	dma.local [spmem:s6], $0x200  }
0x182: {  	s2 =	simm.s32 $0x7  }
0x183: {  	_ =	swait.ge [sflag:s2], $0x1000  }
0x184: {  	[sflag:s2] =	ssyncset.done $0x0  }
0x185: {  	[sflag:s2] =	ssyncadd.s32 $0xFFFFF000  }
0x186: {  	s31 =	simm.s32 $0x300;
	s0 =	rddreg [dreg:$0x1]  }
0x187: {  	[tilespmem:s15], [sflag:$0x1] =	stream.indirect.gather [hbm4b:s0+s14], $0x80, s31, s14, $0xb8;
	[tilespmem:$0x1BB00] =	vst v63  }
0x188: {  	s14 =	simm.s32 $0x2180  }
0x189: {  	[tilespmem:s16], [sflag:$0x3] =	stream.indirect.gather [hbm4b:s3+s20], $0x80, s14, s20, $0xb8;
	[tilespmem:$0x1BB00] =	vst v63  }
0x18a: {  	s31 =	simm.s32 $0x21C0  }
0x18b: {  	[tilespmem:s17], [sflag:$0x3] =	stream.indirect.gather [hbm4b:s3+s20], $0x80, s31, s20, $0xb8;
	[tilespmem:$0x1BB00] =	vst v63  }
0x18c: {  	s14 =	simm.s32 $0x2200  }
0x18d: {  	[tilespmem:s30], [sflag:$0x3] =	stream.indirect.gather [hbm4b:s3+s20], $0x80, s14, s20, $0xb8;
	[tilespmem:$0x1BB00] =	vst v63  }
0x18e: {  	s31 =	simm.s32 $0x2240  }
0x18f: {  	[tilespmem:s12], [sflag:$0x3] =	stream.indirect.gather [hbm4b:s3+s20], $0x80, s31, s20, $0xb8;
	[tilespmem:$0x1BB00] =	vst v63  }
0x190: {  	s14 =	simm.s32 $0x2280;
	s31 =	simm.s32 $0x2  }
0x191: {  	[tilespmem:s18], [sflag:$0x3] =	stream.indirect.gather [hbm4b:s3+s20], $0x80, s14, s20, $0xb8;
	[tilespmem:$0x1BB00] =	vst v63  }
0x192: {  	_ =	swait.ge [sflag:s31], $0x1000  }
0x193: {  	[sflag:s31] =	ssyncset.done $0x0  }
0x194: {  	s14 =	rddreg [dreg:$0x13];
	[sflag:s31] =	ssyncadd.s32 $0xFFFFF000;
	s31 =	simm.s32 $0x0  }
0x195: {  	[hbm4b:s14+s31] =	stream.linear.scatter [tilespmem:s28], [sflag:$0x8], $0x1000, $0x38;
	[tilespmem:$0x1BB00] =	vst v63  }
0x196: {  	s14 =	simm.s32 $0xA  }
0x197: {  	_ =	swait.ge [sflag:s14], $0x200  }
0x198: {  	[sflag:s14] =	ssyncset.done $0x0  }
0x199: {  	s28 =	rddreg [dreg:$0x6];
	[sflag:s14] =	ssyncadd.s32 $0xFFFFFE00  }
0x19a: {  	[spmem:s28] =	stream.linear.scatter [tilespmem:s11], [sflag:$0xB], $0x1000, $0x38;
	[tilespmem:$0x1BB00] =	vst v63  }
0x19b: {  	_ =	swait.ge [sflag:s24], $0x1000  }
0x19c: {  	[sflag:s24] =	ssyncset.done $0x0  }
0x19d: {  	[sflag:s24] =	ssyncadd.s32 $0xFFFFF000  }
0x19e: {  	_ =	swait.ge [sflag:s7], $0x2000  }
0x19f: {  	[sflag:s7] =	ssyncset.done $0x0  }
0x1a0: {  	[sflag:s7] =	ssyncadd.s32 $0xFFFFE000  }
0x1a1: {  	_ =	swait.ge [sflag:s7], $0x2000  }
0x1a2: {  	[sflag:s7] =	ssyncset.done $0x0  }
0x1a3: {  	[sflag:s7] =	ssyncadd.s32 $0xFFFFE000  }
0x1a4: {  	_ =	swait.ge [sflag:s7], $0x2000  }
0x1a5: {  	[sflag:s7] =	ssyncset.done $0x0  }
0x1a6: {  	[sflag:s7] =	ssyncadd.s32 $0xFFFFE000  }
0x1a7: {  	_ =	swait.ge [sflag:s7], $0x2000  }
0x1a8: {  	[sflag:s7] =	ssyncset.done $0x0  }
0x1a9: {  	[sflag:s7] =	ssyncadd.s32 $0xFFFFE000  }
0x1aa: {  	_ =	swait.ge [sflag:s7], $0x2000  }
0x1ab: {  	[sflag:s7] =	ssyncset.done $0x0  }
0x1ac: {  	s28 =	simm.s32 $0x18700;
	[sflag:s7] =	ssyncadd.s32 $0xFFFFE000  }
0x1ad: {  	[spmem:s4] =	stream.indirect.scatter.add.f32 [tilespmem:s13], [sflag:$0x6], $0x80, s28, s20, $0xb8;
	[tilespmem:$0x1BB00] =	vst v63  }
0x1ae: {  	s13 =	simm.s32 $0x18780  }
0x1af: {  	[spmem:s4] =	stream.indirect.scatter.add.f32 [tilespmem:s23], [sflag:$0x6], $0x80, s13, s20, $0xb8;
	[tilespmem:$0x1BB00] =	vst v63  }
0x1b0: {  	s23 =	simm.s32 $0x18800  }
0x1b1: {  	[spmem:s4] =	stream.indirect.scatter.add.f32 [tilespmem:s9], [sflag:$0x6], $0x80, s23, s20, $0xb8;
	[tilespmem:$0x1BB00] =	vst v63  }
0x1b2: {  	s28 =	simm.s32 $0x18880  }
0x1b3: {  	[spmem:s4] =	stream.indirect.scatter.add.f32 [tilespmem:s25], [sflag:$0x6], $0x80, s28, s20, $0xb8;
	[tilespmem:$0x1BB00] =	vst v63  }
0x1b4: {  	s13 =	simm.s32 $0x16300;
	s9 =	simm.s32 $0x18900  }
0x1b5: {  	[spmem:s4] =	stream.indirect.scatter.add.f32 [tilespmem:s13], [sflag:$0x6], $0x80, s9, s20, $0xb8;
	[tilespmem:$0x1BB00] =	vst v63  }
0x1b6: {  	_ =	swait.ge [sflag:s8], $0x2000  }
0x1b7: {  	[sflag:s8] =	ssyncset.done $0x0  }
0x1b8: {  	[sflag:s8] =	ssyncadd.s32 $0xFFFFE000  }
0x1b9: {  	_ =	swait.ge [sflag:s8], $0x2000  }
0x1ba: {  	[sflag:s8] =	ssyncset.done $0x0  }
0x1bb: {  	[sflag:s8] =	ssyncadd.s32 $0xFFFFE000  }
0x1bc: {  	_ =	swait.ge [sflag:s8], $0x2000  }
0x1bd: {  	[sflag:s8] =	ssyncset.done $0x0  }
0x1be: {  	[sflag:s8] =	ssyncadd.s32 $0xFFFFE000  }
0x1bf: {  	_ =	swait.ge [sflag:s8], $0x2000  }
0x1c0: {  	[sflag:s8] =	ssyncset.done $0x0  }
0x1c1: {  	[sflag:s8] =	ssyncadd.s32 $0xFFFFE000  }
0x1c2: {  	_ =	swait.ge [sflag:s8], $0x2000  }
0x1c3: {  	s23 =	rddreg [dreg:$0x14]  }
0x1c4: {  	[sflag:s8] =	ssyncset.done $0x0;
	s25 =	rddreg [dreg:$0x9]  }
0x1c5: {  	s28 =	rddreg [dreg:$0xa];
	[sflag:s8] =	ssyncadd.s32 $0xFFFFE000  }
0x1c6: {  	[hbm:s23], [sflag:s28] =	dma.local [spmem:s25], $0x200  }
0x1c7: {  	_ =	swait.ge [sflag:s29], $0x1000  }
0x1c8: {  	[sflag:s29] =	ssyncset.done $0x0  }
0x1c9: {  	s13 =	rddreg [dreg:$0x15];
	[sflag:s29] =	ssyncadd.s32 $0xFFFFF000  }
0x1ca: {  	[hbm4b:s13+s31] =	stream.linear.scatter [tilespmem:s15], [sflag:$0x7], $0x1000, $0x38;
	[tilespmem:$0x1BB00] =	vst v63  }
0x1cb: {  	_ =	swait.ge [sflag:s1], $0x200  }
0x1cc: {  	[sflag:s1] =	ssyncset.done $0x0  }
0x1cd: {  	[sflag:s1] =	ssyncadd.s32 $0xFFFFFE00  }
0x1ce: {  	[spmem:s10] =	stream.linear.scatter [tilespmem:s11], [sflag:$0xB], $0x1000, $0x38;
	[tilespmem:$0x1BB00] =	vst v63  }
0x1cf: {  	_ =	swait.ge [sflag:s24], $0x1000  }
0x1d0: {  	[sflag:s24] =	ssyncset.done $0x0  }
0x1d1: {  	[sflag:s24] =	ssyncadd.s32 $0xFFFFF000  }
0x1d2: {  	_ =	swait.ge [sflag:s19], $0x2000  }
0x1d3: {  	[sflag:s19] =	ssyncset.done $0x0  }
0x1d4: {  	[sflag:s19] =	ssyncadd.s32 $0xFFFFE000  }
0x1d5: {  	_ =	swait.ge [sflag:s19], $0x2000  }
0x1d6: {  	[sflag:s19] =	ssyncset.done $0x0  }
0x1d7: {  	[sflag:s19] =	ssyncadd.s32 $0xFFFFE000  }
0x1d8: {  	_ =	swait.ge [sflag:s19], $0x2000  }
0x1d9: {  	[sflag:s19] =	ssyncset.done $0x0  }
0x1da: {  	[sflag:s19] =	ssyncadd.s32 $0xFFFFE000  }
0x1db: {  	_ =	swait.ge [sflag:s19], $0x2000  }
0x1dc: {  	[sflag:s19] =	ssyncset.done $0x0  }
0x1dd: {  	[sflag:s19] =	ssyncadd.s32 $0xFFFFE000  }
0x1de: {  	_ =	swait.ge [sflag:s19], $0x2000  }
0x1df: {  	[sflag:s19] =	ssyncset.done $0x0  }
0x1e0: {  	s15 =	simm.s32 $0x18300;
	[sflag:s19] =	ssyncadd.s32 $0xFFFFE000  }
0x1e1: {  	[spmem:s4] =	stream.indirect.scatter.add.f32 [tilespmem:s16], [sflag:$0x5], $0x80, s15, s20, $0xb8;
	[tilespmem:$0x1BB00] =	vst v63  }
0x1e2: {  	s16 =	simm.s32 $0x18380  }
0x1e3: {  	[spmem:s4] =	stream.indirect.scatter.add.f32 [tilespmem:s17], [sflag:$0x5], $0x80, s16, s20, $0xb8;
	[tilespmem:$0x1BB00] =	vst v63  }
0x1e4: {  	s17 =	simm.s32 $0x18400  }
0x1e5: {  	[spmem:s4] =	stream.indirect.scatter.add.f32 [tilespmem:s30], [sflag:$0x5], $0x80, s17, s20, $0xb8;
	[tilespmem:$0x1BB00] =	vst v63  }
0x1e6: {  	s23 =	simm.s32 $0x18480  }
0x1e7: {  	[spmem:s4] =	stream.indirect.scatter.add.f32 [tilespmem:s12], [sflag:$0x5], $0x80, s23, s20, $0xb8;
	[tilespmem:$0x1BB00] =	vst v63  }
0x1e8: {  	s25 =	simm.s32 $0x18500  }
0x1e9: {  	[spmem:s4] =	stream.indirect.scatter.add.f32 [tilespmem:s18], [sflag:$0x5], $0x80, s25, s20, $0xb8;
	[tilespmem:$0x1BB00] =	vst v63  }
0x1ea: {  	_ =	swait.ge [sflag:s26], $0x2000  }
0x1eb: {  	[sflag:s26] =	ssyncset.done $0x0  }
0x1ec: {  	[sflag:s26] =	ssyncadd.s32 $0xFFFFE000  }
0x1ed: {  	_ =	swait.ge [sflag:s26], $0x2000  }
0x1ee: {  	[sflag:s26] =	ssyncset.done $0x0  }
0x1ef: {  	[sflag:s26] =	ssyncadd.s32 $0xFFFFE000  }
0x1f0: {  	_ =	swait.ge [sflag:s26], $0x2000  }
0x1f1: {  	[sflag:s26] =	ssyncset.done $0x0  }
0x1f2: {  	[sflag:s26] =	ssyncadd.s32 $0xFFFFE000  }
0x1f3: {  	_ =	swait.ge [sflag:s26], $0x2000  }
0x1f4: {  	[sflag:s26] =	ssyncset.done $0x0  }
0x1f5: {  	[sflag:s26] =	ssyncadd.s32 $0xFFFFE000  }
0x1f6: {  	_ =	swait.ge [sflag:s26], $0x2000  }
0x1f7: {  	[sflag:s26] =	ssyncset.done $0x0  }
0x1f8: {  	s29 =	simm.s32 $0x8;
	s28 =	rddreg [dreg:$0x16];
	[sflag:s26] =	ssyncadd.s32 $0xFFFFE000  }
0x1f9: {  	[hbm:s28], [sflag:s5] =	dma.local [spmem:s6], $0x200  }
0x1fa: {  	_ =	swait.ge [sflag:s29], $0x1000  }
0x1fb: {  	[sflag:s29] =	ssyncset.done $0x0  }
0x1fc: {  	[sflag:s29] =	ssyncadd.s32 $0xFFFFF000  }
0x1fd: {  	_ =	swait.ge [sflag:s14], $0x200  }
0x1fe: {  	[sflag:s14] =	ssyncset.done $0x0  }
0x1ff: {  	[sflag:s14] =	ssyncadd.s32 $0xFFFFFE00  }
0x200: {  	_ =	swait.ge [sflag:s2], $0x1000  }
0x201: {  	[sflag:s2] =	ssyncset.done $0x0  }
0x202: {  	[sflag:s2] =	ssyncadd.s32 $0xFFFFF000  }
0x203: {  	_ =	swait.ge [sflag:s1], $0x200  }
0x204: {  	s30 =	rddreg [dreg:$0x18]  }
0x205: {  	s31 =	rddreg [dreg:$0x17];
	s2 =	sadd.s32 $0x1, s30  }
0x206: {  	p0 =	sne.s32 s2, s31  }
.Ltmp1:
0x207: {  	_ = 	snop;
	(pc) =	sbr.rel @p0 .LBB2_1-.Ltmp1, $3  }
0x208: {  	_ =	sdelay $0x1  }
0x209: {  	[sflag:s1] =	ssyncset.done $0x0  }
0x20a: {  	[sflag:s1] =	ssyncadd.s32 $0xFFFFFE00  }
0x20b: {  	_ =	sfence.sel $0x180000  }
0x20c: {  	[bflag:$0x0] =	sbarrier.arrive $0xFFFF  }
0x20d: {  	_ =	strace $0x9000004A  }
0x20e: {  	s0 =	stileid.u32;
	[bflag:$0x2] =	sbarrier.arrive $0xFFFF  }
0x20f: {  	p0 =	sne.s32 s0, $0x0;
	s0 =	rddreg [dreg:$0x4]  }
0x210: {  	s0 =	sadd.s32 @!p0 $0x100000, s0  }
0x211: {  	[sflag:s0] =	ssyncadd.tile.s32 @!p0 $0x1;
	_ =	shalt  }
.Lfunc_end2:
_tile_overlayer_lowered:
.L_overlay_start_2:
0x212: {  	(tag) =	ssettag $0x2  }
0x213: {  	s0 =	rddreg [dreg:$0x0];
	s2 =	stileid.u32  }
0x214: {  	s1 =	rddreg [dreg:$0x1];
	p0 =	sne.s32 s2, $0x0  }
0x215: {  	s3 =	rddreg [dreg:$0x2];
	[bflag:$0x3] =	sbarrier.arrive $0xFFFF;
	s2 =	simm.s32 @!p0 $0x1C0B  }
0x216: {  	[timem:s3], [sflag:s2] =	dma.local @!p0 [hbm:s0], s1  }
0x217: {  	s0 =	simm.s32 @!p0 $0xB  }
0x218: {  	_ =	swait.ge @!p0 [sflag:s0], s1  }
0x219: {  	s1 =	ssub.s32 @!p0 $0x0, s1;
	[sflag:s0] =	ssyncset.done @!p0 $0x0  }
0x21a: {  	[sflag:s0] =	ssyncadd.s32 @!p0 s1  }
0x21b: {  	[bflag:$0x3] =	sbarrier.arrive $0xFFFF  }
0x21c: {  	_ =	shalt  }

</sc_bundles>
